<compile_context>
chip_gen: v7x
topology: tpu7x:2x2x1
jax: 0.10.2.dev20260603
libtpu: 0.0.44.dev20260713+nightly
codegen_flags: <defaults>
</compile_context>

<pallas_src>
import functools

import jax
import jax.numpy as jnp
import numpy as np
from jax import lax
from jax.experimental import pallas as pl
from jax.experimental.pallas import tpu as pltpu
from jax.experimental.pallas import tpu_sc as plsc

K_SEL = 2048


def _rowsum(x):
    def lanereduce(p):
        pt = p.T
        t = pt.reshape(16, 8, p.shape[0])
        u = t[0]
        for j in range(1, 16):
            u = u + t[j]
        h = u[0:4] + u[4:8]
        q = h[0:2] + h[2:4]
        return q[0:1] + q[1:2]

    a = lanereduce(x[:, 0:128] + x[:, 128:256])
    b = lanereduce(x[:, 256:384] + x[:, 384:512])
    c = lanereduce(x[:, 512:640] + x[:, 640:768])
    return ((a + b) + c).T


def _preact_body(x_ref, gamma_ref, beta_ref, w1_ref, b1_ref, out_ref):
    x = x_ref[...]
    mean = _rowsum(x) / 768.0
    cen = x - mean
    var = _rowsum(cen * cen) / 768.0
    xn = cen / jnp.sqrt(var + 1e-5) * gamma_ref[...] + beta_ref[...]
    r = jax.lax.dot_general(w1_ref[...], xn, (((0,), (1,)), ((), ())))
    out_ref[...] = r.T + b1_ref[...]


def _score2_body(h_ref, w2_ref, b2_ref, out_ref):
    s = jnp.dot(h_ref[...], w2_ref[...]) + b2_ref[...]
    out_ref[...] = (s[:, 0] + 0.0).reshape(out_ref.shape)


def _scores(features, gamma, beta, W1, b1, W2, b2, bl=2048):
    B, L, D = features.shape
    H = W1.shape[1]
    N = B * L
    feats = features.reshape(N, D)
    preact = pl.pallas_call(
        _preact_body,
        grid=(N // bl,),
        in_specs=[
            pl.BlockSpec((bl, D), lambda i: (i, 0)),
            pl.BlockSpec((D,), lambda i: (0,)),
            pl.BlockSpec((D,), lambda i: (0,)),
            pl.BlockSpec((D, H), lambda i: (0, 0)),
            pl.BlockSpec((H,), lambda i: (0,)),
        ],
        out_specs=pl.BlockSpec((bl, H), lambda i: (i, 0)),
        out_shape=jax.ShapeDtypeStruct((N, H), jnp.float32),
        compiler_params=pltpu.CompilerParams(
            dimension_semantics=("parallel",)),
    )(feats, gamma, beta, W1, b1)
    sqrt_half = np.sqrt(0.5).astype(np.float32)
    h = 0.5 * preact * jax.lax.erfc(-preact * sqrt_half)
    bl2 = 8192
    scores = pl.pallas_call(
        _score2_body,
        grid=(N // bl2,),
        in_specs=[
            pl.BlockSpec((bl2, H), lambda i: (i, 0)),
            pl.BlockSpec((H, 1), lambda i: (0, 0)),
            pl.BlockSpec((1,), lambda i: (0,)),
        ],
        out_specs=pl.BlockSpec((bl2 // 128, 128), lambda i: (i, 0)),
        out_shape=jax.ShapeDtypeStruct((N // 128, 128), jnp.float32),
        compiler_params=pltpu.CompilerParams(
            dimension_semantics=("parallel",)),
    )(h, W2, b2)
    return scores.reshape(B, L)


_IMIN_PY = -(2**31)


def _topk_body(s_ref, idx_ref, kbuf, ibuf, iebuf, rankbuf, kref, pgbuf, pebuf):
    NC = s_ref.shape[1]
    K = K_SEL
    NS = K // 128

    sbits = jax.lax.bitcast_convert_type(s_ref[0], jnp.int32)
    key = jnp.where(sbits < 0, sbits ^ jnp.int32(0x7FFFFFFF), sbits)

    def bit_step(i, t):
        cand = t | jax.lax.shift_left(jnp.int32(1), jnp.int32(30) - i)
        cnt = jnp.sum((key >= cand).astype(jnp.int32))
        return jnp.where(cnt >= K, cand, t)

    cnt0 = jnp.sum((key >= 0).astype(jnp.int32))
    t0 = jnp.where(cnt0 >= K, jnp.int32(0), jnp.int32(_IMIN_PY))
    tstar = jax.lax.fori_loop(0, 31, bit_step, t0)
    c_gt = jnp.sum((key > tstar).astype(jnp.int32))

    mask_gt = key > tstar
    mask_eq = key == tstar
    kref[...] = key

    tri_l = (jax.lax.broadcasted_iota(jnp.int32, (128, 128), 0)
             < jax.lax.broadcasted_iota(jnp.int32, (128, 128), 1)
             ).astype(jnp.float32)
    pos_gt = jax.lax.dot_general(mask_gt.astype(jnp.float32), tri_l,
                                 (((1,), (0,)), ((), ()))).astype(jnp.int32)
    pos_eq = jax.lax.dot_general(mask_eq.astype(jnp.float32), tri_l,
                                 (((1,), (0,)), ((), ()))).astype(jnp.int32)
    cntg = jnp.sum(mask_gt.astype(jnp.float32), axis=1, keepdims=True)
    cnte = jnp.sum(mask_eq.astype(jnp.float32), axis=1, keepdims=True)
    tri_c = (jax.lax.broadcasted_iota(jnp.int32, (NC, NC), 0)
             > jax.lax.broadcasted_iota(jnp.int32, (NC, NC), 1)
             ).astype(jnp.float32)
    offg = jax.lax.dot_general(tri_c, cntg, (((1,), (0,)), ((), ())))
    offe = jax.lax.dot_general(tri_c, cnte, (((1,), (0,)), ((), ())))
    endg = offg + cntg
    ende = offe + cnte

    pgbuf[...] = jnp.where(mask_gt, offg.astype(jnp.int32) + pos_gt, -1)
    pebuf[...] = jnp.where(mask_eq, offe.astype(jnp.int32) + pos_eq, -1)

    lane1 = jax.lax.broadcasted_iota(jnp.int32, (1, 128), 1)
    G4 = 8
    base3 = (jax.lax.broadcasted_iota(jnp.int32, (G4, 128, 1), 0) * 128
             + jax.lax.broadcasted_iota(jnp.int32, (G4, 128, 1), 1))
    wio3 = jax.lax.broadcasted_iota(jnp.int32, (1, 1, 128), 2)

    for s in range(NS):
        base = jnp.float32(128 * s)
        glo_g = jax.lax.shift_right_logical(
            jnp.sum((endg <= base).astype(jnp.int32)), 3)
        ghi_g = jax.lax.shift_right_logical(
            jnp.sum((offg < base + 128.0).astype(jnp.int32)) + 7, 3)
        glo_e = jax.lax.shift_right_logical(
            jnp.sum((ende <= base).astype(jnp.int32)), 3)
        ghi_e = jax.lax.shift_right_logical(
            jnp.sum((offe < base + 128.0).astype(jnp.int32)) + 7, 3)

        def gbody(g, acc, s=s):
            ai, ak = acc
            pg = pgbuf[pl.ds(g * G4, G4), :].reshape(G4, 128, 1)
            kc = kref[pl.ds(g * G4, G4), :].reshape(G4, 128, 1)
            gv = g * (G4 * 128) + base3
            oh = pg == (wio3 + 128 * s)
            ai = ai + jnp.sum(jnp.sum(jnp.where(oh, gv, 0), axis=0), axis=0,
                              keepdims=True)
            ak = ak + jnp.sum(jnp.sum(jnp.where(oh, kc, 0), axis=0), axis=0,
                              keepdims=True)
            return (ai, ak)

        zi = jnp.zeros((1, 128), jnp.int32)
        ai, ak = jax.lax.fori_loop(glo_g, ghi_g, gbody, (zi, zi))
        kbuf[s, 0:1, :] = ak
        ibuf[s, 0:1, :] = ai

        def ebody(g, ae, s=s):
            pe = pebuf[pl.ds(g * G4, G4), :].reshape(G4, 128, 1)
            gv = g * (G4 * 128) + base3
            oh = pe == (wio3 + 128 * s)
            return ae + jnp.sum(jnp.sum(jnp.where(oh, gv, 0), axis=0), axis=0,
                                keepdims=True)

        ae = jax.lax.fori_loop(glo_e, ghi_e, ebody, zi)
        iebuf[s, 0:1, :] = ae

    KE3 = kbuf[0:NS, 0:1, :].reshape(1, NS, 128)
    IE3 = ibuf[0:NS, 0:1, :].reshape(1, NS, 128)
    col = lane1.reshape(1, 128).T
    slot3 = (jax.lax.broadcasted_iota(jnp.int32, (1, NS, 128), 1) * 128
             + jax.lax.broadcasted_iota(jnp.int32, (1, NS, 128), 2))

    LIVE3 = slot3 < c_gt

    def rank_estrip(s, carry):
        ke = kbuf[pl.ds(s, 1), 0:1, :].reshape(1, 128)
        ie = ibuf[pl.ds(s, 1), 0:1, :].reshape(1, 128)
        ke3 = ke.T.reshape(128, 1, 1)
        ie3 = ie.T.reshape(128, 1, 1)
        gtc = ((KE3 > ke3) & LIVE3).astype(jnp.int32)
        tie = ((KE3 == ke3) & (IE3 < ie3) & LIVE3).astype(jnp.int32)
        tot = jnp.sum(gtc + tie, axis=2)
        r = jnp.sum(tot, axis=1, keepdims=True).T
        eslot = s * 128 + lane1
        r = jnp.where(eslot >= c_gt, jnp.int32(2 * K), r)
        rankbuf[pl.ds(s, 1), :] = r
        return carry

    jax.lax.fori_loop(0, NS, rank_estrip, 0)

    def out_fstrip(fs, acc):
        rg = rankbuf[pl.ds(fs, 1), :].reshape(1, 128)
        vg = ibuf[pl.ds(fs, 1), 0:1, :].reshape(1, 128)
        rg3 = rg.T.reshape(128, 1, 1)
        vg3 = vg.T.reshape(128, 1, 1)
        return acc + jnp.sum(jnp.where(rg3 == slot3, vg3, 0), axis=0)

    out = jax.lax.fori_loop(0, NS, out_fstrip,
                            jnp.zeros((NS, 128), jnp.int32))

    def eq_fast(out):
        tie0 = jnp.sum(jnp.where(slot3[0] == 0,
                                 iebuf[0:1, 0, :], 0))
        return jnp.where(slot3[0] == c_gt, tie0, out)

    def eq_general(out):
        def estrip(fs, acc):
            fslot = (fs * 128 + col).reshape(128, 1, 1)
            re3 = jnp.where(fslot < K - c_gt, fslot + c_gt, jnp.int32(2 * K))
            ve = iebuf[pl.ds(fs, 1), 0:1, :].reshape(1, 128)
            ve3 = ve.T.reshape(128, 1, 1)
            return acc + jnp.sum(jnp.where(re3 == slot3, ve3, 0), axis=0)

        return jax.lax.fori_loop(0, NS, estrip, out)

    out = jax.lax.cond(K - c_gt == 1, eq_fast, eq_general, out)
    idx_ref[0] = out


def _topk(scores):
    B, L = scores.shape
    K = K_SEL
    s3 = scores.reshape(B, L // 128, 128)
    idx = pl.pallas_call(
        _topk_body,
        grid=(B,),
        in_specs=[pl.BlockSpec((1, L // 128, 128), lambda b: (b, 0, 0))],
        out_specs=pl.BlockSpec((1, K // 128, 128), lambda b: (b, 0, 0)),
        out_shape=jax.ShapeDtypeStruct((B, K // 128, 128), jnp.int32),
        scratch_shapes=[
            pltpu.VMEM((K // 128 + 2, 1, 128), jnp.int32),
            pltpu.VMEM((K // 128 + 2, 1, 128), jnp.int32),
            pltpu.VMEM((K // 128 + 2, 1, 128), jnp.int32),
            pltpu.VMEM((K // 128, 128), jnp.int32),
            pltpu.VMEM((L // 128, 128), jnp.int32),
            pltpu.VMEM((L // 128, 128), jnp.int32),
            pltpu.VMEM((L // 128, 128), jnp.int32),
        ],
    )(s3)
    return idx.reshape(B, K)


def _sc_gather(table, gidx, D):
    R = gidx.shape[0]
    info = plsc.get_sparse_core_info()
    NCc, NSs = info.num_cores, info.num_subcores
    NW = NCc * NSs
    rows_w = R // NW
    chunk = 64
    nch = rows_w // chunk
    mesh = plsc.VectorSubcoreMesh(core_axis_name="c", subcore_axis_name="s")

    @functools.partial(
        pl.kernel, mesh=mesh,
        out_type=jax.ShapeDtypeStruct((R, D), jnp.float32),
        scratch_types=[
            pltpu.VMEM((chunk,), jnp.int32),
            pltpu.VMEM((chunk, D), jnp.float32),
            pltpu.SemaphoreType.DMA,
        ],
    )
    def gk(table_hbm, idx_hbm, out_hbm, idx_v, rows_v, sem):
        wid = lax.axis_index("s") * NCc + lax.axis_index("c")
        for ch in range(nch):
            base = wid * rows_w + ch * chunk
            pltpu.sync_copy(idx_hbm.at[pl.ds(base, chunk)], idx_v)
            pltpu.async_copy(table_hbm.at[idx_v], rows_v, sem).wait()
            pltpu.sync_copy(rows_v, out_hbm.at[pl.ds(base, chunk)])

    return gk(table, gidx)


def kernel(features, k, gamma, beta, W1, b1, W2, b2):
    B, L, D = features.shape
    scores = _scores(features, gamma, beta, W1, b1, W2, b2)
    idx = _topk(scores)
    idx = idx + (jnp.asarray(k, dtype=idx.dtype) - K_SEL)
    gidx = (idx + jnp.arange(B, dtype=jnp.int32)[:, None] * L).reshape(-1)
    selected = _sc_gather(features.reshape(B * L, D), gidx, D)
    selected = selected.reshape(B, K_SEL, D)
    return selected, scores, idx

# --- scband reference (transcript-rebuilt; emitter-appended) ---
"""Pipeline reference for scband-top-kselector-90761248899103 (READ-ONLY COPY).

The authoritative reference and input builder live on the scoring server;
editing this copy changes nothing except your own understanding.
"""

import jax, jax.numpy as jnp
import numpy as np

B, L, D, HIDDEN, K = 8, 32768, 768, 64, 2048
SCORER_BIAS = 0.0


def setup_inputs(seed: int = 0) -> dict:
    key = jax.random.key(seed)
    ks = jax.random.split(key, 3)
    features = jax.random.normal(ks[0], (B, L, D), dtype=jnp.float32)
    gamma = jnp.ones((D,), dtype=jnp.float32)
    beta = jnp.zeros((D,), dtype=jnp.float32)
    W1 = jax.random.normal(ks[1], (D, HIDDEN), dtype=jnp.float32) * (1.0 / np.sqrt(D))
    b1 = jnp.zeros((HIDDEN,), dtype=jnp.float32)
    W2 = jax.random.normal(ks[2], (HIDDEN, 1), dtype=jnp.float32) * (1.0 / np.sqrt(HIDDEN))
    b2 = jnp.zeros((1,), dtype=jnp.float32)
    return {"features": features, "k": K, "gamma": gamma, "beta": beta,
            "W1": W1, "b1": b1, "W2": W2, "b2": b2}


def reference(features, k, gamma, beta, W1, b1, W2, b2):
    # LayerNorm(D)
    mean = jnp.mean(features, axis=-1, keepdims=True)
    var = jnp.var(features, axis=-1, keepdims=True)
    x = (features - mean) / jnp.sqrt(var + 1e-5) * gamma + beta
    # scorer: Linear(D->hidden) -> GELU -> Linear(hidden->1)
    h = jax.nn.gelu(x @ W1 + b1, approximate=False)
    scores = (h @ W2 + b2).squeeze(-1) + SCORER_BIAS  # [B, L]
    # topk_from_scores -> per-batch top-k indices [B, k]
    _, idx = jax.lax.top_k(scores, K)
    idx = idx + (jnp.asarray(k, dtype=idx.dtype) - K)
    # batched gather: selected = features[batch_idx, idx, :]
    selected = jnp.take_along_axis(features, idx[:, :, None], axis=1)  # [B, k, D]
    return selected, scores, idx

if __name__ == "__main__":
    import jax
    _d = setup_inputs()
    print(jax.jit(kernel)(*tuple(_d.values())))

</pallas_src>

<mosaic_0001>
#map = affine_map<(d0, d1) -> (0, 0)>
#map1 = affine_map<(d0, d1) -> (0)>
module attributes {stable_mosaic.version = 14 : i64} {
  func.func @gk(%arg0: i32, %arg1: i32, %arg2: memref<262144x768xf32, #tpu.memory_space<hbm>>, %arg3: memref<16384xi32, #tpu.memory_space<hbm>>, %arg4: memref<16384x768xf32, #tpu.memory_space<hbm>>, %arg5: memref<64xi32, #tpu.memory_space<vmem>>, %arg6: memref<64x768xf32, #tpu.memory_space<vmem>>, %arg7: memref<!tpu.dma_semaphore, #tpu.memory_space<semaphore_mem>>) attributes {dimension_semantics = [#tpu.dimension_semantics<core_parallel>, #tpu.dimension_semantics<subcore_parallel>], iteration_bounds = array<i64: 2, 16>, scalar_prefetch = 0 : i64, scratch_operands = 3 : i64, tpu.core_type = #tpu.core_type<sc_vector_subcore>, window_params = [{transform_indices = #map}, {transform_indices = #map1}, {transform_indices = #map}]} {
    %mul3A = arith.constant 2 : i32
    %mul3A_0 = arith.muli %arg1, %mul3A : i32
    %add3A = arith.addi %mul3A_0, %arg0 : i32
    %mul3A_1 = arith.constant 512 : i32
    %mul3A_2 = arith.muli %add3A, %mul3A_1 : i32
    %add3A_3 = arith.constant 0 : i32
    %add3A_4 = arith.addi %mul3A_2, %add3A_3 : i32
    "tpu.region"() ({
      %run_scoped3A = tpu.sem_alloc : memref<!tpu.dma_semaphore, #tpu.memory_space<semaphore_mem>>
      %dma_start3A_79 = tpu.memref_slice %arg3[%add3A_4] : memref<16384xi32, #tpu.memory_space<hbm>> -> memref<64xi32, #tpu.memory_space<hbm>>
      %dma_start3A_80 = tpu.memref_slice %arg3[%add3A_4] : memref<16384xi32, #tpu.memory_space<hbm>> -> memref<64xi32, #tpu.memory_space<hbm>>
      tpu.enqueue_dma source(%dma_start3A_80 : memref<64xi32, #tpu.memory_space<hbm>>) target(%arg5 : memref<64xi32, #tpu.memory_space<vmem>>) target_semaphore(%run_scoped3A : memref<!tpu.dma_semaphore, #tpu.memory_space<semaphore_mem>>)
      %dma_wait3A_81 = tpu.memref_slice %arg3[%add3A_4] : memref<16384xi32, #tpu.memory_space<hbm>> -> memref<64xi32, #tpu.memory_space<hbm>>
      %dma_wait3A_82 = tpu.memref_slice %arg3[%add3A_4] : memref<16384xi32, #tpu.memory_space<hbm>> -> memref<64xi32, #tpu.memory_space<hbm>>
      tpu.wait_dma2 semaphore(%run_scoped3A : memref<!tpu.dma_semaphore, #tpu.memory_space<semaphore_mem>>) src(%dma_wait3A_82 : memref<64xi32, #tpu.memory_space<hbm>>) dst(%arg5 : memref<64xi32, #tpu.memory_space<vmem>>)
      tpu.yield
    }) : () -> ()
    %dma_start3A = arith.constant 0 : i32
    %dma_start3A_5 = arith.constant 0 : i32
    %dma_start3A_6 = tpu.memref_slice %arg2[%dma_start3A, %dma_start3A_5] : memref<262144x768xf32, #tpu.memory_space<hbm>> -> memref<262144x768xf32, #tpu.memory_space<hbm>>
    tpu.enqueue_indirect_dma source(%dma_start3A_6 : memref<262144x768xf32, #tpu.memory_space<hbm>>) target(%arg6 : memref<64x768xf32, #tpu.memory_space<vmem>>) offsets(%arg5 : memref<64xi32, #tpu.memory_space<vmem>>) semaphore(%arg7 : memref<!tpu.dma_semaphore, #tpu.memory_space<semaphore_mem>>)
    %dma_wait3A = arith.constant 0 : i32
    %dma_wait3A_7 = arith.constant 0 : i32
    %dma_wait3A_8 = tpu.memref_slice %arg2[%dma_wait3A, %dma_wait3A_7] : memref<262144x768xf32, #tpu.memory_space<hbm>> -> memref<262144x768xf32, #tpu.memory_space<hbm>>
    tpu.wait_indirect_dma semaphore(%arg7 : memref<!tpu.dma_semaphore, #tpu.memory_space<semaphore_mem>>) src(%dma_wait3A_8 : memref<262144x768xf32, #tpu.memory_space<hbm>>) dst(%arg6 : memref<64x768xf32, #tpu.memory_space<vmem>>)
    "tpu.region"() ({
      %run_scoped3A = tpu.sem_alloc : memref<!tpu.dma_semaphore, #tpu.memory_space<semaphore_mem>>
      %dma_start3A_79 = arith.constant 0 : i32
      %dma_start3A_80 = tpu.memref_slice %arg4[%add3A_4, %dma_start3A_79] : memref<16384x768xf32, #tpu.memory_space<hbm>> -> memref<64x768xf32, #tpu.memory_space<hbm>>
      %dma_start3A_81 = arith.constant 0 : i32
      %dma_start3A_82 = tpu.memref_slice %arg4[%add3A_4, %dma_start3A_81] : memref<16384x768xf32, #tpu.memory_space<hbm>> -> memref<64x768xf32, #tpu.memory_space<hbm>>
      tpu.enqueue_dma source(%arg6 : memref<64x768xf32, #tpu.memory_space<vmem>>) target(%dma_start3A_82 : memref<64x768xf32, #tpu.memory_space<hbm>>) target_semaphore(%run_scoped3A : memref<!tpu.dma_semaphore, #tpu.memory_space<semaphore_mem>>)
      %dma_wait3A_83 = arith.constant 0 : i32
      %dma_wait3A_84 = tpu.memref_slice %arg4[%add3A_4, %dma_wait3A_83] : memref<16384x768xf32, #tpu.memory_space<hbm>> -> memref<64x768xf32, #tpu.memory_space<hbm>>
      %dma_wait3A_85 = arith.constant 0 : i32
      %dma_wait3A_86 = tpu.memref_slice %arg4[%add3A_4, %dma_wait3A_85] : memref<16384x768xf32, #tpu.memory_space<hbm>> -> memref<64x768xf32, #tpu.memory_space<hbm>>
      tpu.wait_dma2 semaphore(%run_scoped3A : memref<!tpu.dma_semaphore, #tpu.memory_space<semaphore_mem>>) src(%arg6 : memref<64x768xf32, #tpu.memory_space<vmem>>) dst(%dma_wait3A_86 : memref<64x768xf32, #tpu.memory_space<hbm>>)
      tpu.yield
    }) : () -> ()
    %mul3A_9 = arith.constant 512 : i32
    %mul3A_10 = arith.muli %add3A, %mul3A_9 : i32
    %add3A_11 = arith.constant 64 : i32
    %add3A_12 = arith.addi %mul3A_10, %add3A_11 : i32
    "tpu.region"() ({
      %run_scoped3A = tpu.sem_alloc : memref<!tpu.dma_semaphore, #tpu.memory_space<semaphore_mem>>
      %dma_start3A_79 = tpu.memref_slice %arg3[%add3A_12] : memref<16384xi32, #tpu.memory_space<hbm>> -> memref<64xi32, #tpu.memory_space<hbm>>
      %dma_start3A_80 = tpu.memref_slice %arg3[%add3A_12] : memref<16384xi32, #tpu.memory_space<hbm>> -> memref<64xi32, #tpu.memory_space<hbm>>
      tpu.enqueue_dma source(%dma_start3A_80 : memref<64xi32, #tpu.memory_space<hbm>>) target(%arg5 : memref<64xi32, #tpu.memory_space<vmem>>) target_semaphore(%run_scoped3A : memref<!tpu.dma_semaphore, #tpu.memory_space<semaphore_mem>>)
      %dma_wait3A_81 = tpu.memref_slice %arg3[%add3A_12] : memref<16384xi32, #tpu.memory_space<hbm>> -> memref<64xi32, #tpu.memory_space<hbm>>
      %dma_wait3A_82 = tpu.memref_slice %arg3[%add3A_12] : memref<16384xi32, #tpu.memory_space<hbm>> -> memref<64xi32, #tpu.memory_space<hbm>>
      tpu.wait_dma2 semaphore(%run_scoped3A : memref<!tpu.dma_semaphore, #tpu.memory_space<semaphore_mem>>) src(%dma_wait3A_82 : memref<64xi32, #tpu.memory_space<hbm>>) dst(%arg5 : memref<64xi32, #tpu.memory_space<vmem>>)
      tpu.yield
    }) : () -> ()
    %dma_start3A_13 = arith.constant 0 : i32
    %dma_start3A_14 = arith.constant 0 : i32
    %dma_start3A_15 = tpu.memref_slice %arg2[%dma_start3A_13, %dma_start3A_14] : memref<262144x768xf32, #tpu.memory_space<hbm>> -> memref<262144x768xf32, #tpu.memory_space<hbm>>
    tpu.enqueue_indirect_dma source(%dma_start3A_15 : memref<262144x768xf32, #tpu.memory_space<hbm>>) target(%arg6 : memref<64x768xf32, #tpu.memory_space<vmem>>) offsets(%arg5 : memref<64xi32, #tpu.memory_space<vmem>>) semaphore(%arg7 : memref<!tpu.dma_semaphore, #tpu.memory_space<semaphore_mem>>)
    %dma_wait3A_16 = arith.constant 0 : i32
    %dma_wait3A_17 = arith.constant 0 : i32
    %dma_wait3A_18 = tpu.memref_slice %arg2[%dma_wait3A_16, %dma_wait3A_17] : memref<262144x768xf32, #tpu.memory_space<hbm>> -> memref<262144x768xf32, #tpu.memory_space<hbm>>
    tpu.wait_indirect_dma semaphore(%arg7 : memref<!tpu.dma_semaphore, #tpu.memory_space<semaphore_mem>>) src(%dma_wait3A_18 : memref<262144x768xf32, #tpu.memory_space<hbm>>) dst(%arg6 : memref<64x768xf32, #tpu.memory_space<vmem>>)
    "tpu.region"() ({
      %run_scoped3A = tpu.sem_alloc : memref<!tpu.dma_semaphore, #tpu.memory_space<semaphore_mem>>
      %dma_start3A_79 = arith.constant 0 : i32
      %dma_start3A_80 = tpu.memref_slice %arg4[%add3A_12, %dma_start3A_79] : memref<16384x768xf32, #tpu.memory_space<hbm>> -> memref<64x768xf32, #tpu.memory_space<hbm>>
      %dma_start3A_81 = arith.constant 0 : i32
      %dma_start3A_82 = tpu.memref_slice %arg4[%add3A_12, %dma_start3A_81] : memref<16384x768xf32, #tpu.memory_space<hbm>> -> memref<64x768xf32, #tpu.memory_space<hbm>>
      tpu.enqueue_dma source(%arg6 : memref<64x768xf32, #tpu.memory_space<vmem>>) target(%dma_start3A_82 : memref<64x768xf32, #tpu.memory_space<hbm>>) target_semaphore(%run_scoped3A : memref<!tpu.dma_semaphore, #tpu.memory_space<semaphore_mem>>)
      %dma_wait3A_83 = arith.constant 0 : i32
      %dma_wait3A_84 = tpu.memref_slice %arg4[%add3A_12, %dma_wait3A_83] : memref<16384x768xf32, #tpu.memory_space<hbm>> -> memref<64x768xf32, #tpu.memory_space<hbm>>
      %dma_wait3A_85 = arith.constant 0 : i32
      %dma_wait3A_86 = tpu.memref_slice %arg4[%add3A_12, %dma_wait3A_85] : memref<16384x768xf32, #tpu.memory_space<hbm>> -> memref<64x768xf32, #tpu.memory_space<hbm>>
      tpu.wait_dma2 semaphore(%run_scoped3A : memref<!tpu.dma_semaphore, #tpu.memory_space<semaphore_mem>>) src(%arg6 : memref<64x768xf32, #tpu.memory_space<vmem>>) dst(%dma_wait3A_86 : memref<64x768xf32, #tpu.memory_space<hbm>>)
      tpu.yield
    }) : () -> ()
    %mul3A_19 = arith.constant 512 : i32
    %mul3A_20 = arith.muli %add3A, %mul3A_19 : i32
    %add3A_21 = arith.constant 128 : i32
    %add3A_22 = arith.addi %mul3A_20, %add3A_21 : i32
    "tpu.region"() ({
      %run_scoped3A = tpu.sem_alloc : memref<!tpu.dma_semaphore, #tpu.memory_space<semaphore_mem>>
      %dma_start3A_79 = tpu.memref_slice %arg3[%add3A_22] : memref<16384xi32, #tpu.memory_space<hbm>> -> memref<64xi32, #tpu.memory_space<hbm>>
      %dma_start3A_80 = tpu.memref_slice %arg3[%add3A_22] : memref<16384xi32, #tpu.memory_space<hbm>> -> memref<64xi32, #tpu.memory_space<hbm>>
      tpu.enqueue_dma source(%dma_start3A_80 : memref<64xi32, #tpu.memory_space<hbm>>) target(%arg5 : memref<64xi32, #tpu.memory_space<vmem>>) target_semaphore(%run_scoped3A : memref<!tpu.dma_semaphore, #tpu.memory_space<semaphore_mem>>)
      %dma_wait3A_81 = tpu.memref_slice %arg3[%add3A_22] : memref<16384xi32, #tpu.memory_space<hbm>> -> memref<64xi32, #tpu.memory_space<hbm>>
      %dma_wait3A_82 = tpu.memref_slice %arg3[%add3A_22] : memref<16384xi32, #tpu.memory_space<hbm>> -> memref<64xi32, #tpu.memory_space<hbm>>
      tpu.wait_dma2 semaphore(%run_scoped3A : memref<!tpu.dma_semaphore, #tpu.memory_space<semaphore_mem>>) src(%dma_wait3A_82 : memref<64xi32, #tpu.memory_space<hbm>>) dst(%arg5 : memref<64xi32, #tpu.memory_space<vmem>>)
      tpu.yield
    }) : () -> ()
    %dma_start3A_23 = arith.constant 0 : i32
    %dma_start3A_24 = arith.constant 0 : i32
    %dma_start3A_25 = tpu.memref_slice %arg2[%dma_start3A_23, %dma_start3A_24] : memref<262144x768xf32, #tpu.memory_space<hbm>> -> memref<262144x768xf32, #tpu.memory_space<hbm>>
    tpu.enqueue_indirect_dma source(%dma_start3A_25 : memref<262144x768xf32, #tpu.memory_space<hbm>>) target(%arg6 : memref<64x768xf32, #tpu.memory_space<vmem>>) offsets(%arg5 : memref<64xi32, #tpu.memory_space<vmem>>) semaphore(%arg7 : memref<!tpu.dma_semaphore, #tpu.memory_space<semaphore_mem>>)
    %dma_wait3A_26 = arith.constant 0 : i32
    %dma_wait3A_27 = arith.constant 0 : i32
    %dma_wait3A_28 = tpu.memref_slice %arg2[%dma_wait3A_26, %dma_wait3A_27] : memref<262144x768xf32, #tpu.memory_space<hbm>> -> memref<262144x768xf32, #tpu.memory_space<hbm>>
    tpu.wait_indirect_dma semaphore(%arg7 : memref<!tpu.dma_semaphore, #tpu.memory_space<semaphore_mem>>) src(%dma_wait3A_28 : memref<262144x768xf32, #tpu.memory_space<hbm>>) dst(%arg6 : memref<64x768xf32, #tpu.memory_space<vmem>>)
    "tpu.region"() ({
      %run_scoped3A = tpu.sem_alloc : memref<!tpu.dma_semaphore, #tpu.memory_space<semaphore_mem>>
      %dma_start3A_79 = arith.constant 0 : i32
      %dma_start3A_80 = tpu.memref_slice %arg4[%add3A_22, %dma_start3A_79] : memref<16384x768xf32, #tpu.memory_space<hbm>> -> memref<64x768xf32, #tpu.memory_space<hbm>>
      %dma_start3A_81 = arith.constant 0 : i32
      %dma_start3A_82 = tpu.memref_slice %arg4[%add3A_22, %dma_start3A_81] : memref<16384x768xf32, #tpu.memory_space<hbm>> -> memref<64x768xf32, #tpu.memory_space<hbm>>
      tpu.enqueue_dma source(%arg6 : memref<64x768xf32, #tpu.memory_space<vmem>>) target(%dma_start3A_82 : memref<64x768xf32, #tpu.memory_space<hbm>>) target_semaphore(%run_scoped3A : memref<!tpu.dma_semaphore, #tpu.memory_space<semaphore_mem>>)
      %dma_wait3A_83 = arith.constant 0 : i32
      %dma_wait3A_84 = tpu.memref_slice %arg4[%add3A_22, %dma_wait3A_83] : memref<16384x768xf32, #tpu.memory_space<hbm>> -> memref<64x768xf32, #tpu.memory_space<hbm>>
      %dma_wait3A_85 = arith.constant 0 : i32
      %dma_wait3A_86 = tpu.memref_slice %arg4[%add3A_22, %dma_wait3A_85] : memref<16384x768xf32, #tpu.memory_space<hbm>> -> memref<64x768xf32, #tpu.memory_space<hbm>>
      tpu.wait_dma2 semaphore(%run_scoped3A : memref<!tpu.dma_semaphore, #tpu.memory_space<semaphore_mem>>) src(%arg6 : memref<64x768xf32, #tpu.memory_space<vmem>>) dst(%dma_wait3A_86 : memref<64x768xf32, #tpu.memory_space<hbm>>)
      tpu.yield
    }) : () -> ()
    %mul3A_29 = arith.constant 512 : i32
    %mul3A_30 = arith.muli %add3A, %mul3A_29 : i32
    %add3A_31 = arith.constant 192 : i32
    %add3A_32 = arith.addi %mul3A_30, %add3A_31 : i32
    "tpu.region"() ({
      %run_scoped3A = tpu.sem_alloc : memref<!tpu.dma_semaphore, #tpu.memory_space<semaphore_mem>>
      %dma_start3A_79 = tpu.memref_slice %arg3[%add3A_32] : memref<16384xi32, #tpu.memory_space<hbm>> -> memref<64xi32, #tpu.memory_space<hbm>>
      %dma_start3A_80 = tpu.memref_slice %arg3[%add3A_32] : memref<16384xi32, #tpu.memory_space<hbm>> -> memref<64xi32, #tpu.memory_space<hbm>>
      tpu.enqueue_dma source(%dma_start3A_80 : memref<64xi32, #tpu.memory_space<hbm>>) target(%arg5 : memref<64xi32, #tpu.memory_space<vmem>>) target_semaphore(%run_scoped3A : memref<!tpu.dma_semaphore, #tpu.memory_space<semaphore_mem>>)
      %dma_wait3A_81 = tpu.memref_slice %arg3[%add3A_32] : memref<16384xi32, #tpu.memory_space<hbm>> -> memref<64xi32, #tpu.memory_space<hbm>>
      %dma_wait3A_82 = tpu.memref_slice %arg3[%add3A_32] : memref<16384xi32, #tpu.memory_space<hbm>> -> memref<64xi32, #tpu.memory_space<hbm>>
      tpu.wait_dma2 semaphore(%run_scoped3A : memref<!tpu.dma_semaphore, #tpu.memory_space<semaphore_mem>>) src(%dma_wait3A_82 : memref<64xi32, #tpu.memory_space<hbm>>) dst(%arg5 : memref<64xi32, #tpu.memory_space<vmem>>)
      tpu.yield
    }) : () -> ()
    %dma_start3A_33 = arith.constant 0 : i32
    %dma_start3A_34 = arith.constant 0 : i32
    %dma_start3A_35 = tpu.memref_slice %arg2[%dma_start3A_33, %dma_start3A_34] : memref<262144x768xf32, #tpu.memory_space<hbm>> -> memref<262144x768xf32, #tpu.memory_space<hbm>>
    tpu.enqueue_indirect_dma source(%dma_start3A_35 : memref<262144x768xf32, #tpu.memory_space<hbm>>) target(%arg6 : memref<64x768xf32, #tpu.memory_space<vmem>>) offsets(%arg5 : memref<64xi32, #tpu.memory_space<vmem>>) semaphore(%arg7 : memref<!tpu.dma_semaphore, #tpu.memory_space<semaphore_mem>>)
    %dma_wait3A_36 = arith.constant 0 : i32
    %dma_wait3A_37 = arith.constant 0 : i32
    %dma_wait3A_38 = tpu.memref_slice %arg2[%dma_wait3A_36, %dma_wait3A_37] : memref<262144x768xf32, #tpu.memory_space<hbm>> -> memref<262144x768xf32, #tpu.memory_space<hbm>>
    tpu.wait_indirect_dma semaphore(%arg7 : memref<!tpu.dma_semaphore, #tpu.memory_space<semaphore_mem>>) src(%dma_wait3A_38 : memref<262144x768xf32, #tpu.memory_space<hbm>>) dst(%arg6 : memref<64x768xf32, #tpu.memory_space<vmem>>)
    "tpu.region"() ({
      %run_scoped3A = tpu.sem_alloc : memref<!tpu.dma_semaphore, #tpu.memory_space<semaphore_mem>>
      %dma_start3A_79 = arith.constant 0 : i32
      %dma_start3A_80 = tpu.memref_slice %arg4[%add3A_32, %dma_start3A_79] : memref<16384x768xf32, #tpu.memory_space<hbm>> -> memref<64x768xf32, #tpu.memory_space<hbm>>
      %dma_start3A_81 = arith.constant 0 : i32
      %dma_start3A_82 = tpu.memref_slice %arg4[%add3A_32, %dma_start3A_81] : memref<16384x768xf32, #tpu.memory_space<hbm>> -> memref<64x768xf32, #tpu.memory_space<hbm>>
      tpu.enqueue_dma source(%arg6 : memref<64x768xf32, #tpu.memory_space<vmem>>) target(%dma_start3A_82 : memref<64x768xf32, #tpu.memory_space<hbm>>) target_semaphore(%run_scoped3A : memref<!tpu.dma_semaphore, #tpu.memory_space<semaphore_mem>>)
      %dma_wait3A_83 = arith.constant 0 : i32
      %dma_wait3A_84 = tpu.memref_slice %arg4[%add3A_32, %dma_wait3A_83] : memref<16384x768xf32, #tpu.memory_space<hbm>> -> memref<64x768xf32, #tpu.memory_space<hbm>>
      %dma_wait3A_85 = arith.constant 0 : i32
      %dma_wait3A_86 = tpu.memref_slice %arg4[%add3A_32, %dma_wait3A_85] : memref<16384x768xf32, #tpu.memory_space<hbm>> -> memref<64x768xf32, #tpu.memory_space<hbm>>
      tpu.wait_dma2 semaphore(%run_scoped3A : memref<!tpu.dma_semaphore, #tpu.memory_space<semaphore_mem>>) src(%arg6 : memref<64x768xf32, #tpu.memory_space<vmem>>) dst(%dma_wait3A_86 : memref<64x768xf32, #tpu.memory_space<hbm>>)
      tpu.yield
    }) : () -> ()
    %mul3A_39 = arith.constant 512 : i32
    %mul3A_40 = arith.muli %add3A, %mul3A_39 : i32
    %add3A_41 = arith.constant 256 : i32
    %add3A_42 = arith.addi %mul3A_40, %add3A_41 : i32
    "tpu.region"() ({
      %run_scoped3A = tpu.sem_alloc : memref<!tpu.dma_semaphore, #tpu.memory_space<semaphore_mem>>
      %dma_start3A_79 = tpu.memref_slice %arg3[%add3A_42] : memref<16384xi32, #tpu.memory_space<hbm>> -> memref<64xi32, #tpu.memory_space<hbm>>
      %dma_start3A_80 = tpu.memref_slice %arg3[%add3A_42] : memref<16384xi32, #tpu.memory_space<hbm>> -> memref<64xi32, #tpu.memory_space<hbm>>
      tpu.enqueue_dma source(%dma_start3A_80 : memref<64xi32, #tpu.memory_space<hbm>>) target(%arg5 : memref<64xi32, #tpu.memory_space<vmem>>) target_semaphore(%run_scoped3A : memref<!tpu.dma_semaphore, #tpu.memory_space<semaphore_mem>>)
      %dma_wait3A_81 = tpu.memref_slice %arg3[%add3A_42] : memref<16384xi32, #tpu.memory_space<hbm>> -> memref<64xi32, #tpu.memory_space<hbm>>
      %dma_wait3A_82 = tpu.memref_slice %arg3[%add3A_42] : memref<16384xi32, #tpu.memory_space<hbm>> -> memref<64xi32, #tpu.memory_space<hbm>>
      tpu.wait_dma2 semaphore(%run_scoped3A : memref<!tpu.dma_semaphore, #tpu.memory_space<semaphore_mem>>) src(%dma_wait3A_82 : memref<64xi32, #tpu.memory_space<hbm>>) dst(%arg5 : memref<64xi32, #tpu.memory_space<vmem>>)
      tpu.yield
    }) : () -> ()
    %dma_start3A_43 = arith.constant 0 : i32
    %dma_start3A_44 = arith.constant 0 : i32
    %dma_start3A_45 = tpu.memref_slice %arg2[%dma_start3A_43, %dma_start3A_44] : memref<262144x768xf32, #tpu.memory_space<hbm>> -> memref<262144x768xf32, #tpu.memory_space<hbm>>
    tpu.enqueue_indirect_dma source(%dma_start3A_45 : memref<262144x768xf32, #tpu.memory_space<hbm>>) target(%arg6 : memref<64x768xf32, #tpu.memory_space<vmem>>) offsets(%arg5 : memref<64xi32, #tpu.memory_space<vmem>>) semaphore(%arg7 : memref<!tpu.dma_semaphore, #tpu.memory_space<semaphore_mem>>)
    %dma_wait3A_46 = arith.constant 0 : i32
    %dma_wait3A_47 = arith.constant 0 : i32
    %dma_wait3A_48 = tpu.memref_slice %arg2[%dma_wait3A_46, %dma_wait3A_47] : memref<262144x768xf32, #tpu.memory_space<hbm>> -> memref<262144x768xf32, #tpu.memory_space<hbm>>
    tpu.wait_indirect_dma semaphore(%arg7 : memref<!tpu.dma_semaphore, #tpu.memory_space<semaphore_mem>>) src(%dma_wait3A_48 : memref<262144x768xf32, #tpu.memory_space<hbm>>) dst(%arg6 : memref<64x768xf32, #tpu.memory_space<vmem>>)
    "tpu.region"() ({
      %run_scoped3A = tpu.sem_alloc : memref<!tpu.dma_semaphore, #tpu.memory_space<semaphore_mem>>
      %dma_start3A_79 = arith.constant 0 : i32
      %dma_start3A_80 = tpu.memref_slice %arg4[%add3A_42, %dma_start3A_79] : memref<16384x768xf32, #tpu.memory_space<hbm>> -> memref<64x768xf32, #tpu.memory_space<hbm>>
      %dma_start3A_81 = arith.constant 0 : i32
      %dma_start3A_82 = tpu.memref_slice %arg4[%add3A_42, %dma_start3A_81] : memref<16384x768xf32, #tpu.memory_space<hbm>> -> memref<64x768xf32, #tpu.memory_space<hbm>>
      tpu.enqueue_dma source(%arg6 : memref<64x768xf32, #tpu.memory_space<vmem>>) target(%dma_start3A_82 : memref<64x768xf32, #tpu.memory_space<hbm>>) target_semaphore(%run_scoped3A : memref<!tpu.dma_semaphore, #tpu.memory_space<semaphore_mem>>)
      %dma_wait3A_83 = arith.constant 0 : i32
      %dma_wait3A_84 = tpu.memref_slice %arg4[%add3A_42, %dma_wait3A_83] : memref<16384x768xf32, #tpu.memory_space<hbm>> -> memref<64x768xf32, #tpu.memory_space<hbm>>
      %dma_wait3A_85 = arith.constant 0 : i32
      %dma_wait3A_86 = tpu.memref_slice %arg4[%add3A_42, %dma_wait3A_85] : memref<16384x768xf32, #tpu.memory_space<hbm>> -> memref<64x768xf32, #tpu.memory_space<hbm>>
      tpu.wait_dma2 semaphore(%run_scoped3A : memref<!tpu.dma_semaphore, #tpu.memory_space<semaphore_mem>>) src(%arg6 : memref<64x768xf32, #tpu.memory_space<vmem>>) dst(%dma_wait3A_86 : memref<64x768xf32, #tpu.memory_space<hbm>>)
      tpu.yield
    }) : () -> ()
    %mul3A_49 = arith.constant 512 : i32
    %mul3A_50 = arith.muli %add3A, %mul3A_49 : i32
    %add3A_51 = arith.constant 320 : i32
    %add3A_52 = arith.addi %mul3A_50, %add3A_51 : i32
    "tpu.region"() ({
      %run_scoped3A = tpu.sem_alloc : memref<!tpu.dma_semaphore, #tpu.memory_space<semaphore_mem>>
      %dma_start3A_79 = tpu.memref_slice %arg3[%add3A_52] : memref<16384xi32, #tpu.memory_space<hbm>> -> memref<64xi32, #tpu.memory_space<hbm>>
      %dma_start3A_80 = tpu.memref_slice %arg3[%add3A_52] : memref<16384xi32, #tpu.memory_space<hbm>> -> memref<64xi32, #tpu.memory_space<hbm>>
      tpu.enqueue_dma source(%dma_start3A_80 : memref<64xi32, #tpu.memory_space<hbm>>) target(%arg5 : memref<64xi32, #tpu.memory_space<vmem>>) target_semaphore(%run_scoped3A : memref<!tpu.dma_semaphore, #tpu.memory_space<semaphore_mem>>)
      %dma_wait3A_81 = tpu.memref_slice %arg3[%add3A_52] : memref<16384xi32, #tpu.memory_space<hbm>> -> memref<64xi32, #tpu.memory_space<hbm>>
      %dma_wait3A_82 = tpu.memref_slice %arg3[%add3A_52] : memref<16384xi32, #tpu.memory_space<hbm>> -> memref<64xi32, #tpu.memory_space<hbm>>
      tpu.wait_dma2 semaphore(%run_scoped3A : memref<!tpu.dma_semaphore, #tpu.memory_space<semaphore_mem>>) src(%dma_wait3A_82 : memref<64xi32, #tpu.memory_space<hbm>>) dst(%arg5 : memref<64xi32, #tpu.memory_space<vmem>>)
      tpu.yield
    }) : () -> ()
    %dma_start3A_53 = arith.constant 0 : i32
    %dma_start3A_54 = arith.constant 0 : i32
    %dma_start3A_55 = tpu.memref_slice %arg2[%dma_start3A_53, %dma_start3A_54] : memref<262144x768xf32, #tpu.memory_space<hbm>> -> memref<262144x768xf32, #tpu.memory_space<hbm>>
    tpu.enqueue_indirect_dma source(%dma_start3A_55 : memref<262144x768xf32, #tpu.memory_space<hbm>>) target(%arg6 : memref<64x768xf32, #tpu.memory_space<vmem>>) offsets(%arg5 : memref<64xi32, #tpu.memory_space<vmem>>) semaphore(%arg7 : memref<!tpu.dma_semaphore, #tpu.memory_space<semaphore_mem>>)
    %dma_wait3A_56 = arith.constant 0 : i32
    %dma_wait3A_57 = arith.constant 0 : i32
    %dma_wait3A_58 = tpu.memref_slice %arg2[%dma_wait3A_56, %dma_wait3A_57] : memref<262144x768xf32, #tpu.memory_space<hbm>> -> memref<262144x768xf32, #tpu.memory_space<hbm>>
    tpu.wait_indirect_dma semaphore(%arg7 : memref<!tpu.dma_semaphore, #tpu.memory_space<semaphore_mem>>) src(%dma_wait3A_58 : memref<262144x768xf32, #tpu.memory_space<hbm>>) dst(%arg6 : memref<64x768xf32, #tpu.memory_space<vmem>>)
    "tpu.region"() ({
      %run_scoped3A = tpu.sem_alloc : memref<!tpu.dma_semaphore, #tpu.memory_space<semaphore_mem>>
      %dma_start3A_79 = arith.constant 0 : i32
      %dma_start3A_80 = tpu.memref_slice %arg4[%add3A_52, %dma_start3A_79] : memref<16384x768xf32, #tpu.memory_space<hbm>> -> memref<64x768xf32, #tpu.memory_space<hbm>>
      %dma_start3A_81 = arith.constant 0 : i32
      %dma_start3A_82 = tpu.memref_slice %arg4[%add3A_52, %dma_start3A_81] : memref<16384x768xf32, #tpu.memory_space<hbm>> -> memref<64x768xf32, #tpu.memory_space<hbm>>
      tpu.enqueue_dma source(%arg6 : memref<64x768xf32, #tpu.memory_space<vmem>>) target(%dma_start3A_82 : memref<64x768xf32, #tpu.memory_space<hbm>>) target_semaphore(%run_scoped3A : memref<!tpu.dma_semaphore, #tpu.memory_space<semaphore_mem>>)
      %dma_wait3A_83 = arith.constant 0 : i32
      %dma_wait3A_84 = tpu.memref_slice %arg4[%add3A_52, %dma_wait3A_83] : memref<16384x768xf32, #tpu.memory_space<hbm>> -> memref<64x768xf32, #tpu.memory_space<hbm>>
      %dma_wait3A_85 = arith.constant 0 : i32
      %dma_wait3A_86 = tpu.memref_slice %arg4[%add3A_52, %dma_wait3A_85] : memref<16384x768xf32, #tpu.memory_space<hbm>> -> memref<64x768xf32, #tpu.memory_space<hbm>>
      tpu.wait_dma2 semaphore(%run_scoped3A : memref<!tpu.dma_semaphore, #tpu.memory_space<semaphore_mem>>) src(%arg6 : memref<64x768xf32, #tpu.memory_space<vmem>>) dst(%dma_wait3A_86 : memref<64x768xf32, #tpu.memory_space<hbm>>)
      tpu.yield
    }) : () -> ()
    %mul3A_59 = arith.constant 512 : i32
    %mul3A_60 = arith.muli %add3A, %mul3A_59 : i32
    %add3A_61 = arith.constant 384 : i32
    %add3A_62 = arith.addi %mul3A_60, %add3A_61 : i32
    "tpu.region"() ({
      %run_scoped3A = tpu.sem_alloc : memref<!tpu.dma_semaphore, #tpu.memory_space<semaphore_mem>>
      %dma_start3A_79 = tpu.memref_slice %arg3[%add3A_62] : memref<16384xi32, #tpu.memory_space<hbm>> -> memref<64xi32, #tpu.memory_space<hbm>>
      %dma_start3A_80 = tpu.memref_slice %arg3[%add3A_62] : memref<16384xi32, #tpu.memory_space<hbm>> -> memref<64xi32, #tpu.memory_space<hbm>>
      tpu.enqueue_dma source(%dma_start3A_80 : memref<64xi32, #tpu.memory_space<hbm>>) target(%arg5 : memref<64xi32, #tpu.memory_space<vmem>>) target_semaphore(%run_scoped3A : memref<!tpu.dma_semaphore, #tpu.memory_space<semaphore_mem>>)
      %dma_wait3A_81 = tpu.memref_slice %arg3[%add3A_62] : memref<16384xi32, #tpu.memory_space<hbm>> -> memref<64xi32, #tpu.memory_space<hbm>>
      %dma_wait3A_82 = tpu.memref_slice %arg3[%add3A_62] : memref<16384xi32, #tpu.memory_space<hbm>> -> memref<64xi32, #tpu.memory_space<hbm>>
      tpu.wait_dma2 semaphore(%run_scoped3A : memref<!tpu.dma_semaphore, #tpu.memory_space<semaphore_mem>>) src(%dma_wait3A_82 : memref<64xi32, #tpu.memory_space<hbm>>) dst(%arg5 : memref<64xi32, #tpu.memory_space<vmem>>)
      tpu.yield
    }) : () -> ()
    %dma_start3A_63 = arith.constant 0 : i32
    %dma_start3A_64 = arith.constant 0 : i32
    %dma_start3A_65 = tpu.memref_slice %arg2[%dma_start3A_63, %dma_start3A_64] : memref<262144x768xf32, #tpu.memory_space<hbm>> -> memref<262144x768xf32, #tpu.memory_space<hbm>>
    tpu.enqueue_indirect_dma source(%dma_start3A_65 : memref<262144x768xf32, #tpu.memory_space<hbm>>) target(%arg6 : memref<64x768xf32, #tpu.memory_space<vmem>>) offsets(%arg5 : memref<64xi32, #tpu.memory_space<vmem>>) semaphore(%arg7 : memref<!tpu.dma_semaphore, #tpu.memory_space<semaphore_mem>>)
    %dma_wait3A_66 = arith.constant 0 : i32
    %dma_wait3A_67 = arith.constant 0 : i32
    %dma_wait3A_68 = tpu.memref_slice %arg2[%dma_wait3A_66, %dma_wait3A_67] : memref<262144x768xf32, #tpu.memory_space<hbm>> -> memref<262144x768xf32, #tpu.memory_space<hbm>>
    tpu.wait_indirect_dma semaphore(%arg7 : memref<!tpu.dma_semaphore, #tpu.memory_space<semaphore_mem>>) src(%dma_wait3A_68 : memref<262144x768xf32, #tpu.memory_space<hbm>>) dst(%arg6 : memref<64x768xf32, #tpu.memory_space<vmem>>)
    "tpu.region"() ({
      %run_scoped3A = tpu.sem_alloc : memref<!tpu.dma_semaphore, #tpu.memory_space<semaphore_mem>>
      %dma_start3A_79 = arith.constant 0 : i32
      %dma_start3A_80 = tpu.memref_slice %arg4[%add3A_62, %dma_start3A_79] : memref<16384x768xf32, #tpu.memory_space<hbm>> -> memref<64x768xf32, #tpu.memory_space<hbm>>
      %dma_start3A_81 = arith.constant 0 : i32
      %dma_start3A_82 = tpu.memref_slice %arg4[%add3A_62, %dma_start3A_81] : memref<16384x768xf32, #tpu.memory_space<hbm>> -> memref<64x768xf32, #tpu.memory_space<hbm>>
      tpu.enqueue_dma source(%arg6 : memref<64x768xf32, #tpu.memory_space<vmem>>) target(%dma_start3A_82 : memref<64x768xf32, #tpu.memory_space<hbm>>) target_semaphore(%run_scoped3A : memref<!tpu.dma_semaphore, #tpu.memory_space<semaphore_mem>>)
      %dma_wait3A_83 = arith.constant 0 : i32
      %dma_wait3A_84 = tpu.memref_slice %arg4[%add3A_62, %dma_wait3A_83] : memref<16384x768xf32, #tpu.memory_space<hbm>> -> memref<64x768xf32, #tpu.memory_space<hbm>>
      %dma_wait3A_85 = arith.constant 0 : i32
      %dma_wait3A_86 = tpu.memref_slice %arg4[%add3A_62, %dma_wait3A_85] : memref<16384x768xf32, #tpu.memory_space<hbm>> -> memref<64x768xf32, #tpu.memory_space<hbm>>
      tpu.wait_dma2 semaphore(%run_scoped3A : memref<!tpu.dma_semaphore, #tpu.memory_space<semaphore_mem>>) src(%arg6 : memref<64x768xf32, #tpu.memory_space<vmem>>) dst(%dma_wait3A_86 : memref<64x768xf32, #tpu.memory_space<hbm>>)
      tpu.yield
    }) : () -> ()
    %mul3A_69 = arith.constant 512 : i32
    %mul3A_70 = arith.muli %add3A, %mul3A_69 : i32
    %add3A_71 = arith.constant 448 : i32
    %add3A_72 = arith.addi %mul3A_70, %add3A_71 : i32
    "tpu.region"() ({
      %run_scoped3A = tpu.sem_alloc : memref<!tpu.dma_semaphore, #tpu.memory_space<semaphore_mem>>
      %dma_start3A_79 = tpu.memref_slice %arg3[%add3A_72] : memref<16384xi32, #tpu.memory_space<hbm>> -> memref<64xi32, #tpu.memory_space<hbm>>
      %dma_start3A_80 = tpu.memref_slice %arg3[%add3A_72] : memref<16384xi32, #tpu.memory_space<hbm>> -> memref<64xi32, #tpu.memory_space<hbm>>
      tpu.enqueue_dma source(%dma_start3A_80 : memref<64xi32, #tpu.memory_space<hbm>>) target(%arg5 : memref<64xi32, #tpu.memory_space<vmem>>) target_semaphore(%run_scoped3A : memref<!tpu.dma_semaphore, #tpu.memory_space<semaphore_mem>>)
      %dma_wait3A_81 = tpu.memref_slice %arg3[%add3A_72] : memref<16384xi32, #tpu.memory_space<hbm>> -> memref<64xi32, #tpu.memory_space<hbm>>
      %dma_wait3A_82 = tpu.memref_slice %arg3[%add3A_72] : memref<16384xi32, #tpu.memory_space<hbm>> -> memref<64xi32, #tpu.memory_space<hbm>>
      tpu.wait_dma2 semaphore(%run_scoped3A : memref<!tpu.dma_semaphore, #tpu.memory_space<semaphore_mem>>) src(%dma_wait3A_82 : memref<64xi32, #tpu.memory_space<hbm>>) dst(%arg5 : memref<64xi32, #tpu.memory_space<vmem>>)
      tpu.yield
    }) : () -> ()
    %dma_start3A_73 = arith.constant 0 : i32
    %dma_start3A_74 = arith.constant 0 : i32
    %dma_start3A_75 = tpu.memref_slice %arg2[%dma_start3A_73, %dma_start3A_74] : memref<262144x768xf32, #tpu.memory_space<hbm>> -> memref<262144x768xf32, #tpu.memory_space<hbm>>
    tpu.enqueue_indirect_dma source(%dma_start3A_75 : memref<262144x768xf32, #tpu.memory_space<hbm>>) target(%arg6 : memref<64x768xf32, #tpu.memory_space<vmem>>) offsets(%arg5 : memref<64xi32, #tpu.memory_space<vmem>>) semaphore(%arg7 : memref<!tpu.dma_semaphore, #tpu.memory_space<semaphore_mem>>)
    %dma_wait3A_76 = arith.constant 0 : i32
    %dma_wait3A_77 = arith.constant 0 : i32
    %dma_wait3A_78 = tpu.memref_slice %arg2[%dma_wait3A_76, %dma_wait3A_77] : memref<262144x768xf32, #tpu.memory_space<hbm>> -> memref<262144x768xf32, #tpu.memory_space<hbm>>
    tpu.wait_indirect_dma semaphore(%arg7 : memref<!tpu.dma_semaphore, #tpu.memory_space<semaphore_mem>>) src(%dma_wait3A_78 : memref<262144x768xf32, #tpu.memory_space<hbm>>) dst(%arg6 : memref<64x768xf32, #tpu.memory_space<vmem>>)
    "tpu.region"() ({
      %run_scoped3A = tpu.sem_alloc : memref<!tpu.dma_semaphore, #tpu.memory_space<semaphore_mem>>
      %dma_start3A_79 = arith.constant 0 : i32
      %dma_start3A_80 = tpu.memref_slice %arg4[%add3A_72, %dma_start3A_79] : memref<16384x768xf32, #tpu.memory_space<hbm>> -> memref<64x768xf32, #tpu.memory_space<hbm>>
      %dma_start3A_81 = arith.constant 0 : i32
      %dma_start3A_82 = tpu.memref_slice %arg4[%add3A_72, %dma_start3A_81] : memref<16384x768xf32, #tpu.memory_space<hbm>> -> memref<64x768xf32, #tpu.memory_space<hbm>>
      tpu.enqueue_dma source(%arg6 : memref<64x768xf32, #tpu.memory_space<vmem>>) target(%dma_start3A_82 : memref<64x768xf32, #tpu.memory_space<hbm>>) target_semaphore(%run_scoped3A : memref<!tpu.dma_semaphore, #tpu.memory_space<semaphore_mem>>)
      %dma_wait3A_83 = arith.constant 0 : i32
      %dma_wait3A_84 = tpu.memref_slice %arg4[%add3A_72, %dma_wait3A_83] : memref<16384x768xf32, #tpu.memory_space<hbm>> -> memref<64x768xf32, #tpu.memory_space<hbm>>
      %dma_wait3A_85 = arith.constant 0 : i32
      %dma_wait3A_86 = tpu.memref_slice %arg4[%add3A_72, %dma_wait3A_85] : memref<16384x768xf32, #tpu.memory_space<hbm>> -> memref<64x768xf32, #tpu.memory_space<hbm>>
      tpu.wait_dma2 semaphore(%run_scoped3A : memref<!tpu.dma_semaphore, #tpu.memory_space<semaphore_mem>>) src(%arg6 : memref<64x768xf32, #tpu.memory_space<vmem>>) dst(%dma_wait3A_86 : memref<64x768xf32, #tpu.memory_space<hbm>>)
      tpu.yield
    }) : () -> ()
    return
  }
}

module attributes {stable_mosaic.version = 14 : i64} {
  func.func @_preact_body(%arg0: i32, %arg1: memref<2048x768xf32, #tpu.memory_space<vmem>>, %arg2: memref<768xf32, #tpu.memory_space<vmem>>, %arg3: memref<768xf32, #tpu.memory_space<vmem>>, %arg4: memref<768x64xf32, #tpu.memory_space<vmem>>, %arg5: memref<64xf32, #tpu.memory_space<vmem>>, %arg6: memref<2048x64xf32, #tpu.memory_space<vmem>>) attributes {dimension_semantics = [#tpu.dimension_semantics<parallel>], iteration_bounds = array<i64: 128>, scalar_prefetch = 0 : i64, scratch_operands = 0 : i64, tpu.core_type = #tpu.core_type<tc>, window_params = [{transform_indices = @transform_0, window_bounds = array<i64: 2048, 768>}, {pipeline_mode = #tpu.pipeline_mode<synchronous>, transform_indices = @transform_1, window_bounds = array<i64: 768>}, {pipeline_mode = #tpu.pipeline_mode<synchronous>, transform_indices = @transform_2, window_bounds = array<i64: 768>}, {pipeline_mode = #tpu.pipeline_mode<synchronous>, transform_indices = @transform_3, window_bounds = array<i64: 768, 64>}, {pipeline_mode = #tpu.pipeline_mode<synchronous>, transform_indices = @transform_4, window_bounds = array<i64: 64>}, {transform_indices = @transform_5, window_bounds = array<i64: 2048, 64>}]} {
    %get3A = arith.constant 0 : index
    %get3A_0 = arith.constant 0 : index
    %get3A_1 = vector.load %arg1[%get3A, %get3A_0] : memref<2048x768xf32, #tpu.memory_space<vmem>>, vector<2048x768xf32>
    %slice3A = vector.extract_strided_slice %get3A_1 {offsets = [0, 0], sizes = [2048, 128], strides = [1, 1]} : vector<2048x768xf32> to vector<2048x128xf32>
    %slice3A_2 = vector.extract_strided_slice %get3A_1 {offsets = [0, 128], sizes = [2048, 128], strides = [1, 1]} : vector<2048x768xf32> to vector<2048x128xf32>
    %add3A = arith.addf %slice3A, %slice3A_2 : vector<2048x128xf32>
    %transpose3A = tpu.transpose %add3A, [1, 0] : vector<2048x128xf32> -> vector<128x2048xf32>
    %reshape3A = vector.shape_cast %transpose3A : vector<128x2048xf32> to vector<16x8x2048xf32>
    %slice3A_3 = vector.extract_strided_slice %reshape3A {offsets = [0, 0, 0], sizes = [1, 8, 2048], strides = [1, 1, 1]} : vector<16x8x2048xf32> to vector<1x8x2048xf32>
    %squeeze3A = vector.shape_cast %slice3A_3 : vector<1x8x2048xf32> to vector<8x2048xf32>
    %slice3A_4 = vector.extract_strided_slice %reshape3A {offsets = [1, 0, 0], sizes = [1, 8, 2048], strides = [1, 1, 1]} : vector<16x8x2048xf32> to vector<1x8x2048xf32>
    %squeeze3A_5 = vector.shape_cast %slice3A_4 : vector<1x8x2048xf32> to vector<8x2048xf32>
    %add3A_6 = arith.addf %squeeze3A, %squeeze3A_5 : vector<8x2048xf32>
    %slice3A_7 = vector.extract_strided_slice %reshape3A {offsets = [2, 0, 0], sizes = [1, 8, 2048], strides = [1, 1, 1]} : vector<16x8x2048xf32> to vector<1x8x2048xf32>
    %squeeze3A_8 = vector.shape_cast %slice3A_7 : vector<1x8x2048xf32> to vector<8x2048xf32>
    %add3A_9 = arith.addf %add3A_6, %squeeze3A_8 : vector<8x2048xf32>
    %slice3A_10 = vector.extract_strided_slice %reshape3A {offsets = [3, 0, 0], sizes = [1, 8, 2048], strides = [1, 1, 1]} : vector<16x8x2048xf32> to vector<1x8x2048xf32>
    %squeeze3A_11 = vector.shape_cast %slice3A_10 : vector<1x8x2048xf32> to vector<8x2048xf32>
    %add3A_12 = arith.addf %add3A_9, %squeeze3A_11 : vector<8x2048xf32>
    %slice3A_13 = vector.extract_strided_slice %reshape3A {offsets = [4, 0, 0], sizes = [1, 8, 2048], strides = [1, 1, 1]} : vector<16x8x2048xf32> to vector<1x8x2048xf32>
    %squeeze3A_14 = vector.shape_cast %slice3A_13 : vector<1x8x2048xf32> to vector<8x2048xf32>
    %add3A_15 = arith.addf %add3A_12, %squeeze3A_14 : vector<8x2048xf32>
    %slice3A_16 = vector.extract_strided_slice %reshape3A {offsets = [5, 0, 0], sizes = [1, 8, 2048], strides = [1, 1, 1]} : vector<16x8x2048xf32> to vector<1x8x2048xf32>
    %squeeze3A_17 = vector.shape_cast %slice3A_16 : vector<1x8x2048xf32> to vector<8x2048xf32>
    %add3A_18 = arith.addf %add3A_15, %squeeze3A_17 : vector<8x2048xf32>
    %slice3A_19 = vector.extract_strided_slice %reshape3A {offsets = [6, 0, 0], sizes = [1, 8, 2048], strides = [1, 1, 1]} : vector<16x8x2048xf32> to vector<1x8x2048xf32>
    %squeeze3A_20 = vector.shape_cast %slice3A_19 : vector<1x8x2048xf32> to vector<8x2048xf32>
    %add3A_21 = arith.addf %add3A_18, %squeeze3A_20 : vector<8x2048xf32>
    %slice3A_22 = vector.extract_strided_slice %reshape3A {offsets = [7, 0, 0], sizes = [1, 8, 2048], strides = [1, 1, 1]} : vector<16x8x2048xf32> to vector<1x8x2048xf32>
    %squeeze3A_23 = vector.shape_cast %slice3A_22 : vector<1x8x2048xf32> to vector<8x2048xf32>
    %add3A_24 = arith.addf %add3A_21, %squeeze3A_23 : vector<8x2048xf32>
    %slice3A_25 = vector.extract_strided_slice %reshape3A {offsets = [8, 0, 0], sizes = [1, 8, 2048], strides = [1, 1, 1]} : vector<16x8x2048xf32> to vector<1x8x2048xf32>
    %squeeze3A_26 = vector.shape_cast %slice3A_25 : vector<1x8x2048xf32> to vector<8x2048xf32>
    %add3A_27 = arith.addf %add3A_24, %squeeze3A_26 : vector<8x2048xf32>
    %slice3A_28 = vector.extract_strided_slice %reshape3A {offsets = [9, 0, 0], sizes = [1, 8, 2048], strides = [1, 1, 1]} : vector<16x8x2048xf32> to vector<1x8x2048xf32>
    %squeeze3A_29 = vector.shape_cast %slice3A_28 : vector<1x8x2048xf32> to vector<8x2048xf32>
    %add3A_30 = arith.addf %add3A_27, %squeeze3A_29 : vector<8x2048xf32>
    %slice3A_31 = vector.extract_strided_slice %reshape3A {offsets = [10, 0, 0], sizes = [1, 8, 2048], strides = [1, 1, 1]} : vector<16x8x2048xf32> to vector<1x8x2048xf32>
    %squeeze3A_32 = vector.shape_cast %slice3A_31 : vector<1x8x2048xf32> to vector<8x2048xf32>
    %add3A_33 = arith.addf %add3A_30, %squeeze3A_32 : vector<8x2048xf32>
    %slice3A_34 = vector.extract_strided_slice %reshape3A {offsets = [11, 0, 0], sizes = [1, 8, 2048], strides = [1, 1, 1]} : vector<16x8x2048xf32> to vector<1x8x2048xf32>
    %squeeze3A_35 = vector.shape_cast %slice3A_34 : vector<1x8x2048xf32> to vector<8x2048xf32>
    %add3A_36 = arith.addf %add3A_33, %squeeze3A_35 : vector<8x2048xf32>
    %slice3A_37 = vector.extract_strided_slice %reshape3A {offsets = [12, 0, 0], sizes = [1, 8, 2048], strides = [1, 1, 1]} : vector<16x8x2048xf32> to vector<1x8x2048xf32>
    %squeeze3A_38 = vector.shape_cast %slice3A_37 : vector<1x8x2048xf32> to vector<8x2048xf32>
    %add3A_39 = arith.addf %add3A_36, %squeeze3A_38 : vector<8x2048xf32>
    %slice3A_40 = vector.extract_strided_slice %reshape3A {offsets = [13, 0, 0], sizes = [1, 8, 2048], strides = [1, 1, 1]} : vector<16x8x2048xf32> to vector<1x8x2048xf32>
    %squeeze3A_41 = vector.shape_cast %slice3A_40 : vector<1x8x2048xf32> to vector<8x2048xf32>
    %add3A_42 = arith.addf %add3A_39, %squeeze3A_41 : vector<8x2048xf32>
    %slice3A_43 = vector.extract_strided_slice %reshape3A {offsets = [14, 0, 0], sizes = [1, 8, 2048], strides = [1, 1, 1]} : vector<16x8x2048xf32> to vector<1x8x2048xf32>
    %squeeze3A_44 = vector.shape_cast %slice3A_43 : vector<1x8x2048xf32> to vector<8x2048xf32>
    %add3A_45 = arith.addf %add3A_42, %squeeze3A_44 : vector<8x2048xf32>
    %slice3A_46 = vector.extract_strided_slice %reshape3A {offsets = [15, 0, 0], sizes = [1, 8, 2048], strides = [1, 1, 1]} : vector<16x8x2048xf32> to vector<1x8x2048xf32>
    %squeeze3A_47 = vector.shape_cast %slice3A_46 : vector<1x8x2048xf32> to vector<8x2048xf32>
    %add3A_48 = arith.addf %add3A_45, %squeeze3A_47 : vector<8x2048xf32>
    %slice3A_49 = vector.extract_strided_slice %add3A_48 {offsets = [0, 0], sizes = [4, 2048], strides = [1, 1]} : vector<8x2048xf32> to vector<4x2048xf32>
    %slice3A_50 = vector.extract_strided_slice %add3A_48 {offsets = [4, 0], sizes = [4, 2048], strides = [1, 1]} : vector<8x2048xf32> to vector<4x2048xf32>
    %add3A_51 = arith.addf %slice3A_49, %slice3A_50 : vector<4x2048xf32>
    %slice3A_52 = vector.extract_strided_slice %add3A_51 {offsets = [0, 0], sizes = [2, 2048], strides = [1, 1]} : vector<4x2048xf32> to vector<2x2048xf32>
    %slice3A_53 = vector.extract_strided_slice %add3A_51 {offsets = [2, 0], sizes = [2, 2048], strides = [1, 1]} : vector<4x2048xf32> to vector<2x2048xf32>
    %add3A_54 = arith.addf %slice3A_52, %slice3A_53 : vector<2x2048xf32>
    %slice3A_55 = vector.extract_strided_slice %add3A_54 {offsets = [0, 0], sizes = [1, 2048], strides = [1, 1]} : vector<2x2048xf32> to vector<1x2048xf32>
    %slice3A_56 = vector.extract_strided_slice %add3A_54 {offsets = [1, 0], sizes = [1, 2048], strides = [1, 1]} : vector<2x2048xf32> to vector<1x2048xf32>
    %add3A_57 = arith.addf %slice3A_55, %slice3A_56 : vector<1x2048xf32>
    %slice3A_58 = vector.extract_strided_slice %get3A_1 {offsets = [0, 256], sizes = [2048, 128], strides = [1, 1]} : vector<2048x768xf32> to vector<2048x128xf32>
    %slice3A_59 = vector.extract_strided_slice %get3A_1 {offsets = [0, 384], sizes = [2048, 128], strides = [1, 1]} : vector<2048x768xf32> to vector<2048x128xf32>
    %add3A_60 = arith.addf %slice3A_58, %slice3A_59 : vector<2048x128xf32>
    %transpose3A_61 = tpu.transpose %add3A_60, [1, 0] : vector<2048x128xf32> -> vector<128x2048xf32>
    %reshape3A_62 = vector.shape_cast %transpose3A_61 : vector<128x2048xf32> to vector<16x8x2048xf32>
    %slice3A_63 = vector.extract_strided_slice %reshape3A_62 {offsets = [0, 0, 0], sizes = [1, 8, 2048], strides = [1, 1, 1]} : vector<16x8x2048xf32> to vector<1x8x2048xf32>
    %squeeze3A_64 = vector.shape_cast %slice3A_63 : vector<1x8x2048xf32> to vector<8x2048xf32>
    %slice3A_65 = vector.extract_strided_slice %reshape3A_62 {offsets = [1, 0, 0], sizes = [1, 8, 2048], strides = [1, 1, 1]} : vector<16x8x2048xf32> to vector<1x8x2048xf32>
    %squeeze3A_66 = vector.shape_cast %slice3A_65 : vector<1x8x2048xf32> to vector<8x2048xf32>
    %add3A_67 = arith.addf %squeeze3A_64, %squeeze3A_66 : vector<8x2048xf32>
    %slice3A_68 = vector.extract_strided_slice %reshape3A_62 {offsets = [2, 0, 0], sizes = [1, 8, 2048], strides = [1, 1, 1]} : vector<16x8x2048xf32> to vector<1x8x2048xf32>
    %squeeze3A_69 = vector.shape_cast %slice3A_68 : vector<1x8x2048xf32> to vector<8x2048xf32>
    %add3A_70 = arith.addf %add3A_67, %squeeze3A_69 : vector<8x2048xf32>
    %slice3A_71 = vector.extract_strided_slice %reshape3A_62 {offsets = [3, 0, 0], sizes = [1, 8, 2048], strides = [1, 1, 1]} : vector<16x8x2048xf32> to vector<1x8x2048xf32>
    %squeeze3A_72 = vector.shape_cast %slice3A_71 : vector<1x8x2048xf32> to vector<8x2048xf32>
    %add3A_73 = arith.addf %add3A_70, %squeeze3A_72 : vector<8x2048xf32>
    %slice3A_74 = vector.extract_strided_slice %reshape3A_62 {offsets = [4, 0, 0], sizes = [1, 8, 2048], strides = [1, 1, 1]} : vector<16x8x2048xf32> to vector<1x8x2048xf32>
    %squeeze3A_75 = vector.shape_cast %slice3A_74 : vector<1x8x2048xf32> to vector<8x2048xf32>
    %add3A_76 = arith.addf %add3A_73, %squeeze3A_75 : vector<8x2048xf32>
    %slice3A_77 = vector.extract_strided_slice %reshape3A_62 {offsets = [5, 0, 0], sizes = [1, 8, 2048], strides = [1, 1, 1]} : vector<16x8x2048xf32> to vector<1x8x2048xf32>
    %squeeze3A_78 = vector.shape_cast %slice3A_77 : vector<1x8x2048xf32> to vector<8x2048xf32>
    %add3A_79 = arith.addf %add3A_76, %squeeze3A_78 : vector<8x2048xf32>
    %slice3A_80 = vector.extract_strided_slice %reshape3A_62 {offsets = [6, 0, 0], sizes = [1, 8, 2048], strides = [1, 1, 1]} : vector<16x8x2048xf32> to vector<1x8x2048xf32>
    %squeeze3A_81 = vector.shape_cast %slice3A_80 : vector<1x8x2048xf32> to vector<8x2048xf32>
    %add3A_82 = arith.addf %add3A_79, %squeeze3A_81 : vector<8x2048xf32>
    %slice3A_83 = vector.extract_strided_slice %reshape3A_62 {offsets = [7, 0, 0], sizes = [1, 8, 2048], strides = [1, 1, 1]} : vector<16x8x2048xf32> to vector<1x8x2048xf32>
    %squeeze3A_84 = vector.shape_cast %slice3A_83 : vector<1x8x2048xf32> to vector<8x2048xf32>
    %add3A_85 = arith.addf %add3A_82, %squeeze3A_84 : vector<8x2048xf32>
    %slice3A_86 = vector.extract_strided_slice %reshape3A_62 {offsets = [8, 0, 0], sizes = [1, 8, 2048], strides = [1, 1, 1]} : vector<16x8x2048xf32> to vector<1x8x2048xf32>
    %squeeze3A_87 = vector.shape_cast %slice3A_86 : vector<1x8x2048xf32> to vector<8x2048xf32>
    %add3A_88 = arith.addf %add3A_85, %squeeze3A_87 : vector<8x2048xf32>
    %slice3A_89 = vector.extract_strided_slice %reshape3A_62 {offsets = [9, 0, 0], sizes = [1, 8, 2048], strides = [1, 1, 1]} : vector<16x8x2048xf32> to vector<1x8x2048xf32>
    %squeeze3A_90 = vector.shape_cast %slice3A_89 : vector<1x8x2048xf32> to vector<8x2048xf32>
    %add3A_91 = arith.addf %add3A_88, %squeeze3A_90 : vector<8x2048xf32>
    %slice3A_92 = vector.extract_strided_slice %reshape3A_62 {offsets = [10, 0, 0], sizes = [1, 8, 2048], strides = [1, 1, 1]} : vector<16x8x2048xf32> to vector<1x8x2048xf32>
    %squeeze3A_93 = vector.shape_cast %slice3A_92 : vector<1x8x2048xf32> to vector<8x2048xf32>
    %add3A_94 = arith.addf %add3A_91, %squeeze3A_93 : vector<8x2048xf32>
    %slice3A_95 = vector.extract_strided_slice %reshape3A_62 {offsets = [11, 0, 0], sizes = [1, 8, 2048], strides = [1, 1, 1]} : vector<16x8x2048xf32> to vector<1x8x2048xf32>
    %squeeze3A_96 = vector.shape_cast %slice3A_95 : vector<1x8x2048xf32> to vector<8x2048xf32>
    %add3A_97 = arith.addf %add3A_94, %squeeze3A_96 : vector<8x2048xf32>
    %slice3A_98 = vector.extract_strided_slice %reshape3A_62 {offsets = [12, 0, 0], sizes = [1, 8, 2048], strides = [1, 1, 1]} : vector<16x8x2048xf32> to vector<1x8x2048xf32>
    %squeeze3A_99 = vector.shape_cast %slice3A_98 : vector<1x8x2048xf32> to vector<8x2048xf32>
    %add3A_100 = arith.addf %add3A_97, %squeeze3A_99 : vector<8x2048xf32>
    %slice3A_101 = vector.extract_strided_slice %reshape3A_62 {offsets = [13, 0, 0], sizes = [1, 8, 2048], strides = [1, 1, 1]} : vector<16x8x2048xf32> to vector<1x8x2048xf32>
    %squeeze3A_102 = vector.shape_cast %slice3A_101 : vector<1x8x2048xf32> to vector<8x2048xf32>
    %add3A_103 = arith.addf %add3A_100, %squeeze3A_102 : vector<8x2048xf32>
    %slice3A_104 = vector.extract_strided_slice %reshape3A_62 {offsets = [14, 0, 0], sizes = [1, 8, 2048], strides = [1, 1, 1]} : vector<16x8x2048xf32> to vector<1x8x2048xf32>
    %squeeze3A_105 = vector.shape_cast %slice3A_104 : vector<1x8x2048xf32> to vector<8x2048xf32>
    %add3A_106 = arith.addf %add3A_103, %squeeze3A_105 : vector<8x2048xf32>
    %slice3A_107 = vector.extract_strided_slice %reshape3A_62 {offsets = [15, 0, 0], sizes = [1, 8, 2048], strides = [1, 1, 1]} : vector<16x8x2048xf32> to vector<1x8x2048xf32>
    %squeeze3A_108 = vector.shape_cast %slice3A_107 : vector<1x8x2048xf32> to vector<8x2048xf32>
    %add3A_109 = arith.addf %add3A_106, %squeeze3A_108 : vector<8x2048xf32>
    %slice3A_110 = vector.extract_strided_slice %add3A_109 {offsets = [0, 0], sizes = [4, 2048], strides = [1, 1]} : vector<8x2048xf32> to vector<4x2048xf32>
    %slice3A_111 = vector.extract_strided_slice %add3A_109 {offsets = [4, 0], sizes = [4, 2048], strides = [1, 1]} : vector<8x2048xf32> to vector<4x2048xf32>
    %add3A_112 = arith.addf %slice3A_110, %slice3A_111 : vector<4x2048xf32>
    %slice3A_113 = vector.extract_strided_slice %add3A_112 {offsets = [0, 0], sizes = [2, 2048], strides = [1, 1]} : vector<4x2048xf32> to vector<2x2048xf32>
    %slice3A_114 = vector.extract_strided_slice %add3A_112 {offsets = [2, 0], sizes = [2, 2048], strides = [1, 1]} : vector<4x2048xf32> to vector<2x2048xf32>
    %add3A_115 = arith.addf %slice3A_113, %slice3A_114 : vector<2x2048xf32>
    %slice3A_116 = vector.extract_strided_slice %add3A_115 {offsets = [0, 0], sizes = [1, 2048], strides = [1, 1]} : vector<2x2048xf32> to vector<1x2048xf32>
    %slice3A_117 = vector.extract_strided_slice %add3A_115 {offsets = [1, 0], sizes = [1, 2048], strides = [1, 1]} : vector<2x2048xf32> to vector<1x2048xf32>
    %add3A_118 = arith.addf %slice3A_116, %slice3A_117 : vector<1x2048xf32>
    %slice3A_119 = vector.extract_strided_slice %get3A_1 {offsets = [0, 512], sizes = [2048, 128], strides = [1, 1]} : vector<2048x768xf32> to vector<2048x128xf32>
    %slice3A_120 = vector.extract_strided_slice %get3A_1 {offsets = [0, 640], sizes = [2048, 128], strides = [1, 1]} : vector<2048x768xf32> to vector<2048x128xf32>
    %add3A_121 = arith.addf %slice3A_119, %slice3A_120 : vector<2048x128xf32>
    %transpose3A_122 = tpu.transpose %add3A_121, [1, 0] : vector<2048x128xf32> -> vector<128x2048xf32>
    %reshape3A_123 = vector.shape_cast %transpose3A_122 : vector<128x2048xf32> to vector<16x8x2048xf32>
    %slice3A_124 = vector.extract_strided_slice %reshape3A_123 {offsets = [0, 0, 0], sizes = [1, 8, 2048], strides = [1, 1, 1]} : vector<16x8x2048xf32> to vector<1x8x2048xf32>
    %squeeze3A_125 = vector.shape_cast %slice3A_124 : vector<1x8x2048xf32> to vector<8x2048xf32>
    %slice3A_126 = vector.extract_strided_slice %reshape3A_123 {offsets = [1, 0, 0], sizes = [1, 8, 2048], strides = [1, 1, 1]} : vector<16x8x2048xf32> to vector<1x8x2048xf32>
    %squeeze3A_127 = vector.shape_cast %slice3A_126 : vector<1x8x2048xf32> to vector<8x2048xf32>
    %add3A_128 = arith.addf %squeeze3A_125, %squeeze3A_127 : vector<8x2048xf32>
    %slice3A_129 = vector.extract_strided_slice %reshape3A_123 {offsets = [2, 0, 0], sizes = [1, 8, 2048], strides = [1, 1, 1]} : vector<16x8x2048xf32> to vector<1x8x2048xf32>
    %squeeze3A_130 = vector.shape_cast %slice3A_129 : vector<1x8x2048xf32> to vector<8x2048xf32>
    %add3A_131 = arith.addf %add3A_128, %squeeze3A_130 : vector<8x2048xf32>
    %slice3A_132 = vector.extract_strided_slice %reshape3A_123 {offsets = [3, 0, 0], sizes = [1, 8, 2048], strides = [1, 1, 1]} : vector<16x8x2048xf32> to vector<1x8x2048xf32>
    %squeeze3A_133 = vector.shape_cast %slice3A_132 : vector<1x8x2048xf32> to vector<8x2048xf32>
    %add3A_134 = arith.addf %add3A_131, %squeeze3A_133 : vector<8x2048xf32>
    %slice3A_135 = vector.extract_strided_slice %reshape3A_123 {offsets = [4, 0, 0], sizes = [1, 8, 2048], strides = [1, 1, 1]} : vector<16x8x2048xf32> to vector<1x8x2048xf32>
    %squeeze3A_136 = vector.shape_cast %slice3A_135 : vector<1x8x2048xf32> to vector<8x2048xf32>
    %add3A_137 = arith.addf %add3A_134, %squeeze3A_136 : vector<8x2048xf32>
    %slice3A_138 = vector.extract_strided_slice %reshape3A_123 {offsets = [5, 0, 0], sizes = [1, 8, 2048], strides = [1, 1, 1]} : vector<16x8x2048xf32> to vector<1x8x2048xf32>
    %squeeze3A_139 = vector.shape_cast %slice3A_138 : vector<1x8x2048xf32> to vector<8x2048xf32>
    %add3A_140 = arith.addf %add3A_137, %squeeze3A_139 : vector<8x2048xf32>
    %slice3A_141 = vector.extract_strided_slice %reshape3A_123 {offsets = [6, 0, 0], sizes = [1, 8, 2048], strides = [1, 1, 1]} : vector<16x8x2048xf32> to vector<1x8x2048xf32>
    %squeeze3A_142 = vector.shape_cast %slice3A_141 : vector<1x8x2048xf32> to vector<8x2048xf32>
    %add3A_143 = arith.addf %add3A_140, %squeeze3A_142 : vector<8x2048xf32>
    %slice3A_144 = vector.extract_strided_slice %reshape3A_123 {offsets = [7, 0, 0], sizes = [1, 8, 2048], strides = [1, 1, 1]} : vector<16x8x2048xf32> to vector<1x8x2048xf32>
    %squeeze3A_145 = vector.shape_cast %slice3A_144 : vector<1x8x2048xf32> to vector<8x2048xf32>
    %add3A_146 = arith.addf %add3A_143, %squeeze3A_145 : vector<8x2048xf32>
    %slice3A_147 = vector.extract_strided_slice %reshape3A_123 {offsets = [8, 0, 0], sizes = [1, 8, 2048], strides = [1, 1, 1]} : vector<16x8x2048xf32> to vector<1x8x2048xf32>
    %squeeze3A_148 = vector.shape_cast %slice3A_147 : vector<1x8x2048xf32> to vector<8x2048xf32>
    %add3A_149 = arith.addf %add3A_146, %squeeze3A_148 : vector<8x2048xf32>
    %slice3A_150 = vector.extract_strided_slice %reshape3A_123 {offsets = [9, 0, 0], sizes = [1, 8, 2048], strides = [1, 1, 1]} : vector<16x8x2048xf32> to vector<1x8x2048xf32>
    %squeeze3A_151 = vector.shape_cast %slice3A_150 : vector<1x8x2048xf32> to vector<8x2048xf32>
    %add3A_152 = arith.addf %add3A_149, %squeeze3A_151 : vector<8x2048xf32>
    %slice3A_153 = vector.extract_strided_slice %reshape3A_123 {offsets = [10, 0, 0], sizes = [1, 8, 2048], strides = [1, 1, 1]} : vector<16x8x2048xf32> to vector<1x8x2048xf32>
    %squeeze3A_154 = vector.shape_cast %slice3A_153 : vector<1x8x2048xf32> to vector<8x2048xf32>
    %add3A_155 = arith.addf %add3A_152, %squeeze3A_154 : vector<8x2048xf32>
    %slice3A_156 = vector.extract_strided_slice %reshape3A_123 {offsets = [11, 0, 0], sizes = [1, 8, 2048], strides = [1, 1, 1]} : vector<16x8x2048xf32> to vector<1x8x2048xf32>
    %squeeze3A_157 = vector.shape_cast %slice3A_156 : vector<1x8x2048xf32> to vector<8x2048xf32>
    %add3A_158 = arith.addf %add3A_155, %squeeze3A_157 : vector<8x2048xf32>
    %slice3A_159 = vector.extract_strided_slice %reshape3A_123 {offsets = [12, 0, 0], sizes = [1, 8, 2048], strides = [1, 1, 1]} : vector<16x8x2048xf32> to vector<1x8x2048xf32>
    %squeeze3A_160 = vector.shape_cast %slice3A_159 : vector<1x8x2048xf32> to vector<8x2048xf32>
    %add3A_161 = arith.addf %add3A_158, %squeeze3A_160 : vector<8x2048xf32>
    %slice3A_162 = vector.extract_strided_slice %reshape3A_123 {offsets = [13, 0, 0], sizes = [1, 8, 2048], strides = [1, 1, 1]} : vector<16x8x2048xf32> to vector<1x8x2048xf32>
    %squeeze3A_163 = vector.shape_cast %slice3A_162 : vector<1x8x2048xf32> to vector<8x2048xf32>
    %add3A_164 = arith.addf %add3A_161, %squeeze3A_163 : vector<8x2048xf32>
    %slice3A_165 = vector.extract_strided_slice %reshape3A_123 {offsets = [14, 0, 0], sizes = [1, 8, 2048], strides = [1, 1, 1]} : vector<16x8x2048xf32> to vector<1x8x2048xf32>
    %squeeze3A_166 = vector.shape_cast %slice3A_165 : vector<1x8x2048xf32> to vector<8x2048xf32>
    %add3A_167 = arith.addf %add3A_164, %squeeze3A_166 : vector<8x2048xf32>
    %slice3A_168 = vector.extract_strided_slice %reshape3A_123 {offsets = [15, 0, 0], sizes = [1, 8, 2048], strides = [1, 1, 1]} : vector<16x8x2048xf32> to vector<1x8x2048xf32>
    %squeeze3A_169 = vector.shape_cast %slice3A_168 : vector<1x8x2048xf32> to vector<8x2048xf32>
    %add3A_170 = arith.addf %add3A_167, %squeeze3A_169 : vector<8x2048xf32>
    %slice3A_171 = vector.extract_strided_slice %add3A_170 {offsets = [0, 0], sizes = [4, 2048], strides = [1, 1]} : vector<8x2048xf32> to vector<4x2048xf32>
    %slice3A_172 = vector.extract_strided_slice %add3A_170 {offsets = [4, 0], sizes = [4, 2048], strides = [1, 1]} : vector<8x2048xf32> to vector<4x2048xf32>
    %add3A_173 = arith.addf %slice3A_171, %slice3A_172 : vector<4x2048xf32>
    %slice3A_174 = vector.extract_strided_slice %add3A_173 {offsets = [0, 0], sizes = [2, 2048], strides = [1, 1]} : vector<4x2048xf32> to vector<2x2048xf32>
    %slice3A_175 = vector.extract_strided_slice %add3A_173 {offsets = [2, 0], sizes = [2, 2048], strides = [1, 1]} : vector<4x2048xf32> to vector<2x2048xf32>
    %add3A_176 = arith.addf %slice3A_174, %slice3A_175 : vector<2x2048xf32>
    %slice3A_177 = vector.extract_strided_slice %add3A_176 {offsets = [0, 0], sizes = [1, 2048], strides = [1, 1]} : vector<2x2048xf32> to vector<1x2048xf32>
    %slice3A_178 = vector.extract_strided_slice %add3A_176 {offsets = [1, 0], sizes = [1, 2048], strides = [1, 1]} : vector<2x2048xf32> to vector<1x2048xf32>
    %add3A_179 = arith.addf %slice3A_177, %slice3A_178 : vector<1x2048xf32>
    %add3A_180 = arith.addf %add3A_57, %add3A_118 : vector<1x2048xf32>
    %add3A_181 = arith.addf %add3A_180, %add3A_179 : vector<1x2048xf32>
    %transpose3A_182 = tpu.transpose %add3A_181, [1, 0] : vector<1x2048xf32> -> vector<2048x1xf32>
    %div3A = arith.constant 7.680000e+02 : f32
    %div3A_183 = vector.broadcast %div3A : f32 to vector<2048x1xf32>
    %div3A_184 = arith.divf %transpose3A_182, %div3A_183 : vector<2048x1xf32>
    %sub3A = vector.broadcast %div3A_184 : vector<2048x1xf32> to vector<2048x768xf32>
    %sub3A_185 = arith.subf %get3A_1, %sub3A : vector<2048x768xf32>
    %mul3A = arith.mulf %sub3A_185, %sub3A_185 : vector<2048x768xf32>
    %slice3A_186 = vector.extract_strided_slice %mul3A {offsets = [0, 0], sizes = [2048, 128], strides = [1, 1]} : vector<2048x768xf32> to vector<2048x128xf32>
    %slice3A_187 = vector.extract_strided_slice %mul3A {offsets = [0, 128], sizes = [2048, 128], strides = [1, 1]} : vector<2048x768xf32> to vector<2048x128xf32>
    %add3A_188 = arith.addf %slice3A_186, %slice3A_187 : vector<2048x128xf32>
    %transpose3A_189 = tpu.transpose %add3A_188, [1, 0] : vector<2048x128xf32> -> vector<128x2048xf32>
    %reshape3A_190 = vector.shape_cast %transpose3A_189 : vector<128x2048xf32> to vector<16x8x2048xf32>
    %slice3A_191 = vector.extract_strided_slice %reshape3A_190 {offsets = [0, 0, 0], sizes = [1, 8, 2048], strides = [1, 1, 1]} : vector<16x8x2048xf32> to vector<1x8x2048xf32>
    %squeeze3A_192 = vector.shape_cast %slice3A_191 : vector<1x8x2048xf32> to vector<8x2048xf32>
    %slice3A_193 = vector.extract_strided_slice %reshape3A_190 {offsets = [1, 0, 0], sizes = [1, 8, 2048], strides = [1, 1, 1]} : vector<16x8x2048xf32> to vector<1x8x2048xf32>
    %squeeze3A_194 = vector.shape_cast %slice3A_193 : vector<1x8x2048xf32> to vector<8x2048xf32>
    %add3A_195 = arith.addf %squeeze3A_192, %squeeze3A_194 : vector<8x2048xf32>
    %slice3A_196 = vector.extract_strided_slice %reshape3A_190 {offsets = [2, 0, 0], sizes = [1, 8, 2048], strides = [1, 1, 1]} : vector<16x8x2048xf32> to vector<1x8x2048xf32>
    %squeeze3A_197 = vector.shape_cast %slice3A_196 : vector<1x8x2048xf32> to vector<8x2048xf32>
    %add3A_198 = arith.addf %add3A_195, %squeeze3A_197 : vector<8x2048xf32>
    %slice3A_199 = vector.extract_strided_slice %reshape3A_190 {offsets = [3, 0, 0], sizes = [1, 8, 2048], strides = [1, 1, 1]} : vector<16x8x2048xf32> to vector<1x8x2048xf32>
    %squeeze3A_200 = vector.shape_cast %slice3A_199 : vector<1x8x2048xf32> to vector<8x2048xf32>
    %add3A_201 = arith.addf %add3A_198, %squeeze3A_200 : vector<8x2048xf32>
    %slice3A_202 = vector.extract_strided_slice %reshape3A_190 {offsets = [4, 0, 0], sizes = [1, 8, 2048], strides = [1, 1, 1]} : vector<16x8x2048xf32> to vector<1x8x2048xf32>
    %squeeze3A_203 = vector.shape_cast %slice3A_202 : vector<1x8x2048xf32> to vector<8x2048xf32>
    %add3A_204 = arith.addf %add3A_201, %squeeze3A_203 : vector<8x2048xf32>
    %slice3A_205 = vector.extract_strided_slice %reshape3A_190 {offsets = [5, 0, 0], sizes = [1, 8, 2048], strides = [1, 1, 1]} : vector<16x8x2048xf32> to vector<1x8x2048xf32>
    %squeeze3A_206 = vector.shape_cast %slice3A_205 : vector<1x8x2048xf32> to vector<8x2048xf32>
    %add3A_207 = arith.addf %add3A_204, %squeeze3A_206 : vector<8x2048xf32>
    %slice3A_208 = vector.extract_strided_slice %reshape3A_190 {offsets = [6, 0, 0], sizes = [1, 8, 2048], strides = [1, 1, 1]} : vector<16x8x2048xf32> to vector<1x8x2048xf32>
    %squeeze3A_209 = vector.shape_cast %slice3A_208 : vector<1x8x2048xf32> to vector<8x2048xf32>
    %add3A_210 = arith.addf %add3A_207, %squeeze3A_209 : vector<8x2048xf32>
    %slice3A_211 = vector.extract_strided_slice %reshape3A_190 {offsets = [7, 0, 0], sizes = [1, 8, 2048], strides = [1, 1, 1]} : vector<16x8x2048xf32> to vector<1x8x2048xf32>
    %squeeze3A_212 = vector.shape_cast %slice3A_211 : vector<1x8x2048xf32> to vector<8x2048xf32>
    %add3A_213 = arith.addf %add3A_210, %squeeze3A_212 : vector<8x2048xf32>
    %slice3A_214 = vector.extract_strided_slice %reshape3A_190 {offsets = [8, 0, 0], sizes = [1, 8, 2048], strides = [1, 1, 1]} : vector<16x8x2048xf32> to vector<1x8x2048xf32>
    %squeeze3A_215 = vector.shape_cast %slice3A_214 : vector<1x8x2048xf32> to vector<8x2048xf32>
    %add3A_216 = arith.addf %add3A_213, %squeeze3A_215 : vector<8x2048xf32>
    %slice3A_217 = vector.extract_strided_slice %reshape3A_190 {offsets = [9, 0, 0], sizes = [1, 8, 2048], strides = [1, 1, 1]} : vector<16x8x2048xf32> to vector<1x8x2048xf32>
    %squeeze3A_218 = vector.shape_cast %slice3A_217 : vector<1x8x2048xf32> to vector<8x2048xf32>
    %add3A_219 = arith.addf %add3A_216, %squeeze3A_218 : vector<8x2048xf32>
    %slice3A_220 = vector.extract_strided_slice %reshape3A_190 {offsets = [10, 0, 0], sizes = [1, 8, 2048], strides = [1, 1, 1]} : vector<16x8x2048xf32> to vector<1x8x2048xf32>
    %squeeze3A_221 = vector.shape_cast %slice3A_220 : vector<1x8x2048xf32> to vector<8x2048xf32>
    %add3A_222 = arith.addf %add3A_219, %squeeze3A_221 : vector<8x2048xf32>
    %slice3A_223 = vector.extract_strided_slice %reshape3A_190 {offsets = [11, 0, 0], sizes = [1, 8, 2048], strides = [1, 1, 1]} : vector<16x8x2048xf32> to vector<1x8x2048xf32>
    %squeeze3A_224 = vector.shape_cast %slice3A_223 : vector<1x8x2048xf32> to vector<8x2048xf32>
    %add3A_225 = arith.addf %add3A_222, %squeeze3A_224 : vector<8x2048xf32>
    %slice3A_226 = vector.extract_strided_slice %reshape3A_190 {offsets = [12, 0, 0], sizes = [1, 8, 2048], strides = [1, 1, 1]} : vector<16x8x2048xf32> to vector<1x8x2048xf32>
    %squeeze3A_227 = vector.shape_cast %slice3A_226 : vector<1x8x2048xf32> to vector<8x2048xf32>
    %add3A_228 = arith.addf %add3A_225, %squeeze3A_227 : vector<8x2048xf32>
    %slice3A_229 = vector.extract_strided_slice %reshape3A_190 {offsets = [13, 0, 0], sizes = [1, 8, 2048], strides = [1, 1, 1]} : vector<16x8x2048xf32> to vector<1x8x2048xf32>
    %squeeze3A_230 = vector.shape_cast %slice3A_229 : vector<1x8x2048xf32> to vector<8x2048xf32>
    %add3A_231 = arith.addf %add3A_228, %squeeze3A_230 : vector<8x2048xf32>
    %slice3A_232 = vector.extract_strided_slice %reshape3A_190 {offsets = [14, 0, 0], sizes = [1, 8, 2048], strides = [1, 1, 1]} : vector<16x8x2048xf32> to vector<1x8x2048xf32>
    %squeeze3A_233 = vector.shape_cast %slice3A_232 : vector<1x8x2048xf32> to vector<8x2048xf32>
    %add3A_234 = arith.addf %add3A_231, %squeeze3A_233 : vector<8x2048xf32>
    %slice3A_235 = vector.extract_strided_slice %reshape3A_190 {offsets = [15, 0, 0], sizes = [1, 8, 2048], strides = [1, 1, 1]} : vector<16x8x2048xf32> to vector<1x8x2048xf32>
    %squeeze3A_236 = vector.shape_cast %slice3A_235 : vector<1x8x2048xf32> to vector<8x2048xf32>
    %add3A_237 = arith.addf %add3A_234, %squeeze3A_236 : vector<8x2048xf32>
    %slice3A_238 = vector.extract_strided_slice %add3A_237 {offsets = [0, 0], sizes = [4, 2048], strides = [1, 1]} : vector<8x2048xf32> to vector<4x2048xf32>
    %slice3A_239 = vector.extract_strided_slice %add3A_237 {offsets = [4, 0], sizes = [4, 2048], strides = [1, 1]} : vector<8x2048xf32> to vector<4x2048xf32>
    %add3A_240 = arith.addf %slice3A_238, %slice3A_239 : vector<4x2048xf32>
    %slice3A_241 = vector.extract_strided_slice %add3A_240 {offsets = [0, 0], sizes = [2, 2048], strides = [1, 1]} : vector<4x2048xf32> to vector<2x2048xf32>
    %slice3A_242 = vector.extract_strided_slice %add3A_240 {offsets = [2, 0], sizes = [2, 2048], strides = [1, 1]} : vector<4x2048xf32> to vector<2x2048xf32>
    %add3A_243 = arith.addf %slice3A_241, %slice3A_242 : vector<2x2048xf32>
    %slice3A_244 = vector.extract_strided_slice %add3A_243 {offsets = [0, 0], sizes = [1, 2048], strides = [1, 1]} : vector<2x2048xf32> to vector<1x2048xf32>
    %slice3A_245 = vector.extract_strided_slice %add3A_243 {offsets = [1, 0], sizes = [1, 2048], strides = [1, 1]} : vector<2x2048xf32> to vector<1x2048xf32>
    %add3A_246 = arith.addf %slice3A_244, %slice3A_245 : vector<1x2048xf32>
    %slice3A_247 = vector.extract_strided_slice %mul3A {offsets = [0, 256], sizes = [2048, 128], strides = [1, 1]} : vector<2048x768xf32> to vector<2048x128xf32>
    %slice3A_248 = vector.extract_strided_slice %mul3A {offsets = [0, 384], sizes = [2048, 128], strides = [1, 1]} : vector<2048x768xf32> to vector<2048x128xf32>
    %add3A_249 = arith.addf %slice3A_247, %slice3A_248 : vector<2048x128xf32>
    %transpose3A_250 = tpu.transpose %add3A_249, [1, 0] : vector<2048x128xf32> -> vector<128x2048xf32>
    %reshape3A_251 = vector.shape_cast %transpose3A_250 : vector<128x2048xf32> to vector<16x8x2048xf32>
    %slice3A_252 = vector.extract_strided_slice %reshape3A_251 {offsets = [0, 0, 0], sizes = [1, 8, 2048], strides = [1, 1, 1]} : vector<16x8x2048xf32> to vector<1x8x2048xf32>
    %squeeze3A_253 = vector.shape_cast %slice3A_252 : vector<1x8x2048xf32> to vector<8x2048xf32>
    %slice3A_254 = vector.extract_strided_slice %reshape3A_251 {offsets = [1, 0, 0], sizes = [1, 8, 2048], strides = [1, 1, 1]} : vector<16x8x2048xf32> to vector<1x8x2048xf32>
    %squeeze3A_255 = vector.shape_cast %slice3A_254 : vector<1x8x2048xf32> to vector<8x2048xf32>
    %add3A_256 = arith.addf %squeeze3A_253, %squeeze3A_255 : vector<8x2048xf32>
    %slice3A_257 = vector.extract_strided_slice %reshape3A_251 {offsets = [2, 0, 0], sizes = [1, 8, 2048], strides = [1, 1, 1]} : vector<16x8x2048xf32> to vector<1x8x2048xf32>
    %squeeze3A_258 = vector.shape_cast %slice3A_257 : vector<1x8x2048xf32> to vector<8x2048xf32>
    %add3A_259 = arith.addf %add3A_256, %squeeze3A_258 : vector<8x2048xf32>
    %slice3A_260 = vector.extract_strided_slice %reshape3A_251 {offsets = [3, 0, 0], sizes = [1, 8, 2048], strides = [1, 1, 1]} : vector<16x8x2048xf32> to vector<1x8x2048xf32>
    %squeeze3A_261 = vector.shape_cast %slice3A_260 : vector<1x8x2048xf32> to vector<8x2048xf32>
    %add3A_262 = arith.addf %add3A_259, %squeeze3A_261 : vector<8x2048xf32>
    %slice3A_263 = vector.extract_strided_slice %reshape3A_251 {offsets = [4, 0, 0], sizes = [1, 8, 2048], strides = [1, 1, 1]} : vector<16x8x2048xf32> to vector<1x8x2048xf32>
    %squeeze3A_264 = vector.shape_cast %slice3A_263 : vector<1x8x2048xf32> to vector<8x2048xf32>
    %add3A_265 = arith.addf %add3A_262, %squeeze3A_264 : vector<8x2048xf32>
    %slice3A_266 = vector.extract_strided_slice %reshape3A_251 {offsets = [5, 0, 0], sizes = [1, 8, 2048], strides = [1, 1, 1]} : vector<16x8x2048xf32> to vector<1x8x2048xf32>
    %squeeze3A_267 = vector.shape_cast %slice3A_266 : vector<1x8x2048xf32> to vector<8x2048xf32>
    %add3A_268 = arith.addf %add3A_265, %squeeze3A_267 : vector<8x2048xf32>
    %slice3A_269 = vector.extract_strided_slice %reshape3A_251 {offsets = [6, 0, 0], sizes = [1, 8, 2048], strides = [1, 1, 1]} : vector<16x8x2048xf32> to vector<1x8x2048xf32>
    %squeeze3A_270 = vector.shape_cast %slice3A_269 : vector<1x8x2048xf32> to vector<8x2048xf32>
    %add3A_271 = arith.addf %add3A_268, %squeeze3A_270 : vector<8x2048xf32>
    %slice3A_272 = vector.extract_strided_slice %reshape3A_251 {offsets = [7, 0, 0], sizes = [1, 8, 2048], strides = [1, 1, 1]} : vector<16x8x2048xf32> to vector<1x8x2048xf32>
    %squeeze3A_273 = vector.shape_cast %slice3A_272 : vector<1x8x2048xf32> to vector<8x2048xf32>
    %add3A_274 = arith.addf %add3A_271, %squeeze3A_273 : vector<8x2048xf32>
    %slice3A_275 = vector.extract_strided_slice %reshape3A_251 {offsets = [8, 0, 0], sizes = [1, 8, 2048], strides = [1, 1, 1]} : vector<16x8x2048xf32> to vector<1x8x2048xf32>
    %squeeze3A_276 = vector.shape_cast %slice3A_275 : vector<1x8x2048xf32> to vector<8x2048xf32>
    %add3A_277 = arith.addf %add3A_274, %squeeze3A_276 : vector<8x2048xf32>
    %slice3A_278 = vector.extract_strided_slice %reshape3A_251 {offsets = [9, 0, 0], sizes = [1, 8, 2048], strides = [1, 1, 1]} : vector<16x8x2048xf32> to vector<1x8x2048xf32>
    %squeeze3A_279 = vector.shape_cast %slice3A_278 : vector<1x8x2048xf32> to vector<8x2048xf32>
    %add3A_280 = arith.addf %add3A_277, %squeeze3A_279 : vector<8x2048xf32>
    %slice3A_281 = vector.extract_strided_slice %reshape3A_251 {offsets = [10, 0, 0], sizes = [1, 8, 2048], strides = [1, 1, 1]} : vector<16x8x2048xf32> to vector<1x8x2048xf32>
    %squeeze3A_282 = vector.shape_cast %slice3A_281 : vector<1x8x2048xf32> to vector<8x2048xf32>
    %add3A_283 = arith.addf %add3A_280, %squeeze3A_282 : vector<8x2048xf32>
    %slice3A_284 = vector.extract_strided_slice %reshape3A_251 {offsets = [11, 0, 0], sizes = [1, 8, 2048], strides = [1, 1, 1]} : vector<16x8x2048xf32> to vector<1x8x2048xf32>
    %squeeze3A_285 = vector.shape_cast %slice3A_284 : vector<1x8x2048xf32> to vector<8x2048xf32>
    %add3A_286 = arith.addf %add3A_283, %squeeze3A_285 : vector<8x2048xf32>
    %slice3A_287 = vector.extract_strided_slice %reshape3A_251 {offsets = [12, 0, 0], sizes = [1, 8, 2048], strides = [1, 1, 1]} : vector<16x8x2048xf32> to vector<1x8x2048xf32>
    %squeeze3A_288 = vector.shape_cast %slice3A_287 : vector<1x8x2048xf32> to vector<8x2048xf32>
    %add3A_289 = arith.addf %add3A_286, %squeeze3A_288 : vector<8x2048xf32>
    %slice3A_290 = vector.extract_strided_slice %reshape3A_251 {offsets = [13, 0, 0], sizes = [1, 8, 2048], strides = [1, 1, 1]} : vector<16x8x2048xf32> to vector<1x8x2048xf32>
    %squeeze3A_291 = vector.shape_cast %slice3A_290 : vector<1x8x2048xf32> to vector<8x2048xf32>
    %add3A_292 = arith.addf %add3A_289, %squeeze3A_291 : vector<8x2048xf32>
    %slice3A_293 = vector.extract_strided_slice %reshape3A_251 {offsets = [14, 0, 0], sizes = [1, 8, 2048], strides = [1, 1, 1]} : vector<16x8x2048xf32> to vector<1x8x2048xf32>
    %squeeze3A_294 = vector.shape_cast %slice3A_293 : vector<1x8x2048xf32> to vector<8x2048xf32>
    %add3A_295 = arith.addf %add3A_292, %squeeze3A_294 : vector<8x2048xf32>
    %slice3A_296 = vector.extract_strided_slice %reshape3A_251 {offsets = [15, 0, 0], sizes = [1, 8, 2048], strides = [1, 1, 1]} : vector<16x8x2048xf32> to vector<1x8x2048xf32>
    %squeeze3A_297 = vector.shape_cast %slice3A_296 : vector<1x8x2048xf32> to vector<8x2048xf32>
    %add3A_298 = arith.addf %add3A_295, %squeeze3A_297 : vector<8x2048xf32>
    %slice3A_299 = vector.extract_strided_slice %add3A_298 {offsets = [0, 0], sizes = [4, 2048], strides = [1, 1]} : vector<8x2048xf32> to vector<4x2048xf32>
    %slice3A_300 = vector.extract_strided_slice %add3A_298 {offsets = [4, 0], sizes = [4, 2048], strides = [1, 1]} : vector<8x2048xf32> to vector<4x2048xf32>
    %add3A_301 = arith.addf %slice3A_299, %slice3A_300 : vector<4x2048xf32>
    %slice3A_302 = vector.extract_strided_slice %add3A_301 {offsets = [0, 0], sizes = [2, 2048], strides = [1, 1]} : vector<4x2048xf32> to vector<2x2048xf32>
    %slice3A_303 = vector.extract_strided_slice %add3A_301 {offsets = [2, 0], sizes = [2, 2048], strides = [1, 1]} : vector<4x2048xf32> to vector<2x2048xf32>
    %add3A_304 = arith.addf %slice3A_302, %slice3A_303 : vector<2x2048xf32>
    %slice3A_305 = vector.extract_strided_slice %add3A_304 {offsets = [0, 0], sizes = [1, 2048], strides = [1, 1]} : vector<2x2048xf32> to vector<1x2048xf32>
    %slice3A_306 = vector.extract_strided_slice %add3A_304 {offsets = [1, 0], sizes = [1, 2048], strides = [1, 1]} : vector<2x2048xf32> to vector<1x2048xf32>
    %add3A_307 = arith.addf %slice3A_305, %slice3A_306 : vector<1x2048xf32>
    %slice3A_308 = vector.extract_strided_slice %mul3A {offsets = [0, 512], sizes = [2048, 128], strides = [1, 1]} : vector<2048x768xf32> to vector<2048x128xf32>
    %slice3A_309 = vector.extract_strided_slice %mul3A {offsets = [0, 640], sizes = [2048, 128], strides = [1, 1]} : vector<2048x768xf32> to vector<2048x128xf32>
    %add3A_310 = arith.addf %slice3A_308, %slice3A_309 : vector<2048x128xf32>
    %transpose3A_311 = tpu.transpose %add3A_310, [1, 0] : vector<2048x128xf32> -> vector<128x2048xf32>
    %reshape3A_312 = vector.shape_cast %transpose3A_311 : vector<128x2048xf32> to vector<16x8x2048xf32>
    %slice3A_313 = vector.extract_strided_slice %reshape3A_312 {offsets = [0, 0, 0], sizes = [1, 8, 2048], strides = [1, 1, 1]} : vector<16x8x2048xf32> to vector<1x8x2048xf32>
    %squeeze3A_314 = vector.shape_cast %slice3A_313 : vector<1x8x2048xf32> to vector<8x2048xf32>
    %slice3A_315 = vector.extract_strided_slice %reshape3A_312 {offsets = [1, 0, 0], sizes = [1, 8, 2048], strides = [1, 1, 1]} : vector<16x8x2048xf32> to vector<1x8x2048xf32>
    %squeeze3A_316 = vector.shape_cast %slice3A_315 : vector<1x8x2048xf32> to vector<8x2048xf32>
    %add3A_317 = arith.addf %squeeze3A_314, %squeeze3A_316 : vector<8x2048xf32>
    %slice3A_318 = vector.extract_strided_slice %reshape3A_312 {offsets = [2, 0, 0], sizes = [1, 8, 2048], strides = [1, 1, 1]} : vector<16x8x2048xf32> to vector<1x8x2048xf32>
    %squeeze3A_319 = vector.shape_cast %slice3A_318 : vector<1x8x2048xf32> to vector<8x2048xf32>
    %add3A_320 = arith.addf %add3A_317, %squeeze3A_319 : vector<8x2048xf32>
    %slice3A_321 = vector.extract_strided_slice %reshape3A_312 {offsets = [3, 0, 0], sizes = [1, 8, 2048], strides = [1, 1, 1]} : vector<16x8x2048xf32> to vector<1x8x2048xf32>
    %squeeze3A_322 = vector.shape_cast %slice3A_321 : vector<1x8x2048xf32> to vector<8x2048xf32>
    %add3A_323 = arith.addf %add3A_320, %squeeze3A_322 : vector<8x2048xf32>
    %slice3A_324 = vector.extract_strided_slice %reshape3A_312 {offsets = [4, 0, 0], sizes = [1, 8, 2048], strides = [1, 1, 1]} : vector<16x8x2048xf32> to vector<1x8x2048xf32>
    %squeeze3A_325 = vector.shape_cast %slice3A_324 : vector<1x8x2048xf32> to vector<8x2048xf32>
    %add3A_326 = arith.addf %add3A_323, %squeeze3A_325 : vector<8x2048xf32>
    %slice3A_327 = vector.extract_strided_slice %reshape3A_312 {offsets = [5, 0, 0], sizes = [1, 8, 2048], strides = [1, 1, 1]} : vector<16x8x2048xf32> to vector<1x8x2048xf32>
    %squeeze3A_328 = vector.shape_cast %slice3A_327 : vector<1x8x2048xf32> to vector<8x2048xf32>
    %add3A_329 = arith.addf %add3A_326, %squeeze3A_328 : vector<8x2048xf32>
    %slice3A_330 = vector.extract_strided_slice %reshape3A_312 {offsets = [6, 0, 0], sizes = [1, 8, 2048], strides = [1, 1, 1]} : vector<16x8x2048xf32> to vector<1x8x2048xf32>
    %squeeze3A_331 = vector.shape_cast %slice3A_330 : vector<1x8x2048xf32> to vector<8x2048xf32>
    %add3A_332 = arith.addf %add3A_329, %squeeze3A_331 : vector<8x2048xf32>
    %slice3A_333 = vector.extract_strided_slice %reshape3A_312 {offsets = [7, 0, 0], sizes = [1, 8, 2048], strides = [1, 1, 1]} : vector<16x8x2048xf32> to vector<1x8x2048xf32>
    %squeeze3A_334 = vector.shape_cast %slice3A_333 : vector<1x8x2048xf32> to vector<8x2048xf32>
    %add3A_335 = arith.addf %add3A_332, %squeeze3A_334 : vector<8x2048xf32>
    %slice3A_336 = vector.extract_strided_slice %reshape3A_312 {offsets = [8, 0, 0], sizes = [1, 8, 2048], strides = [1, 1, 1]} : vector<16x8x2048xf32> to vector<1x8x2048xf32>
    %squeeze3A_337 = vector.shape_cast %slice3A_336 : vector<1x8x2048xf32> to vector<8x2048xf32>
    %add3A_338 = arith.addf %add3A_335, %squeeze3A_337 : vector<8x2048xf32>
    %slice3A_339 = vector.extract_strided_slice %reshape3A_312 {offsets = [9, 0, 0], sizes = [1, 8, 2048], strides = [1, 1, 1]} : vector<16x8x2048xf32> to vector<1x8x2048xf32>
    %squeeze3A_340 = vector.shape_cast %slice3A_339 : vector<1x8x2048xf32> to vector<8x2048xf32>
    %add3A_341 = arith.addf %add3A_338, %squeeze3A_340 : vector<8x2048xf32>
    %slice3A_342 = vector.extract_strided_slice %reshape3A_312 {offsets = [10, 0, 0], sizes = [1, 8, 2048], strides = [1, 1, 1]} : vector<16x8x2048xf32> to vector<1x8x2048xf32>
    %squeeze3A_343 = vector.shape_cast %slice3A_342 : vector<1x8x2048xf32> to vector<8x2048xf32>
    %add3A_344 = arith.addf %add3A_341, %squeeze3A_343 : vector<8x2048xf32>
    %slice3A_345 = vector.extract_strided_slice %reshape3A_312 {offsets = [11, 0, 0], sizes = [1, 8, 2048], strides = [1, 1, 1]} : vector<16x8x2048xf32> to vector<1x8x2048xf32>
    %squeeze3A_346 = vector.shape_cast %slice3A_345 : vector<1x8x2048xf32> to vector<8x2048xf32>
    %add3A_347 = arith.addf %add3A_344, %squeeze3A_346 : vector<8x2048xf32>
    %slice3A_348 = vector.extract_strided_slice %reshape3A_312 {offsets = [12, 0, 0], sizes = [1, 8, 2048], strides = [1, 1, 1]} : vector<16x8x2048xf32> to vector<1x8x2048xf32>
    %squeeze3A_349 = vector.shape_cast %slice3A_348 : vector<1x8x2048xf32> to vector<8x2048xf32>
    %add3A_350 = arith.addf %add3A_347, %squeeze3A_349 : vector<8x2048xf32>
    %slice3A_351 = vector.extract_strided_slice %reshape3A_312 {offsets = [13, 0, 0], sizes = [1, 8, 2048], strides = [1, 1, 1]} : vector<16x8x2048xf32> to vector<1x8x2048xf32>
    %squeeze3A_352 = vector.shape_cast %slice3A_351 : vector<1x8x2048xf32> to vector<8x2048xf32>
    %add3A_353 = arith.addf %add3A_350, %squeeze3A_352 : vector<8x2048xf32>
    %slice3A_354 = vector.extract_strided_slice %reshape3A_312 {offsets = [14, 0, 0], sizes = [1, 8, 2048], strides = [1, 1, 1]} : vector<16x8x2048xf32> to vector<1x8x2048xf32>
    %squeeze3A_355 = vector.shape_cast %slice3A_354 : vector<1x8x2048xf32> to vector<8x2048xf32>
    %add3A_356 = arith.addf %add3A_353, %squeeze3A_355 : vector<8x2048xf32>
    %slice3A_357 = vector.extract_strided_slice %reshape3A_312 {offsets = [15, 0, 0], sizes = [1, 8, 2048], strides = [1, 1, 1]} : vector<16x8x2048xf32> to vector<1x8x2048xf32>
    %squeeze3A_358 = vector.shape_cast %slice3A_357 : vector<1x8x2048xf32> to vector<8x2048xf32>
    %add3A_359 = arith.addf %add3A_356, %squeeze3A_358 : vector<8x2048xf32>
    %slice3A_360 = vector.extract_strided_slice %add3A_359 {offsets = [0, 0], sizes = [4, 2048], strides = [1, 1]} : vector<8x2048xf32> to vector<4x2048xf32>
    %slice3A_361 = vector.extract_strided_slice %add3A_359 {offsets = [4, 0], sizes = [4, 2048], strides = [1, 1]} : vector<8x2048xf32> to vector<4x2048xf32>
    %add3A_362 = arith.addf %slice3A_360, %slice3A_361 : vector<4x2048xf32>
    %slice3A_363 = vector.extract_strided_slice %add3A_362 {offsets = [0, 0], sizes = [2, 2048], strides = [1, 1]} : vector<4x2048xf32> to vector<2x2048xf32>
    %slice3A_364 = vector.extract_strided_slice %add3A_362 {offsets = [2, 0], sizes = [2, 2048], strides = [1, 1]} : vector<4x2048xf32> to vector<2x2048xf32>
    %add3A_365 = arith.addf %slice3A_363, %slice3A_364 : vector<2x2048xf32>
    %slice3A_366 = vector.extract_strided_slice %add3A_365 {offsets = [0, 0], sizes = [1, 2048], strides = [1, 1]} : vector<2x2048xf32> to vector<1x2048xf32>
    %slice3A_367 = vector.extract_strided_slice %add3A_365 {offsets = [1, 0], sizes = [1, 2048], strides = [1, 1]} : vector<2x2048xf32> to vector<1x2048xf32>
    %add3A_368 = arith.addf %slice3A_366, %slice3A_367 : vector<1x2048xf32>
    %add3A_369 = arith.addf %add3A_246, %add3A_307 : vector<1x2048xf32>
    %add3A_370 = arith.addf %add3A_369, %add3A_368 : vector<1x2048xf32>
    %transpose3A_371 = tpu.transpose %add3A_370, [1, 0] : vector<1x2048xf32> -> vector<2048x1xf32>
    %div3A_372 = arith.constant 7.680000e+02 : f32
    %div3A_373 = vector.broadcast %div3A_372 : f32 to vector<2048x1xf32>
    %div3A_374 = arith.divf %transpose3A_371, %div3A_373 : vector<2048x1xf32>
    %add3A_375 = arith.constant 9.99999974E-6 : f32
    %add3A_376 = vector.broadcast %add3A_375 : f32 to vector<2048x1xf32>
    %add3A_377 = arith.addf %div3A_374, %add3A_376 : vector<2048x1xf32>
    %sqrt3A = math.sqrt %add3A_377 : vector<2048x1xf32>
    %div3A_378 = vector.broadcast %sqrt3A : vector<2048x1xf32> to vector<2048x768xf32>
    %div3A_379 = arith.divf %sub3A_185, %div3A_378 : vector<2048x768xf32>
    %get3A_380 = arith.constant 0 : index
    %get3A_381 = vector.load %arg2[%get3A_380] : memref<768xf32, #tpu.memory_space<vmem>>, vector<768xf32>
    %broadcast_in_dim3A = vector.shape_cast %get3A_381 : vector<768xf32> to vector<1x768xf32>
    %mul3A_382 = vector.broadcast %broadcast_in_dim3A : vector<1x768xf32> to vector<2048x768xf32>
    %mul3A_383 = arith.mulf %div3A_379, %mul3A_382 : vector<2048x768xf32>
    %get3A_384 = arith.constant 0 : index
    %get3A_385 = vector.load %arg3[%get3A_384] : memref<768xf32, #tpu.memory_space<vmem>>, vector<768xf32>
    %broadcast_in_dim3A_386 = vector.shape_cast %get3A_385 : vector<768xf32> to vector<1x768xf32>
    %add3A_387 = vector.broadcast %broadcast_in_dim3A_386 : vector<1x768xf32> to vector<2048x768xf32>
    %add3A_388 = arith.addf %mul3A_383, %add3A_387 : vector<2048x768xf32>
    %get3A_389 = arith.constant 0 : index
    %get3A_390 = arith.constant 0 : index
    %get3A_391 = vector.load %arg4[%get3A_389, %get3A_390] : memref<768x64xf32, #tpu.memory_space<vmem>>, vector<768x64xf32>
    %dot_general3A = arith.constant dense<0.000000e+00> : vector<64x2048xf32>
    %dot_general3A_392 = tpu.matmul %get3A_391, %add3A_388, %dot_general3A {dimension_numbers = #tpu.dot_dimension_numbers<[0], [1], [1], [0], [0, 1, 1, 0], [], []>, transpose_lhs_hint = false} : vector<768x64xf32>, vector<2048x768xf32>, vector<64x2048xf32> -> vector<64x2048xf32>
    %transpose3A_393 = tpu.transpose %dot_general3A_392, [1, 0] : vector<64x2048xf32> -> vector<2048x64xf32>
    %get3A_394 = arith.constant 0 : index
    %get3A_395 = vector.load %arg5[%get3A_394] : memref<64xf32, #tpu.memory_space<vmem>>, vector<64xf32>
    %broadcast_in_dim3A_396 = vector.shape_cast %get3A_395 : vector<64xf32> to vector<1x64xf32>
    %add3A_397 = vector.broadcast %broadcast_in_dim3A_396 : vector<1x64xf32> to vector<2048x64xf32>
    %add3A_398 = arith.addf %transpose3A_393, %add3A_397 : vector<2048x64xf32>
    %swap3A = arith.constant 0 : index
    %swap3A_399 = arith.constant 0 : index
    %swap3A_400 = vector.load %arg6[%swap3A, %swap3A_399] : memref<2048x64xf32, #tpu.memory_space<vmem>>, vector<2048x64xf32>
    tpu.vector_store %arg6[%swap3A, %swap3A_399], %add3A_398 {strides = array<i32>} : memref<2048x64xf32, #tpu.memory_space<vmem>>, vector<2048x64xf32>,
    return
  }
  func.func @transform_0(%arg0: i32) -> (i32, i32) {
    %c0_i32 = arith.constant 0 : i32
    %c0_i32_0 = arith.constant 0 : i32
    return %arg0, %c0_i32 : i32, i32
  }
  func.func @transform_1(%arg0: i32) -> i32 {
    %c0_i32 = arith.constant 0 : i32
    %c0_i32_0 = arith.constant 0 : i32
    return %c0_i32 : i32
  }
  func.func @transform_2(%arg0: i32) -> i32 {
    %c0_i32 = arith.constant 0 : i32
    %c0_i32_0 = arith.constant 0 : i32
    return %c0_i32 : i32
  }
  func.func @transform_3(%arg0: i32) -> (i32, i32) {
    %c0_i32 = arith.constant 0 : i32
    %c0_i32_0 = arith.constant 0 : i32
    %c0_i32_1 = arith.constant 0 : i32
    return %c0_i32, %c0_i32_0 : i32, i32
  }
  func.func @transform_4(%arg0: i32) -> i32 {
    %c0_i32 = arith.constant 0 : i32
    %c0_i32_0 = arith.constant 0 : i32
    return %c0_i32 : i32
  }
  func.func @transform_5(%arg0: i32) -> (i32, i32) {
    %c0_i32 = arith.constant 0 : i32
    %c0_i32_0 = arith.constant 0 : i32
    return %arg0, %c0_i32 : i32, i32
  }
}

module attributes {stable_mosaic.version = 14 : i64} {
  func.func @_score2_body(%arg0: i32, %arg1: memref<8192x64xf32, #tpu.memory_space<vmem>>, %arg2: memref<64x1xf32, #tpu.memory_space<vmem>>, %arg3: memref<1xf32, #tpu.memory_space<vmem>>, %arg4: memref<64x128xf32, #tpu.memory_space<vmem>>) attributes {dimension_semantics = [#tpu.dimension_semantics<parallel>], iteration_bounds = array<i64: 32>, scalar_prefetch = 0 : i64, scratch_operands = 0 : i64, tpu.core_type = #tpu.core_type<tc>, window_params = [{transform_indices = @transform_0, window_bounds = array<i64: 8192, 64>}, {pipeline_mode = #tpu.pipeline_mode<synchronous>, transform_indices = @transform_1, window_bounds = array<i64: 64, 1>}, {pipeline_mode = #tpu.pipeline_mode<synchronous>, transform_indices = @transform_2, window_bounds = array<i64: 1>}, {transform_indices = @transform_3, window_bounds = array<i64: 64, 128>}]} {
    %get3A = arith.constant 0 : index
    %get3A_0 = arith.constant 0 : index
    %get3A_1 = vector.load %arg1[%get3A, %get3A_0] : memref<8192x64xf32, #tpu.memory_space<vmem>>, vector<8192x64xf32>
    %get3A_2 = arith.constant 0 : index
    %get3A_3 = arith.constant 0 : index
    %get3A_4 = vector.load %arg2[%get3A_2, %get3A_3] : memref<64x1xf32, #tpu.memory_space<vmem>>, vector<64x1xf32>
    %dot_general3A = arith.constant dense<0.000000e+00> : vector<8192x1xf32>
    %dot_general3A_5 = tpu.matmul %get3A_1, %get3A_4, %dot_general3A {dimension_numbers = #tpu.dot_dimension_numbers<[1], [0], [0], [1], [0, 0, 1, 1], [], []>, transpose_lhs_hint = false} : vector<8192x64xf32>, vector<64x1xf32>, vector<8192x1xf32> -> vector<8192x1xf32>
    %get3A_6 = arith.constant 0 : index
    %get3A_7 = vector.load %arg3[%get3A_6] : memref<1xf32, #tpu.memory_space<vmem>>, vector<1xf32>
    %broadcast_in_dim3A = vector.shape_cast %get3A_7 : vector<1xf32> to vector<1x1xf32>
    %add3A = vector.broadcast %broadcast_in_dim3A : vector<1x1xf32> to vector<8192x1xf32>
    %add3A_8 = arith.addf %dot_general3A_5, %add3A : vector<8192x1xf32>
    %squeeze3A = vector.shape_cast %add3A_8 : vector<8192x1xf32> to vector<8192xf32>
    %add3A_9 = arith.constant 0.000000e+00 : f32
    %add3A_10 = vector.broadcast %add3A_9 : f32 to vector<8192xf32>
    %add3A_11 = arith.addf %squeeze3A, %add3A_10 : vector<8192xf32>
    %reshape3A = vector.shape_cast %add3A_11 : vector<8192xf32> to vector<64x128xf32>
    %swap3A = arith.constant 0 : index
    %swap3A_12 = arith.constant 0 : index
    %swap3A_13 = vector.load %arg4[%swap3A, %swap3A_12] : memref<64x128xf32, #tpu.memory_space<vmem>>, vector<64x128xf32>
    tpu.vector_store %arg4[%swap3A, %swap3A_12], %reshape3A {strides = array<i32>} : memref<64x128xf32, #tpu.memory_space<vmem>>, vector<64x128xf32>,
    return
  }
  func.func @transform_0(%arg0: i32) -> (i32, i32) {
    %c0_i32 = arith.constant 0 : i32
    %c0_i32_0 = arith.constant 0 : i32
    return %arg0, %c0_i32 : i32, i32
  }
  func.func @transform_1(%arg0: i32) -> (i32, i32) {
    %c0_i32 = arith.constant 0 : i32
    %c0_i32_0 = arith.constant 0 : i32
    %c0_i32_1 = arith.constant 0 : i32
    return %c0_i32, %c0_i32_0 : i32, i32
  }
  func.func @transform_2(%arg0: i32) -> i32 {
    %c0_i32 = arith.constant 0 : i32
    %c0_i32_0 = arith.constant 0 : i32
    return %c0_i32 : i32
  }
  func.func @transform_3(%arg0: i32) -> (i32, i32) {
    %c0_i32 = arith.constant 0 : i32
    %c0_i32_0 = arith.constant 0 : i32
    return %arg0, %c0_i32 : i32, i32
  }
}

module attributes {stable_mosaic.version = 14 : i64} {
  func.func @_topk_body(%arg0: i32, %arg1: memref<1x256x128xf32, #tpu.memory_space<vmem>>, %arg2: memref<1x16x128xi32, #tpu.memory_space<vmem>>, %arg3: memref<18x1x128xi32, #tpu.memory_space<vmem>>, %arg4: memref<18x1x128xi32, #tpu.memory_space<vmem>>, %arg5: memref<18x1x128xi32, #tpu.memory_space<vmem>>, %arg6: memref<16x128xi32, #tpu.memory_space<vmem>>, %arg7: memref<256x128xi32, #tpu.memory_space<vmem>>, %arg8: memref<256x128xi32, #tpu.memory_space<vmem>>, %arg9: memref<256x128xi32, #tpu.memory_space<vmem>>) attributes {dimension_semantics = [#tpu.dimension_semantics<arbitrary>], iteration_bounds = array<i64: 8>, scalar_prefetch = 0 : i64, scratch_operands = 7 : i64, tpu.core_type = #tpu.core_type<tc>, window_params = [{transform_indices = @transform_0, window_bounds = array<i64: 1, 256, 128>}, {transform_indices = @transform_1, window_bounds = array<i64: 1, 16, 128>}]} {
    %get3A = arith.constant 0 : index
    %get3A_0 = arith.constant 0 : index
    %get3A_1 = arith.constant 0 : index
    %get3A_2 = vector.load %arg1[%get3A, %get3A_0, %get3A_1] : memref<1x256x128xf32, #tpu.memory_space<vmem>>, vector<1x256x128xf32>
    %get3A_3 = vector.shape_cast %get3A_2 : vector<1x256x128xf32> to vector<256x128xf32>
    %bitcast_convert_type3A = tpu.bitcast %get3A_3 : vector<256x128xf32> -> vector<256x128xi32>
    %lt3A = arith.constant 0 : i32
    %lt3A_4 = vector.broadcast %lt3A : i32 to vector<256x128xi32>
    %lt3A_5 = arith.cmpi slt, %bitcast_convert_type3A, %lt3A_4 : vector<256x128xi32>
    %xor3A = arith.constant 2147483647 : i32
    %xor3A_6 = vector.broadcast %xor3A : i32 to vector<256x128xi32>
    %xor3A_7 = arith.xori %bitcast_convert_type3A, %xor3A_6 : vector<256x128xi32>
    %select_n3A = arith.select %lt3A_5, %xor3A_7, %bitcast_convert_type3A : vector<256x128xi1>, vector<256x128xi32>
    %ge3A = arith.constant 0 : i32
    %ge3A_8 = vector.broadcast %ge3A : i32 to vector<256x128xi32>
    %ge3A_9 = arith.cmpi sge, %select_n3A, %ge3A_8 : vector<256x128xi32>
    %convert_element_type3A = arith.extui %ge3A_9 : vector<256x128xi1> to vector<256x128xi32>
    %reduce_sum3A = vector.shape_cast %convert_element_type3A : vector<256x128xi32> to vector<1x256x128xi32>
    %reduce_sum3A_10 = arith.constant dense<0> : vector<1xi32>
    %reduce_sum3A_11 = vector.multi_reduction <add>, %reduce_sum3A, %reduce_sum3A_10 [1, 2] : vector<1x256x128xi32> to vector<1xi32>
    %reduce_sum3A_12 = vector.shape_cast %reduce_sum3A_11 : vector<1xi32> to vector<1x1x1xi32>
    %reduce_sum3A_13 = vector.extract %reduce_sum3A_12[0, 0, 0] : i32 from vector<1x1x1xi32>
    %ge3A_14 = arith.constant 2048 : i32
    %ge3A_15 = arith.cmpi sge, %reduce_sum3A_13, %ge3A_14 : i32
    %jit3A = arith.constant 0 : i32
    %jit3A_16 = arith.constant -2147483648 : i32
    %select_n3A_17 = arith.select %ge3A_15, %jit3A, %jit3A_16 : i32
    %scan3A = arith.constant 0 : i32
    %scan3A_18 = arith.constant 31 : i32
    %scan3A_19 = arith.addi %scan3A, %scan3A_18 : i32
    %scan3A_20 = arith.constant 1 : i32
    %scan3A_21 = scf.for %scan3A_1603 = %scan3A to %scan3A_19 step %scan3A_20 iter_args(%scan3A_1604 = %select_n3A_17) -> (i32)  : i32 {
      %sub3A_1605 = arith.constant 30 : i32
      %sub3A_1606 = arith.subi %sub3A_1605, %scan3A_1603 : i32
      %shift_left3A = arith.constant 1 : i32
      %shift_left3A_1607 = arith.shli %shift_left3A, %sub3A_1606 : i32
      %or3A = arith.ori %scan3A_1604, %shift_left3A_1607 : i32
      %ge3A_1608 = vector.broadcast %or3A : i32 to vector<256x128xi32>
      %ge3A_1609 = arith.cmpi sge, %select_n3A, %ge3A_1608 : vector<256x128xi32>
      %convert_element_type3A_1610 = arith.extui %ge3A_1609 : vector<256x128xi1> to vector<256x128xi32>
      %reduce_sum3A_1611 = vector.shape_cast %convert_element_type3A_1610 : vector<256x128xi32> to vector<1x256x128xi32>
      %reduce_sum3A_1612 = arith.constant dense<0> : vector<1xi32>
      %reduce_sum3A_1613 = vector.multi_reduction <add>, %reduce_sum3A_1611, %reduce_sum3A_1612 [1, 2] : vector<1x256x128xi32> to vector<1xi32>
      %reduce_sum3A_1614 = vector.shape_cast %reduce_sum3A_1613 : vector<1xi32> to vector<1x1x1xi32>
      %reduce_sum3A_1615 = vector.extract %reduce_sum3A_1614[0, 0, 0] : i32 from vector<1x1x1xi32>
      %ge3A_1616 = arith.constant 2048 : i32
      %ge3A_1617 = arith.cmpi sge, %reduce_sum3A_1615, %ge3A_1616 : i32
      %select_n3A_1618 = arith.select %ge3A_1617, %or3A, %scan3A_1604 : i32
      scf.yield %select_n3A_1618 : i32
    }
    %scan3A_22 = arith.constant 31 : i32
    %gt3A = vector.broadcast %scan3A_21 : i32 to vector<256x128xi32>
    %gt3A_23 = arith.cmpi sgt, %select_n3A, %gt3A : vector<256x128xi32>
    %convert_element_type3A_24 = arith.extui %gt3A_23 : vector<256x128xi1> to vector<256x128xi32>
    %reduce_sum3A_25 = vector.shape_cast %convert_element_type3A_24 : vector<256x128xi32> to vector<1x256x128xi32>
    %reduce_sum3A_26 = arith.constant dense<0> : vector<1xi32>
    %reduce_sum3A_27 = vector.multi_reduction <add>, %reduce_sum3A_25, %reduce_sum3A_26 [1, 2] : vector<1x256x128xi32> to vector<1xi32>
    %reduce_sum3A_28 = vector.shape_cast %reduce_sum3A_27 : vector<1xi32> to vector<1x1x1xi32>
    %reduce_sum3A_29 = vector.extract %reduce_sum3A_28[0, 0, 0] : i32 from vector<1x1x1xi32>
    %gt3A_30 = vector.broadcast %scan3A_21 : i32 to vector<256x128xi32>
    %gt3A_31 = arith.cmpi sgt, %select_n3A, %gt3A_30 : vector<256x128xi32>
    %eq3A = vector.broadcast %scan3A_21 : i32 to vector<256x128xi32>
    %eq3A_32 = arith.cmpi eq, %select_n3A, %eq3A : vector<256x128xi32>
    %swap3A = arith.constant 0 : index
    %swap3A_33 = arith.constant 0 : index
    %swap3A_34 = vector.load %arg7[%swap3A, %swap3A_33] : memref<256x128xi32, #tpu.memory_space<vmem>>, vector<256x128xi32>
    tpu.vector_store %arg7[%swap3A, %swap3A_33], %select_n3A {strides = array<i32>} : memref<256x128xi32, #tpu.memory_space<vmem>>, vector<256x128xi32>,
    %iota3A = tpu.iota {dimensions = array<i32: 0>} : vector<128x128xi32>
    %iota3A_35 = tpu.iota {dimensions = array<i32: 1>} : vector<128x128xi32>
    %lt3A_36 = arith.cmpi slt, %iota3A, %iota3A_35 : vector<128x128xi32>
    %convert_element_type3A_37 = arith.extui %lt3A_36 : vector<128x128xi1> to vector<128x128xi32>
    %convert_element_type3A_38 = arith.sitofp %convert_element_type3A_37 : vector<128x128xi32> to vector<128x128xf32>
    %convert_element_type3A_39 = arith.extui %gt3A_31 : vector<256x128xi1> to vector<256x128xi32>
    %convert_element_type3A_40 = arith.sitofp %convert_element_type3A_39 : vector<256x128xi32> to vector<256x128xf32>
    %dot_general3A = arith.constant dense<0.000000e+00> : vector<256x128xf32>
    %dot_general3A_41 = tpu.matmul %convert_element_type3A_40, %convert_element_type3A_38, %dot_general3A {dimension_numbers = #tpu.dot_dimension_numbers<[1], [0], [0], [1], [0, 0, 1, 1], [], []>, transpose_lhs_hint = false} : vector<256x128xf32>, vector<128x128xf32>, vector<256x128xf32> -> vector<256x128xf32>
    %convert_element_type3A_42 = arith.fptosi %dot_general3A_41 : vector<256x128xf32> to vector<256x128xi32>
    %convert_element_type3A_43 = arith.extui %eq3A_32 : vector<256x128xi1> to vector<256x128xi32>
    %convert_element_type3A_44 = arith.sitofp %convert_element_type3A_43 : vector<256x128xi32> to vector<256x128xf32>
    %dot_general3A_45 = arith.constant dense<0.000000e+00> : vector<256x128xf32>
    %dot_general3A_46 = tpu.matmul %convert_element_type3A_44, %convert_element_type3A_38, %dot_general3A_45 {dimension_numbers = #tpu.dot_dimension_numbers<[1], [0], [0], [1], [0, 0, 1, 1], [], []>, transpose_lhs_hint = false} : vector<256x128xf32>, vector<128x128xf32>, vector<256x128xf32> -> vector<256x128xf32>
    %convert_element_type3A_47 = arith.fptosi %dot_general3A_46 : vector<256x128xf32> to vector<256x128xi32>
    %convert_element_type3A_48 = arith.extui %gt3A_31 : vector<256x128xi1> to vector<256x128xi32>
    %convert_element_type3A_49 = arith.sitofp %convert_element_type3A_48 : vector<256x128xi32> to vector<256x128xf32>
    %reduce_sum3A_50 = arith.constant dense<0.000000e+00> : vector<256xf32>
    %reduce_sum3A_51 = vector.multi_reduction <add>, %convert_element_type3A_49, %reduce_sum3A_50 [1] : vector<256x128xf32> to vector<256xf32>
    %broadcast_in_dim3A = vector.shape_cast %reduce_sum3A_51 : vector<256xf32> to vector<256x1xf32>
    %convert_element_type3A_52 = arith.extui %eq3A_32 : vector<256x128xi1> to vector<256x128xi32>
    %convert_element_type3A_53 = arith.sitofp %convert_element_type3A_52 : vector<256x128xi32> to vector<256x128xf32>
    %reduce_sum3A_54 = arith.constant dense<0.000000e+00> : vector<256xf32>
    %reduce_sum3A_55 = vector.multi_reduction <add>, %convert_element_type3A_53, %reduce_sum3A_54 [1] : vector<256x128xf32> to vector<256xf32>
    %broadcast_in_dim3A_56 = vector.shape_cast %reduce_sum3A_55 : vector<256xf32> to vector<256x1xf32>
    %iota3A_57 = tpu.iota {dimensions = array<i32: 0>} : vector<256x256xi32>
    %iota3A_58 = tpu.iota {dimensions = array<i32: 1>} : vector<256x256xi32>
    %gt3A_59 = arith.cmpi sgt, %iota3A_57, %iota3A_58 : vector<256x256xi32>
    %convert_element_type3A_60 = arith.extui %gt3A_59 : vector<256x256xi1> to vector<256x256xi32>
    %convert_element_type3A_61 = arith.sitofp %convert_element_type3A_60 : vector<256x256xi32> to vector<256x256xf32>
    %dot_general3A_62 = arith.constant dense<0.000000e+00> : vector<256x1xf32>
    %dot_general3A_63 = tpu.matmul %convert_element_type3A_61, %broadcast_in_dim3A, %dot_general3A_62 {dimension_numbers = #tpu.dot_dimension_numbers<[1], [0], [0], [1], [0, 0, 1, 1], [], []>, transpose_lhs_hint = false} : vector<256x256xf32>, vector<256x1xf32>, vector<256x1xf32> -> vector<256x1xf32>
    %dot_general3A_64 = arith.constant dense<0.000000e+00> : vector<256x1xf32>
    %dot_general3A_65 = tpu.matmul %convert_element_type3A_61, %broadcast_in_dim3A_56, %dot_general3A_64 {dimension_numbers = #tpu.dot_dimension_numbers<[1], [0], [0], [1], [0, 0, 1, 1], [], []>, transpose_lhs_hint = false} : vector<256x256xf32>, vector<256x1xf32>, vector<256x1xf32> -> vector<256x1xf32>
    %add3A = arith.addf %dot_general3A_63, %broadcast_in_dim3A : vector<256x1xf32>
    %add3A_66 = arith.addf %dot_general3A_65, %broadcast_in_dim3A_56 : vector<256x1xf32>
    %convert_element_type3A_67 = arith.fptosi %dot_general3A_63 : vector<256x1xf32> to vector<256x1xi32>
    %add3A_68 = vector.broadcast %convert_element_type3A_67 : vector<256x1xi32> to vector<256x128xi32>
    %add3A_69 = arith.addi %add3A_68, %convert_element_type3A_42 : vector<256x128xi32>
    %jit3A_70 = arith.constant -1 : i32
    %broadcast_in_dim3A_71 = vector.broadcast %jit3A_70 : i32 to vector<256x128xi32>
    %select_n3A_72 = arith.select %gt3A_31, %add3A_69, %broadcast_in_dim3A_71 : vector<256x128xi1>, vector<256x128xi32>
    %swap3A_73 = arith.constant 0 : index
    %swap3A_74 = arith.constant 0 : index
    %swap3A_75 = vector.load %arg8[%swap3A_73, %swap3A_74] : memref<256x128xi32, #tpu.memory_space<vmem>>, vector<256x128xi32>
    tpu.vector_store %arg8[%swap3A_73, %swap3A_74], %select_n3A_72 {strides = array<i32>} : memref<256x128xi32, #tpu.memory_space<vmem>>, vector<256x128xi32>,
    %convert_element_type3A_76 = arith.fptosi %dot_general3A_65 : vector<256x1xf32> to vector<256x1xi32>
    %add3A_77 = vector.broadcast %convert_element_type3A_76 : vector<256x1xi32> to vector<256x128xi32>
    %add3A_78 = arith.addi %add3A_77, %convert_element_type3A_47 : vector<256x128xi32>
    %jit3A_79 = arith.constant -1 : i32
    %broadcast_in_dim3A_80 = vector.broadcast %jit3A_79 : i32 to vector<256x128xi32>
    %select_n3A_81 = arith.select %eq3A_32, %add3A_78, %broadcast_in_dim3A_80 : vector<256x128xi1>, vector<256x128xi32>
    %swap3A_82 = arith.constant 0 : index
    %swap3A_83 = arith.constant 0 : index
    %swap3A_84 = vector.load %arg9[%swap3A_82, %swap3A_83] : memref<256x128xi32, #tpu.memory_space<vmem>>, vector<256x128xi32>
    tpu.vector_store %arg9[%swap3A_82, %swap3A_83], %select_n3A_81 {strides = array<i32>} : memref<256x128xi32, #tpu.memory_space<vmem>>, vector<256x128xi32>,
    %iota3A_85 = tpu.iota {dimensions = array<i32: 1>} : vector<1x128xi32>
    %iota3A_86 = tpu.iota {dimensions = array<i32: 0>} : vector<8x128x1xi32>
    %mul3A = arith.constant 128 : i32
    %mul3A_87 = vector.broadcast %mul3A : i32 to vector<8x128x1xi32>
    %mul3A_88 = arith.muli %iota3A_86, %mul3A_87 : vector<8x128x1xi32>
    %iota3A_89 = tpu.iota {dimensions = array<i32: 1>} : vector<8x128x1xi32>
    %add3A_90 = arith.addi %mul3A_88, %iota3A_89 : vector<8x128x1xi32>
    %iota3A_91 = tpu.iota {dimensions = array<i32: 2>} : vector<1x1x128xi32>
    %le3A = arith.constant 0.000000e+00 : f32
    %le3A_92 = vector.broadcast %le3A : f32 to vector<256x1xf32>
    %le3A_93 = arith.cmpf ole, %add3A, %le3A_92 : vector<256x1xf32>
    %convert_element_type3A_94 = arith.extui %le3A_93 : vector<256x1xi1> to vector<256x1xi32>
    %reduce_sum3A_95 = vector.shape_cast %convert_element_type3A_94 : vector<256x1xi32> to vector<1x256x1xi32>
    %reduce_sum3A_96 = arith.constant dense<0> : vector<1xi32>
    %reduce_sum3A_97 = vector.multi_reduction <add>, %reduce_sum3A_95, %reduce_sum3A_96 [1, 2] : vector<1x256x1xi32> to vector<1xi32>
    %reduce_sum3A_98 = vector.shape_cast %reduce_sum3A_97 : vector<1xi32> to vector<1x1x1xi32>
    %reduce_sum3A_99 = vector.extract %reduce_sum3A_98[0, 0, 0] : i32 from vector<1x1x1xi32>
    %shift_right_logical3A = arith.constant 3 : i32
    %shift_right_logical3A_100 = arith.shrui %reduce_sum3A_99, %shift_right_logical3A : i32
    %add3A_101 = arith.constant 0.000000e+00 : f32
    %add3A_102 = arith.constant 1.280000e+02 : f32
    %add3A_103 = arith.addf %add3A_101, %add3A_102 : f32
    %lt3A_104 = vector.broadcast %add3A_103 : f32 to vector<256x1xf32>
    %lt3A_105 = arith.cmpf olt, %dot_general3A_63, %lt3A_104 : vector<256x1xf32>
    %convert_element_type3A_106 = arith.extui %lt3A_105 : vector<256x1xi1> to vector<256x1xi32>
    %reduce_sum3A_107 = vector.shape_cast %convert_element_type3A_106 : vector<256x1xi32> to vector<1x256x1xi32>
    %reduce_sum3A_108 = arith.constant dense<0> : vector<1xi32>
    %reduce_sum3A_109 = vector.multi_reduction <add>, %reduce_sum3A_107, %reduce_sum3A_108 [1, 2] : vector<1x256x1xi32> to vector<1xi32>
    %reduce_sum3A_110 = vector.shape_cast %reduce_sum3A_109 : vector<1xi32> to vector<1x1x1xi32>
    %reduce_sum3A_111 = vector.extract %reduce_sum3A_110[0, 0, 0] : i32 from vector<1x1x1xi32>
    %add3A_112 = arith.constant 7 : i32
    %add3A_113 = arith.addi %reduce_sum3A_111, %add3A_112 : i32
    %shift_right_logical3A_114 = arith.constant 3 : i32
    %shift_right_logical3A_115 = arith.shrui %add3A_113, %shift_right_logical3A_114 : i32
    %le3A_116 = arith.constant 0.000000e+00 : f32
    %le3A_117 = vector.broadcast %le3A_116 : f32 to vector<256x1xf32>
    %le3A_118 = arith.cmpf ole, %add3A_66, %le3A_117 : vector<256x1xf32>
    %convert_element_type3A_119 = arith.extui %le3A_118 : vector<256x1xi1> to vector<256x1xi32>
    %reduce_sum3A_120 = vector.shape_cast %convert_element_type3A_119 : vector<256x1xi32> to vector<1x256x1xi32>
    %reduce_sum3A_121 = arith.constant dense<0> : vector<1xi32>
    %reduce_sum3A_122 = vector.multi_reduction <add>, %reduce_sum3A_120, %reduce_sum3A_121 [1, 2] : vector<1x256x1xi32> to vector<1xi32>
    %reduce_sum3A_123 = vector.shape_cast %reduce_sum3A_122 : vector<1xi32> to vector<1x1x1xi32>
    %reduce_sum3A_124 = vector.extract %reduce_sum3A_123[0, 0, 0] : i32 from vector<1x1x1xi32>
    %shift_right_logical3A_125 = arith.constant 3 : i32
    %shift_right_logical3A_126 = arith.shrui %reduce_sum3A_124, %shift_right_logical3A_125 : i32
    %add3A_127 = arith.constant 0.000000e+00 : f32
    %add3A_128 = arith.constant 1.280000e+02 : f32
    %add3A_129 = arith.addf %add3A_127, %add3A_128 : f32
    %lt3A_130 = vector.broadcast %add3A_129 : f32 to vector<256x1xf32>
    %lt3A_131 = arith.cmpf olt, %dot_general3A_65, %lt3A_130 : vector<256x1xf32>
    %convert_element_type3A_132 = arith.extui %lt3A_131 : vector<256x1xi1> to vector<256x1xi32>
    %reduce_sum3A_133 = vector.shape_cast %convert_element_type3A_132 : vector<256x1xi32> to vector<1x256x1xi32>
    %reduce_sum3A_134 = arith.constant dense<0> : vector<1xi32>
    %reduce_sum3A_135 = vector.multi_reduction <add>, %reduce_sum3A_133, %reduce_sum3A_134 [1, 2] : vector<1x256x1xi32> to vector<1xi32>
    %reduce_sum3A_136 = vector.shape_cast %reduce_sum3A_135 : vector<1xi32> to vector<1x1x1xi32>
    %reduce_sum3A_137 = vector.extract %reduce_sum3A_136[0, 0, 0] : i32 from vector<1x1x1xi32>
    %add3A_138 = arith.constant 7 : i32
    %add3A_139 = arith.addi %reduce_sum3A_137, %add3A_138 : i32
    %shift_right_logical3A_140 = arith.constant 3 : i32
    %shift_right_logical3A_141 = arith.shrui %add3A_139, %shift_right_logical3A_140 : i32
    %broadcast_in_dim3A_142 = arith.constant 0 : i32
    %broadcast_in_dim3A_143 = vector.broadcast %broadcast_in_dim3A_142 : i32 to vector<1x128xi32>
    %while3A = arith.subi %shift_right_logical3A_115, %shift_right_logical3A_100 : i32
    %while3A_144 = arith.addi %shift_right_logical3A_100, %while3A : i32
    %while3A_145 = arith.constant 1 : i32
    %while3A_146 = arith.divsi %while3A, %while3A_145 : i32
    %while3A_147 = arith.muli %while3A_146, %while3A_145 : i32
    %while3A_148 = arith.addi %shift_right_logical3A_100, %while3A_147 : i32
    %while3A_149 = arith.constant 1 : i32
    %while3A_150:2 = scf.for %while3A_1603 = %shift_right_logical3A_100 to %while3A_148 step %while3A_149 iter_args(%while3A_1604 = %broadcast_in_dim3A_143, %while3A_1605 = %broadcast_in_dim3A_143) -> (vector<1x128xi32>, vector<1x128xi32>)  : i32 {
      %mul3A_1606 = arith.constant 8 : i32
      %mul3A_1607 = arith.muli %while3A_1603, %mul3A_1606 : i32
      %get3A_1608 = arith.index_cast %mul3A_1607 : i32 to index
      %get3A_1609 = arith.constant 0 : index
      %get3A_1610 = vector.load %arg8[%get3A_1608, %get3A_1609] : memref<256x128xi32, #tpu.memory_space<vmem>>, vector<8x128xi32>
      %reshape3A_1611 = vector.shape_cast %get3A_1610 : vector<8x128xi32> to vector<8x128x1xi32>
      %mul3A_1612 = arith.constant 8 : i32
      %mul3A_1613 = arith.muli %while3A_1603, %mul3A_1612 : i32
      %get3A_1614 = arith.index_cast %mul3A_1613 : i32 to index
      %get3A_1615 = arith.constant 0 : index
      %get3A_1616 = vector.load %arg7[%get3A_1614, %get3A_1615] : memref<256x128xi32, #tpu.memory_space<vmem>>, vector<8x128xi32>
      %reshape3A_1617 = vector.shape_cast %get3A_1616 : vector<8x128xi32> to vector<8x128x1xi32>
      %mul3A_1618 = arith.constant 1024 : i32
      %mul3A_1619 = arith.muli %while3A_1603, %mul3A_1618 : i32
      %add3A_1620 = vector.broadcast %mul3A_1619 : i32 to vector<8x128x1xi32>
      %add3A_1621 = arith.addi %add3A_1620, %add3A_90 : vector<8x128x1xi32>
      %add3A_1622 = arith.constant 0 : i32
      %add3A_1623 = vector.broadcast %add3A_1622 : i32 to vector<1x1x128xi32>
      %add3A_1624 = arith.addi %iota3A_91, %add3A_1623 : vector<1x1x128xi32>
      %eq3A_1625 = vector.broadcast %reshape3A_1611 : vector<8x128x1xi32> to vector<8x128x128xi32>
      %eq3A_1626 = vector.broadcast %add3A_1624 : vector<1x1x128xi32> to vector<8x128x128xi32>
      %eq3A_1627 = arith.cmpi eq, %eq3A_1625, %eq3A_1626 : vector<8x128x128xi32>
      %jit3A_1628 = arith.constant 0 : i32
      %broadcast_in_dim3A_1629 = vector.shape_cast %add3A_1621 : vector<8x128x1xi32> to vector<8x128x1xi32>
      %broadcast_in_dim3A_1630 = vector.broadcast %broadcast_in_dim3A_1629 : vector<8x128x1xi32> to vector<8x128x128xi32>
      %broadcast_in_dim3A_1631 = vector.broadcast %jit3A_1628 : i32 to vector<8x128x128xi32>
      %select_n3A_1632 = arith.select %eq3A_1627, %broadcast_in_dim3A_1630, %broadcast_in_dim3A_1631 : vector<8x128x128xi1>, vector<8x128x128xi32>
      %reduce_sum3A_1633 = arith.constant dense<0> : vector<128x128xi32>
      %reduce_sum3A_1634 = vector.multi_reduction <add>, %select_n3A_1632, %reduce_sum3A_1633 [0] : vector<8x128x128xi32> to vector<128x128xi32>
      %reduce_sum3A_1635 = arith.constant dense<0> : vector<128xi32>
      %reduce_sum3A_1636 = vector.multi_reduction <add>, %reduce_sum3A_1634, %reduce_sum3A_1635 [0] : vector<128x128xi32> to vector<128xi32>
      %broadcast_in_dim3A_1637 = vector.shape_cast %reduce_sum3A_1636 : vector<128xi32> to vector<1x128xi32>
      %add3A_1638 = arith.addi %while3A_1604, %broadcast_in_dim3A_1637 : vector<1x128xi32>
      %jit3A_1639 = arith.constant 0 : i32
      %broadcast_in_dim3A_1640 = vector.shape_cast %reshape3A_1617 : vector<8x128x1xi32> to vector<8x128x1xi32>
      %broadcast_in_dim3A_1641 = vector.broadcast %broadcast_in_dim3A_1640 : vector<8x128x1xi32> to vector<8x128x128xi32>
      %broadcast_in_dim3A_1642 = vector.broadcast %jit3A_1639 : i32 to vector<8x128x128xi32>
      %select_n3A_1643 = arith.select %eq3A_1627, %broadcast_in_dim3A_1641, %broadcast_in_dim3A_1642 : vector<8x128x128xi1>, vector<8x128x128xi32>
      %reduce_sum3A_1644 = arith.constant dense<0> : vector<128x128xi32>
      %reduce_sum3A_1645 = vector.multi_reduction <add>, %select_n3A_1643, %reduce_sum3A_1644 [0] : vector<8x128x128xi32> to vector<128x128xi32>
      %reduce_sum3A_1646 = arith.constant dense<0> : vector<128xi32>
      %reduce_sum3A_1647 = vector.multi_reduction <add>, %reduce_sum3A_1645, %reduce_sum3A_1646 [0] : vector<128x128xi32> to vector<128xi32>
      %broadcast_in_dim3A_1648 = vector.shape_cast %reduce_sum3A_1647 : vector<128xi32> to vector<1x128xi32>
      %add3A_1649 = arith.addi %while3A_1605, %broadcast_in_dim3A_1648 : vector<1x128xi32>
      scf.yield %add3A_1638, %add3A_1649 : vector<1x128xi32>, vector<1x128xi32>
    }
    %while3A_151 = arith.constant 1 : i32
    %while3A_152:2 = scf.for %while3A_1603 = %while3A_148 to %while3A_144 step %while3A_151 iter_args(%while3A_1604 = %while3A_150#0, %while3A_1605 = %while3A_150#1) -> (vector<1x128xi32>, vector<1x128xi32>)  : i32 {
      %mul3A_1606 = arith.constant 8 : i32
      %mul3A_1607 = arith.muli %while3A_1603, %mul3A_1606 : i32
      %get3A_1608 = arith.index_cast %mul3A_1607 : i32 to index
      %get3A_1609 = arith.constant 0 : index
      %get3A_1610 = vector.load %arg8[%get3A_1608, %get3A_1609] : memref<256x128xi32, #tpu.memory_space<vmem>>, vector<8x128xi32>
      %reshape3A_1611 = vector.shape_cast %get3A_1610 : vector<8x128xi32> to vector<8x128x1xi32>
      %mul3A_1612 = arith.constant 8 : i32
      %mul3A_1613 = arith.muli %while3A_1603, %mul3A_1612 : i32
      %get3A_1614 = arith.index_cast %mul3A_1613 : i32 to index
      %get3A_1615 = arith.constant 0 : index
      %get3A_1616 = vector.load %arg7[%get3A_1614, %get3A_1615] : memref<256x128xi32, #tpu.memory_space<vmem>>, vector<8x128xi32>
      %reshape3A_1617 = vector.shape_cast %get3A_1616 : vector<8x128xi32> to vector<8x128x1xi32>
      %mul3A_1618 = arith.constant 1024 : i32
      %mul3A_1619 = arith.muli %while3A_1603, %mul3A_1618 : i32
      %add3A_1620 = vector.broadcast %mul3A_1619 : i32 to vector<8x128x1xi32>
      %add3A_1621 = arith.addi %add3A_1620, %add3A_90 : vector<8x128x1xi32>
      %add3A_1622 = arith.constant 0 : i32
      %add3A_1623 = vector.broadcast %add3A_1622 : i32 to vector<1x1x128xi32>
      %add3A_1624 = arith.addi %iota3A_91, %add3A_1623 : vector<1x1x128xi32>
      %eq3A_1625 = vector.broadcast %reshape3A_1611 : vector<8x128x1xi32> to vector<8x128x128xi32>
      %eq3A_1626 = vector.broadcast %add3A_1624 : vector<1x1x128xi32> to vector<8x128x128xi32>
      %eq3A_1627 = arith.cmpi eq, %eq3A_1625, %eq3A_1626 : vector<8x128x128xi32>
      %jit3A_1628 = arith.constant 0 : i32
      %broadcast_in_dim3A_1629 = vector.shape_cast %add3A_1621 : vector<8x128x1xi32> to vector<8x128x1xi32>
      %broadcast_in_dim3A_1630 = vector.broadcast %broadcast_in_dim3A_1629 : vector<8x128x1xi32> to vector<8x128x128xi32>
      %broadcast_in_dim3A_1631 = vector.broadcast %jit3A_1628 : i32 to vector<8x128x128xi32>
      %select_n3A_1632 = arith.select %eq3A_1627, %broadcast_in_dim3A_1630, %broadcast_in_dim3A_1631 : vector<8x128x128xi1>, vector<8x128x128xi32>
      %reduce_sum3A_1633 = arith.constant dense<0> : vector<128x128xi32>
      %reduce_sum3A_1634 = vector.multi_reduction <add>, %select_n3A_1632, %reduce_sum3A_1633 [0] : vector<8x128x128xi32> to vector<128x128xi32>
      %reduce_sum3A_1635 = arith.constant dense<0> : vector<128xi32>
      %reduce_sum3A_1636 = vector.multi_reduction <add>, %reduce_sum3A_1634, %reduce_sum3A_1635 [0] : vector<128x128xi32> to vector<128xi32>
      %broadcast_in_dim3A_1637 = vector.shape_cast %reduce_sum3A_1636 : vector<128xi32> to vector<1x128xi32>
      %add3A_1638 = arith.addi %while3A_1604, %broadcast_in_dim3A_1637 : vector<1x128xi32>
      %jit3A_1639 = arith.constant 0 : i32
      %broadcast_in_dim3A_1640 = vector.shape_cast %reshape3A_1617 : vector<8x128x1xi32> to vector<8x128x1xi32>
      %broadcast_in_dim3A_1641 = vector.broadcast %broadcast_in_dim3A_1640 : vector<8x128x1xi32> to vector<8x128x128xi32>
      %broadcast_in_dim3A_1642 = vector.broadcast %jit3A_1639 : i32 to vector<8x128x128xi32>
      %select_n3A_1643 = arith.select %eq3A_1627, %broadcast_in_dim3A_1641, %broadcast_in_dim3A_1642 : vector<8x128x128xi1>, vector<8x128x128xi32>
      %reduce_sum3A_1644 = arith.constant dense<0> : vector<128x128xi32>
      %reduce_sum3A_1645 = vector.multi_reduction <add>, %select_n3A_1643, %reduce_sum3A_1644 [0] : vector<8x128x128xi32> to vector<128x128xi32>
      %reduce_sum3A_1646 = arith.constant dense<0> : vector<128xi32>
      %reduce_sum3A_1647 = vector.multi_reduction <add>, %reduce_sum3A_1645, %reduce_sum3A_1646 [0] : vector<128x128xi32> to vector<128xi32>
      %broadcast_in_dim3A_1648 = vector.shape_cast %reduce_sum3A_1647 : vector<128xi32> to vector<1x128xi32>
      %add3A_1649 = arith.addi %while3A_1605, %broadcast_in_dim3A_1648 : vector<1x128xi32>
      scf.yield %add3A_1638, %add3A_1649 : vector<1x128xi32>, vector<1x128xi32>
    }
    %swap3A_153 = arith.constant 0 : index
    %swap3A_154 = arith.constant 0 : index
    %swap3A_155 = arith.constant 0 : index
    %swap3A_156 = vector.load %arg3[%swap3A_153, %swap3A_154, %swap3A_155] : memref<18x1x128xi32, #tpu.memory_space<vmem>>, vector<1x1x128xi32>
    %swap3A_157 = vector.shape_cast %swap3A_156 : vector<1x1x128xi32> to vector<1x128xi32>
    %swap3A_158 = vector.shape_cast %while3A_152#1 : vector<1x128xi32> to vector<1x1x128xi32>
    tpu.vector_store %arg3[%swap3A_153, %swap3A_154, %swap3A_155], %swap3A_158 {strides = array<i32>} : memref<18x1x128xi32, #tpu.memory_space<vmem>>, vector<1x1x128xi32>,
    %swap3A_159 = arith.constant 0 : index
    %swap3A_160 = arith.constant 0 : index
    %swap3A_161 = arith.constant 0 : index
    %swap3A_162 = vector.load %arg4[%swap3A_159, %swap3A_160, %swap3A_161] : memref<18x1x128xi32, #tpu.memory_space<vmem>>, vector<1x1x128xi32>
    %swap3A_163 = vector.shape_cast %swap3A_162 : vector<1x1x128xi32> to vector<1x128xi32>
    %swap3A_164 = vector.shape_cast %while3A_152#0 : vector<1x128xi32> to vector<1x1x128xi32>
    tpu.vector_store %arg4[%swap3A_159, %swap3A_160, %swap3A_161], %swap3A_164 {strides = array<i32>} : memref<18x1x128xi32, #tpu.memory_space<vmem>>, vector<1x1x128xi32>,
    %while3A_165 = arith.subi %shift_right_logical3A_141, %shift_right_logical3A_126 : i32
    %while3A_166 = arith.addi %shift_right_logical3A_126, %while3A_165 : i32
    %while3A_167 = arith.constant 1 : i32
    %while3A_168 = arith.divsi %while3A_165, %while3A_167 : i32
    %while3A_169 = arith.muli %while3A_168, %while3A_167 : i32
    %while3A_170 = arith.addi %shift_right_logical3A_126, %while3A_169 : i32
    %while3A_171 = arith.constant 1 : i32
    %while3A_172 = scf.for %while3A_1603 = %shift_right_logical3A_126 to %while3A_170 step %while3A_171 iter_args(%while3A_1604 = %broadcast_in_dim3A_143) -> (vector<1x128xi32>)  : i32 {
      %mul3A_1605 = arith.constant 8 : i32
      %mul3A_1606 = arith.muli %while3A_1603, %mul3A_1605 : i32
      %get3A_1607 = arith.index_cast %mul3A_1606 : i32 to index
      %get3A_1608 = arith.constant 0 : index
      %get3A_1609 = vector.load %arg9[%get3A_1607, %get3A_1608] : memref<256x128xi32, #tpu.memory_space<vmem>>, vector<8x128xi32>
      %reshape3A_1610 = vector.shape_cast %get3A_1609 : vector<8x128xi32> to vector<8x128x1xi32>
      %mul3A_1611 = arith.constant 1024 : i32
      %mul3A_1612 = arith.muli %while3A_1603, %mul3A_1611 : i32
      %add3A_1613 = vector.broadcast %mul3A_1612 : i32 to vector<8x128x1xi32>
      %add3A_1614 = arith.addi %add3A_1613, %add3A_90 : vector<8x128x1xi32>
      %add3A_1615 = arith.constant 0 : i32
      %add3A_1616 = vector.broadcast %add3A_1615 : i32 to vector<1x1x128xi32>
      %add3A_1617 = arith.addi %iota3A_91, %add3A_1616 : vector<1x1x128xi32>
      %eq3A_1618 = vector.broadcast %reshape3A_1610 : vector<8x128x1xi32> to vector<8x128x128xi32>
      %eq3A_1619 = vector.broadcast %add3A_1617 : vector<1x1x128xi32> to vector<8x128x128xi32>
      %eq3A_1620 = arith.cmpi eq, %eq3A_1618, %eq3A_1619 : vector<8x128x128xi32>
      %jit3A_1621 = arith.constant 0 : i32
      %broadcast_in_dim3A_1622 = vector.shape_cast %add3A_1614 : vector<8x128x1xi32> to vector<8x128x1xi32>
      %broadcast_in_dim3A_1623 = vector.broadcast %broadcast_in_dim3A_1622 : vector<8x128x1xi32> to vector<8x128x128xi32>
      %broadcast_in_dim3A_1624 = vector.broadcast %jit3A_1621 : i32 to vector<8x128x128xi32>
      %select_n3A_1625 = arith.select %eq3A_1620, %broadcast_in_dim3A_1623, %broadcast_in_dim3A_1624 : vector<8x128x128xi1>, vector<8x128x128xi32>
      %reduce_sum3A_1626 = arith.constant dense<0> : vector<128x128xi32>
      %reduce_sum3A_1627 = vector.multi_reduction <add>, %select_n3A_1625, %reduce_sum3A_1626 [0] : vector<8x128x128xi32> to vector<128x128xi32>
      %reduce_sum3A_1628 = arith.constant dense<0> : vector<128xi32>
      %reduce_sum3A_1629 = vector.multi_reduction <add>, %reduce_sum3A_1627, %reduce_sum3A_1628 [0] : vector<128x128xi32> to vector<128xi32>
      %broadcast_in_dim3A_1630 = vector.shape_cast %reduce_sum3A_1629 : vector<128xi32> to vector<1x128xi32>
      %add3A_1631 = arith.addi %while3A_1604, %broadcast_in_dim3A_1630 : vector<1x128xi32>
      scf.yield %add3A_1631 : vector<1x128xi32>
    }
    %while3A_173 = arith.constant 1 : i32
    %while3A_174 = scf.for %while3A_1603 = %while3A_170 to %while3A_166 step %while3A_173 iter_args(%while3A_1604 = %while3A_172) -> (vector<1x128xi32>)  : i32 {
      %mul3A_1605 = arith.constant 8 : i32
      %mul3A_1606 = arith.muli %while3A_1603, %mul3A_1605 : i32
      %get3A_1607 = arith.index_cast %mul3A_1606 : i32 to index
      %get3A_1608 = arith.constant 0 : index
      %get3A_1609 = vector.load %arg9[%get3A_1607, %get3A_1608] : memref<256x128xi32, #tpu.memory_space<vmem>>, vector<8x128xi32>
      %reshape3A_1610 = vector.shape_cast %get3A_1609 : vector<8x128xi32> to vector<8x128x1xi32>
      %mul3A_1611 = arith.constant 1024 : i32
      %mul3A_1612 = arith.muli %while3A_1603, %mul3A_1611 : i32
      %add3A_1613 = vector.broadcast %mul3A_1612 : i32 to vector<8x128x1xi32>
      %add3A_1614 = arith.addi %add3A_1613, %add3A_90 : vector<8x128x1xi32>
      %add3A_1615 = arith.constant 0 : i32
      %add3A_1616 = vector.broadcast %add3A_1615 : i32 to vector<1x1x128xi32>
      %add3A_1617 = arith.addi %iota3A_91, %add3A_1616 : vector<1x1x128xi32>
      %eq3A_1618 = vector.broadcast %reshape3A_1610 : vector<8x128x1xi32> to vector<8x128x128xi32>
      %eq3A_1619 = vector.broadcast %add3A_1617 : vector<1x1x128xi32> to vector<8x128x128xi32>
      %eq3A_1620 = arith.cmpi eq, %eq3A_1618, %eq3A_1619 : vector<8x128x128xi32>
      %jit3A_1621 = arith.constant 0 : i32
      %broadcast_in_dim3A_1622 = vector.shape_cast %add3A_1614 : vector<8x128x1xi32> to vector<8x128x1xi32>
      %broadcast_in_dim3A_1623 = vector.broadcast %broadcast_in_dim3A_1622 : vector<8x128x1xi32> to vector<8x128x128xi32>
      %broadcast_in_dim3A_1624 = vector.broadcast %jit3A_1621 : i32 to vector<8x128x128xi32>
      %select_n3A_1625 = arith.select %eq3A_1620, %broadcast_in_dim3A_1623, %broadcast_in_dim3A_1624 : vector<8x128x128xi1>, vector<8x128x128xi32>
      %reduce_sum3A_1626 = arith.constant dense<0> : vector<128x128xi32>
      %reduce_sum3A_1627 = vector.multi_reduction <add>, %select_n3A_1625, %reduce_sum3A_1626 [0] : vector<8x128x128xi32> to vector<128x128xi32>
      %reduce_sum3A_1628 = arith.constant dense<0> : vector<128xi32>
      %reduce_sum3A_1629 = vector.multi_reduction <add>, %reduce_sum3A_1627, %reduce_sum3A_1628 [0] : vector<128x128xi32> to vector<128xi32>
      %broadcast_in_dim3A_1630 = vector.shape_cast %reduce_sum3A_1629 : vector<128xi32> to vector<1x128xi32>
      %add3A_1631 = arith.addi %while3A_1604, %broadcast_in_dim3A_1630 : vector<1x128xi32>
      scf.yield %add3A_1631 : vector<1x128xi32>
    }
    %swap3A_175 = arith.constant 0 : index
    %swap3A_176 = arith.constant 0 : index
    %swap3A_177 = arith.constant 0 : index
    %swap3A_178 = vector.load %arg5[%swap3A_175, %swap3A_176, %swap3A_177] : memref<18x1x128xi32, #tpu.memory_space<vmem>>, vector<1x1x128xi32>
    %swap3A_179 = vector.shape_cast %swap3A_178 : vector<1x1x128xi32> to vector<1x128xi32>
    %swap3A_180 = vector.shape_cast %while3A_174 : vector<1x128xi32> to vector<1x1x128xi32>
    tpu.vector_store %arg5[%swap3A_175, %swap3A_176, %swap3A_177], %swap3A_180 {strides = array<i32>} : memref<18x1x128xi32, #tpu.memory_space<vmem>>, vector<1x1x128xi32>,
    %le3A_181 = arith.constant 1.280000e+02 : f32
    %le3A_182 = vector.broadcast %le3A_181 : f32 to vector<256x1xf32>
    %le3A_183 = arith.cmpf ole, %add3A, %le3A_182 : vector<256x1xf32>
    %convert_element_type3A_184 = arith.extui %le3A_183 : vector<256x1xi1> to vector<256x1xi32>
    %reduce_sum3A_185 = vector.shape_cast %convert_element_type3A_184 : vector<256x1xi32> to vector<1x256x1xi32>
    %reduce_sum3A_186 = arith.constant dense<0> : vector<1xi32>
    %reduce_sum3A_187 = vector.multi_reduction <add>, %reduce_sum3A_185, %reduce_sum3A_186 [1, 2] : vector<1x256x1xi32> to vector<1xi32>
    %reduce_sum3A_188 = vector.shape_cast %reduce_sum3A_187 : vector<1xi32> to vector<1x1x1xi32>
    %reduce_sum3A_189 = vector.extract %reduce_sum3A_188[0, 0, 0] : i32 from vector<1x1x1xi32>
    %shift_right_logical3A_190 = arith.constant 3 : i32
    %shift_right_logical3A_191 = arith.shrui %reduce_sum3A_189, %shift_right_logical3A_190 : i32
    %add3A_192 = arith.constant 1.280000e+02 : f32
    %add3A_193 = arith.constant 1.280000e+02 : f32
    %add3A_194 = arith.addf %add3A_192, %add3A_193 : f32
    %lt3A_195 = vector.broadcast %add3A_194 : f32 to vector<256x1xf32>
    %lt3A_196 = arith.cmpf olt, %dot_general3A_63, %lt3A_195 : vector<256x1xf32>
    %convert_element_type3A_197 = arith.extui %lt3A_196 : vector<256x1xi1> to vector<256x1xi32>
    %reduce_sum3A_198 = vector.shape_cast %convert_element_type3A_197 : vector<256x1xi32> to vector<1x256x1xi32>
    %reduce_sum3A_199 = arith.constant dense<0> : vector<1xi32>
    %reduce_sum3A_200 = vector.multi_reduction <add>, %reduce_sum3A_198, %reduce_sum3A_199 [1, 2] : vector<1x256x1xi32> to vector<1xi32>
    %reduce_sum3A_201 = vector.shape_cast %reduce_sum3A_200 : vector<1xi32> to vector<1x1x1xi32>
    %reduce_sum3A_202 = vector.extract %reduce_sum3A_201[0, 0, 0] : i32 from vector<1x1x1xi32>
    %add3A_203 = arith.constant 7 : i32
    %add3A_204 = arith.addi %reduce_sum3A_202, %add3A_203 : i32
    %shift_right_logical3A_205 = arith.constant 3 : i32
    %shift_right_logical3A_206 = arith.shrui %add3A_204, %shift_right_logical3A_205 : i32
    %le3A_207 = arith.constant 1.280000e+02 : f32
    %le3A_208 = vector.broadcast %le3A_207 : f32 to vector<256x1xf32>
    %le3A_209 = arith.cmpf ole, %add3A_66, %le3A_208 : vector<256x1xf32>
    %convert_element_type3A_210 = arith.extui %le3A_209 : vector<256x1xi1> to vector<256x1xi32>
    %reduce_sum3A_211 = vector.shape_cast %convert_element_type3A_210 : vector<256x1xi32> to vector<1x256x1xi32>
    %reduce_sum3A_212 = arith.constant dense<0> : vector<1xi32>
    %reduce_sum3A_213 = vector.multi_reduction <add>, %reduce_sum3A_211, %reduce_sum3A_212 [1, 2] : vector<1x256x1xi32> to vector<1xi32>
    %reduce_sum3A_214 = vector.shape_cast %reduce_sum3A_213 : vector<1xi32> to vector<1x1x1xi32>
    %reduce_sum3A_215 = vector.extract %reduce_sum3A_214[0, 0, 0] : i32 from vector<1x1x1xi32>
    %shift_right_logical3A_216 = arith.constant 3 : i32
    %shift_right_logical3A_217 = arith.shrui %reduce_sum3A_215, %shift_right_logical3A_216 : i32
    %add3A_218 = arith.constant 1.280000e+02 : f32
    %add3A_219 = arith.constant 1.280000e+02 : f32
    %add3A_220 = arith.addf %add3A_218, %add3A_219 : f32
    %lt3A_221 = vector.broadcast %add3A_220 : f32 to vector<256x1xf32>
    %lt3A_222 = arith.cmpf olt, %dot_general3A_65, %lt3A_221 : vector<256x1xf32>
    %convert_element_type3A_223 = arith.extui %lt3A_222 : vector<256x1xi1> to vector<256x1xi32>
    %reduce_sum3A_224 = vector.shape_cast %convert_element_type3A_223 : vector<256x1xi32> to vector<1x256x1xi32>
    %reduce_sum3A_225 = arith.constant dense<0> : vector<1xi32>
    %reduce_sum3A_226 = vector.multi_reduction <add>, %reduce_sum3A_224, %reduce_sum3A_225 [1, 2] : vector<1x256x1xi32> to vector<1xi32>
    %reduce_sum3A_227 = vector.shape_cast %reduce_sum3A_226 : vector<1xi32> to vector<1x1x1xi32>
    %reduce_sum3A_228 = vector.extract %reduce_sum3A_227[0, 0, 0] : i32 from vector<1x1x1xi32>
    %add3A_229 = arith.constant 7 : i32
    %add3A_230 = arith.addi %reduce_sum3A_228, %add3A_229 : i32
    %shift_right_logical3A_231 = arith.constant 3 : i32
    %shift_right_logical3A_232 = arith.shrui %add3A_230, %shift_right_logical3A_231 : i32
    %broadcast_in_dim3A_233 = arith.constant 0 : i32
    %broadcast_in_dim3A_234 = vector.broadcast %broadcast_in_dim3A_233 : i32 to vector<1x128xi32>
    %while3A_235 = arith.subi %shift_right_logical3A_206, %shift_right_logical3A_191 : i32
    %while3A_236 = arith.addi %shift_right_logical3A_191, %while3A_235 : i32
    %while3A_237 = arith.constant 1 : i32
    %while3A_238 = arith.divsi %while3A_235, %while3A_237 : i32
    %while3A_239 = arith.muli %while3A_238, %while3A_237 : i32
    %while3A_240 = arith.addi %shift_right_logical3A_191, %while3A_239 : i32
    %while3A_241 = arith.constant 1 : i32
    %while3A_242:2 = scf.for %while3A_1603 = %shift_right_logical3A_191 to %while3A_240 step %while3A_241 iter_args(%while3A_1604 = %broadcast_in_dim3A_234, %while3A_1605 = %broadcast_in_dim3A_234) -> (vector<1x128xi32>, vector<1x128xi32>)  : i32 {
      %mul3A_1606 = arith.constant 8 : i32
      %mul3A_1607 = arith.muli %while3A_1603, %mul3A_1606 : i32
      %get3A_1608 = arith.index_cast %mul3A_1607 : i32 to index
      %get3A_1609 = arith.constant 0 : index
      %get3A_1610 = vector.load %arg8[%get3A_1608, %get3A_1609] : memref<256x128xi32, #tpu.memory_space<vmem>>, vector<8x128xi32>
      %reshape3A_1611 = vector.shape_cast %get3A_1610 : vector<8x128xi32> to vector<8x128x1xi32>
      %mul3A_1612 = arith.constant 8 : i32
      %mul3A_1613 = arith.muli %while3A_1603, %mul3A_1612 : i32
      %get3A_1614 = arith.index_cast %mul3A_1613 : i32 to index
      %get3A_1615 = arith.constant 0 : index
      %get3A_1616 = vector.load %arg7[%get3A_1614, %get3A_1615] : memref<256x128xi32, #tpu.memory_space<vmem>>, vector<8x128xi32>
      %reshape3A_1617 = vector.shape_cast %get3A_1616 : vector<8x128xi32> to vector<8x128x1xi32>
      %mul3A_1618 = arith.constant 1024 : i32
      %mul3A_1619 = arith.muli %while3A_1603, %mul3A_1618 : i32
      %add3A_1620 = vector.broadcast %mul3A_1619 : i32 to vector<8x128x1xi32>
      %add3A_1621 = arith.addi %add3A_1620, %add3A_90 : vector<8x128x1xi32>
      %add3A_1622 = arith.constant 128 : i32
      %add3A_1623 = vector.broadcast %add3A_1622 : i32 to vector<1x1x128xi32>
      %add3A_1624 = arith.addi %iota3A_91, %add3A_1623 : vector<1x1x128xi32>
      %eq3A_1625 = vector.broadcast %reshape3A_1611 : vector<8x128x1xi32> to vector<8x128x128xi32>
      %eq3A_1626 = vector.broadcast %add3A_1624 : vector<1x1x128xi32> to vector<8x128x128xi32>
      %eq3A_1627 = arith.cmpi eq, %eq3A_1625, %eq3A_1626 : vector<8x128x128xi32>
      %jit3A_1628 = arith.constant 0 : i32
      %broadcast_in_dim3A_1629 = vector.shape_cast %add3A_1621 : vector<8x128x1xi32> to vector<8x128x1xi32>
      %broadcast_in_dim3A_1630 = vector.broadcast %broadcast_in_dim3A_1629 : vector<8x128x1xi32> to vector<8x128x128xi32>
      %broadcast_in_dim3A_1631 = vector.broadcast %jit3A_1628 : i32 to vector<8x128x128xi32>
      %select_n3A_1632 = arith.select %eq3A_1627, %broadcast_in_dim3A_1630, %broadcast_in_dim3A_1631 : vector<8x128x128xi1>, vector<8x128x128xi32>
      %reduce_sum3A_1633 = arith.constant dense<0> : vector<128x128xi32>
      %reduce_sum3A_1634 = vector.multi_reduction <add>, %select_n3A_1632, %reduce_sum3A_1633 [0] : vector<8x128x128xi32> to vector<128x128xi32>
      %reduce_sum3A_1635 = arith.constant dense<0> : vector<128xi32>
      %reduce_sum3A_1636 = vector.multi_reduction <add>, %reduce_sum3A_1634, %reduce_sum3A_1635 [0] : vector<128x128xi32> to vector<128xi32>
      %broadcast_in_dim3A_1637 = vector.shape_cast %reduce_sum3A_1636 : vector<128xi32> to vector<1x128xi32>
      %add3A_1638 = arith.addi %while3A_1604, %broadcast_in_dim3A_1637 : vector<1x128xi32>
      %jit3A_1639 = arith.constant 0 : i32
      %broadcast_in_dim3A_1640 = vector.shape_cast %reshape3A_1617 : vector<8x128x1xi32> to vector<8x128x1xi32>
      %broadcast_in_dim3A_1641 = vector.broadcast %broadcast_in_dim3A_1640 : vector<8x128x1xi32> to vector<8x128x128xi32>
      %broadcast_in_dim3A_1642 = vector.broadcast %jit3A_1639 : i32 to vector<8x128x128xi32>
      %select_n3A_1643 = arith.select %eq3A_1627, %broadcast_in_dim3A_1641, %broadcast_in_dim3A_1642 : vector<8x128x128xi1>, vector<8x128x128xi32>
      %reduce_sum3A_1644 = arith.constant dense<0> : vector<128x128xi32>
      %reduce_sum3A_1645 = vector.multi_reduction <add>, %select_n3A_1643, %reduce_sum3A_1644 [0] : vector<8x128x128xi32> to vector<128x128xi32>
      %reduce_sum3A_1646 = arith.constant dense<0> : vector<128xi32>
      %reduce_sum3A_1647 = vector.multi_reduction <add>, %reduce_sum3A_1645, %reduce_sum3A_1646 [0] : vector<128x128xi32> to vector<128xi32>
      %broadcast_in_dim3A_1648 = vector.shape_cast %reduce_sum3A_1647 : vector<128xi32> to vector<1x128xi32>
      %add3A_1649 = arith.addi %while3A_1605, %broadcast_in_dim3A_1648 : vector<1x128xi32>
      scf.yield %add3A_1638, %add3A_1649 : vector<1x128xi32>, vector<1x128xi32>
    }
    %while3A_243 = arith.constant 1 : i32
    %while3A_244:2 = scf.for %while3A_1603 = %while3A_240 to %while3A_236 step %while3A_243 iter_args(%while3A_1604 = %while3A_242#0, %while3A_1605 = %while3A_242#1) -> (vector<1x128xi32>, vector<1x128xi32>)  : i32 {
      %mul3A_1606 = arith.constant 8 : i32
      %mul3A_1607 = arith.muli %while3A_1603, %mul3A_1606 : i32
      %get3A_1608 = arith.index_cast %mul3A_1607 : i32 to index
      %get3A_1609 = arith.constant 0 : index
      %get3A_1610 = vector.load %arg8[%get3A_1608, %get3A_1609] : memref<256x128xi32, #tpu.memory_space<vmem>>, vector<8x128xi32>
      %reshape3A_1611 = vector.shape_cast %get3A_1610 : vector<8x128xi32> to vector<8x128x1xi32>
      %mul3A_1612 = arith.constant 8 : i32
      %mul3A_1613 = arith.muli %while3A_1603, %mul3A_1612 : i32
      %get3A_1614 = arith.index_cast %mul3A_1613 : i32 to index
      %get3A_1615 = arith.constant 0 : index
      %get3A_1616 = vector.load %arg7[%get3A_1614, %get3A_1615] : memref<256x128xi32, #tpu.memory_space<vmem>>, vector<8x128xi32>
      %reshape3A_1617 = vector.shape_cast %get3A_1616 : vector<8x128xi32> to vector<8x128x1xi32>
      %mul3A_1618 = arith.constant 1024 : i32
      %mul3A_1619 = arith.muli %while3A_1603, %mul3A_1618 : i32
      %add3A_1620 = vector.broadcast %mul3A_1619 : i32 to vector<8x128x1xi32>
      %add3A_1621 = arith.addi %add3A_1620, %add3A_90 : vector<8x128x1xi32>
      %add3A_1622 = arith.constant 128 : i32
      %add3A_1623 = vector.broadcast %add3A_1622 : i32 to vector<1x1x128xi32>
      %add3A_1624 = arith.addi %iota3A_91, %add3A_1623 : vector<1x1x128xi32>
      %eq3A_1625 = vector.broadcast %reshape3A_1611 : vector<8x128x1xi32> to vector<8x128x128xi32>
      %eq3A_1626 = vector.broadcast %add3A_1624 : vector<1x1x128xi32> to vector<8x128x128xi32>
      %eq3A_1627 = arith.cmpi eq, %eq3A_1625, %eq3A_1626 : vector<8x128x128xi32>
      %jit3A_1628 = arith.constant 0 : i32
      %broadcast_in_dim3A_1629 = vector.shape_cast %add3A_1621 : vector<8x128x1xi32> to vector<8x128x1xi32>
      %broadcast_in_dim3A_1630 = vector.broadcast %broadcast_in_dim3A_1629 : vector<8x128x1xi32> to vector<8x128x128xi32>
      %broadcast_in_dim3A_1631 = vector.broadcast %jit3A_1628 : i32 to vector<8x128x128xi32>
      %select_n3A_1632 = arith.select %eq3A_1627, %broadcast_in_dim3A_1630, %broadcast_in_dim3A_1631 : vector<8x128x128xi1>, vector<8x128x128xi32>
      %reduce_sum3A_1633 = arith.constant dense<0> : vector<128x128xi32>
      %reduce_sum3A_1634 = vector.multi_reduction <add>, %select_n3A_1632, %reduce_sum3A_1633 [0] : vector<8x128x128xi32> to vector<128x128xi32>
      %reduce_sum3A_1635 = arith.constant dense<0> : vector<128xi32>
      %reduce_sum3A_1636 = vector.multi_reduction <add>, %reduce_sum3A_1634, %reduce_sum3A_1635 [0] : vector<128x128xi32> to vector<128xi32>
      %broadcast_in_dim3A_1637 = vector.shape_cast %reduce_sum3A_1636 : vector<128xi32> to vector<1x128xi32>
      %add3A_1638 = arith.addi %while3A_1604, %broadcast_in_dim3A_1637 : vector<1x128xi32>
      %jit3A_1639 = arith.constant 0 : i32
      %broadcast_in_dim3A_1640 = vector.shape_cast %reshape3A_1617 : vector<8x128x1xi32> to vector<8x128x1xi32>
      %broadcast_in_dim3A_1641 = vector.broadcast %broadcast_in_dim3A_1640 : vector<8x128x1xi32> to vector<8x128x128xi32>
      %broadcast_in_dim3A_1642 = vector.broadcast %jit3A_1639 : i32 to vector<8x128x128xi32>
      %select_n3A_1643 = arith.select %eq3A_1627, %broadcast_in_dim3A_1641, %broadcast_in_dim3A_1642 : vector<8x128x128xi1>, vector<8x128x128xi32>
      %reduce_sum3A_1644 = arith.constant dense<0> : vector<128x128xi32>
      %reduce_sum3A_1645 = vector.multi_reduction <add>, %select_n3A_1643, %reduce_sum3A_1644 [0] : vector<8x128x128xi32> to vector<128x128xi32>
      %reduce_sum3A_1646 = arith.constant dense<0> : vector<128xi32>
      %reduce_sum3A_1647 = vector.multi_reduction <add>, %reduce_sum3A_1645, %reduce_sum3A_1646 [0] : vector<128x128xi32> to vector<128xi32>
      %broadcast_in_dim3A_1648 = vector.shape_cast %reduce_sum3A_1647 : vector<128xi32> to vector<1x128xi32>
      %add3A_1649 = arith.addi %while3A_1605, %broadcast_in_dim3A_1648 : vector<1x128xi32>
      scf.yield %add3A_1638, %add3A_1649 : vector<1x128xi32>, vector<1x128xi32>
    }
    %swap3A_245 = arith.constant 1 : index
    %swap3A_246 = arith.constant 0 : index
    %swap3A_247 = arith.constant 0 : index
    %swap3A_248 = vector.load %arg3[%swap3A_245, %swap3A_246, %swap3A_247] : memref<18x1x128xi32, #tpu.memory_space<vmem>>, vector<1x1x128xi32>
    %swap3A_249 = vector.shape_cast %swap3A_248 : vector<1x1x128xi32> to vector<1x128xi32>
    %swap3A_250 = vector.shape_cast %while3A_244#1 : vector<1x128xi32> to vector<1x1x128xi32>
    tpu.vector_store %arg3[%swap3A_245, %swap3A_246, %swap3A_247], %swap3A_250 {strides = array<i32>} : memref<18x1x128xi32, #tpu.memory_space<vmem>>, vector<1x1x128xi32>,
    %swap3A_251 = arith.constant 1 : index
    %swap3A_252 = arith.constant 0 : index
    %swap3A_253 = arith.constant 0 : index
    %swap3A_254 = vector.load %arg4[%swap3A_251, %swap3A_252, %swap3A_253] : memref<18x1x128xi32, #tpu.memory_space<vmem>>, vector<1x1x128xi32>
    %swap3A_255 = vector.shape_cast %swap3A_254 : vector<1x1x128xi32> to vector<1x128xi32>
    %swap3A_256 = vector.shape_cast %while3A_244#0 : vector<1x128xi32> to vector<1x1x128xi32>
    tpu.vector_store %arg4[%swap3A_251, %swap3A_252, %swap3A_253], %swap3A_256 {strides = array<i32>} : memref<18x1x128xi32, #tpu.memory_space<vmem>>, vector<1x1x128xi32>,
    %while3A_257 = arith.subi %shift_right_logical3A_232, %shift_right_logical3A_217 : i32
    %while3A_258 = arith.addi %shift_right_logical3A_217, %while3A_257 : i32
    %while3A_259 = arith.constant 1 : i32
    %while3A_260 = arith.divsi %while3A_257, %while3A_259 : i32
    %while3A_261 = arith.muli %while3A_260, %while3A_259 : i32
    %while3A_262 = arith.addi %shift_right_logical3A_217, %while3A_261 : i32
    %while3A_263 = arith.constant 1 : i32
    %while3A_264 = scf.for %while3A_1603 = %shift_right_logical3A_217 to %while3A_262 step %while3A_263 iter_args(%while3A_1604 = %broadcast_in_dim3A_234) -> (vector<1x128xi32>)  : i32 {
      %mul3A_1605 = arith.constant 8 : i32
      %mul3A_1606 = arith.muli %while3A_1603, %mul3A_1605 : i32
      %get3A_1607 = arith.index_cast %mul3A_1606 : i32 to index
      %get3A_1608 = arith.constant 0 : index
      %get3A_1609 = vector.load %arg9[%get3A_1607, %get3A_1608] : memref<256x128xi32, #tpu.memory_space<vmem>>, vector<8x128xi32>
      %reshape3A_1610 = vector.shape_cast %get3A_1609 : vector<8x128xi32> to vector<8x128x1xi32>
      %mul3A_1611 = arith.constant 1024 : i32
      %mul3A_1612 = arith.muli %while3A_1603, %mul3A_1611 : i32
      %add3A_1613 = vector.broadcast %mul3A_1612 : i32 to vector<8x128x1xi32>
      %add3A_1614 = arith.addi %add3A_1613, %add3A_90 : vector<8x128x1xi32>
      %add3A_1615 = arith.constant 128 : i32
      %add3A_1616 = vector.broadcast %add3A_1615 : i32 to vector<1x1x128xi32>
      %add3A_1617 = arith.addi %iota3A_91, %add3A_1616 : vector<1x1x128xi32>
      %eq3A_1618 = vector.broadcast %reshape3A_1610 : vector<8x128x1xi32> to vector<8x128x128xi32>
      %eq3A_1619 = vector.broadcast %add3A_1617 : vector<1x1x128xi32> to vector<8x128x128xi32>
      %eq3A_1620 = arith.cmpi eq, %eq3A_1618, %eq3A_1619 : vector<8x128x128xi32>
      %jit3A_1621 = arith.constant 0 : i32
      %broadcast_in_dim3A_1622 = vector.shape_cast %add3A_1614 : vector<8x128x1xi32> to vector<8x128x1xi32>
      %broadcast_in_dim3A_1623 = vector.broadcast %broadcast_in_dim3A_1622 : vector<8x128x1xi32> to vector<8x128x128xi32>
      %broadcast_in_dim3A_1624 = vector.broadcast %jit3A_1621 : i32 to vector<8x128x128xi32>
      %select_n3A_1625 = arith.select %eq3A_1620, %broadcast_in_dim3A_1623, %broadcast_in_dim3A_1624 : vector<8x128x128xi1>, vector<8x128x128xi32>
      %reduce_sum3A_1626 = arith.constant dense<0> : vector<128x128xi32>
      %reduce_sum3A_1627 = vector.multi_reduction <add>, %select_n3A_1625, %reduce_sum3A_1626 [0] : vector<8x128x128xi32> to vector<128x128xi32>
      %reduce_sum3A_1628 = arith.constant dense<0> : vector<128xi32>
      %reduce_sum3A_1629 = vector.multi_reduction <add>, %reduce_sum3A_1627, %reduce_sum3A_1628 [0] : vector<128x128xi32> to vector<128xi32>
      %broadcast_in_dim3A_1630 = vector.shape_cast %reduce_sum3A_1629 : vector<128xi32> to vector<1x128xi32>
      %add3A_1631 = arith.addi %while3A_1604, %broadcast_in_dim3A_1630 : vector<1x128xi32>
      scf.yield %add3A_1631 : vector<1x128xi32>
    }
    %while3A_265 = arith.constant 1 : i32
    %while3A_266 = scf.for %while3A_1603 = %while3A_262 to %while3A_258 step %while3A_265 iter_args(%while3A_1604 = %while3A_264) -> (vector<1x128xi32>)  : i32 {
      %mul3A_1605 = arith.constant 8 : i32
      %mul3A_1606 = arith.muli %while3A_1603, %mul3A_1605 : i32
      %get3A_1607 = arith.index_cast %mul3A_1606 : i32 to index
      %get3A_1608 = arith.constant 0 : index
      %get3A_1609 = vector.load %arg9[%get3A_1607, %get3A_1608] : memref<256x128xi32, #tpu.memory_space<vmem>>, vector<8x128xi32>
      %reshape3A_1610 = vector.shape_cast %get3A_1609 : vector<8x128xi32> to vector<8x128x1xi32>
      %mul3A_1611 = arith.constant 1024 : i32
      %mul3A_1612 = arith.muli %while3A_1603, %mul3A_1611 : i32
      %add3A_1613 = vector.broadcast %mul3A_1612 : i32 to vector<8x128x1xi32>
      %add3A_1614 = arith.addi %add3A_1613, %add3A_90 : vector<8x128x1xi32>
      %add3A_1615 = arith.constant 128 : i32
      %add3A_1616 = vector.broadcast %add3A_1615 : i32 to vector<1x1x128xi32>
      %add3A_1617 = arith.addi %iota3A_91, %add3A_1616 : vector<1x1x128xi32>
      %eq3A_1618 = vector.broadcast %reshape3A_1610 : vector<8x128x1xi32> to vector<8x128x128xi32>
      %eq3A_1619 = vector.broadcast %add3A_1617 : vector<1x1x128xi32> to vector<8x128x128xi32>
      %eq3A_1620 = arith.cmpi eq, %eq3A_1618, %eq3A_1619 : vector<8x128x128xi32>
      %jit3A_1621 = arith.constant 0 : i32
      %broadcast_in_dim3A_1622 = vector.shape_cast %add3A_1614 : vector<8x128x1xi32> to vector<8x128x1xi32>
      %broadcast_in_dim3A_1623 = vector.broadcast %broadcast_in_dim3A_1622 : vector<8x128x1xi32> to vector<8x128x128xi32>
      %broadcast_in_dim3A_1624 = vector.broadcast %jit3A_1621 : i32 to vector<8x128x128xi32>
      %select_n3A_1625 = arith.select %eq3A_1620, %broadcast_in_dim3A_1623, %broadcast_in_dim3A_1624 : vector<8x128x128xi1>, vector<8x128x128xi32>
      %reduce_sum3A_1626 = arith.constant dense<0> : vector<128x128xi32>
      %reduce_sum3A_1627 = vector.multi_reduction <add>, %select_n3A_1625, %reduce_sum3A_1626 [0] : vector<8x128x128xi32> to vector<128x128xi32>
      %reduce_sum3A_1628 = arith.constant dense<0> : vector<128xi32>
      %reduce_sum3A_1629 = vector.multi_reduction <add>, %reduce_sum3A_1627, %reduce_sum3A_1628 [0] : vector<128x128xi32> to vector<128xi32>
      %broadcast_in_dim3A_1630 = vector.shape_cast %reduce_sum3A_1629 : vector<128xi32> to vector<1x128xi32>
      %add3A_1631 = arith.addi %while3A_1604, %broadcast_in_dim3A_1630 : vector<1x128xi32>
      scf.yield %add3A_1631 : vector<1x128xi32>
    }
    %swap3A_267 = arith.constant 1 : index
    %swap3A_268 = arith.constant 0 : index
    %swap3A_269 = arith.constant 0 : index
    %swap3A_270 = vector.load %arg5[%swap3A_267, %swap3A_268, %swap3A_269] : memref<18x1x128xi32, #tpu.memory_space<vmem>>, vector<1x1x128xi32>
    %swap3A_271 = vector.shape_cast %swap3A_270 : vector<1x1x128xi32> to vector<1x128xi32>
    %swap3A_272 = vector.shape_cast %while3A_266 : vector<1x128xi32> to vector<1x1x128xi32>
    tpu.vector_store %arg5[%swap3A_267, %swap3A_268, %swap3A_269], %swap3A_272 {strides = array<i32>} : memref<18x1x128xi32, #tpu.memory_space<vmem>>, vector<1x1x128xi32>,
    %le3A_273 = arith.constant 2.560000e+02 : f32
    %le3A_274 = vector.broadcast %le3A_273 : f32 to vector<256x1xf32>
    %le3A_275 = arith.cmpf ole, %add3A, %le3A_274 : vector<256x1xf32>
    %convert_element_type3A_276 = arith.extui %le3A_275 : vector<256x1xi1> to vector<256x1xi32>
    %reduce_sum3A_277 = vector.shape_cast %convert_element_type3A_276 : vector<256x1xi32> to vector<1x256x1xi32>
    %reduce_sum3A_278 = arith.constant dense<0> : vector<1xi32>
    %reduce_sum3A_279 = vector.multi_reduction <add>, %reduce_sum3A_277, %reduce_sum3A_278 [1, 2] : vector<1x256x1xi32> to vector<1xi32>
    %reduce_sum3A_280 = vector.shape_cast %reduce_sum3A_279 : vector<1xi32> to vector<1x1x1xi32>
    %reduce_sum3A_281 = vector.extract %reduce_sum3A_280[0, 0, 0] : i32 from vector<1x1x1xi32>
    %shift_right_logical3A_282 = arith.constant 3 : i32
    %shift_right_logical3A_283 = arith.shrui %reduce_sum3A_281, %shift_right_logical3A_282 : i32
    %add3A_284 = arith.constant 2.560000e+02 : f32
    %add3A_285 = arith.constant 1.280000e+02 : f32
    %add3A_286 = arith.addf %add3A_284, %add3A_285 : f32
    %lt3A_287 = vector.broadcast %add3A_286 : f32 to vector<256x1xf32>
    %lt3A_288 = arith.cmpf olt, %dot_general3A_63, %lt3A_287 : vector<256x1xf32>
    %convert_element_type3A_289 = arith.extui %lt3A_288 : vector<256x1xi1> to vector<256x1xi32>
    %reduce_sum3A_290 = vector.shape_cast %convert_element_type3A_289 : vector<256x1xi32> to vector<1x256x1xi32>
    %reduce_sum3A_291 = arith.constant dense<0> : vector<1xi32>
    %reduce_sum3A_292 = vector.multi_reduction <add>, %reduce_sum3A_290, %reduce_sum3A_291 [1, 2] : vector<1x256x1xi32> to vector<1xi32>
    %reduce_sum3A_293 = vector.shape_cast %reduce_sum3A_292 : vector<1xi32> to vector<1x1x1xi32>
    %reduce_sum3A_294 = vector.extract %reduce_sum3A_293[0, 0, 0] : i32 from vector<1x1x1xi32>
    %add3A_295 = arith.constant 7 : i32
    %add3A_296 = arith.addi %reduce_sum3A_294, %add3A_295 : i32
    %shift_right_logical3A_297 = arith.constant 3 : i32
    %shift_right_logical3A_298 = arith.shrui %add3A_296, %shift_right_logical3A_297 : i32
    %le3A_299 = arith.constant 2.560000e+02 : f32
    %le3A_300 = vector.broadcast %le3A_299 : f32 to vector<256x1xf32>
    %le3A_301 = arith.cmpf ole, %add3A_66, %le3A_300 : vector<256x1xf32>
    %convert_element_type3A_302 = arith.extui %le3A_301 : vector<256x1xi1> to vector<256x1xi32>
    %reduce_sum3A_303 = vector.shape_cast %convert_element_type3A_302 : vector<256x1xi32> to vector<1x256x1xi32>
    %reduce_sum3A_304 = arith.constant dense<0> : vector<1xi32>
    %reduce_sum3A_305 = vector.multi_reduction <add>, %reduce_sum3A_303, %reduce_sum3A_304 [1, 2] : vector<1x256x1xi32> to vector<1xi32>
    %reduce_sum3A_306 = vector.shape_cast %reduce_sum3A_305 : vector<1xi32> to vector<1x1x1xi32>
    %reduce_sum3A_307 = vector.extract %reduce_sum3A_306[0, 0, 0] : i32 from vector<1x1x1xi32>
    %shift_right_logical3A_308 = arith.constant 3 : i32
    %shift_right_logical3A_309 = arith.shrui %reduce_sum3A_307, %shift_right_logical3A_308 : i32
    %add3A_310 = arith.constant 2.560000e+02 : f32
    %add3A_311 = arith.constant 1.280000e+02 : f32
    %add3A_312 = arith.addf %add3A_310, %add3A_311 : f32
    %lt3A_313 = vector.broadcast %add3A_312 : f32 to vector<256x1xf32>
    %lt3A_314 = arith.cmpf olt, %dot_general3A_65, %lt3A_313 : vector<256x1xf32>
    %convert_element_type3A_315 = arith.extui %lt3A_314 : vector<256x1xi1> to vector<256x1xi32>
    %reduce_sum3A_316 = vector.shape_cast %convert_element_type3A_315 : vector<256x1xi32> to vector<1x256x1xi32>
    %reduce_sum3A_317 = arith.constant dense<0> : vector<1xi32>
    %reduce_sum3A_318 = vector.multi_reduction <add>, %reduce_sum3A_316, %reduce_sum3A_317 [1, 2] : vector<1x256x1xi32> to vector<1xi32>
    %reduce_sum3A_319 = vector.shape_cast %reduce_sum3A_318 : vector<1xi32> to vector<1x1x1xi32>
    %reduce_sum3A_320 = vector.extract %reduce_sum3A_319[0, 0, 0] : i32 from vector<1x1x1xi32>
    %add3A_321 = arith.constant 7 : i32
    %add3A_322 = arith.addi %reduce_sum3A_320, %add3A_321 : i32
    %shift_right_logical3A_323 = arith.constant 3 : i32
    %shift_right_logical3A_324 = arith.shrui %add3A_322, %shift_right_logical3A_323 : i32
    %broadcast_in_dim3A_325 = arith.constant 0 : i32
    %broadcast_in_dim3A_326 = vector.broadcast %broadcast_in_dim3A_325 : i32 to vector<1x128xi32>
    %while3A_327 = arith.subi %shift_right_logical3A_298, %shift_right_logical3A_283 : i32
    %while3A_328 = arith.addi %shift_right_logical3A_283, %while3A_327 : i32
    %while3A_329 = arith.constant 1 : i32
    %while3A_330 = arith.divsi %while3A_327, %while3A_329 : i32
    %while3A_331 = arith.muli %while3A_330, %while3A_329 : i32
    %while3A_332 = arith.addi %shift_right_logical3A_283, %while3A_331 : i32
    %while3A_333 = arith.constant 1 : i32
    %while3A_334:2 = scf.for %while3A_1603 = %shift_right_logical3A_283 to %while3A_332 step %while3A_333 iter_args(%while3A_1604 = %broadcast_in_dim3A_326, %while3A_1605 = %broadcast_in_dim3A_326) -> (vector<1x128xi32>, vector<1x128xi32>)  : i32 {
      %mul3A_1606 = arith.constant 8 : i32
      %mul3A_1607 = arith.muli %while3A_1603, %mul3A_1606 : i32
      %get3A_1608 = arith.index_cast %mul3A_1607 : i32 to index
      %get3A_1609 = arith.constant 0 : index
      %get3A_1610 = vector.load %arg8[%get3A_1608, %get3A_1609] : memref<256x128xi32, #tpu.memory_space<vmem>>, vector<8x128xi32>
      %reshape3A_1611 = vector.shape_cast %get3A_1610 : vector<8x128xi32> to vector<8x128x1xi32>
      %mul3A_1612 = arith.constant 8 : i32
      %mul3A_1613 = arith.muli %while3A_1603, %mul3A_1612 : i32
      %get3A_1614 = arith.index_cast %mul3A_1613 : i32 to index
      %get3A_1615 = arith.constant 0 : index
      %get3A_1616 = vector.load %arg7[%get3A_1614, %get3A_1615] : memref<256x128xi32, #tpu.memory_space<vmem>>, vector<8x128xi32>
      %reshape3A_1617 = vector.shape_cast %get3A_1616 : vector<8x128xi32> to vector<8x128x1xi32>
      %mul3A_1618 = arith.constant 1024 : i32
      %mul3A_1619 = arith.muli %while3A_1603, %mul3A_1618 : i32
      %add3A_1620 = vector.broadcast %mul3A_1619 : i32 to vector<8x128x1xi32>
      %add3A_1621 = arith.addi %add3A_1620, %add3A_90 : vector<8x128x1xi32>
      %add3A_1622 = arith.constant 256 : i32
      %add3A_1623 = vector.broadcast %add3A_1622 : i32 to vector<1x1x128xi32>
      %add3A_1624 = arith.addi %iota3A_91, %add3A_1623 : vector<1x1x128xi32>
      %eq3A_1625 = vector.broadcast %reshape3A_1611 : vector<8x128x1xi32> to vector<8x128x128xi32>
      %eq3A_1626 = vector.broadcast %add3A_1624 : vector<1x1x128xi32> to vector<8x128x128xi32>
      %eq3A_1627 = arith.cmpi eq, %eq3A_1625, %eq3A_1626 : vector<8x128x128xi32>
      %jit3A_1628 = arith.constant 0 : i32
      %broadcast_in_dim3A_1629 = vector.shape_cast %add3A_1621 : vector<8x128x1xi32> to vector<8x128x1xi32>
      %broadcast_in_dim3A_1630 = vector.broadcast %broadcast_in_dim3A_1629 : vector<8x128x1xi32> to vector<8x128x128xi32>
      %broadcast_in_dim3A_1631 = vector.broadcast %jit3A_1628 : i32 to vector<8x128x128xi32>
      %select_n3A_1632 = arith.select %eq3A_1627, %broadcast_in_dim3A_1630, %broadcast_in_dim3A_1631 : vector<8x128x128xi1>, vector<8x128x128xi32>
      %reduce_sum3A_1633 = arith.constant dense<0> : vector<128x128xi32>
      %reduce_sum3A_1634 = vector.multi_reduction <add>, %select_n3A_1632, %reduce_sum3A_1633 [0] : vector<8x128x128xi32> to vector<128x128xi32>
      %reduce_sum3A_1635 = arith.constant dense<0> : vector<128xi32>
      %reduce_sum3A_1636 = vector.multi_reduction <add>, %reduce_sum3A_1634, %reduce_sum3A_1635 [0] : vector<128x128xi32> to vector<128xi32>
      %broadcast_in_dim3A_1637 = vector.shape_cast %reduce_sum3A_1636 : vector<128xi32> to vector<1x128xi32>
      %add3A_1638 = arith.addi %while3A_1604, %broadcast_in_dim3A_1637 : vector<1x128xi32>
      %jit3A_1639 = arith.constant 0 : i32
      %broadcast_in_dim3A_1640 = vector.shape_cast %reshape3A_1617 : vector<8x128x1xi32> to vector<8x128x1xi32>
      %broadcast_in_dim3A_1641 = vector.broadcast %broadcast_in_dim3A_1640 : vector<8x128x1xi32> to vector<8x128x128xi32>
      %broadcast_in_dim3A_1642 = vector.broadcast %jit3A_1639 : i32 to vector<8x128x128xi32>
      %select_n3A_1643 = arith.select %eq3A_1627, %broadcast_in_dim3A_1641, %broadcast_in_dim3A_1642 : vector<8x128x128xi1>, vector<8x128x128xi32>
      %reduce_sum3A_1644 = arith.constant dense<0> : vector<128x128xi32>
      %reduce_sum3A_1645 = vector.multi_reduction <add>, %select_n3A_1643, %reduce_sum3A_1644 [0] : vector<8x128x128xi32> to vector<128x128xi32>
      %reduce_sum3A_1646 = arith.constant dense<0> : vector<128xi32>
      %reduce_sum3A_1647 = vector.multi_reduction <add>, %reduce_sum3A_1645, %reduce_sum3A_1646 [0] : vector<128x128xi32> to vector<128xi32>
      %broadcast_in_dim3A_1648 = vector.shape_cast %reduce_sum3A_1647 : vector<128xi32> to vector<1x128xi32>
      %add3A_1649 = arith.addi %while3A_1605, %broadcast_in_dim3A_1648 : vector<1x128xi32>
      scf.yield %add3A_1638, %add3A_1649 : vector<1x128xi32>, vector<1x128xi32>
    }
    %while3A_335 = arith.constant 1 : i32
    %while3A_336:2 = scf.for %while3A_1603 = %while3A_332 to %while3A_328 step %while3A_335 iter_args(%while3A_1604 = %while3A_334#0, %while3A_1605 = %while3A_334#1) -> (vector<1x128xi32>, vector<1x128xi32>)  : i32 {
      %mul3A_1606 = arith.constant 8 : i32
      %mul3A_1607 = arith.muli %while3A_1603, %mul3A_1606 : i32
      %get3A_1608 = arith.index_cast %mul3A_1607 : i32 to index
      %get3A_1609 = arith.constant 0 : index
      %get3A_1610 = vector.load %arg8[%get3A_1608, %get3A_1609] : memref<256x128xi32, #tpu.memory_space<vmem>>, vector<8x128xi32>
      %reshape3A_1611 = vector.shape_cast %get3A_1610 : vector<8x128xi32> to vector<8x128x1xi32>
      %mul3A_1612 = arith.constant 8 : i32
      %mul3A_1613 = arith.muli %while3A_1603, %mul3A_1612 : i32
      %get3A_1614 = arith.index_cast %mul3A_1613 : i32 to index
      %get3A_1615 = arith.constant 0 : index
      %get3A_1616 = vector.load %arg7[%get3A_1614, %get3A_1615] : memref<256x128xi32, #tpu.memory_space<vmem>>, vector<8x128xi32>
      %reshape3A_1617 = vector.shape_cast %get3A_1616 : vector<8x128xi32> to vector<8x128x1xi32>
      %mul3A_1618 = arith.constant 1024 : i32
      %mul3A_1619 = arith.muli %while3A_1603, %mul3A_1618 : i32
      %add3A_1620 = vector.broadcast %mul3A_1619 : i32 to vector<8x128x1xi32>
      %add3A_1621 = arith.addi %add3A_1620, %add3A_90 : vector<8x128x1xi32>
      %add3A_1622 = arith.constant 256 : i32
      %add3A_1623 = vector.broadcast %add3A_1622 : i32 to vector<1x1x128xi32>
      %add3A_1624 = arith.addi %iota3A_91, %add3A_1623 : vector<1x1x128xi32>
      %eq3A_1625 = vector.broadcast %reshape3A_1611 : vector<8x128x1xi32> to vector<8x128x128xi32>
      %eq3A_1626 = vector.broadcast %add3A_1624 : vector<1x1x128xi32> to vector<8x128x128xi32>
      %eq3A_1627 = arith.cmpi eq, %eq3A_1625, %eq3A_1626 : vector<8x128x128xi32>
      %jit3A_1628 = arith.constant 0 : i32
      %broadcast_in_dim3A_1629 = vector.shape_cast %add3A_1621 : vector<8x128x1xi32> to vector<8x128x1xi32>
      %broadcast_in_dim3A_1630 = vector.broadcast %broadcast_in_dim3A_1629 : vector<8x128x1xi32> to vector<8x128x128xi32>
      %broadcast_in_dim3A_1631 = vector.broadcast %jit3A_1628 : i32 to vector<8x128x128xi32>
      %select_n3A_1632 = arith.select %eq3A_1627, %broadcast_in_dim3A_1630, %broadcast_in_dim3A_1631 : vector<8x128x128xi1>, vector<8x128x128xi32>
      %reduce_sum3A_1633 = arith.constant dense<0> : vector<128x128xi32>
      %reduce_sum3A_1634 = vector.multi_reduction <add>, %select_n3A_1632, %reduce_sum3A_1633 [0] : vector<8x128x128xi32> to vector<128x128xi32>
      %reduce_sum3A_1635 = arith.constant dense<0> : vector<128xi32>
      %reduce_sum3A_1636 = vector.multi_reduction <add>, %reduce_sum3A_1634, %reduce_sum3A_1635 [0] : vector<128x128xi32> to vector<128xi32>
      %broadcast_in_dim3A_1637 = vector.shape_cast %reduce_sum3A_1636 : vector<128xi32> to vector<1x128xi32>
      %add3A_1638 = arith.addi %while3A_1604, %broadcast_in_dim3A_1637 : vector<1x128xi32>
      %jit3A_1639 = arith.constant 0 : i32
      %broadcast_in_dim3A_1640 = vector.shape_cast %reshape3A_1617 : vector<8x128x1xi32> to vector<8x128x1xi32>
      %broadcast_in_dim3A_1641 = vector.broadcast %broadcast_in_dim3A_1640 : vector<8x128x1xi32> to vector<8x128x128xi32>
      %broadcast_in_dim3A_1642 = vector.broadcast %jit3A_1639 : i32 to vector<8x128x128xi32>
      %select_n3A_1643 = arith.select %eq3A_1627, %broadcast_in_dim3A_1641, %broadcast_in_dim3A_1642 : vector<8x128x128xi1>, vector<8x128x128xi32>
      %reduce_sum3A_1644 = arith.constant dense<0> : vector<128x128xi32>
      %reduce_sum3A_1645 = vector.multi_reduction <add>, %select_n3A_1643, %reduce_sum3A_1644 [0] : vector<8x128x128xi32> to vector<128x128xi32>
      %reduce_sum3A_1646 = arith.constant dense<0> : vector<128xi32>
      %reduce_sum3A_1647 = vector.multi_reduction <add>, %reduce_sum3A_1645, %reduce_sum3A_1646 [0] : vector<128x128xi32> to vector<128xi32>
      %broadcast_in_dim3A_1648 = vector.shape_cast %reduce_sum3A_1647 : vector<128xi32> to vector<1x128xi32>
      %add3A_1649 = arith.addi %while3A_1605, %broadcast_in_dim3A_1648 : vector<1x128xi32>
      scf.yield %add3A_1638, %add3A_1649 : vector<1x128xi32>, vector<1x128xi32>
    }
    %swap3A_337 = arith.constant 2 : index
    %swap3A_338 = arith.constant 0 : index
    %swap3A_339 = arith.constant 0 : index
    %swap3A_340 = vector.load %arg3[%swap3A_337, %swap3A_338, %swap3A_339] : memref<18x1x128xi32, #tpu.memory_space<vmem>>, vector<1x1x128xi32>
    %swap3A_341 = vector.shape_cast %swap3A_340 : vector<1x1x128xi32> to vector<1x128xi32>
    %swap3A_342 = vector.shape_cast %while3A_336#1 : vector<1x128xi32> to vector<1x1x128xi32>
    tpu.vector_store %arg3[%swap3A_337, %swap3A_338, %swap3A_339], %swap3A_342 {strides = array<i32>} : memref<18x1x128xi32, #tpu.memory_space<vmem>>, vector<1x1x128xi32>,
    %swap3A_343 = arith.constant 2 : index
    %swap3A_344 = arith.constant 0 : index
    %swap3A_345 = arith.constant 0 : index
    %swap3A_346 = vector.load %arg4[%swap3A_343, %swap3A_344, %swap3A_345] : memref<18x1x128xi32, #tpu.memory_space<vmem>>, vector<1x1x128xi32>
    %swap3A_347 = vector.shape_cast %swap3A_346 : vector<1x1x128xi32> to vector<1x128xi32>
    %swap3A_348 = vector.shape_cast %while3A_336#0 : vector<1x128xi32> to vector<1x1x128xi32>
    tpu.vector_store %arg4[%swap3A_343, %swap3A_344, %swap3A_345], %swap3A_348 {strides = array<i32>} : memref<18x1x128xi32, #tpu.memory_space<vmem>>, vector<1x1x128xi32>,
    %while3A_349 = arith.subi %shift_right_logical3A_324, %shift_right_logical3A_309 : i32
    %while3A_350 = arith.addi %shift_right_logical3A_309, %while3A_349 : i32
    %while3A_351 = arith.constant 1 : i32
    %while3A_352 = arith.divsi %while3A_349, %while3A_351 : i32
    %while3A_353 = arith.muli %while3A_352, %while3A_351 : i32
    %while3A_354 = arith.addi %shift_right_logical3A_309, %while3A_353 : i32
    %while3A_355 = arith.constant 1 : i32
    %while3A_356 = scf.for %while3A_1603 = %shift_right_logical3A_309 to %while3A_354 step %while3A_355 iter_args(%while3A_1604 = %broadcast_in_dim3A_326) -> (vector<1x128xi32>)  : i32 {
      %mul3A_1605 = arith.constant 8 : i32
      %mul3A_1606 = arith.muli %while3A_1603, %mul3A_1605 : i32
      %get3A_1607 = arith.index_cast %mul3A_1606 : i32 to index
      %get3A_1608 = arith.constant 0 : index
      %get3A_1609 = vector.load %arg9[%get3A_1607, %get3A_1608] : memref<256x128xi32, #tpu.memory_space<vmem>>, vector<8x128xi32>
      %reshape3A_1610 = vector.shape_cast %get3A_1609 : vector<8x128xi32> to vector<8x128x1xi32>
      %mul3A_1611 = arith.constant 1024 : i32
      %mul3A_1612 = arith.muli %while3A_1603, %mul3A_1611 : i32
      %add3A_1613 = vector.broadcast %mul3A_1612 : i32 to vector<8x128x1xi32>
      %add3A_1614 = arith.addi %add3A_1613, %add3A_90 : vector<8x128x1xi32>
      %add3A_1615 = arith.constant 256 : i32
      %add3A_1616 = vector.broadcast %add3A_1615 : i32 to vector<1x1x128xi32>
      %add3A_1617 = arith.addi %iota3A_91, %add3A_1616 : vector<1x1x128xi32>
      %eq3A_1618 = vector.broadcast %reshape3A_1610 : vector<8x128x1xi32> to vector<8x128x128xi32>
      %eq3A_1619 = vector.broadcast %add3A_1617 : vector<1x1x128xi32> to vector<8x128x128xi32>
      %eq3A_1620 = arith.cmpi eq, %eq3A_1618, %eq3A_1619 : vector<8x128x128xi32>
      %jit3A_1621 = arith.constant 0 : i32
      %broadcast_in_dim3A_1622 = vector.shape_cast %add3A_1614 : vector<8x128x1xi32> to vector<8x128x1xi32>
      %broadcast_in_dim3A_1623 = vector.broadcast %broadcast_in_dim3A_1622 : vector<8x128x1xi32> to vector<8x128x128xi32>
      %broadcast_in_dim3A_1624 = vector.broadcast %jit3A_1621 : i32 to vector<8x128x128xi32>
      %select_n3A_1625 = arith.select %eq3A_1620, %broadcast_in_dim3A_1623, %broadcast_in_dim3A_1624 : vector<8x128x128xi1>, vector<8x128x128xi32>
      %reduce_sum3A_1626 = arith.constant dense<0> : vector<128x128xi32>
      %reduce_sum3A_1627 = vector.multi_reduction <add>, %select_n3A_1625, %reduce_sum3A_1626 [0] : vector<8x128x128xi32> to vector<128x128xi32>
      %reduce_sum3A_1628 = arith.constant dense<0> : vector<128xi32>
      %reduce_sum3A_1629 = vector.multi_reduction <add>, %reduce_sum3A_1627, %reduce_sum3A_1628 [0] : vector<128x128xi32> to vector<128xi32>
      %broadcast_in_dim3A_1630 = vector.shape_cast %reduce_sum3A_1629 : vector<128xi32> to vector<1x128xi32>
      %add3A_1631 = arith.addi %while3A_1604, %broadcast_in_dim3A_1630 : vector<1x128xi32>
      scf.yield %add3A_1631 : vector<1x128xi32>
    }
    %while3A_357 = arith.constant 1 : i32
    %while3A_358 = scf.for %while3A_1603 = %while3A_354 to %while3A_350 step %while3A_357 iter_args(%while3A_1604 = %while3A_356) -> (vector<1x128xi32>)  : i32 {
      %mul3A_1605 = arith.constant 8 : i32
      %mul3A_1606 = arith.muli %while3A_1603, %mul3A_1605 : i32
      %get3A_1607 = arith.index_cast %mul3A_1606 : i32 to index
      %get3A_1608 = arith.constant 0 : index
      %get3A_1609 = vector.load %arg9[%get3A_1607, %get3A_1608] : memref<256x128xi32, #tpu.memory_space<vmem>>, vector<8x128xi32>
      %reshape3A_1610 = vector.shape_cast %get3A_1609 : vector<8x128xi32> to vector<8x128x1xi32>
      %mul3A_1611 = arith.constant 1024 : i32
      %mul3A_1612 = arith.muli %while3A_1603, %mul3A_1611 : i32
      %add3A_1613 = vector.broadcast %mul3A_1612 : i32 to vector<8x128x1xi32>
      %add3A_1614 = arith.addi %add3A_1613, %add3A_90 : vector<8x128x1xi32>
      %add3A_1615 = arith.constant 256 : i32
      %add3A_1616 = vector.broadcast %add3A_1615 : i32 to vector<1x1x128xi32>
      %add3A_1617 = arith.addi %iota3A_91, %add3A_1616 : vector<1x1x128xi32>
      %eq3A_1618 = vector.broadcast %reshape3A_1610 : vector<8x128x1xi32> to vector<8x128x128xi32>
      %eq3A_1619 = vector.broadcast %add3A_1617 : vector<1x1x128xi32> to vector<8x128x128xi32>
      %eq3A_1620 = arith.cmpi eq, %eq3A_1618, %eq3A_1619 : vector<8x128x128xi32>
      %jit3A_1621 = arith.constant 0 : i32
      %broadcast_in_dim3A_1622 = vector.shape_cast %add3A_1614 : vector<8x128x1xi32> to vector<8x128x1xi32>
      %broadcast_in_dim3A_1623 = vector.broadcast %broadcast_in_dim3A_1622 : vector<8x128x1xi32> to vector<8x128x128xi32>
      %broadcast_in_dim3A_1624 = vector.broadcast %jit3A_1621 : i32 to vector<8x128x128xi32>
      %select_n3A_1625 = arith.select %eq3A_1620, %broadcast_in_dim3A_1623, %broadcast_in_dim3A_1624 : vector<8x128x128xi1>, vector<8x128x128xi32>
      %reduce_sum3A_1626 = arith.constant dense<0> : vector<128x128xi32>
      %reduce_sum3A_1627 = vector.multi_reduction <add>, %select_n3A_1625, %reduce_sum3A_1626 [0] : vector<8x128x128xi32> to vector<128x128xi32>
      %reduce_sum3A_1628 = arith.constant dense<0> : vector<128xi32>
      %reduce_sum3A_1629 = vector.multi_reduction <add>, %reduce_sum3A_1627, %reduce_sum3A_1628 [0] : vector<128x128xi32> to vector<128xi32>
      %broadcast_in_dim3A_1630 = vector.shape_cast %reduce_sum3A_1629 : vector<128xi32> to vector<1x128xi32>
      %add3A_1631 = arith.addi %while3A_1604, %broadcast_in_dim3A_1630 : vector<1x128xi32>
      scf.yield %add3A_1631 : vector<1x128xi32>
    }
    %swap3A_359 = arith.constant 2 : index
    %swap3A_360 = arith.constant 0 : index
    %swap3A_361 = arith.constant 0 : index
    %swap3A_362 = vector.load %arg5[%swap3A_359, %swap3A_360, %swap3A_361] : memref<18x1x128xi32, #tpu.memory_space<vmem>>, vector<1x1x128xi32>
    %swap3A_363 = vector.shape_cast %swap3A_362 : vector<1x1x128xi32> to vector<1x128xi32>
    %swap3A_364 = vector.shape_cast %while3A_358 : vector<1x128xi32> to vector<1x1x128xi32>
    tpu.vector_store %arg5[%swap3A_359, %swap3A_360, %swap3A_361], %swap3A_364 {strides = array<i32>} : memref<18x1x128xi32, #tpu.memory_space<vmem>>, vector<1x1x128xi32>,
    %le3A_365 = arith.constant 3.840000e+02 : f32
    %le3A_366 = vector.broadcast %le3A_365 : f32 to vector<256x1xf32>
    %le3A_367 = arith.cmpf ole, %add3A, %le3A_366 : vector<256x1xf32>
    %convert_element_type3A_368 = arith.extui %le3A_367 : vector<256x1xi1> to vector<256x1xi32>
    %reduce_sum3A_369 = vector.shape_cast %convert_element_type3A_368 : vector<256x1xi32> to vector<1x256x1xi32>
    %reduce_sum3A_370 = arith.constant dense<0> : vector<1xi32>
    %reduce_sum3A_371 = vector.multi_reduction <add>, %reduce_sum3A_369, %reduce_sum3A_370 [1, 2] : vector<1x256x1xi32> to vector<1xi32>
    %reduce_sum3A_372 = vector.shape_cast %reduce_sum3A_371 : vector<1xi32> to vector<1x1x1xi32>
    %reduce_sum3A_373 = vector.extract %reduce_sum3A_372[0, 0, 0] : i32 from vector<1x1x1xi32>
    %shift_right_logical3A_374 = arith.constant 3 : i32
    %shift_right_logical3A_375 = arith.shrui %reduce_sum3A_373, %shift_right_logical3A_374 : i32
    %add3A_376 = arith.constant 3.840000e+02 : f32
    %add3A_377 = arith.constant 1.280000e+02 : f32
    %add3A_378 = arith.addf %add3A_376, %add3A_377 : f32
    %lt3A_379 = vector.broadcast %add3A_378 : f32 to vector<256x1xf32>
    %lt3A_380 = arith.cmpf olt, %dot_general3A_63, %lt3A_379 : vector<256x1xf32>
    %convert_element_type3A_381 = arith.extui %lt3A_380 : vector<256x1xi1> to vector<256x1xi32>
    %reduce_sum3A_382 = vector.shape_cast %convert_element_type3A_381 : vector<256x1xi32> to vector<1x256x1xi32>
    %reduce_sum3A_383 = arith.constant dense<0> : vector<1xi32>
    %reduce_sum3A_384 = vector.multi_reduction <add>, %reduce_sum3A_382, %reduce_sum3A_383 [1, 2] : vector<1x256x1xi32> to vector<1xi32>
    %reduce_sum3A_385 = vector.shape_cast %reduce_sum3A_384 : vector<1xi32> to vector<1x1x1xi32>
    %reduce_sum3A_386 = vector.extract %reduce_sum3A_385[0, 0, 0] : i32 from vector<1x1x1xi32>
    %add3A_387 = arith.constant 7 : i32
    %add3A_388 = arith.addi %reduce_sum3A_386, %add3A_387 : i32
    %shift_right_logical3A_389 = arith.constant 3 : i32
    %shift_right_logical3A_390 = arith.shrui %add3A_388, %shift_right_logical3A_389 : i32
    %le3A_391 = arith.constant 3.840000e+02 : f32
    %le3A_392 = vector.broadcast %le3A_391 : f32 to vector<256x1xf32>
    %le3A_393 = arith.cmpf ole, %add3A_66, %le3A_392 : vector<256x1xf32>
    %convert_element_type3A_394 = arith.extui %le3A_393 : vector<256x1xi1> to vector<256x1xi32>
    %reduce_sum3A_395 = vector.shape_cast %convert_element_type3A_394 : vector<256x1xi32> to vector<1x256x1xi32>
    %reduce_sum3A_396 = arith.constant dense<0> : vector<1xi32>
    %reduce_sum3A_397 = vector.multi_reduction <add>, %reduce_sum3A_395, %reduce_sum3A_396 [1, 2] : vector<1x256x1xi32> to vector<1xi32>
    %reduce_sum3A_398 = vector.shape_cast %reduce_sum3A_397 : vector<1xi32> to vector<1x1x1xi32>
    %reduce_sum3A_399 = vector.extract %reduce_sum3A_398[0, 0, 0] : i32 from vector<1x1x1xi32>
    %shift_right_logical3A_400 = arith.constant 3 : i32
    %shift_right_logical3A_401 = arith.shrui %reduce_sum3A_399, %shift_right_logical3A_400 : i32
    %add3A_402 = arith.constant 3.840000e+02 : f32
    %add3A_403 = arith.constant 1.280000e+02 : f32
    %add3A_404 = arith.addf %add3A_402, %add3A_403 : f32
    %lt3A_405 = vector.broadcast %add3A_404 : f32 to vector<256x1xf32>
    %lt3A_406 = arith.cmpf olt, %dot_general3A_65, %lt3A_405 : vector<256x1xf32>
    %convert_element_type3A_407 = arith.extui %lt3A_406 : vector<256x1xi1> to vector<256x1xi32>
    %reduce_sum3A_408 = vector.shape_cast %convert_element_type3A_407 : vector<256x1xi32> to vector<1x256x1xi32>
    %reduce_sum3A_409 = arith.constant dense<0> : vector<1xi32>
    %reduce_sum3A_410 = vector.multi_reduction <add>, %reduce_sum3A_408, %reduce_sum3A_409 [1, 2] : vector<1x256x1xi32> to vector<1xi32>
    %reduce_sum3A_411 = vector.shape_cast %reduce_sum3A_410 : vector<1xi32> to vector<1x1x1xi32>
    %reduce_sum3A_412 = vector.extract %reduce_sum3A_411[0, 0, 0] : i32 from vector<1x1x1xi32>
    %add3A_413 = arith.constant 7 : i32
    %add3A_414 = arith.addi %reduce_sum3A_412, %add3A_413 : i32
    %shift_right_logical3A_415 = arith.constant 3 : i32
    %shift_right_logical3A_416 = arith.shrui %add3A_414, %shift_right_logical3A_415 : i32
    %broadcast_in_dim3A_417 = arith.constant 0 : i32
    %broadcast_in_dim3A_418 = vector.broadcast %broadcast_in_dim3A_417 : i32 to vector<1x128xi32>
    %while3A_419 = arith.subi %shift_right_logical3A_390, %shift_right_logical3A_375 : i32
    %while3A_420 = arith.addi %shift_right_logical3A_375, %while3A_419 : i32
    %while3A_421 = arith.constant 1 : i32
    %while3A_422 = arith.divsi %while3A_419, %while3A_421 : i32
    %while3A_423 = arith.muli %while3A_422, %while3A_421 : i32
    %while3A_424 = arith.addi %shift_right_logical3A_375, %while3A_423 : i32
    %while3A_425 = arith.constant 1 : i32
    %while3A_426:2 = scf.for %while3A_1603 = %shift_right_logical3A_375 to %while3A_424 step %while3A_425 iter_args(%while3A_1604 = %broadcast_in_dim3A_418, %while3A_1605 = %broadcast_in_dim3A_418) -> (vector<1x128xi32>, vector<1x128xi32>)  : i32 {
      %mul3A_1606 = arith.constant 8 : i32
      %mul3A_1607 = arith.muli %while3A_1603, %mul3A_1606 : i32
      %get3A_1608 = arith.index_cast %mul3A_1607 : i32 to index
      %get3A_1609 = arith.constant 0 : index
      %get3A_1610 = vector.load %arg8[%get3A_1608, %get3A_1609] : memref<256x128xi32, #tpu.memory_space<vmem>>, vector<8x128xi32>
      %reshape3A_1611 = vector.shape_cast %get3A_1610 : vector<8x128xi32> to vector<8x128x1xi32>
      %mul3A_1612 = arith.constant 8 : i32
      %mul3A_1613 = arith.muli %while3A_1603, %mul3A_1612 : i32
      %get3A_1614 = arith.index_cast %mul3A_1613 : i32 to index
      %get3A_1615 = arith.constant 0 : index
      %get3A_1616 = vector.load %arg7[%get3A_1614, %get3A_1615] : memref<256x128xi32, #tpu.memory_space<vmem>>, vector<8x128xi32>
      %reshape3A_1617 = vector.shape_cast %get3A_1616 : vector<8x128xi32> to vector<8x128x1xi32>
      %mul3A_1618 = arith.constant 1024 : i32
      %mul3A_1619 = arith.muli %while3A_1603, %mul3A_1618 : i32
      %add3A_1620 = vector.broadcast %mul3A_1619 : i32 to vector<8x128x1xi32>
      %add3A_1621 = arith.addi %add3A_1620, %add3A_90 : vector<8x128x1xi32>
      %add3A_1622 = arith.constant 384 : i32
      %add3A_1623 = vector.broadcast %add3A_1622 : i32 to vector<1x1x128xi32>
      %add3A_1624 = arith.addi %iota3A_91, %add3A_1623 : vector<1x1x128xi32>
      %eq3A_1625 = vector.broadcast %reshape3A_1611 : vector<8x128x1xi32> to vector<8x128x128xi32>
      %eq3A_1626 = vector.broadcast %add3A_1624 : vector<1x1x128xi32> to vector<8x128x128xi32>
      %eq3A_1627 = arith.cmpi eq, %eq3A_1625, %eq3A_1626 : vector<8x128x128xi32>
      %jit3A_1628 = arith.constant 0 : i32
      %broadcast_in_dim3A_1629 = vector.shape_cast %add3A_1621 : vector<8x128x1xi32> to vector<8x128x1xi32>
      %broadcast_in_dim3A_1630 = vector.broadcast %broadcast_in_dim3A_1629 : vector<8x128x1xi32> to vector<8x128x128xi32>
      %broadcast_in_dim3A_1631 = vector.broadcast %jit3A_1628 : i32 to vector<8x128x128xi32>
      %select_n3A_1632 = arith.select %eq3A_1627, %broadcast_in_dim3A_1630, %broadcast_in_dim3A_1631 : vector<8x128x128xi1>, vector<8x128x128xi32>
      %reduce_sum3A_1633 = arith.constant dense<0> : vector<128x128xi32>
      %reduce_sum3A_1634 = vector.multi_reduction <add>, %select_n3A_1632, %reduce_sum3A_1633 [0] : vector<8x128x128xi32> to vector<128x128xi32>
      %reduce_sum3A_1635 = arith.constant dense<0> : vector<128xi32>
      %reduce_sum3A_1636 = vector.multi_reduction <add>, %reduce_sum3A_1634, %reduce_sum3A_1635 [0] : vector<128x128xi32> to vector<128xi32>
      %broadcast_in_dim3A_1637 = vector.shape_cast %reduce_sum3A_1636 : vector<128xi32> to vector<1x128xi32>
      %add3A_1638 = arith.addi %while3A_1604, %broadcast_in_dim3A_1637 : vector<1x128xi32>
      %jit3A_1639 = arith.constant 0 : i32
      %broadcast_in_dim3A_1640 = vector.shape_cast %reshape3A_1617 : vector<8x128x1xi32> to vector<8x128x1xi32>
      %broadcast_in_dim3A_1641 = vector.broadcast %broadcast_in_dim3A_1640 : vector<8x128x1xi32> to vector<8x128x128xi32>
      %broadcast_in_dim3A_1642 = vector.broadcast %jit3A_1639 : i32 to vector<8x128x128xi32>
      %select_n3A_1643 = arith.select %eq3A_1627, %broadcast_in_dim3A_1641, %broadcast_in_dim3A_1642 : vector<8x128x128xi1>, vector<8x128x128xi32>
      %reduce_sum3A_1644 = arith.constant dense<0> : vector<128x128xi32>
      %reduce_sum3A_1645 = vector.multi_reduction <add>, %select_n3A_1643, %reduce_sum3A_1644 [0] : vector<8x128x128xi32> to vector<128x128xi32>
      %reduce_sum3A_1646 = arith.constant dense<0> : vector<128xi32>
      %reduce_sum3A_1647 = vector.multi_reduction <add>, %reduce_sum3A_1645, %reduce_sum3A_1646 [0] : vector<128x128xi32> to vector<128xi32>
      %broadcast_in_dim3A_1648 = vector.shape_cast %reduce_sum3A_1647 : vector<128xi32> to vector<1x128xi32>
      %add3A_1649 = arith.addi %while3A_1605, %broadcast_in_dim3A_1648 : vector<1x128xi32>
      scf.yield %add3A_1638, %add3A_1649 : vector<1x128xi32>, vector<1x128xi32>
    }
    %while3A_427 = arith.constant 1 : i32
    %while3A_428:2 = scf.for %while3A_1603 = %while3A_424 to %while3A_420 step %while3A_427 iter_args(%while3A_1604 = %while3A_426#0, %while3A_1605 = %while3A_426#1) -> (vector<1x128xi32>, vector<1x128xi32>)  : i32 {
      %mul3A_1606 = arith.constant 8 : i32
      %mul3A_1607 = arith.muli %while3A_1603, %mul3A_1606 : i32
      %get3A_1608 = arith.index_cast %mul3A_1607 : i32 to index
      %get3A_1609 = arith.constant 0 : index
      %get3A_1610 = vector.load %arg8[%get3A_1608, %get3A_1609] : memref<256x128xi32, #tpu.memory_space<vmem>>, vector<8x128xi32>
      %reshape3A_1611 = vector.shape_cast %get3A_1610 : vector<8x128xi32> to vector<8x128x1xi32>
      %mul3A_1612 = arith.constant 8 : i32
      %mul3A_1613 = arith.muli %while3A_1603, %mul3A_1612 : i32
      %get3A_1614 = arith.index_cast %mul3A_1613 : i32 to index
      %get3A_1615 = arith.constant 0 : index
      %get3A_1616 = vector.load %arg7[%get3A_1614, %get3A_1615] : memref<256x128xi32, #tpu.memory_space<vmem>>, vector<8x128xi32>
      %reshape3A_1617 = vector.shape_cast %get3A_1616 : vector<8x128xi32> to vector<8x128x1xi32>
      %mul3A_1618 = arith.constant 1024 : i32
      %mul3A_1619 = arith.muli %while3A_1603, %mul3A_1618 : i32
      %add3A_1620 = vector.broadcast %mul3A_1619 : i32 to vector<8x128x1xi32>
      %add3A_1621 = arith.addi %add3A_1620, %add3A_90 : vector<8x128x1xi32>
      %add3A_1622 = arith.constant 384 : i32
      %add3A_1623 = vector.broadcast %add3A_1622 : i32 to vector<1x1x128xi32>
      %add3A_1624 = arith.addi %iota3A_91, %add3A_1623 : vector<1x1x128xi32>
      %eq3A_1625 = vector.broadcast %reshape3A_1611 : vector<8x128x1xi32> to vector<8x128x128xi32>
      %eq3A_1626 = vector.broadcast %add3A_1624 : vector<1x1x128xi32> to vector<8x128x128xi32>
      %eq3A_1627 = arith.cmpi eq, %eq3A_1625, %eq3A_1626 : vector<8x128x128xi32>
      %jit3A_1628 = arith.constant 0 : i32
      %broadcast_in_dim3A_1629 = vector.shape_cast %add3A_1621 : vector<8x128x1xi32> to vector<8x128x1xi32>
      %broadcast_in_dim3A_1630 = vector.broadcast %broadcast_in_dim3A_1629 : vector<8x128x1xi32> to vector<8x128x128xi32>
      %broadcast_in_dim3A_1631 = vector.broadcast %jit3A_1628 : i32 to vector<8x128x128xi32>
      %select_n3A_1632 = arith.select %eq3A_1627, %broadcast_in_dim3A_1630, %broadcast_in_dim3A_1631 : vector<8x128x128xi1>, vector<8x128x128xi32>
      %reduce_sum3A_1633 = arith.constant dense<0> : vector<128x128xi32>
      %reduce_sum3A_1634 = vector.multi_reduction <add>, %select_n3A_1632, %reduce_sum3A_1633 [0] : vector<8x128x128xi32> to vector<128x128xi32>
      %reduce_sum3A_1635 = arith.constant dense<0> : vector<128xi32>
      %reduce_sum3A_1636 = vector.multi_reduction <add>, %reduce_sum3A_1634, %reduce_sum3A_1635 [0] : vector<128x128xi32> to vector<128xi32>
      %broadcast_in_dim3A_1637 = vector.shape_cast %reduce_sum3A_1636 : vector<128xi32> to vector<1x128xi32>
      %add3A_1638 = arith.addi %while3A_1604, %broadcast_in_dim3A_1637 : vector<1x128xi32>
      %jit3A_1639 = arith.constant 0 : i32
      %broadcast_in_dim3A_1640 = vector.shape_cast %reshape3A_1617 : vector<8x128x1xi32> to vector<8x128x1xi32>
      %broadcast_in_dim3A_1641 = vector.broadcast %broadcast_in_dim3A_1640 : vector<8x128x1xi32> to vector<8x128x128xi32>
      %broadcast_in_dim3A_1642 = vector.broadcast %jit3A_1639 : i32 to vector<8x128x128xi32>
      %select_n3A_1643 = arith.select %eq3A_1627, %broadcast_in_dim3A_1641, %broadcast_in_dim3A_1642 : vector<8x128x128xi1>, vector<8x128x128xi32>
      %reduce_sum3A_1644 = arith.constant dense<0> : vector<128x128xi32>
      %reduce_sum3A_1645 = vector.multi_reduction <add>, %select_n3A_1643, %reduce_sum3A_1644 [0] : vector<8x128x128xi32> to vector<128x128xi32>
      %reduce_sum3A_1646 = arith.constant dense<0> : vector<128xi32>
      %reduce_sum3A_1647 = vector.multi_reduction <add>, %reduce_sum3A_1645, %reduce_sum3A_1646 [0] : vector<128x128xi32> to vector<128xi32>
      %broadcast_in_dim3A_1648 = vector.shape_cast %reduce_sum3A_1647 : vector<128xi32> to vector<1x128xi32>
      %add3A_1649 = arith.addi %while3A_1605, %broadcast_in_dim3A_1648 : vector<1x128xi32>
      scf.yield %add3A_1638, %add3A_1649 : vector<1x128xi32>, vector<1x128xi32>
    }
    %swap3A_429 = arith.constant 3 : index
    %swap3A_430 = arith.constant 0 : index
    %swap3A_431 = arith.constant 0 : index
    %swap3A_432 = vector.load %arg3[%swap3A_429, %swap3A_430, %swap3A_431] : memref<18x1x128xi32, #tpu.memory_space<vmem>>, vector<1x1x128xi32>
    %swap3A_433 = vector.shape_cast %swap3A_432 : vector<1x1x128xi32> to vector<1x128xi32>
    %swap3A_434 = vector.shape_cast %while3A_428#1 : vector<1x128xi32> to vector<1x1x128xi32>
    tpu.vector_store %arg3[%swap3A_429, %swap3A_430, %swap3A_431], %swap3A_434 {strides = array<i32>} : memref<18x1x128xi32, #tpu.memory_space<vmem>>, vector<1x1x128xi32>,
    %swap3A_435 = arith.constant 3 : index
    %swap3A_436 = arith.constant 0 : index
    %swap3A_437 = arith.constant 0 : index
    %swap3A_438 = vector.load %arg4[%swap3A_435, %swap3A_436, %swap3A_437] : memref<18x1x128xi32, #tpu.memory_space<vmem>>, vector<1x1x128xi32>
    %swap3A_439 = vector.shape_cast %swap3A_438 : vector<1x1x128xi32> to vector<1x128xi32>
    %swap3A_440 = vector.shape_cast %while3A_428#0 : vector<1x128xi32> to vector<1x1x128xi32>
    tpu.vector_store %arg4[%swap3A_435, %swap3A_436, %swap3A_437], %swap3A_440 {strides = array<i32>} : memref<18x1x128xi32, #tpu.memory_space<vmem>>, vector<1x1x128xi32>,
    %while3A_441 = arith.subi %shift_right_logical3A_416, %shift_right_logical3A_401 : i32
    %while3A_442 = arith.addi %shift_right_logical3A_401, %while3A_441 : i32
    %while3A_443 = arith.constant 1 : i32
    %while3A_444 = arith.divsi %while3A_441, %while3A_443 : i32
    %while3A_445 = arith.muli %while3A_444, %while3A_443 : i32
    %while3A_446 = arith.addi %shift_right_logical3A_401, %while3A_445 : i32
    %while3A_447 = arith.constant 1 : i32
    %while3A_448 = scf.for %while3A_1603 = %shift_right_logical3A_401 to %while3A_446 step %while3A_447 iter_args(%while3A_1604 = %broadcast_in_dim3A_418) -> (vector<1x128xi32>)  : i32 {
      %mul3A_1605 = arith.constant 8 : i32
      %mul3A_1606 = arith.muli %while3A_1603, %mul3A_1605 : i32
      %get3A_1607 = arith.index_cast %mul3A_1606 : i32 to index
      %get3A_1608 = arith.constant 0 : index
      %get3A_1609 = vector.load %arg9[%get3A_1607, %get3A_1608] : memref<256x128xi32, #tpu.memory_space<vmem>>, vector<8x128xi32>
      %reshape3A_1610 = vector.shape_cast %get3A_1609 : vector<8x128xi32> to vector<8x128x1xi32>
      %mul3A_1611 = arith.constant 1024 : i32
      %mul3A_1612 = arith.muli %while3A_1603, %mul3A_1611 : i32
      %add3A_1613 = vector.broadcast %mul3A_1612 : i32 to vector<8x128x1xi32>
      %add3A_1614 = arith.addi %add3A_1613, %add3A_90 : vector<8x128x1xi32>
      %add3A_1615 = arith.constant 384 : i32
      %add3A_1616 = vector.broadcast %add3A_1615 : i32 to vector<1x1x128xi32>
      %add3A_1617 = arith.addi %iota3A_91, %add3A_1616 : vector<1x1x128xi32>
      %eq3A_1618 = vector.broadcast %reshape3A_1610 : vector<8x128x1xi32> to vector<8x128x128xi32>
      %eq3A_1619 = vector.broadcast %add3A_1617 : vector<1x1x128xi32> to vector<8x128x128xi32>
      %eq3A_1620 = arith.cmpi eq, %eq3A_1618, %eq3A_1619 : vector<8x128x128xi32>
      %jit3A_1621 = arith.constant 0 : i32
      %broadcast_in_dim3A_1622 = vector.shape_cast %add3A_1614 : vector<8x128x1xi32> to vector<8x128x1xi32>
      %broadcast_in_dim3A_1623 = vector.broadcast %broadcast_in_dim3A_1622 : vector<8x128x1xi32> to vector<8x128x128xi32>
      %broadcast_in_dim3A_1624 = vector.broadcast %jit3A_1621 : i32 to vector<8x128x128xi32>
      %select_n3A_1625 = arith.select %eq3A_1620, %broadcast_in_dim3A_1623, %broadcast_in_dim3A_1624 : vector<8x128x128xi1>, vector<8x128x128xi32>
      %reduce_sum3A_1626 = arith.constant dense<0> : vector<128x128xi32>
      %reduce_sum3A_1627 = vector.multi_reduction <add>, %select_n3A_1625, %reduce_sum3A_1626 [0] : vector<8x128x128xi32> to vector<128x128xi32>
      %reduce_sum3A_1628 = arith.constant dense<0> : vector<128xi32>
      %reduce_sum3A_1629 = vector.multi_reduction <add>, %reduce_sum3A_1627, %reduce_sum3A_1628 [0] : vector<128x128xi32> to vector<128xi32>
      %broadcast_in_dim3A_1630 = vector.shape_cast %reduce_sum3A_1629 : vector<128xi32> to vector<1x128xi32>
      %add3A_1631 = arith.addi %while3A_1604, %broadcast_in_dim3A_1630 : vector<1x128xi32>
      scf.yield %add3A_1631 : vector<1x128xi32>
    }
    %while3A_449 = arith.constant 1 : i32
    %while3A_450 = scf.for %while3A_1603 = %while3A_446 to %while3A_442 step %while3A_449 iter_args(%while3A_1604 = %while3A_448) -> (vector<1x128xi32>)  : i32 {
      %mul3A_1605 = arith.constant 8 : i32
      %mul3A_1606 = arith.muli %while3A_1603, %mul3A_1605 : i32
      %get3A_1607 = arith.index_cast %mul3A_1606 : i32 to index
      %get3A_1608 = arith.constant 0 : index
      %get3A_1609 = vector.load %arg9[%get3A_1607, %get3A_1608] : memref<256x128xi32, #tpu.memory_space<vmem>>, vector<8x128xi32>
      %reshape3A_1610 = vector.shape_cast %get3A_1609 : vector<8x128xi32> to vector<8x128x1xi32>
      %mul3A_1611 = arith.constant 1024 : i32
      %mul3A_1612 = arith.muli %while3A_1603, %mul3A_1611 : i32
      %add3A_1613 = vector.broadcast %mul3A_1612 : i32 to vector<8x128x1xi32>
      %add3A_1614 = arith.addi %add3A_1613, %add3A_90 : vector<8x128x1xi32>
      %add3A_1615 = arith.constant 384 : i32
      %add3A_1616 = vector.broadcast %add3A_1615 : i32 to vector<1x1x128xi32>
      %add3A_1617 = arith.addi %iota3A_91, %add3A_1616 : vector<1x1x128xi32>
      %eq3A_1618 = vector.broadcast %reshape3A_1610 : vector<8x128x1xi32> to vector<8x128x128xi32>
      %eq3A_1619 = vector.broadcast %add3A_1617 : vector<1x1x128xi32> to vector<8x128x128xi32>
      %eq3A_1620 = arith.cmpi eq, %eq3A_1618, %eq3A_1619 : vector<8x128x128xi32>
      %jit3A_1621 = arith.constant 0 : i32
      %broadcast_in_dim3A_1622 = vector.shape_cast %add3A_1614 : vector<8x128x1xi32> to vector<8x128x1xi32>
      %broadcast_in_dim3A_1623 = vector.broadcast %broadcast_in_dim3A_1622 : vector<8x128x1xi32> to vector<8x128x128xi32>
      %broadcast_in_dim3A_1624 = vector.broadcast %jit3A_1621 : i32 to vector<8x128x128xi32>
      %select_n3A_1625 = arith.select %eq3A_1620, %broadcast_in_dim3A_1623, %broadcast_in_dim3A_1624 : vector<8x128x128xi1>, vector<8x128x128xi32>
      %reduce_sum3A_1626 = arith.constant dense<0> : vector<128x128xi32>
      %reduce_sum3A_1627 = vector.multi_reduction <add>, %select_n3A_1625, %reduce_sum3A_1626 [0] : vector<8x128x128xi32> to vector<128x128xi32>
      %reduce_sum3A_1628 = arith.constant dense<0> : vector<128xi32>
      %reduce_sum3A_1629 = vector.multi_reduction <add>, %reduce_sum3A_1627, %reduce_sum3A_1628 [0] : vector<128x128xi32> to vector<128xi32>
      %broadcast_in_dim3A_1630 = vector.shape_cast %reduce_sum3A_1629 : vector<128xi32> to vector<1x128xi32>
      %add3A_1631 = arith.addi %while3A_1604, %broadcast_in_dim3A_1630 : vector<1x128xi32>
      scf.yield %add3A_1631 : vector<1x128xi32>
    }
    %swap3A_451 = arith.constant 3 : index
    %swap3A_452 = arith.constant 0 : index
    %swap3A_453 = arith.constant 0 : index
    %swap3A_454 = vector.load %arg5[%swap3A_451, %swap3A_452, %swap3A_453] : memref<18x1x128xi32, #tpu.memory_space<vmem>>, vector<1x1x128xi32>
    %swap3A_455 = vector.shape_cast %swap3A_454 : vector<1x1x128xi32> to vector<1x128xi32>
    %swap3A_456 = vector.shape_cast %while3A_450 : vector<1x128xi32> to vector<1x1x128xi32>
    tpu.vector_store %arg5[%swap3A_451, %swap3A_452, %swap3A_453], %swap3A_456 {strides = array<i32>} : memref<18x1x128xi32, #tpu.memory_space<vmem>>, vector<1x1x128xi32>,
    %le3A_457 = arith.constant 5.120000e+02 : f32
    %le3A_458 = vector.broadcast %le3A_457 : f32 to vector<256x1xf32>
    %le3A_459 = arith.cmpf ole, %add3A, %le3A_458 : vector<256x1xf32>
    %convert_element_type3A_460 = arith.extui %le3A_459 : vector<256x1xi1> to vector<256x1xi32>
    %reduce_sum3A_461 = vector.shape_cast %convert_element_type3A_460 : vector<256x1xi32> to vector<1x256x1xi32>
    %reduce_sum3A_462 = arith.constant dense<0> : vector<1xi32>
    %reduce_sum3A_463 = vector.multi_reduction <add>, %reduce_sum3A_461, %reduce_sum3A_462 [1, 2] : vector<1x256x1xi32> to vector<1xi32>
    %reduce_sum3A_464 = vector.shape_cast %reduce_sum3A_463 : vector<1xi32> to vector<1x1x1xi32>
    %reduce_sum3A_465 = vector.extract %reduce_sum3A_464[0, 0, 0] : i32 from vector<1x1x1xi32>
    %shift_right_logical3A_466 = arith.constant 3 : i32
    %shift_right_logical3A_467 = arith.shrui %reduce_sum3A_465, %shift_right_logical3A_466 : i32
    %add3A_468 = arith.constant 5.120000e+02 : f32
    %add3A_469 = arith.constant 1.280000e+02 : f32
    %add3A_470 = arith.addf %add3A_468, %add3A_469 : f32
    %lt3A_471 = vector.broadcast %add3A_470 : f32 to vector<256x1xf32>
    %lt3A_472 = arith.cmpf olt, %dot_general3A_63, %lt3A_471 : vector<256x1xf32>
    %convert_element_type3A_473 = arith.extui %lt3A_472 : vector<256x1xi1> to vector<256x1xi32>
    %reduce_sum3A_474 = vector.shape_cast %convert_element_type3A_473 : vector<256x1xi32> to vector<1x256x1xi32>
    %reduce_sum3A_475 = arith.constant dense<0> : vector<1xi32>
    %reduce_sum3A_476 = vector.multi_reduction <add>, %reduce_sum3A_474, %reduce_sum3A_475 [1, 2] : vector<1x256x1xi32> to vector<1xi32>
    %reduce_sum3A_477 = vector.shape_cast %reduce_sum3A_476 : vector<1xi32> to vector<1x1x1xi32>
    %reduce_sum3A_478 = vector.extract %reduce_sum3A_477[0, 0, 0] : i32 from vector<1x1x1xi32>
    %add3A_479 = arith.constant 7 : i32
    %add3A_480 = arith.addi %reduce_sum3A_478, %add3A_479 : i32
    %shift_right_logical3A_481 = arith.constant 3 : i32
    %shift_right_logical3A_482 = arith.shrui %add3A_480, %shift_right_logical3A_481 : i32
    %le3A_483 = arith.constant 5.120000e+02 : f32
    %le3A_484 = vector.broadcast %le3A_483 : f32 to vector<256x1xf32>
    %le3A_485 = arith.cmpf ole, %add3A_66, %le3A_484 : vector<256x1xf32>
    %convert_element_type3A_486 = arith.extui %le3A_485 : vector<256x1xi1> to vector<256x1xi32>
    %reduce_sum3A_487 = vector.shape_cast %convert_element_type3A_486 : vector<256x1xi32> to vector<1x256x1xi32>
    %reduce_sum3A_488 = arith.constant dense<0> : vector<1xi32>
    %reduce_sum3A_489 = vector.multi_reduction <add>, %reduce_sum3A_487, %reduce_sum3A_488 [1, 2] : vector<1x256x1xi32> to vector<1xi32>
    %reduce_sum3A_490 = vector.shape_cast %reduce_sum3A_489 : vector<1xi32> to vector<1x1x1xi32>
    %reduce_sum3A_491 = vector.extract %reduce_sum3A_490[0, 0, 0] : i32 from vector<1x1x1xi32>
    %shift_right_logical3A_492 = arith.constant 3 : i32
    %shift_right_logical3A_493 = arith.shrui %reduce_sum3A_491, %shift_right_logical3A_492 : i32
    %add3A_494 = arith.constant 5.120000e+02 : f32
    %add3A_495 = arith.constant 1.280000e+02 : f32
    %add3A_496 = arith.addf %add3A_494, %add3A_495 : f32
    %lt3A_497 = vector.broadcast %add3A_496 : f32 to vector<256x1xf32>
    %lt3A_498 = arith.cmpf olt, %dot_general3A_65, %lt3A_497 : vector<256x1xf32>
    %convert_element_type3A_499 = arith.extui %lt3A_498 : vector<256x1xi1> to vector<256x1xi32>
    %reduce_sum3A_500 = vector.shape_cast %convert_element_type3A_499 : vector<256x1xi32> to vector<1x256x1xi32>
    %reduce_sum3A_501 = arith.constant dense<0> : vector<1xi32>
    %reduce_sum3A_502 = vector.multi_reduction <add>, %reduce_sum3A_500, %reduce_sum3A_501 [1, 2] : vector<1x256x1xi32> to vector<1xi32>
    %reduce_sum3A_503 = vector.shape_cast %reduce_sum3A_502 : vector<1xi32> to vector<1x1x1xi32>
    %reduce_sum3A_504 = vector.extract %reduce_sum3A_503[0, 0, 0] : i32 from vector<1x1x1xi32>
    %add3A_505 = arith.constant 7 : i32
    %add3A_506 = arith.addi %reduce_sum3A_504, %add3A_505 : i32
    %shift_right_logical3A_507 = arith.constant 3 : i32
    %shift_right_logical3A_508 = arith.shrui %add3A_506, %shift_right_logical3A_507 : i32
    %broadcast_in_dim3A_509 = arith.constant 0 : i32
    %broadcast_in_dim3A_510 = vector.broadcast %broadcast_in_dim3A_509 : i32 to vector<1x128xi32>
    %while3A_511 = arith.subi %shift_right_logical3A_482, %shift_right_logical3A_467 : i32
    %while3A_512 = arith.addi %shift_right_logical3A_467, %while3A_511 : i32
    %while3A_513 = arith.constant 1 : i32
    %while3A_514 = arith.divsi %while3A_511, %while3A_513 : i32
    %while3A_515 = arith.muli %while3A_514, %while3A_513 : i32
    %while3A_516 = arith.addi %shift_right_logical3A_467, %while3A_515 : i32
    %while3A_517 = arith.constant 1 : i32
    %while3A_518:2 = scf.for %while3A_1603 = %shift_right_logical3A_467 to %while3A_516 step %while3A_517 iter_args(%while3A_1604 = %broadcast_in_dim3A_510, %while3A_1605 = %broadcast_in_dim3A_510) -> (vector<1x128xi32>, vector<1x128xi32>)  : i32 {
      %mul3A_1606 = arith.constant 8 : i32
      %mul3A_1607 = arith.muli %while3A_1603, %mul3A_1606 : i32
      %get3A_1608 = arith.index_cast %mul3A_1607 : i32 to index
      %get3A_1609 = arith.constant 0 : index
      %get3A_1610 = vector.load %arg8[%get3A_1608, %get3A_1609] : memref<256x128xi32, #tpu.memory_space<vmem>>, vector<8x128xi32>
      %reshape3A_1611 = vector.shape_cast %get3A_1610 : vector<8x128xi32> to vector<8x128x1xi32>
      %mul3A_1612 = arith.constant 8 : i32
      %mul3A_1613 = arith.muli %while3A_1603, %mul3A_1612 : i32
      %get3A_1614 = arith.index_cast %mul3A_1613 : i32 to index
      %get3A_1615 = arith.constant 0 : index
      %get3A_1616 = vector.load %arg7[%get3A_1614, %get3A_1615] : memref<256x128xi32, #tpu.memory_space<vmem>>, vector<8x128xi32>
      %reshape3A_1617 = vector.shape_cast %get3A_1616 : vector<8x128xi32> to vector<8x128x1xi32>
      %mul3A_1618 = arith.constant 1024 : i32
      %mul3A_1619 = arith.muli %while3A_1603, %mul3A_1618 : i32
      %add3A_1620 = vector.broadcast %mul3A_1619 : i32 to vector<8x128x1xi32>
      %add3A_1621 = arith.addi %add3A_1620, %add3A_90 : vector<8x128x1xi32>
      %add3A_1622 = arith.constant 512 : i32
      %add3A_1623 = vector.broadcast %add3A_1622 : i32 to vector<1x1x128xi32>
      %add3A_1624 = arith.addi %iota3A_91, %add3A_1623 : vector<1x1x128xi32>
      %eq3A_1625 = vector.broadcast %reshape3A_1611 : vector<8x128x1xi32> to vector<8x128x128xi32>
      %eq3A_1626 = vector.broadcast %add3A_1624 : vector<1x1x128xi32> to vector<8x128x128xi32>
      %eq3A_1627 = arith.cmpi eq, %eq3A_1625, %eq3A_1626 : vector<8x128x128xi32>
      %jit3A_1628 = arith.constant 0 : i32
      %broadcast_in_dim3A_1629 = vector.shape_cast %add3A_1621 : vector<8x128x1xi32> to vector<8x128x1xi32>
      %broadcast_in_dim3A_1630 = vector.broadcast %broadcast_in_dim3A_1629 : vector<8x128x1xi32> to vector<8x128x128xi32>
      %broadcast_in_dim3A_1631 = vector.broadcast %jit3A_1628 : i32 to vector<8x128x128xi32>
      %select_n3A_1632 = arith.select %eq3A_1627, %broadcast_in_dim3A_1630, %broadcast_in_dim3A_1631 : vector<8x128x128xi1>, vector<8x128x128xi32>
      %reduce_sum3A_1633 = arith.constant dense<0> : vector<128x128xi32>
      %reduce_sum3A_1634 = vector.multi_reduction <add>, %select_n3A_1632, %reduce_sum3A_1633 [0] : vector<8x128x128xi32> to vector<128x128xi32>
      %reduce_sum3A_1635 = arith.constant dense<0> : vector<128xi32>
      %reduce_sum3A_1636 = vector.multi_reduction <add>, %reduce_sum3A_1634, %reduce_sum3A_1635 [0] : vector<128x128xi32> to vector<128xi32>
      %broadcast_in_dim3A_1637 = vector.shape_cast %reduce_sum3A_1636 : vector<128xi32> to vector<1x128xi32>
      %add3A_1638 = arith.addi %while3A_1604, %broadcast_in_dim3A_1637 : vector<1x128xi32>
      %jit3A_1639 = arith.constant 0 : i32
      %broadcast_in_dim3A_1640 = vector.shape_cast %reshape3A_1617 : vector<8x128x1xi32> to vector<8x128x1xi32>
      %broadcast_in_dim3A_1641 = vector.broadcast %broadcast_in_dim3A_1640 : vector<8x128x1xi32> to vector<8x128x128xi32>
      %broadcast_in_dim3A_1642 = vector.broadcast %jit3A_1639 : i32 to vector<8x128x128xi32>
      %select_n3A_1643 = arith.select %eq3A_1627, %broadcast_in_dim3A_1641, %broadcast_in_dim3A_1642 : vector<8x128x128xi1>, vector<8x128x128xi32>
      %reduce_sum3A_1644 = arith.constant dense<0> : vector<128x128xi32>
      %reduce_sum3A_1645 = vector.multi_reduction <add>, %select_n3A_1643, %reduce_sum3A_1644 [0] : vector<8x128x128xi32> to vector<128x128xi32>
      %reduce_sum3A_1646 = arith.constant dense<0> : vector<128xi32>
      %reduce_sum3A_1647 = vector.multi_reduction <add>, %reduce_sum3A_1645, %reduce_sum3A_1646 [0] : vector<128x128xi32> to vector<128xi32>
      %broadcast_in_dim3A_1648 = vector.shape_cast %reduce_sum3A_1647 : vector<128xi32> to vector<1x128xi32>
      %add3A_1649 = arith.addi %while3A_1605, %broadcast_in_dim3A_1648 : vector<1x128xi32>
      scf.yield %add3A_1638, %add3A_1649 : vector<1x128xi32>, vector<1x128xi32>
    }
    %while3A_519 = arith.constant 1 : i32
    %while3A_520:2 = scf.for %while3A_1603 = %while3A_516 to %while3A_512 step %while3A_519 iter_args(%while3A_1604 = %while3A_518#0, %while3A_1605 = %while3A_518#1) -> (vector<1x128xi32>, vector<1x128xi32>)  : i32 {
      %mul3A_1606 = arith.constant 8 : i32
      %mul3A_1607 = arith.muli %while3A_1603, %mul3A_1606 : i32
      %get3A_1608 = arith.index_cast %mul3A_1607 : i32 to index
      %get3A_1609 = arith.constant 0 : index
      %get3A_1610 = vector.load %arg8[%get3A_1608, %get3A_1609] : memref<256x128xi32, #tpu.memory_space<vmem>>, vector<8x128xi32>
      %reshape3A_1611 = vector.shape_cast %get3A_1610 : vector<8x128xi32> to vector<8x128x1xi32>
      %mul3A_1612 = arith.constant 8 : i32
      %mul3A_1613 = arith.muli %while3A_1603, %mul3A_1612 : i32
      %get3A_1614 = arith.index_cast %mul3A_1613 : i32 to index
      %get3A_1615 = arith.constant 0 : index
      %get3A_1616 = vector.load %arg7[%get3A_1614, %get3A_1615] : memref<256x128xi32, #tpu.memory_space<vmem>>, vector<8x128xi32>
      %reshape3A_1617 = vector.shape_cast %get3A_1616 : vector<8x128xi32> to vector<8x128x1xi32>
      %mul3A_1618 = arith.constant 1024 : i32
      %mul3A_1619 = arith.muli %while3A_1603, %mul3A_1618 : i32
      %add3A_1620 = vector.broadcast %mul3A_1619 : i32 to vector<8x128x1xi32>
      %add3A_1621 = arith.addi %add3A_1620, %add3A_90 : vector<8x128x1xi32>
      %add3A_1622 = arith.constant 512 : i32
      %add3A_1623 = vector.broadcast %add3A_1622 : i32 to vector<1x1x128xi32>
      %add3A_1624 = arith.addi %iota3A_91, %add3A_1623 : vector<1x1x128xi32>
      %eq3A_1625 = vector.broadcast %reshape3A_1611 : vector<8x128x1xi32> to vector<8x128x128xi32>
      %eq3A_1626 = vector.broadcast %add3A_1624 : vector<1x1x128xi32> to vector<8x128x128xi32>
      %eq3A_1627 = arith.cmpi eq, %eq3A_1625, %eq3A_1626 : vector<8x128x128xi32>
      %jit3A_1628 = arith.constant 0 : i32
      %broadcast_in_dim3A_1629 = vector.shape_cast %add3A_1621 : vector<8x128x1xi32> to vector<8x128x1xi32>
      %broadcast_in_dim3A_1630 = vector.broadcast %broadcast_in_dim3A_1629 : vector<8x128x1xi32> to vector<8x128x128xi32>
      %broadcast_in_dim3A_1631 = vector.broadcast %jit3A_1628 : i32 to vector<8x128x128xi32>
      %select_n3A_1632 = arith.select %eq3A_1627, %broadcast_in_dim3A_1630, %broadcast_in_dim3A_1631 : vector<8x128x128xi1>, vector<8x128x128xi32>
      %reduce_sum3A_1633 = arith.constant dense<0> : vector<128x128xi32>
      %reduce_sum3A_1634 = vector.multi_reduction <add>, %select_n3A_1632, %reduce_sum3A_1633 [0] : vector<8x128x128xi32> to vector<128x128xi32>
      %reduce_sum3A_1635 = arith.constant dense<0> : vector<128xi32>
      %reduce_sum3A_1636 = vector.multi_reduction <add>, %reduce_sum3A_1634, %reduce_sum3A_1635 [0] : vector<128x128xi32> to vector<128xi32>
      %broadcast_in_dim3A_1637 = vector.shape_cast %reduce_sum3A_1636 : vector<128xi32> to vector<1x128xi32>
      %add3A_1638 = arith.addi %while3A_1604, %broadcast_in_dim3A_1637 : vector<1x128xi32>
      %jit3A_1639 = arith.constant 0 : i32
      %broadcast_in_dim3A_1640 = vector.shape_cast %reshape3A_1617 : vector<8x128x1xi32> to vector<8x128x1xi32>
      %broadcast_in_dim3A_1641 = vector.broadcast %broadcast_in_dim3A_1640 : vector<8x128x1xi32> to vector<8x128x128xi32>
      %broadcast_in_dim3A_1642 = vector.broadcast %jit3A_1639 : i32 to vector<8x128x128xi32>
      %select_n3A_1643 = arith.select %eq3A_1627, %broadcast_in_dim3A_1641, %broadcast_in_dim3A_1642 : vector<8x128x128xi1>, vector<8x128x128xi32>
      %reduce_sum3A_1644 = arith.constant dense<0> : vector<128x128xi32>
      %reduce_sum3A_1645 = vector.multi_reduction <add>, %select_n3A_1643, %reduce_sum3A_1644 [0] : vector<8x128x128xi32> to vector<128x128xi32>
      %reduce_sum3A_1646 = arith.constant dense<0> : vector<128xi32>
      %reduce_sum3A_1647 = vector.multi_reduction <add>, %reduce_sum3A_1645, %reduce_sum3A_1646 [0] : vector<128x128xi32> to vector<128xi32>
      %broadcast_in_dim3A_1648 = vector.shape_cast %reduce_sum3A_1647 : vector<128xi32> to vector<1x128xi32>
      %add3A_1649 = arith.addi %while3A_1605, %broadcast_in_dim3A_1648 : vector<1x128xi32>
      scf.yield %add3A_1638, %add3A_1649 : vector<1x128xi32>, vector<1x128xi32>
    }
    %swap3A_521 = arith.constant 4 : index
    %swap3A_522 = arith.constant 0 : index
    %swap3A_523 = arith.constant 0 : index
    %swap3A_524 = vector.load %arg3[%swap3A_521, %swap3A_522, %swap3A_523] : memref<18x1x128xi32, #tpu.memory_space<vmem>>, vector<1x1x128xi32>
    %swap3A_525 = vector.shape_cast %swap3A_524 : vector<1x1x128xi32> to vector<1x128xi32>
    %swap3A_526 = vector.shape_cast %while3A_520#1 : vector<1x128xi32> to vector<1x1x128xi32>
    tpu.vector_store %arg3[%swap3A_521, %swap3A_522, %swap3A_523], %swap3A_526 {strides = array<i32>} : memref<18x1x128xi32, #tpu.memory_space<vmem>>, vector<1x1x128xi32>,
    %swap3A_527 = arith.constant 4 : index
    %swap3A_528 = arith.constant 0 : index
    %swap3A_529 = arith.constant 0 : index
    %swap3A_530 = vector.load %arg4[%swap3A_527, %swap3A_528, %swap3A_529] : memref<18x1x128xi32, #tpu.memory_space<vmem>>, vector<1x1x128xi32>
    %swap3A_531 = vector.shape_cast %swap3A_530 : vector<1x1x128xi32> to vector<1x128xi32>
    %swap3A_532 = vector.shape_cast %while3A_520#0 : vector<1x128xi32> to vector<1x1x128xi32>
    tpu.vector_store %arg4[%swap3A_527, %swap3A_528, %swap3A_529], %swap3A_532 {strides = array<i32>} : memref<18x1x128xi32, #tpu.memory_space<vmem>>, vector<1x1x128xi32>,
    %while3A_533 = arith.subi %shift_right_logical3A_508, %shift_right_logical3A_493 : i32
    %while3A_534 = arith.addi %shift_right_logical3A_493, %while3A_533 : i32
    %while3A_535 = arith.constant 1 : i32
    %while3A_536 = arith.divsi %while3A_533, %while3A_535 : i32
    %while3A_537 = arith.muli %while3A_536, %while3A_535 : i32
    %while3A_538 = arith.addi %shift_right_logical3A_493, %while3A_537 : i32
    %while3A_539 = arith.constant 1 : i32
    %while3A_540 = scf.for %while3A_1603 = %shift_right_logical3A_493 to %while3A_538 step %while3A_539 iter_args(%while3A_1604 = %broadcast_in_dim3A_510) -> (vector<1x128xi32>)  : i32 {
      %mul3A_1605 = arith.constant 8 : i32
      %mul3A_1606 = arith.muli %while3A_1603, %mul3A_1605 : i32
      %get3A_1607 = arith.index_cast %mul3A_1606 : i32 to index
      %get3A_1608 = arith.constant 0 : index
      %get3A_1609 = vector.load %arg9[%get3A_1607, %get3A_1608] : memref<256x128xi32, #tpu.memory_space<vmem>>, vector<8x128xi32>
      %reshape3A_1610 = vector.shape_cast %get3A_1609 : vector<8x128xi32> to vector<8x128x1xi32>
      %mul3A_1611 = arith.constant 1024 : i32
      %mul3A_1612 = arith.muli %while3A_1603, %mul3A_1611 : i32
      %add3A_1613 = vector.broadcast %mul3A_1612 : i32 to vector<8x128x1xi32>
      %add3A_1614 = arith.addi %add3A_1613, %add3A_90 : vector<8x128x1xi32>
      %add3A_1615 = arith.constant 512 : i32
      %add3A_1616 = vector.broadcast %add3A_1615 : i32 to vector<1x1x128xi32>
      %add3A_1617 = arith.addi %iota3A_91, %add3A_1616 : vector<1x1x128xi32>
      %eq3A_1618 = vector.broadcast %reshape3A_1610 : vector<8x128x1xi32> to vector<8x128x128xi32>
      %eq3A_1619 = vector.broadcast %add3A_1617 : vector<1x1x128xi32> to vector<8x128x128xi32>
      %eq3A_1620 = arith.cmpi eq, %eq3A_1618, %eq3A_1619 : vector<8x128x128xi32>
      %jit3A_1621 = arith.constant 0 : i32
      %broadcast_in_dim3A_1622 = vector.shape_cast %add3A_1614 : vector<8x128x1xi32> to vector<8x128x1xi32>
      %broadcast_in_dim3A_1623 = vector.broadcast %broadcast_in_dim3A_1622 : vector<8x128x1xi32> to vector<8x128x128xi32>
      %broadcast_in_dim3A_1624 = vector.broadcast %jit3A_1621 : i32 to vector<8x128x128xi32>
      %select_n3A_1625 = arith.select %eq3A_1620, %broadcast_in_dim3A_1623, %broadcast_in_dim3A_1624 : vector<8x128x128xi1>, vector<8x128x128xi32>
      %reduce_sum3A_1626 = arith.constant dense<0> : vector<128x128xi32>
      %reduce_sum3A_1627 = vector.multi_reduction <add>, %select_n3A_1625, %reduce_sum3A_1626 [0] : vector<8x128x128xi32> to vector<128x128xi32>
      %reduce_sum3A_1628 = arith.constant dense<0> : vector<128xi32>
      %reduce_sum3A_1629 = vector.multi_reduction <add>, %reduce_sum3A_1627, %reduce_sum3A_1628 [0] : vector<128x128xi32> to vector<128xi32>
      %broadcast_in_dim3A_1630 = vector.shape_cast %reduce_sum3A_1629 : vector<128xi32> to vector<1x128xi32>
      %add3A_1631 = arith.addi %while3A_1604, %broadcast_in_dim3A_1630 : vector<1x128xi32>
      scf.yield %add3A_1631 : vector<1x128xi32>
    }
    %while3A_541 = arith.constant 1 : i32
    %while3A_542 = scf.for %while3A_1603 = %while3A_538 to %while3A_534 step %while3A_541 iter_args(%while3A_1604 = %while3A_540) -> (vector<1x128xi32>)  : i32 {
      %mul3A_1605 = arith.constant 8 : i32
      %mul3A_1606 = arith.muli %while3A_1603, %mul3A_1605 : i32
      %get3A_1607 = arith.index_cast %mul3A_1606 : i32 to index
      %get3A_1608 = arith.constant 0 : index
      %get3A_1609 = vector.load %arg9[%get3A_1607, %get3A_1608] : memref<256x128xi32, #tpu.memory_space<vmem>>, vector<8x128xi32>
      %reshape3A_1610 = vector.shape_cast %get3A_1609 : vector<8x128xi32> to vector<8x128x1xi32>
      %mul3A_1611 = arith.constant 1024 : i32
      %mul3A_1612 = arith.muli %while3A_1603, %mul3A_1611 : i32
      %add3A_1613 = vector.broadcast %mul3A_1612 : i32 to vector<8x128x1xi32>
      %add3A_1614 = arith.addi %add3A_1613, %add3A_90 : vector<8x128x1xi32>
      %add3A_1615 = arith.constant 512 : i32
      %add3A_1616 = vector.broadcast %add3A_1615 : i32 to vector<1x1x128xi32>
      %add3A_1617 = arith.addi %iota3A_91, %add3A_1616 : vector<1x1x128xi32>
      %eq3A_1618 = vector.broadcast %reshape3A_1610 : vector<8x128x1xi32> to vector<8x128x128xi32>
      %eq3A_1619 = vector.broadcast %add3A_1617 : vector<1x1x128xi32> to vector<8x128x128xi32>
      %eq3A_1620 = arith.cmpi eq, %eq3A_1618, %eq3A_1619 : vector<8x128x128xi32>
      %jit3A_1621 = arith.constant 0 : i32
      %broadcast_in_dim3A_1622 = vector.shape_cast %add3A_1614 : vector<8x128x1xi32> to vector<8x128x1xi32>
      %broadcast_in_dim3A_1623 = vector.broadcast %broadcast_in_dim3A_1622 : vector<8x128x1xi32> to vector<8x128x128xi32>
      %broadcast_in_dim3A_1624 = vector.broadcast %jit3A_1621 : i32 to vector<8x128x128xi32>
      %select_n3A_1625 = arith.select %eq3A_1620, %broadcast_in_dim3A_1623, %broadcast_in_dim3A_1624 : vector<8x128x128xi1>, vector<8x128x128xi32>
      %reduce_sum3A_1626 = arith.constant dense<0> : vector<128x128xi32>
      %reduce_sum3A_1627 = vector.multi_reduction <add>, %select_n3A_1625, %reduce_sum3A_1626 [0] : vector<8x128x128xi32> to vector<128x128xi32>
      %reduce_sum3A_1628 = arith.constant dense<0> : vector<128xi32>
      %reduce_sum3A_1629 = vector.multi_reduction <add>, %reduce_sum3A_1627, %reduce_sum3A_1628 [0] : vector<128x128xi32> to vector<128xi32>
      %broadcast_in_dim3A_1630 = vector.shape_cast %reduce_sum3A_1629 : vector<128xi32> to vector<1x128xi32>
      %add3A_1631 = arith.addi %while3A_1604, %broadcast_in_dim3A_1630 : vector<1x128xi32>
      scf.yield %add3A_1631 : vector<1x128xi32>
    }
    %swap3A_543 = arith.constant 4 : index
    %swap3A_544 = arith.constant 0 : index
    %swap3A_545 = arith.constant 0 : index
    %swap3A_546 = vector.load %arg5[%swap3A_543, %swap3A_544, %swap3A_545] : memref<18x1x128xi32, #tpu.memory_space<vmem>>, vector<1x1x128xi32>
    %swap3A_547 = vector.shape_cast %swap3A_546 : vector<1x1x128xi32> to vector<1x128xi32>
    %swap3A_548 = vector.shape_cast %while3A_542 : vector<1x128xi32> to vector<1x1x128xi32>
    tpu.vector_store %arg5[%swap3A_543, %swap3A_544, %swap3A_545], %swap3A_548 {strides = array<i32>} : memref<18x1x128xi32, #tpu.memory_space<vmem>>, vector<1x1x128xi32>,
    %le3A_549 = arith.constant 6.400000e+02 : f32
    %le3A_550 = vector.broadcast %le3A_549 : f32 to vector<256x1xf32>
    %le3A_551 = arith.cmpf ole, %add3A, %le3A_550 : vector<256x1xf32>
    %convert_element_type3A_552 = arith.extui %le3A_551 : vector<256x1xi1> to vector<256x1xi32>
    %reduce_sum3A_553 = vector.shape_cast %convert_element_type3A_552 : vector<256x1xi32> to vector<1x256x1xi32>
    %reduce_sum3A_554 = arith.constant dense<0> : vector<1xi32>
    %reduce_sum3A_555 = vector.multi_reduction <add>, %reduce_sum3A_553, %reduce_sum3A_554 [1, 2] : vector<1x256x1xi32> to vector<1xi32>
    %reduce_sum3A_556 = vector.shape_cast %reduce_sum3A_555 : vector<1xi32> to vector<1x1x1xi32>
    %reduce_sum3A_557 = vector.extract %reduce_sum3A_556[0, 0, 0] : i32 from vector<1x1x1xi32>
    %shift_right_logical3A_558 = arith.constant 3 : i32
    %shift_right_logical3A_559 = arith.shrui %reduce_sum3A_557, %shift_right_logical3A_558 : i32
    %add3A_560 = arith.constant 6.400000e+02 : f32
    %add3A_561 = arith.constant 1.280000e+02 : f32
    %add3A_562 = arith.addf %add3A_560, %add3A_561 : f32
    %lt3A_563 = vector.broadcast %add3A_562 : f32 to vector<256x1xf32>
    %lt3A_564 = arith.cmpf olt, %dot_general3A_63, %lt3A_563 : vector<256x1xf32>
    %convert_element_type3A_565 = arith.extui %lt3A_564 : vector<256x1xi1> to vector<256x1xi32>
    %reduce_sum3A_566 = vector.shape_cast %convert_element_type3A_565 : vector<256x1xi32> to vector<1x256x1xi32>
    %reduce_sum3A_567 = arith.constant dense<0> : vector<1xi32>
    %reduce_sum3A_568 = vector.multi_reduction <add>, %reduce_sum3A_566, %reduce_sum3A_567 [1, 2] : vector<1x256x1xi32> to vector<1xi32>
    %reduce_sum3A_569 = vector.shape_cast %reduce_sum3A_568 : vector<1xi32> to vector<1x1x1xi32>
    %reduce_sum3A_570 = vector.extract %reduce_sum3A_569[0, 0, 0] : i32 from vector<1x1x1xi32>
    %add3A_571 = arith.constant 7 : i32
    %add3A_572 = arith.addi %reduce_sum3A_570, %add3A_571 : i32
    %shift_right_logical3A_573 = arith.constant 3 : i32
    %shift_right_logical3A_574 = arith.shrui %add3A_572, %shift_right_logical3A_573 : i32
    %le3A_575 = arith.constant 6.400000e+02 : f32
    %le3A_576 = vector.broadcast %le3A_575 : f32 to vector<256x1xf32>
    %le3A_577 = arith.cmpf ole, %add3A_66, %le3A_576 : vector<256x1xf32>
    %convert_element_type3A_578 = arith.extui %le3A_577 : vector<256x1xi1> to vector<256x1xi32>
    %reduce_sum3A_579 = vector.shape_cast %convert_element_type3A_578 : vector<256x1xi32> to vector<1x256x1xi32>
    %reduce_sum3A_580 = arith.constant dense<0> : vector<1xi32>
    %reduce_sum3A_581 = vector.multi_reduction <add>, %reduce_sum3A_579, %reduce_sum3A_580 [1, 2] : vector<1x256x1xi32> to vector<1xi32>
    %reduce_sum3A_582 = vector.shape_cast %reduce_sum3A_581 : vector<1xi32> to vector<1x1x1xi32>
    %reduce_sum3A_583 = vector.extract %reduce_sum3A_582[0, 0, 0] : i32 from vector<1x1x1xi32>
    %shift_right_logical3A_584 = arith.constant 3 : i32
    %shift_right_logical3A_585 = arith.shrui %reduce_sum3A_583, %shift_right_logical3A_584 : i32
    %add3A_586 = arith.constant 6.400000e+02 : f32
    %add3A_587 = arith.constant 1.280000e+02 : f32
    %add3A_588 = arith.addf %add3A_586, %add3A_587 : f32
    %lt3A_589 = vector.broadcast %add3A_588 : f32 to vector<256x1xf32>
    %lt3A_590 = arith.cmpf olt, %dot_general3A_65, %lt3A_589 : vector<256x1xf32>
    %convert_element_type3A_591 = arith.extui %lt3A_590 : vector<256x1xi1> to vector<256x1xi32>
    %reduce_sum3A_592 = vector.shape_cast %convert_element_type3A_591 : vector<256x1xi32> to vector<1x256x1xi32>
    %reduce_sum3A_593 = arith.constant dense<0> : vector<1xi32>
    %reduce_sum3A_594 = vector.multi_reduction <add>, %reduce_sum3A_592, %reduce_sum3A_593 [1, 2] : vector<1x256x1xi32> to vector<1xi32>
    %reduce_sum3A_595 = vector.shape_cast %reduce_sum3A_594 : vector<1xi32> to vector<1x1x1xi32>
    %reduce_sum3A_596 = vector.extract %reduce_sum3A_595[0, 0, 0] : i32 from vector<1x1x1xi32>
    %add3A_597 = arith.constant 7 : i32
    %add3A_598 = arith.addi %reduce_sum3A_596, %add3A_597 : i32
    %shift_right_logical3A_599 = arith.constant 3 : i32
    %shift_right_logical3A_600 = arith.shrui %add3A_598, %shift_right_logical3A_599 : i32
    %broadcast_in_dim3A_601 = arith.constant 0 : i32
    %broadcast_in_dim3A_602 = vector.broadcast %broadcast_in_dim3A_601 : i32 to vector<1x128xi32>
    %while3A_603 = arith.subi %shift_right_logical3A_574, %shift_right_logical3A_559 : i32
    %while3A_604 = arith.addi %shift_right_logical3A_559, %while3A_603 : i32
    %while3A_605 = arith.constant 1 : i32
    %while3A_606 = arith.divsi %while3A_603, %while3A_605 : i32
    %while3A_607 = arith.muli %while3A_606, %while3A_605 : i32
    %while3A_608 = arith.addi %shift_right_logical3A_559, %while3A_607 : i32
    %while3A_609 = arith.constant 1 : i32
    %while3A_610:2 = scf.for %while3A_1603 = %shift_right_logical3A_559 to %while3A_608 step %while3A_609 iter_args(%while3A_1604 = %broadcast_in_dim3A_602, %while3A_1605 = %broadcast_in_dim3A_602) -> (vector<1x128xi32>, vector<1x128xi32>)  : i32 {
      %mul3A_1606 = arith.constant 8 : i32
      %mul3A_1607 = arith.muli %while3A_1603, %mul3A_1606 : i32
      %get3A_1608 = arith.index_cast %mul3A_1607 : i32 to index
      %get3A_1609 = arith.constant 0 : index
      %get3A_1610 = vector.load %arg8[%get3A_1608, %get3A_1609] : memref<256x128xi32, #tpu.memory_space<vmem>>, vector<8x128xi32>
      %reshape3A_1611 = vector.shape_cast %get3A_1610 : vector<8x128xi32> to vector<8x128x1xi32>
      %mul3A_1612 = arith.constant 8 : i32
      %mul3A_1613 = arith.muli %while3A_1603, %mul3A_1612 : i32
      %get3A_1614 = arith.index_cast %mul3A_1613 : i32 to index
      %get3A_1615 = arith.constant 0 : index
      %get3A_1616 = vector.load %arg7[%get3A_1614, %get3A_1615] : memref<256x128xi32, #tpu.memory_space<vmem>>, vector<8x128xi32>
      %reshape3A_1617 = vector.shape_cast %get3A_1616 : vector<8x128xi32> to vector<8x128x1xi32>
      %mul3A_1618 = arith.constant 1024 : i32
      %mul3A_1619 = arith.muli %while3A_1603, %mul3A_1618 : i32
      %add3A_1620 = vector.broadcast %mul3A_1619 : i32 to vector<8x128x1xi32>
      %add3A_1621 = arith.addi %add3A_1620, %add3A_90 : vector<8x128x1xi32>
      %add3A_1622 = arith.constant 640 : i32
      %add3A_1623 = vector.broadcast %add3A_1622 : i32 to vector<1x1x128xi32>
      %add3A_1624 = arith.addi %iota3A_91, %add3A_1623 : vector<1x1x128xi32>
      %eq3A_1625 = vector.broadcast %reshape3A_1611 : vector<8x128x1xi32> to vector<8x128x128xi32>
      %eq3A_1626 = vector.broadcast %add3A_1624 : vector<1x1x128xi32> to vector<8x128x128xi32>
      %eq3A_1627 = arith.cmpi eq, %eq3A_1625, %eq3A_1626 : vector<8x128x128xi32>
      %jit3A_1628 = arith.constant 0 : i32
      %broadcast_in_dim3A_1629 = vector.shape_cast %add3A_1621 : vector<8x128x1xi32> to vector<8x128x1xi32>
      %broadcast_in_dim3A_1630 = vector.broadcast %broadcast_in_dim3A_1629 : vector<8x128x1xi32> to vector<8x128x128xi32>
      %broadcast_in_dim3A_1631 = vector.broadcast %jit3A_1628 : i32 to vector<8x128x128xi32>
      %select_n3A_1632 = arith.select %eq3A_1627, %broadcast_in_dim3A_1630, %broadcast_in_dim3A_1631 : vector<8x128x128xi1>, vector<8x128x128xi32>
      %reduce_sum3A_1633 = arith.constant dense<0> : vector<128x128xi32>
      %reduce_sum3A_1634 = vector.multi_reduction <add>, %select_n3A_1632, %reduce_sum3A_1633 [0] : vector<8x128x128xi32> to vector<128x128xi32>
      %reduce_sum3A_1635 = arith.constant dense<0> : vector<128xi32>
      %reduce_sum3A_1636 = vector.multi_reduction <add>, %reduce_sum3A_1634, %reduce_sum3A_1635 [0] : vector<128x128xi32> to vector<128xi32>
      %broadcast_in_dim3A_1637 = vector.shape_cast %reduce_sum3A_1636 : vector<128xi32> to vector<1x128xi32>
      %add3A_1638 = arith.addi %while3A_1604, %broadcast_in_dim3A_1637 : vector<1x128xi32>
      %jit3A_1639 = arith.constant 0 : i32
      %broadcast_in_dim3A_1640 = vector.shape_cast %reshape3A_1617 : vector<8x128x1xi32> to vector<8x128x1xi32>
      %broadcast_in_dim3A_1641 = vector.broadcast %broadcast_in_dim3A_1640 : vector<8x128x1xi32> to vector<8x128x128xi32>
      %broadcast_in_dim3A_1642 = vector.broadcast %jit3A_1639 : i32 to vector<8x128x128xi32>
      %select_n3A_1643 = arith.select %eq3A_1627, %broadcast_in_dim3A_1641, %broadcast_in_dim3A_1642 : vector<8x128x128xi1>, vector<8x128x128xi32>
      %reduce_sum3A_1644 = arith.constant dense<0> : vector<128x128xi32>
      %reduce_sum3A_1645 = vector.multi_reduction <add>, %select_n3A_1643, %reduce_sum3A_1644 [0] : vector<8x128x128xi32> to vector<128x128xi32>
      %reduce_sum3A_1646 = arith.constant dense<0> : vector<128xi32>
      %reduce_sum3A_1647 = vector.multi_reduction <add>, %reduce_sum3A_1645, %reduce_sum3A_1646 [0] : vector<128x128xi32> to vector<128xi32>
      %broadcast_in_dim3A_1648 = vector.shape_cast %reduce_sum3A_1647 : vector<128xi32> to vector<1x128xi32>
      %add3A_1649 = arith.addi %while3A_1605, %broadcast_in_dim3A_1648 : vector<1x128xi32>
      scf.yield %add3A_1638, %add3A_1649 : vector<1x128xi32>, vector<1x128xi32>
    }
    %while3A_611 = arith.constant 1 : i32
    %while3A_612:2 = scf.for %while3A_1603 = %while3A_608 to %while3A_604 step %while3A_611 iter_args(%while3A_1604 = %while3A_610#0, %while3A_1605 = %while3A_610#1) -> (vector<1x128xi32>, vector<1x128xi32>)  : i32 {
      %mul3A_1606 = arith.constant 8 : i32
      %mul3A_1607 = arith.muli %while3A_1603, %mul3A_1606 : i32
      %get3A_1608 = arith.index_cast %mul3A_1607 : i32 to index
      %get3A_1609 = arith.constant 0 : index
      %get3A_1610 = vector.load %arg8[%get3A_1608, %get3A_1609] : memref<256x128xi32, #tpu.memory_space<vmem>>, vector<8x128xi32>
      %reshape3A_1611 = vector.shape_cast %get3A_1610 : vector<8x128xi32> to vector<8x128x1xi32>
      %mul3A_1612 = arith.constant 8 : i32
      %mul3A_1613 = arith.muli %while3A_1603, %mul3A_1612 : i32
      %get3A_1614 = arith.index_cast %mul3A_1613 : i32 to index
      %get3A_1615 = arith.constant 0 : index
      %get3A_1616 = vector.load %arg7[%get3A_1614, %get3A_1615] : memref<256x128xi32, #tpu.memory_space<vmem>>, vector<8x128xi32>
      %reshape3A_1617 = vector.shape_cast %get3A_1616 : vector<8x128xi32> to vector<8x128x1xi32>
      %mul3A_1618 = arith.constant 1024 : i32
      %mul3A_1619 = arith.muli %while3A_1603, %mul3A_1618 : i32
      %add3A_1620 = vector.broadcast %mul3A_1619 : i32 to vector<8x128x1xi32>
      %add3A_1621 = arith.addi %add3A_1620, %add3A_90 : vector<8x128x1xi32>
      %add3A_1622 = arith.constant 640 : i32
      %add3A_1623 = vector.broadcast %add3A_1622 : i32 to vector<1x1x128xi32>
      %add3A_1624 = arith.addi %iota3A_91, %add3A_1623 : vector<1x1x128xi32>
      %eq3A_1625 = vector.broadcast %reshape3A_1611 : vector<8x128x1xi32> to vector<8x128x128xi32>
      %eq3A_1626 = vector.broadcast %add3A_1624 : vector<1x1x128xi32> to vector<8x128x128xi32>
      %eq3A_1627 = arith.cmpi eq, %eq3A_1625, %eq3A_1626 : vector<8x128x128xi32>
      %jit3A_1628 = arith.constant 0 : i32
      %broadcast_in_dim3A_1629 = vector.shape_cast %add3A_1621 : vector<8x128x1xi32> to vector<8x128x1xi32>
      %broadcast_in_dim3A_1630 = vector.broadcast %broadcast_in_dim3A_1629 : vector<8x128x1xi32> to vector<8x128x128xi32>
      %broadcast_in_dim3A_1631 = vector.broadcast %jit3A_1628 : i32 to vector<8x128x128xi32>
      %select_n3A_1632 = arith.select %eq3A_1627, %broadcast_in_dim3A_1630, %broadcast_in_dim3A_1631 : vector<8x128x128xi1>, vector<8x128x128xi32>
      %reduce_sum3A_1633 = arith.constant dense<0> : vector<128x128xi32>
      %reduce_sum3A_1634 = vector.multi_reduction <add>, %select_n3A_1632, %reduce_sum3A_1633 [0] : vector<8x128x128xi32> to vector<128x128xi32>
      %reduce_sum3A_1635 = arith.constant dense<0> : vector<128xi32>
      %reduce_sum3A_1636 = vector.multi_reduction <add>, %reduce_sum3A_1634, %reduce_sum3A_1635 [0] : vector<128x128xi32> to vector<128xi32>
      %broadcast_in_dim3A_1637 = vector.shape_cast %reduce_sum3A_1636 : vector<128xi32> to vector<1x128xi32>
      %add3A_1638 = arith.addi %while3A_1604, %broadcast_in_dim3A_1637 : vector<1x128xi32>
      %jit3A_1639 = arith.constant 0 : i32
      %broadcast_in_dim3A_1640 = vector.shape_cast %reshape3A_1617 : vector<8x128x1xi32> to vector<8x128x1xi32>
      %broadcast_in_dim3A_1641 = vector.broadcast %broadcast_in_dim3A_1640 : vector<8x128x1xi32> to vector<8x128x128xi32>
      %broadcast_in_dim3A_1642 = vector.broadcast %jit3A_1639 : i32 to vector<8x128x128xi32>
      %select_n3A_1643 = arith.select %eq3A_1627, %broadcast_in_dim3A_1641, %broadcast_in_dim3A_1642 : vector<8x128x128xi1>, vector<8x128x128xi32>
      %reduce_sum3A_1644 = arith.constant dense<0> : vector<128x128xi32>
      %reduce_sum3A_1645 = vector.multi_reduction <add>, %select_n3A_1643, %reduce_sum3A_1644 [0] : vector<8x128x128xi32> to vector<128x128xi32>
      %reduce_sum3A_1646 = arith.constant dense<0> : vector<128xi32>
      %reduce_sum3A_1647 = vector.multi_reduction <add>, %reduce_sum3A_1645, %reduce_sum3A_1646 [0] : vector<128x128xi32> to vector<128xi32>
      %broadcast_in_dim3A_1648 = vector.shape_cast %reduce_sum3A_1647 : vector<128xi32> to vector<1x128xi32>
      %add3A_1649 = arith.addi %while3A_1605, %broadcast_in_dim3A_1648 : vector<1x128xi32>
      scf.yield %add3A_1638, %add3A_1649 : vector<1x128xi32>, vector<1x128xi32>
    }
    %swap3A_613 = arith.constant 5 : index
    %swap3A_614 = arith.constant 0 : index
    %swap3A_615 = arith.constant 0 : index
    %swap3A_616 = vector.load %arg3[%swap3A_613, %swap3A_614, %swap3A_615] : memref<18x1x128xi32, #tpu.memory_space<vmem>>, vector<1x1x128xi32>
    %swap3A_617 = vector.shape_cast %swap3A_616 : vector<1x1x128xi32> to vector<1x128xi32>
    %swap3A_618 = vector.shape_cast %while3A_612#1 : vector<1x128xi32> to vector<1x1x128xi32>
    tpu.vector_store %arg3[%swap3A_613, %swap3A_614, %swap3A_615], %swap3A_618 {strides = array<i32>} : memref<18x1x128xi32, #tpu.memory_space<vmem>>, vector<1x1x128xi32>,
    %swap3A_619 = arith.constant 5 : index
    %swap3A_620 = arith.constant 0 : index
    %swap3A_621 = arith.constant 0 : index
    %swap3A_622 = vector.load %arg4[%swap3A_619, %swap3A_620, %swap3A_621] : memref<18x1x128xi32, #tpu.memory_space<vmem>>, vector<1x1x128xi32>
    %swap3A_623 = vector.shape_cast %swap3A_622 : vector<1x1x128xi32> to vector<1x128xi32>
    %swap3A_624 = vector.shape_cast %while3A_612#0 : vector<1x128xi32> to vector<1x1x128xi32>
    tpu.vector_store %arg4[%swap3A_619, %swap3A_620, %swap3A_621], %swap3A_624 {strides = array<i32>} : memref<18x1x128xi32, #tpu.memory_space<vmem>>, vector<1x1x128xi32>,
    %while3A_625 = arith.subi %shift_right_logical3A_600, %shift_right_logical3A_585 : i32
    %while3A_626 = arith.addi %shift_right_logical3A_585, %while3A_625 : i32
    %while3A_627 = arith.constant 1 : i32
    %while3A_628 = arith.divsi %while3A_625, %while3A_627 : i32
    %while3A_629 = arith.muli %while3A_628, %while3A_627 : i32
    %while3A_630 = arith.addi %shift_right_logical3A_585, %while3A_629 : i32
    %while3A_631 = arith.constant 1 : i32
    %while3A_632 = scf.for %while3A_1603 = %shift_right_logical3A_585 to %while3A_630 step %while3A_631 iter_args(%while3A_1604 = %broadcast_in_dim3A_602) -> (vector<1x128xi32>)  : i32 {
      %mul3A_1605 = arith.constant 8 : i32
      %mul3A_1606 = arith.muli %while3A_1603, %mul3A_1605 : i32
      %get3A_1607 = arith.index_cast %mul3A_1606 : i32 to index
      %get3A_1608 = arith.constant 0 : index
      %get3A_1609 = vector.load %arg9[%get3A_1607, %get3A_1608] : memref<256x128xi32, #tpu.memory_space<vmem>>, vector<8x128xi32>
      %reshape3A_1610 = vector.shape_cast %get3A_1609 : vector<8x128xi32> to vector<8x128x1xi32>
      %mul3A_1611 = arith.constant 1024 : i32
      %mul3A_1612 = arith.muli %while3A_1603, %mul3A_1611 : i32
      %add3A_1613 = vector.broadcast %mul3A_1612 : i32 to vector<8x128x1xi32>
      %add3A_1614 = arith.addi %add3A_1613, %add3A_90 : vector<8x128x1xi32>
      %add3A_1615 = arith.constant 640 : i32
      %add3A_1616 = vector.broadcast %add3A_1615 : i32 to vector<1x1x128xi32>
      %add3A_1617 = arith.addi %iota3A_91, %add3A_1616 : vector<1x1x128xi32>
      %eq3A_1618 = vector.broadcast %reshape3A_1610 : vector<8x128x1xi32> to vector<8x128x128xi32>
      %eq3A_1619 = vector.broadcast %add3A_1617 : vector<1x1x128xi32> to vector<8x128x128xi32>
      %eq3A_1620 = arith.cmpi eq, %eq3A_1618, %eq3A_1619 : vector<8x128x128xi32>
      %jit3A_1621 = arith.constant 0 : i32
      %broadcast_in_dim3A_1622 = vector.shape_cast %add3A_1614 : vector<8x128x1xi32> to vector<8x128x1xi32>
      %broadcast_in_dim3A_1623 = vector.broadcast %broadcast_in_dim3A_1622 : vector<8x128x1xi32> to vector<8x128x128xi32>
      %broadcast_in_dim3A_1624 = vector.broadcast %jit3A_1621 : i32 to vector<8x128x128xi32>
      %select_n3A_1625 = arith.select %eq3A_1620, %broadcast_in_dim3A_1623, %broadcast_in_dim3A_1624 : vector<8x128x128xi1>, vector<8x128x128xi32>
      %reduce_sum3A_1626 = arith.constant dense<0> : vector<128x128xi32>
      %reduce_sum3A_1627 = vector.multi_reduction <add>, %select_n3A_1625, %reduce_sum3A_1626 [0] : vector<8x128x128xi32> to vector<128x128xi32>
      %reduce_sum3A_1628 = arith.constant dense<0> : vector<128xi32>
      %reduce_sum3A_1629 = vector.multi_reduction <add>, %reduce_sum3A_1627, %reduce_sum3A_1628 [0] : vector<128x128xi32> to vector<128xi32>
      %broadcast_in_dim3A_1630 = vector.shape_cast %reduce_sum3A_1629 : vector<128xi32> to vector<1x128xi32>
      %add3A_1631 = arith.addi %while3A_1604, %broadcast_in_dim3A_1630 : vector<1x128xi32>
      scf.yield %add3A_1631 : vector<1x128xi32>
    }
    %while3A_633 = arith.constant 1 : i32
    %while3A_634 = scf.for %while3A_1603 = %while3A_630 to %while3A_626 step %while3A_633 iter_args(%while3A_1604 = %while3A_632) -> (vector<1x128xi32>)  : i32 {
      %mul3A_1605 = arith.constant 8 : i32
      %mul3A_1606 = arith.muli %while3A_1603, %mul3A_1605 : i32
      %get3A_1607 = arith.index_cast %mul3A_1606 : i32 to index
      %get3A_1608 = arith.constant 0 : index
      %get3A_1609 = vector.load %arg9[%get3A_1607, %get3A_1608] : memref<256x128xi32, #tpu.memory_space<vmem>>, vector<8x128xi32>
      %reshape3A_1610 = vector.shape_cast %get3A_1609 : vector<8x128xi32> to vector<8x128x1xi32>
      %mul3A_1611 = arith.constant 1024 : i32
      %mul3A_1612 = arith.muli %while3A_1603, %mul3A_1611 : i32
      %add3A_1613 = vector.broadcast %mul3A_1612 : i32 to vector<8x128x1xi32>
      %add3A_1614 = arith.addi %add3A_1613, %add3A_90 : vector<8x128x1xi32>
      %add3A_1615 = arith.constant 640 : i32
      %add3A_1616 = vector.broadcast %add3A_1615 : i32 to vector<1x1x128xi32>
      %add3A_1617 = arith.addi %iota3A_91, %add3A_1616 : vector<1x1x128xi32>
      %eq3A_1618 = vector.broadcast %reshape3A_1610 : vector<8x128x1xi32> to vector<8x128x128xi32>
      %eq3A_1619 = vector.broadcast %add3A_1617 : vector<1x1x128xi32> to vector<8x128x128xi32>
      %eq3A_1620 = arith.cmpi eq, %eq3A_1618, %eq3A_1619 : vector<8x128x128xi32>
      %jit3A_1621 = arith.constant 0 : i32
      %broadcast_in_dim3A_1622 = vector.shape_cast %add3A_1614 : vector<8x128x1xi32> to vector<8x128x1xi32>
      %broadcast_in_dim3A_1623 = vector.broadcast %broadcast_in_dim3A_1622 : vector<8x128x1xi32> to vector<8x128x128xi32>
      %broadcast_in_dim3A_1624 = vector.broadcast %jit3A_1621 : i32 to vector<8x128x128xi32>
      %select_n3A_1625 = arith.select %eq3A_1620, %broadcast_in_dim3A_1623, %broadcast_in_dim3A_1624 : vector<8x128x128xi1>, vector<8x128x128xi32>
      %reduce_sum3A_1626 = arith.constant dense<0> : vector<128x128xi32>
      %reduce_sum3A_1627 = vector.multi_reduction <add>, %select_n3A_1625, %reduce_sum3A_1626 [0] : vector<8x128x128xi32> to vector<128x128xi32>
      %reduce_sum3A_1628 = arith.constant dense<0> : vector<128xi32>
      %reduce_sum3A_1629 = vector.multi_reduction <add>, %reduce_sum3A_1627, %reduce_sum3A_1628 [0] : vector<128x128xi32> to vector<128xi32>
      %broadcast_in_dim3A_1630 = vector.shape_cast %reduce_sum3A_1629 : vector<128xi32> to vector<1x128xi32>
      %add3A_1631 = arith.addi %while3A_1604, %broadcast_in_dim3A_1630 : vector<1x128xi32>
      scf.yield %add3A_1631 : vector<1x128xi32>
    }
    %swap3A_635 = arith.constant 5 : index
    %swap3A_636 = arith.constant 0 : index
    %swap3A_637 = arith.constant 0 : index
    %swap3A_638 = vector.load %arg5[%swap3A_635, %swap3A_636, %swap3A_637] : memref<18x1x128xi32, #tpu.memory_space<vmem>>, vector<1x1x128xi32>
    %swap3A_639 = vector.shape_cast %swap3A_638 : vector<1x1x128xi32> to vector<1x128xi32>
    %swap3A_640 = vector.shape_cast %while3A_634 : vector<1x128xi32> to vector<1x1x128xi32>
    tpu.vector_store %arg5[%swap3A_635, %swap3A_636, %swap3A_637], %swap3A_640 {strides = array<i32>} : memref<18x1x128xi32, #tpu.memory_space<vmem>>, vector<1x1x128xi32>,
    %le3A_641 = arith.constant 7.680000e+02 : f32
    %le3A_642 = vector.broadcast %le3A_641 : f32 to vector<256x1xf32>
    %le3A_643 = arith.cmpf ole, %add3A, %le3A_642 : vector<256x1xf32>
    %convert_element_type3A_644 = arith.extui %le3A_643 : vector<256x1xi1> to vector<256x1xi32>
    %reduce_sum3A_645 = vector.shape_cast %convert_element_type3A_644 : vector<256x1xi32> to vector<1x256x1xi32>
    %reduce_sum3A_646 = arith.constant dense<0> : vector<1xi32>
    %reduce_sum3A_647 = vector.multi_reduction <add>, %reduce_sum3A_645, %reduce_sum3A_646 [1, 2] : vector<1x256x1xi32> to vector<1xi32>
    %reduce_sum3A_648 = vector.shape_cast %reduce_sum3A_647 : vector<1xi32> to vector<1x1x1xi32>
    %reduce_sum3A_649 = vector.extract %reduce_sum3A_648[0, 0, 0] : i32 from vector<1x1x1xi32>
    %shift_right_logical3A_650 = arith.constant 3 : i32
    %shift_right_logical3A_651 = arith.shrui %reduce_sum3A_649, %shift_right_logical3A_650 : i32
    %add3A_652 = arith.constant 7.680000e+02 : f32
    %add3A_653 = arith.constant 1.280000e+02 : f32
    %add3A_654 = arith.addf %add3A_652, %add3A_653 : f32
    %lt3A_655 = vector.broadcast %add3A_654 : f32 to vector<256x1xf32>
    %lt3A_656 = arith.cmpf olt, %dot_general3A_63, %lt3A_655 : vector<256x1xf32>
    %convert_element_type3A_657 = arith.extui %lt3A_656 : vector<256x1xi1> to vector<256x1xi32>
    %reduce_sum3A_658 = vector.shape_cast %convert_element_type3A_657 : vector<256x1xi32> to vector<1x256x1xi32>
    %reduce_sum3A_659 = arith.constant dense<0> : vector<1xi32>
    %reduce_sum3A_660 = vector.multi_reduction <add>, %reduce_sum3A_658, %reduce_sum3A_659 [1, 2] : vector<1x256x1xi32> to vector<1xi32>
    %reduce_sum3A_661 = vector.shape_cast %reduce_sum3A_660 : vector<1xi32> to vector<1x1x1xi32>
    %reduce_sum3A_662 = vector.extract %reduce_sum3A_661[0, 0, 0] : i32 from vector<1x1x1xi32>
    %add3A_663 = arith.constant 7 : i32
    %add3A_664 = arith.addi %reduce_sum3A_662, %add3A_663 : i32
    %shift_right_logical3A_665 = arith.constant 3 : i32
    %shift_right_logical3A_666 = arith.shrui %add3A_664, %shift_right_logical3A_665 : i32
    %le3A_667 = arith.constant 7.680000e+02 : f32
    %le3A_668 = vector.broadcast %le3A_667 : f32 to vector<256x1xf32>
    %le3A_669 = arith.cmpf ole, %add3A_66, %le3A_668 : vector<256x1xf32>
    %convert_element_type3A_670 = arith.extui %le3A_669 : vector<256x1xi1> to vector<256x1xi32>
    %reduce_sum3A_671 = vector.shape_cast %convert_element_type3A_670 : vector<256x1xi32> to vector<1x256x1xi32>
    %reduce_sum3A_672 = arith.constant dense<0> : vector<1xi32>
    %reduce_sum3A_673 = vector.multi_reduction <add>, %reduce_sum3A_671, %reduce_sum3A_672 [1, 2] : vector<1x256x1xi32> to vector<1xi32>
    %reduce_sum3A_674 = vector.shape_cast %reduce_sum3A_673 : vector<1xi32> to vector<1x1x1xi32>
    %reduce_sum3A_675 = vector.extract %reduce_sum3A_674[0, 0, 0] : i32 from vector<1x1x1xi32>
    %shift_right_logical3A_676 = arith.constant 3 : i32
    %shift_right_logical3A_677 = arith.shrui %reduce_sum3A_675, %shift_right_logical3A_676 : i32
    %add3A_678 = arith.constant 7.680000e+02 : f32
    %add3A_679 = arith.constant 1.280000e+02 : f32
    %add3A_680 = arith.addf %add3A_678, %add3A_679 : f32
    %lt3A_681 = vector.broadcast %add3A_680 : f32 to vector<256x1xf32>
    %lt3A_682 = arith.cmpf olt, %dot_general3A_65, %lt3A_681 : vector<256x1xf32>
    %convert_element_type3A_683 = arith.extui %lt3A_682 : vector<256x1xi1> to vector<256x1xi32>
    %reduce_sum3A_684 = vector.shape_cast %convert_element_type3A_683 : vector<256x1xi32> to vector<1x256x1xi32>
    %reduce_sum3A_685 = arith.constant dense<0> : vector<1xi32>
    %reduce_sum3A_686 = vector.multi_reduction <add>, %reduce_sum3A_684, %reduce_sum3A_685 [1, 2] : vector<1x256x1xi32> to vector<1xi32>
    %reduce_sum3A_687 = vector.shape_cast %reduce_sum3A_686 : vector<1xi32> to vector<1x1x1xi32>
    %reduce_sum3A_688 = vector.extract %reduce_sum3A_687[0, 0, 0] : i32 from vector<1x1x1xi32>
    %add3A_689 = arith.constant 7 : i32
    %add3A_690 = arith.addi %reduce_sum3A_688, %add3A_689 : i32
    %shift_right_logical3A_691 = arith.constant 3 : i32
    %shift_right_logical3A_692 = arith.shrui %add3A_690, %shift_right_logical3A_691 : i32
    %broadcast_in_dim3A_693 = arith.constant 0 : i32
    %broadcast_in_dim3A_694 = vector.broadcast %broadcast_in_dim3A_693 : i32 to vector<1x128xi32>
    %while3A_695 = arith.subi %shift_right_logical3A_666, %shift_right_logical3A_651 : i32
    %while3A_696 = arith.addi %shift_right_logical3A_651, %while3A_695 : i32
    %while3A_697 = arith.constant 1 : i32
    %while3A_698 = arith.divsi %while3A_695, %while3A_697 : i32
    %while3A_699 = arith.muli %while3A_698, %while3A_697 : i32
    %while3A_700 = arith.addi %shift_right_logical3A_651, %while3A_699 : i32
    %while3A_701 = arith.constant 1 : i32
    %while3A_702:2 = scf.for %while3A_1603 = %shift_right_logical3A_651 to %while3A_700 step %while3A_701 iter_args(%while3A_1604 = %broadcast_in_dim3A_694, %while3A_1605 = %broadcast_in_dim3A_694) -> (vector<1x128xi32>, vector<1x128xi32>)  : i32 {
      %mul3A_1606 = arith.constant 8 : i32
      %mul3A_1607 = arith.muli %while3A_1603, %mul3A_1606 : i32
      %get3A_1608 = arith.index_cast %mul3A_1607 : i32 to index
      %get3A_1609 = arith.constant 0 : index
      %get3A_1610 = vector.load %arg8[%get3A_1608, %get3A_1609] : memref<256x128xi32, #tpu.memory_space<vmem>>, vector<8x128xi32>
      %reshape3A_1611 = vector.shape_cast %get3A_1610 : vector<8x128xi32> to vector<8x128x1xi32>
      %mul3A_1612 = arith.constant 8 : i32
      %mul3A_1613 = arith.muli %while3A_1603, %mul3A_1612 : i32
      %get3A_1614 = arith.index_cast %mul3A_1613 : i32 to index
      %get3A_1615 = arith.constant 0 : index
      %get3A_1616 = vector.load %arg7[%get3A_1614, %get3A_1615] : memref<256x128xi32, #tpu.memory_space<vmem>>, vector<8x128xi32>
      %reshape3A_1617 = vector.shape_cast %get3A_1616 : vector<8x128xi32> to vector<8x128x1xi32>
      %mul3A_1618 = arith.constant 1024 : i32
      %mul3A_1619 = arith.muli %while3A_1603, %mul3A_1618 : i32
      %add3A_1620 = vector.broadcast %mul3A_1619 : i32 to vector<8x128x1xi32>
      %add3A_1621 = arith.addi %add3A_1620, %add3A_90 : vector<8x128x1xi32>
      %add3A_1622 = arith.constant 768 : i32
      %add3A_1623 = vector.broadcast %add3A_1622 : i32 to vector<1x1x128xi32>
      %add3A_1624 = arith.addi %iota3A_91, %add3A_1623 : vector<1x1x128xi32>
      %eq3A_1625 = vector.broadcast %reshape3A_1611 : vector<8x128x1xi32> to vector<8x128x128xi32>
      %eq3A_1626 = vector.broadcast %add3A_1624 : vector<1x1x128xi32> to vector<8x128x128xi32>
      %eq3A_1627 = arith.cmpi eq, %eq3A_1625, %eq3A_1626 : vector<8x128x128xi32>
      %jit3A_1628 = arith.constant 0 : i32
      %broadcast_in_dim3A_1629 = vector.shape_cast %add3A_1621 : vector<8x128x1xi32> to vector<8x128x1xi32>
      %broadcast_in_dim3A_1630 = vector.broadcast %broadcast_in_dim3A_1629 : vector<8x128x1xi32> to vector<8x128x128xi32>
      %broadcast_in_dim3A_1631 = vector.broadcast %jit3A_1628 : i32 to vector<8x128x128xi32>
      %select_n3A_1632 = arith.select %eq3A_1627, %broadcast_in_dim3A_1630, %broadcast_in_dim3A_1631 : vector<8x128x128xi1>, vector<8x128x128xi32>
      %reduce_sum3A_1633 = arith.constant dense<0> : vector<128x128xi32>
      %reduce_sum3A_1634 = vector.multi_reduction <add>, %select_n3A_1632, %reduce_sum3A_1633 [0] : vector<8x128x128xi32> to vector<128x128xi32>
      %reduce_sum3A_1635 = arith.constant dense<0> : vector<128xi32>
      %reduce_sum3A_1636 = vector.multi_reduction <add>, %reduce_sum3A_1634, %reduce_sum3A_1635 [0] : vector<128x128xi32> to vector<128xi32>
      %broadcast_in_dim3A_1637 = vector.shape_cast %reduce_sum3A_1636 : vector<128xi32> to vector<1x128xi32>
      %add3A_1638 = arith.addi %while3A_1604, %broadcast_in_dim3A_1637 : vector<1x128xi32>
      %jit3A_1639 = arith.constant 0 : i32
      %broadcast_in_dim3A_1640 = vector.shape_cast %reshape3A_1617 : vector<8x128x1xi32> to vector<8x128x1xi32>
      %broadcast_in_dim3A_1641 = vector.broadcast %broadcast_in_dim3A_1640 : vector<8x128x1xi32> to vector<8x128x128xi32>
      %broadcast_in_dim3A_1642 = vector.broadcast %jit3A_1639 : i32 to vector<8x128x128xi32>
      %select_n3A_1643 = arith.select %eq3A_1627, %broadcast_in_dim3A_1641, %broadcast_in_dim3A_1642 : vector<8x128x128xi1>, vector<8x128x128xi32>
      %reduce_sum3A_1644 = arith.constant dense<0> : vector<128x128xi32>
      %reduce_sum3A_1645 = vector.multi_reduction <add>, %select_n3A_1643, %reduce_sum3A_1644 [0] : vector<8x128x128xi32> to vector<128x128xi32>
      %reduce_sum3A_1646 = arith.constant dense<0> : vector<128xi32>
      %reduce_sum3A_1647 = vector.multi_reduction <add>, %reduce_sum3A_1645, %reduce_sum3A_1646 [0] : vector<128x128xi32> to vector<128xi32>
      %broadcast_in_dim3A_1648 = vector.shape_cast %reduce_sum3A_1647 : vector<128xi32> to vector<1x128xi32>
      %add3A_1649 = arith.addi %while3A_1605, %broadcast_in_dim3A_1648 : vector<1x128xi32>
      scf.yield %add3A_1638, %add3A_1649 : vector<1x128xi32>, vector<1x128xi32>
    }
    %while3A_703 = arith.constant 1 : i32
    %while3A_704:2 = scf.for %while3A_1603 = %while3A_700 to %while3A_696 step %while3A_703 iter_args(%while3A_1604 = %while3A_702#0, %while3A_1605 = %while3A_702#1) -> (vector<1x128xi32>, vector<1x128xi32>)  : i32 {
      %mul3A_1606 = arith.constant 8 : i32
      %mul3A_1607 = arith.muli %while3A_1603, %mul3A_1606 : i32
      %get3A_1608 = arith.index_cast %mul3A_1607 : i32 to index
      %get3A_1609 = arith.constant 0 : index
      %get3A_1610 = vector.load %arg8[%get3A_1608, %get3A_1609] : memref<256x128xi32, #tpu.memory_space<vmem>>, vector<8x128xi32>
      %reshape3A_1611 = vector.shape_cast %get3A_1610 : vector<8x128xi32> to vector<8x128x1xi32>
      %mul3A_1612 = arith.constant 8 : i32
      %mul3A_1613 = arith.muli %while3A_1603, %mul3A_1612 : i32
      %get3A_1614 = arith.index_cast %mul3A_1613 : i32 to index
      %get3A_1615 = arith.constant 0 : index
      %get3A_1616 = vector.load %arg7[%get3A_1614, %get3A_1615] : memref<256x128xi32, #tpu.memory_space<vmem>>, vector<8x128xi32>
      %reshape3A_1617 = vector.shape_cast %get3A_1616 : vector<8x128xi32> to vector<8x128x1xi32>
      %mul3A_1618 = arith.constant 1024 : i32
      %mul3A_1619 = arith.muli %while3A_1603, %mul3A_1618 : i32
      %add3A_1620 = vector.broadcast %mul3A_1619 : i32 to vector<8x128x1xi32>
      %add3A_1621 = arith.addi %add3A_1620, %add3A_90 : vector<8x128x1xi32>
      %add3A_1622 = arith.constant 768 : i32
      %add3A_1623 = vector.broadcast %add3A_1622 : i32 to vector<1x1x128xi32>
      %add3A_1624 = arith.addi %iota3A_91, %add3A_1623 : vector<1x1x128xi32>
      %eq3A_1625 = vector.broadcast %reshape3A_1611 : vector<8x128x1xi32> to vector<8x128x128xi32>
      %eq3A_1626 = vector.broadcast %add3A_1624 : vector<1x1x128xi32> to vector<8x128x128xi32>
      %eq3A_1627 = arith.cmpi eq, %eq3A_1625, %eq3A_1626 : vector<8x128x128xi32>
      %jit3A_1628 = arith.constant 0 : i32
      %broadcast_in_dim3A_1629 = vector.shape_cast %add3A_1621 : vector<8x128x1xi32> to vector<8x128x1xi32>
      %broadcast_in_dim3A_1630 = vector.broadcast %broadcast_in_dim3A_1629 : vector<8x128x1xi32> to vector<8x128x128xi32>
      %broadcast_in_dim3A_1631 = vector.broadcast %jit3A_1628 : i32 to vector<8x128x128xi32>
      %select_n3A_1632 = arith.select %eq3A_1627, %broadcast_in_dim3A_1630, %broadcast_in_dim3A_1631 : vector<8x128x128xi1>, vector<8x128x128xi32>
      %reduce_sum3A_1633 = arith.constant dense<0> : vector<128x128xi32>
      %reduce_sum3A_1634 = vector.multi_reduction <add>, %select_n3A_1632, %reduce_sum3A_1633 [0] : vector<8x128x128xi32> to vector<128x128xi32>
      %reduce_sum3A_1635 = arith.constant dense<0> : vector<128xi32>
      %reduce_sum3A_1636 = vector.multi_reduction <add>, %reduce_sum3A_1634, %reduce_sum3A_1635 [0] : vector<128x128xi32> to vector<128xi32>
      %broadcast_in_dim3A_1637 = vector.shape_cast %reduce_sum3A_1636 : vector<128xi32> to vector<1x128xi32>
      %add3A_1638 = arith.addi %while3A_1604, %broadcast_in_dim3A_1637 : vector<1x128xi32>
      %jit3A_1639 = arith.constant 0 : i32
      %broadcast_in_dim3A_1640 = vector.shape_cast %reshape3A_1617 : vector<8x128x1xi32> to vector<8x128x1xi32>
      %broadcast_in_dim3A_1641 = vector.broadcast %broadcast_in_dim3A_1640 : vector<8x128x1xi32> to vector<8x128x128xi32>
      %broadcast_in_dim3A_1642 = vector.broadcast %jit3A_1639 : i32 to vector<8x128x128xi32>
      %select_n3A_1643 = arith.select %eq3A_1627, %broadcast_in_dim3A_1641, %broadcast_in_dim3A_1642 : vector<8x128x128xi1>, vector<8x128x128xi32>
      %reduce_sum3A_1644 = arith.constant dense<0> : vector<128x128xi32>
      %reduce_sum3A_1645 = vector.multi_reduction <add>, %select_n3A_1643, %reduce_sum3A_1644 [0] : vector<8x128x128xi32> to vector<128x128xi32>
      %reduce_sum3A_1646 = arith.constant dense<0> : vector<128xi32>
      %reduce_sum3A_1647 = vector.multi_reduction <add>, %reduce_sum3A_1645, %reduce_sum3A_1646 [0] : vector<128x128xi32> to vector<128xi32>
      %broadcast_in_dim3A_1648 = vector.shape_cast %reduce_sum3A_1647 : vector<128xi32> to vector<1x128xi32>
      %add3A_1649 = arith.addi %while3A_1605, %broadcast_in_dim3A_1648 : vector<1x128xi32>
      scf.yield %add3A_1638, %add3A_1649 : vector<1x128xi32>, vector<1x128xi32>
    }
    %swap3A_705 = arith.constant 6 : index
    %swap3A_706 = arith.constant 0 : index
    %swap3A_707 = arith.constant 0 : index
    %swap3A_708 = vector.load %arg3[%swap3A_705, %swap3A_706, %swap3A_707] : memref<18x1x128xi32, #tpu.memory_space<vmem>>, vector<1x1x128xi32>
    %swap3A_709 = vector.shape_cast %swap3A_708 : vector<1x1x128xi32> to vector<1x128xi32>
    %swap3A_710 = vector.shape_cast %while3A_704#1 : vector<1x128xi32> to vector<1x1x128xi32>
    tpu.vector_store %arg3[%swap3A_705, %swap3A_706, %swap3A_707], %swap3A_710 {strides = array<i32>} : memref<18x1x128xi32, #tpu.memory_space<vmem>>, vector<1x1x128xi32>,
    %swap3A_711 = arith.constant 6 : index
    %swap3A_712 = arith.constant 0 : index
    %swap3A_713 = arith.constant 0 : index
    %swap3A_714 = vector.load %arg4[%swap3A_711, %swap3A_712, %swap3A_713] : memref<18x1x128xi32, #tpu.memory_space<vmem>>, vector<1x1x128xi32>
    %swap3A_715 = vector.shape_cast %swap3A_714 : vector<1x1x128xi32> to vector<1x128xi32>
    %swap3A_716 = vector.shape_cast %while3A_704#0 : vector<1x128xi32> to vector<1x1x128xi32>
    tpu.vector_store %arg4[%swap3A_711, %swap3A_712, %swap3A_713], %swap3A_716 {strides = array<i32>} : memref<18x1x128xi32, #tpu.memory_space<vmem>>, vector<1x1x128xi32>,
    %while3A_717 = arith.subi %shift_right_logical3A_692, %shift_right_logical3A_677 : i32
    %while3A_718 = arith.addi %shift_right_logical3A_677, %while3A_717 : i32
    %while3A_719 = arith.constant 1 : i32
    %while3A_720 = arith.divsi %while3A_717, %while3A_719 : i32
    %while3A_721 = arith.muli %while3A_720, %while3A_719 : i32
    %while3A_722 = arith.addi %shift_right_logical3A_677, %while3A_721 : i32
    %while3A_723 = arith.constant 1 : i32
    %while3A_724 = scf.for %while3A_1603 = %shift_right_logical3A_677 to %while3A_722 step %while3A_723 iter_args(%while3A_1604 = %broadcast_in_dim3A_694) -> (vector<1x128xi32>)  : i32 {
      %mul3A_1605 = arith.constant 8 : i32
      %mul3A_1606 = arith.muli %while3A_1603, %mul3A_1605 : i32
      %get3A_1607 = arith.index_cast %mul3A_1606 : i32 to index
      %get3A_1608 = arith.constant 0 : index
      %get3A_1609 = vector.load %arg9[%get3A_1607, %get3A_1608] : memref<256x128xi32, #tpu.memory_space<vmem>>, vector<8x128xi32>
      %reshape3A_1610 = vector.shape_cast %get3A_1609 : vector<8x128xi32> to vector<8x128x1xi32>
      %mul3A_1611 = arith.constant 1024 : i32
      %mul3A_1612 = arith.muli %while3A_1603, %mul3A_1611 : i32
      %add3A_1613 = vector.broadcast %mul3A_1612 : i32 to vector<8x128x1xi32>
      %add3A_1614 = arith.addi %add3A_1613, %add3A_90 : vector<8x128x1xi32>
      %add3A_1615 = arith.constant 768 : i32
      %add3A_1616 = vector.broadcast %add3A_1615 : i32 to vector<1x1x128xi32>
      %add3A_1617 = arith.addi %iota3A_91, %add3A_1616 : vector<1x1x128xi32>
      %eq3A_1618 = vector.broadcast %reshape3A_1610 : vector<8x128x1xi32> to vector<8x128x128xi32>
      %eq3A_1619 = vector.broadcast %add3A_1617 : vector<1x1x128xi32> to vector<8x128x128xi32>
      %eq3A_1620 = arith.cmpi eq, %eq3A_1618, %eq3A_1619 : vector<8x128x128xi32>
      %jit3A_1621 = arith.constant 0 : i32
      %broadcast_in_dim3A_1622 = vector.shape_cast %add3A_1614 : vector<8x128x1xi32> to vector<8x128x1xi32>
      %broadcast_in_dim3A_1623 = vector.broadcast %broadcast_in_dim3A_1622 : vector<8x128x1xi32> to vector<8x128x128xi32>
      %broadcast_in_dim3A_1624 = vector.broadcast %jit3A_1621 : i32 to vector<8x128x128xi32>
      %select_n3A_1625 = arith.select %eq3A_1620, %broadcast_in_dim3A_1623, %broadcast_in_dim3A_1624 : vector<8x128x128xi1>, vector<8x128x128xi32>
      %reduce_sum3A_1626 = arith.constant dense<0> : vector<128x128xi32>
      %reduce_sum3A_1627 = vector.multi_reduction <add>, %select_n3A_1625, %reduce_sum3A_1626 [0] : vector<8x128x128xi32> to vector<128x128xi32>
      %reduce_sum3A_1628 = arith.constant dense<0> : vector<128xi32>
      %reduce_sum3A_1629 = vector.multi_reduction <add>, %reduce_sum3A_1627, %reduce_sum3A_1628 [0] : vector<128x128xi32> to vector<128xi32>
      %broadcast_in_dim3A_1630 = vector.shape_cast %reduce_sum3A_1629 : vector<128xi32> to vector<1x128xi32>
      %add3A_1631 = arith.addi %while3A_1604, %broadcast_in_dim3A_1630 : vector<1x128xi32>
      scf.yield %add3A_1631 : vector<1x128xi32>
    }
    %while3A_725 = arith.constant 1 : i32
    %while3A_726 = scf.for %while3A_1603 = %while3A_722 to %while3A_718 step %while3A_725 iter_args(%while3A_1604 = %while3A_724) -> (vector<1x128xi32>)  : i32 {
      %mul3A_1605 = arith.constant 8 : i32
      %mul3A_1606 = arith.muli %while3A_1603, %mul3A_1605 : i32
      %get3A_1607 = arith.index_cast %mul3A_1606 : i32 to index
      %get3A_1608 = arith.constant 0 : index
      %get3A_1609 = vector.load %arg9[%get3A_1607, %get3A_1608] : memref<256x128xi32, #tpu.memory_space<vmem>>, vector<8x128xi32>
      %reshape3A_1610 = vector.shape_cast %get3A_1609 : vector<8x128xi32> to vector<8x128x1xi32>
      %mul3A_1611 = arith.constant 1024 : i32
      %mul3A_1612 = arith.muli %while3A_1603, %mul3A_1611 : i32
      %add3A_1613 = vector.broadcast %mul3A_1612 : i32 to vector<8x128x1xi32>
      %add3A_1614 = arith.addi %add3A_1613, %add3A_90 : vector<8x128x1xi32>
      %add3A_1615 = arith.constant 768 : i32
      %add3A_1616 = vector.broadcast %add3A_1615 : i32 to vector<1x1x128xi32>
      %add3A_1617 = arith.addi %iota3A_91, %add3A_1616 : vector<1x1x128xi32>
      %eq3A_1618 = vector.broadcast %reshape3A_1610 : vector<8x128x1xi32> to vector<8x128x128xi32>
      %eq3A_1619 = vector.broadcast %add3A_1617 : vector<1x1x128xi32> to vector<8x128x128xi32>
      %eq3A_1620 = arith.cmpi eq, %eq3A_1618, %eq3A_1619 : vector<8x128x128xi32>
      %jit3A_1621 = arith.constant 0 : i32
      %broadcast_in_dim3A_1622 = vector.shape_cast %add3A_1614 : vector<8x128x1xi32> to vector<8x128x1xi32>
      %broadcast_in_dim3A_1623 = vector.broadcast %broadcast_in_dim3A_1622 : vector<8x128x1xi32> to vector<8x128x128xi32>
      %broadcast_in_dim3A_1624 = vector.broadcast %jit3A_1621 : i32 to vector<8x128x128xi32>
      %select_n3A_1625 = arith.select %eq3A_1620, %broadcast_in_dim3A_1623, %broadcast_in_dim3A_1624 : vector<8x128x128xi1>, vector<8x128x128xi32>
      %reduce_sum3A_1626 = arith.constant dense<0> : vector<128x128xi32>
      %reduce_sum3A_1627 = vector.multi_reduction <add>, %select_n3A_1625, %reduce_sum3A_1626 [0] : vector<8x128x128xi32> to vector<128x128xi32>
      %reduce_sum3A_1628 = arith.constant dense<0> : vector<128xi32>
      %reduce_sum3A_1629 = vector.multi_reduction <add>, %reduce_sum3A_1627, %reduce_sum3A_1628 [0] : vector<128x128xi32> to vector<128xi32>
      %broadcast_in_dim3A_1630 = vector.shape_cast %reduce_sum3A_1629 : vector<128xi32> to vector<1x128xi32>
      %add3A_1631 = arith.addi %while3A_1604, %broadcast_in_dim3A_1630 : vector<1x128xi32>
      scf.yield %add3A_1631 : vector<1x128xi32>
    }
    %swap3A_727 = arith.constant 6 : index
    %swap3A_728 = arith.constant 0 : index
    %swap3A_729 = arith.constant 0 : index
    %swap3A_730 = vector.load %arg5[%swap3A_727, %swap3A_728, %swap3A_729] : memref<18x1x128xi32, #tpu.memory_space<vmem>>, vector<1x1x128xi32>
    %swap3A_731 = vector.shape_cast %swap3A_730 : vector<1x1x128xi32> to vector<1x128xi32>
    %swap3A_732 = vector.shape_cast %while3A_726 : vector<1x128xi32> to vector<1x1x128xi32>
    tpu.vector_store %arg5[%swap3A_727, %swap3A_728, %swap3A_729], %swap3A_732 {strides = array<i32>} : memref<18x1x128xi32, #tpu.memory_space<vmem>>, vector<1x1x128xi32>,
    %le3A_733 = arith.constant 8.960000e+02 : f32
    %le3A_734 = vector.broadcast %le3A_733 : f32 to vector<256x1xf32>
    %le3A_735 = arith.cmpf ole, %add3A, %le3A_734 : vector<256x1xf32>
    %convert_element_type3A_736 = arith.extui %le3A_735 : vector<256x1xi1> to vector<256x1xi32>
    %reduce_sum3A_737 = vector.shape_cast %convert_element_type3A_736 : vector<256x1xi32> to vector<1x256x1xi32>
    %reduce_sum3A_738 = arith.constant dense<0> : vector<1xi32>
    %reduce_sum3A_739 = vector.multi_reduction <add>, %reduce_sum3A_737, %reduce_sum3A_738 [1, 2] : vector<1x256x1xi32> to vector<1xi32>
    %reduce_sum3A_740 = vector.shape_cast %reduce_sum3A_739 : vector<1xi32> to vector<1x1x1xi32>
    %reduce_sum3A_741 = vector.extract %reduce_sum3A_740[0, 0, 0] : i32 from vector<1x1x1xi32>
    %shift_right_logical3A_742 = arith.constant 3 : i32
    %shift_right_logical3A_743 = arith.shrui %reduce_sum3A_741, %shift_right_logical3A_742 : i32
    %add3A_744 = arith.constant 8.960000e+02 : f32
    %add3A_745 = arith.constant 1.280000e+02 : f32
    %add3A_746 = arith.addf %add3A_744, %add3A_745 : f32
    %lt3A_747 = vector.broadcast %add3A_746 : f32 to vector<256x1xf32>
    %lt3A_748 = arith.cmpf olt, %dot_general3A_63, %lt3A_747 : vector<256x1xf32>
    %convert_element_type3A_749 = arith.extui %lt3A_748 : vector<256x1xi1> to vector<256x1xi32>
    %reduce_sum3A_750 = vector.shape_cast %convert_element_type3A_749 : vector<256x1xi32> to vector<1x256x1xi32>
    %reduce_sum3A_751 = arith.constant dense<0> : vector<1xi32>
    %reduce_sum3A_752 = vector.multi_reduction <add>, %reduce_sum3A_750, %reduce_sum3A_751 [1, 2] : vector<1x256x1xi32> to vector<1xi32>
    %reduce_sum3A_753 = vector.shape_cast %reduce_sum3A_752 : vector<1xi32> to vector<1x1x1xi32>
    %reduce_sum3A_754 = vector.extract %reduce_sum3A_753[0, 0, 0] : i32 from vector<1x1x1xi32>
    %add3A_755 = arith.constant 7 : i32
    %add3A_756 = arith.addi %reduce_sum3A_754, %add3A_755 : i32
    %shift_right_logical3A_757 = arith.constant 3 : i32
    %shift_right_logical3A_758 = arith.shrui %add3A_756, %shift_right_logical3A_757 : i32
    %le3A_759 = arith.constant 8.960000e+02 : f32
    %le3A_760 = vector.broadcast %le3A_759 : f32 to vector<256x1xf32>
    %le3A_761 = arith.cmpf ole, %add3A_66, %le3A_760 : vector<256x1xf32>
    %convert_element_type3A_762 = arith.extui %le3A_761 : vector<256x1xi1> to vector<256x1xi32>
    %reduce_sum3A_763 = vector.shape_cast %convert_element_type3A_762 : vector<256x1xi32> to vector<1x256x1xi32>
    %reduce_sum3A_764 = arith.constant dense<0> : vector<1xi32>
    %reduce_sum3A_765 = vector.multi_reduction <add>, %reduce_sum3A_763, %reduce_sum3A_764 [1, 2] : vector<1x256x1xi32> to vector<1xi32>
    %reduce_sum3A_766 = vector.shape_cast %reduce_sum3A_765 : vector<1xi32> to vector<1x1x1xi32>
    %reduce_sum3A_767 = vector.extract %reduce_sum3A_766[0, 0, 0] : i32 from vector<1x1x1xi32>
    %shift_right_logical3A_768 = arith.constant 3 : i32
    %shift_right_logical3A_769 = arith.shrui %reduce_sum3A_767, %shift_right_logical3A_768 : i32
    %add3A_770 = arith.constant 8.960000e+02 : f32
    %add3A_771 = arith.constant 1.280000e+02 : f32
    %add3A_772 = arith.addf %add3A_770, %add3A_771 : f32
    %lt3A_773 = vector.broadcast %add3A_772 : f32 to vector<256x1xf32>
    %lt3A_774 = arith.cmpf olt, %dot_general3A_65, %lt3A_773 : vector<256x1xf32>
    %convert_element_type3A_775 = arith.extui %lt3A_774 : vector<256x1xi1> to vector<256x1xi32>
    %reduce_sum3A_776 = vector.shape_cast %convert_element_type3A_775 : vector<256x1xi32> to vector<1x256x1xi32>
    %reduce_sum3A_777 = arith.constant dense<0> : vector<1xi32>
    %reduce_sum3A_778 = vector.multi_reduction <add>, %reduce_sum3A_776, %reduce_sum3A_777 [1, 2] : vector<1x256x1xi32> to vector<1xi32>
    %reduce_sum3A_779 = vector.shape_cast %reduce_sum3A_778 : vector<1xi32> to vector<1x1x1xi32>
    %reduce_sum3A_780 = vector.extract %reduce_sum3A_779[0, 0, 0] : i32 from vector<1x1x1xi32>
    %add3A_781 = arith.constant 7 : i32
    %add3A_782 = arith.addi %reduce_sum3A_780, %add3A_781 : i32
    %shift_right_logical3A_783 = arith.constant 3 : i32
    %shift_right_logical3A_784 = arith.shrui %add3A_782, %shift_right_logical3A_783 : i32
    %broadcast_in_dim3A_785 = arith.constant 0 : i32
    %broadcast_in_dim3A_786 = vector.broadcast %broadcast_in_dim3A_785 : i32 to vector<1x128xi32>
    %while3A_787 = arith.subi %shift_right_logical3A_758, %shift_right_logical3A_743 : i32
    %while3A_788 = arith.addi %shift_right_logical3A_743, %while3A_787 : i32
    %while3A_789 = arith.constant 1 : i32
    %while3A_790 = arith.divsi %while3A_787, %while3A_789 : i32
    %while3A_791 = arith.muli %while3A_790, %while3A_789 : i32
    %while3A_792 = arith.addi %shift_right_logical3A_743, %while3A_791 : i32
    %while3A_793 = arith.constant 1 : i32
    %while3A_794:2 = scf.for %while3A_1603 = %shift_right_logical3A_743 to %while3A_792 step %while3A_793 iter_args(%while3A_1604 = %broadcast_in_dim3A_786, %while3A_1605 = %broadcast_in_dim3A_786) -> (vector<1x128xi32>, vector<1x128xi32>)  : i32 {
      %mul3A_1606 = arith.constant 8 : i32
      %mul3A_1607 = arith.muli %while3A_1603, %mul3A_1606 : i32
      %get3A_1608 = arith.index_cast %mul3A_1607 : i32 to index
      %get3A_1609 = arith.constant 0 : index
      %get3A_1610 = vector.load %arg8[%get3A_1608, %get3A_1609] : memref<256x128xi32, #tpu.memory_space<vmem>>, vector<8x128xi32>
      %reshape3A_1611 = vector.shape_cast %get3A_1610 : vector<8x128xi32> to vector<8x128x1xi32>
      %mul3A_1612 = arith.constant 8 : i32
      %mul3A_1613 = arith.muli %while3A_1603, %mul3A_1612 : i32
      %get3A_1614 = arith.index_cast %mul3A_1613 : i32 to index
      %get3A_1615 = arith.constant 0 : index
      %get3A_1616 = vector.load %arg7[%get3A_1614, %get3A_1615] : memref<256x128xi32, #tpu.memory_space<vmem>>, vector<8x128xi32>
      %reshape3A_1617 = vector.shape_cast %get3A_1616 : vector<8x128xi32> to vector<8x128x1xi32>
      %mul3A_1618 = arith.constant 1024 : i32
      %mul3A_1619 = arith.muli %while3A_1603, %mul3A_1618 : i32
      %add3A_1620 = vector.broadcast %mul3A_1619 : i32 to vector<8x128x1xi32>
      %add3A_1621 = arith.addi %add3A_1620, %add3A_90 : vector<8x128x1xi32>
      %add3A_1622 = arith.constant 896 : i32
      %add3A_1623 = vector.broadcast %add3A_1622 : i32 to vector<1x1x128xi32>
      %add3A_1624 = arith.addi %iota3A_91, %add3A_1623 : vector<1x1x128xi32>
      %eq3A_1625 = vector.broadcast %reshape3A_1611 : vector<8x128x1xi32> to vector<8x128x128xi32>
      %eq3A_1626 = vector.broadcast %add3A_1624 : vector<1x1x128xi32> to vector<8x128x128xi32>
      %eq3A_1627 = arith.cmpi eq, %eq3A_1625, %eq3A_1626 : vector<8x128x128xi32>
      %jit3A_1628 = arith.constant 0 : i32
      %broadcast_in_dim3A_1629 = vector.shape_cast %add3A_1621 : vector<8x128x1xi32> to vector<8x128x1xi32>
      %broadcast_in_dim3A_1630 = vector.broadcast %broadcast_in_dim3A_1629 : vector<8x128x1xi32> to vector<8x128x128xi32>
      %broadcast_in_dim3A_1631 = vector.broadcast %jit3A_1628 : i32 to vector<8x128x128xi32>
      %select_n3A_1632 = arith.select %eq3A_1627, %broadcast_in_dim3A_1630, %broadcast_in_dim3A_1631 : vector<8x128x128xi1>, vector<8x128x128xi32>
      %reduce_sum3A_1633 = arith.constant dense<0> : vector<128x128xi32>
      %reduce_sum3A_1634 = vector.multi_reduction <add>, %select_n3A_1632, %reduce_sum3A_1633 [0] : vector<8x128x128xi32> to vector<128x128xi32>
      %reduce_sum3A_1635 = arith.constant dense<0> : vector<128xi32>
      %reduce_sum3A_1636 = vector.multi_reduction <add>, %reduce_sum3A_1634, %reduce_sum3A_1635 [0] : vector<128x128xi32> to vector<128xi32>
      %broadcast_in_dim3A_1637 = vector.shape_cast %reduce_sum3A_1636 : vector<128xi32> to vector<1x128xi32>
      %add3A_1638 = arith.addi %while3A_1604, %broadcast_in_dim3A_1637 : vector<1x128xi32>
      %jit3A_1639 = arith.constant 0 : i32
      %broadcast_in_dim3A_1640 = vector.shape_cast %reshape3A_1617 : vector<8x128x1xi32> to vector<8x128x1xi32>
      %broadcast_in_dim3A_1641 = vector.broadcast %broadcast_in_dim3A_1640 : vector<8x128x1xi32> to vector<8x128x128xi32>
      %broadcast_in_dim3A_1642 = vector.broadcast %jit3A_1639 : i32 to vector<8x128x128xi32>
      %select_n3A_1643 = arith.select %eq3A_1627, %broadcast_in_dim3A_1641, %broadcast_in_dim3A_1642 : vector<8x128x128xi1>, vector<8x128x128xi32>
      %reduce_sum3A_1644 = arith.constant dense<0> : vector<128x128xi32>
      %reduce_sum3A_1645 = vector.multi_reduction <add>, %select_n3A_1643, %reduce_sum3A_1644 [0] : vector<8x128x128xi32> to vector<128x128xi32>
      %reduce_sum3A_1646 = arith.constant dense<0> : vector<128xi32>
      %reduce_sum3A_1647 = vector.multi_reduction <add>, %reduce_sum3A_1645, %reduce_sum3A_1646 [0] : vector<128x128xi32> to vector<128xi32>
      %broadcast_in_dim3A_1648 = vector.shape_cast %reduce_sum3A_1647 : vector<128xi32> to vector<1x128xi32>
      %add3A_1649 = arith.addi %while3A_1605, %broadcast_in_dim3A_1648 : vector<1x128xi32>
      scf.yield %add3A_1638, %add3A_1649 : vector<1x128xi32>, vector<1x128xi32>
    }
    %while3A_795 = arith.constant 1 : i32
    %while3A_796:2 = scf.for %while3A_1603 = %while3A_792 to %while3A_788 step %while3A_795 iter_args(%while3A_1604 = %while3A_794#0, %while3A_1605 = %while3A_794#1) -> (vector<1x128xi32>, vector<1x128xi32>)  : i32 {
      %mul3A_1606 = arith.constant 8 : i32
      %mul3A_1607 = arith.muli %while3A_1603, %mul3A_1606 : i32
      %get3A_1608 = arith.index_cast %mul3A_1607 : i32 to index
      %get3A_1609 = arith.constant 0 : index
      %get3A_1610 = vector.load %arg8[%get3A_1608, %get3A_1609] : memref<256x128xi32, #tpu.memory_space<vmem>>, vector<8x128xi32>
      %reshape3A_1611 = vector.shape_cast %get3A_1610 : vector<8x128xi32> to vector<8x128x1xi32>
      %mul3A_1612 = arith.constant 8 : i32
      %mul3A_1613 = arith.muli %while3A_1603, %mul3A_1612 : i32
      %get3A_1614 = arith.index_cast %mul3A_1613 : i32 to index
      %get3A_1615 = arith.constant 0 : index
      %get3A_1616 = vector.load %arg7[%get3A_1614, %get3A_1615] : memref<256x128xi32, #tpu.memory_space<vmem>>, vector<8x128xi32>
      %reshape3A_1617 = vector.shape_cast %get3A_1616 : vector<8x128xi32> to vector<8x128x1xi32>
      %mul3A_1618 = arith.constant 1024 : i32
      %mul3A_1619 = arith.muli %while3A_1603, %mul3A_1618 : i32
      %add3A_1620 = vector.broadcast %mul3A_1619 : i32 to vector<8x128x1xi32>
      %add3A_1621 = arith.addi %add3A_1620, %add3A_90 : vector<8x128x1xi32>
      %add3A_1622 = arith.constant 896 : i32
      %add3A_1623 = vector.broadcast %add3A_1622 : i32 to vector<1x1x128xi32>
      %add3A_1624 = arith.addi %iota3A_91, %add3A_1623 : vector<1x1x128xi32>
      %eq3A_1625 = vector.broadcast %reshape3A_1611 : vector<8x128x1xi32> to vector<8x128x128xi32>
      %eq3A_1626 = vector.broadcast %add3A_1624 : vector<1x1x128xi32> to vector<8x128x128xi32>
      %eq3A_1627 = arith.cmpi eq, %eq3A_1625, %eq3A_1626 : vector<8x128x128xi32>
      %jit3A_1628 = arith.constant 0 : i32
      %broadcast_in_dim3A_1629 = vector.shape_cast %add3A_1621 : vector<8x128x1xi32> to vector<8x128x1xi32>
      %broadcast_in_dim3A_1630 = vector.broadcast %broadcast_in_dim3A_1629 : vector<8x128x1xi32> to vector<8x128x128xi32>
      %broadcast_in_dim3A_1631 = vector.broadcast %jit3A_1628 : i32 to vector<8x128x128xi32>
      %select_n3A_1632 = arith.select %eq3A_1627, %broadcast_in_dim3A_1630, %broadcast_in_dim3A_1631 : vector<8x128x128xi1>, vector<8x128x128xi32>
      %reduce_sum3A_1633 = arith.constant dense<0> : vector<128x128xi32>
      %reduce_sum3A_1634 = vector.multi_reduction <add>, %select_n3A_1632, %reduce_sum3A_1633 [0] : vector<8x128x128xi32> to vector<128x128xi32>
      %reduce_sum3A_1635 = arith.constant dense<0> : vector<128xi32>
      %reduce_sum3A_1636 = vector.multi_reduction <add>, %reduce_sum3A_1634, %reduce_sum3A_1635 [0] : vector<128x128xi32> to vector<128xi32>
      %broadcast_in_dim3A_1637 = vector.shape_cast %reduce_sum3A_1636 : vector<128xi32> to vector<1x128xi32>
      %add3A_1638 = arith.addi %while3A_1604, %broadcast_in_dim3A_1637 : vector<1x128xi32>
      %jit3A_1639 = arith.constant 0 : i32
      %broadcast_in_dim3A_1640 = vector.shape_cast %reshape3A_1617 : vector<8x128x1xi32> to vector<8x128x1xi32>
      %broadcast_in_dim3A_1641 = vector.broadcast %broadcast_in_dim3A_1640 : vector<8x128x1xi32> to vector<8x128x128xi32>
      %broadcast_in_dim3A_1642 = vector.broadcast %jit3A_1639 : i32 to vector<8x128x128xi32>
      %select_n3A_1643 = arith.select %eq3A_1627, %broadcast_in_dim3A_1641, %broadcast_in_dim3A_1642 : vector<8x128x128xi1>, vector<8x128x128xi32>
      %reduce_sum3A_1644 = arith.constant dense<0> : vector<128x128xi32>
      %reduce_sum3A_1645 = vector.multi_reduction <add>, %select_n3A_1643, %reduce_sum3A_1644 [0] : vector<8x128x128xi32> to vector<128x128xi32>
      %reduce_sum3A_1646 = arith.constant dense<0> : vector<128xi32>
      %reduce_sum3A_1647 = vector.multi_reduction <add>, %reduce_sum3A_1645, %reduce_sum3A_1646 [0] : vector<128x128xi32> to vector<128xi32>
      %broadcast_in_dim3A_1648 = vector.shape_cast %reduce_sum3A_1647 : vector<128xi32> to vector<1x128xi32>
      %add3A_1649 = arith.addi %while3A_1605, %broadcast_in_dim3A_1648 : vector<1x128xi32>
      scf.yield %add3A_1638, %add3A_1649 : vector<1x128xi32>, vector<1x128xi32>
    }
    %swap3A_797 = arith.constant 7 : index
    %swap3A_798 = arith.constant 0 : index
    %swap3A_799 = arith.constant 0 : index
    %swap3A_800 = vector.load %arg3[%swap3A_797, %swap3A_798, %swap3A_799] : memref<18x1x128xi32, #tpu.memory_space<vmem>>, vector<1x1x128xi32>
    %swap3A_801 = vector.shape_cast %swap3A_800 : vector<1x1x128xi32> to vector<1x128xi32>
    %swap3A_802 = vector.shape_cast %while3A_796#1 : vector<1x128xi32> to vector<1x1x128xi32>
    tpu.vector_store %arg3[%swap3A_797, %swap3A_798, %swap3A_799], %swap3A_802 {strides = array<i32>} : memref<18x1x128xi32, #tpu.memory_space<vmem>>, vector<1x1x128xi32>,
    %swap3A_803 = arith.constant 7 : index
    %swap3A_804 = arith.constant 0 : index
    %swap3A_805 = arith.constant 0 : index
    %swap3A_806 = vector.load %arg4[%swap3A_803, %swap3A_804, %swap3A_805] : memref<18x1x128xi32, #tpu.memory_space<vmem>>, vector<1x1x128xi32>
    %swap3A_807 = vector.shape_cast %swap3A_806 : vector<1x1x128xi32> to vector<1x128xi32>
    %swap3A_808 = vector.shape_cast %while3A_796#0 : vector<1x128xi32> to vector<1x1x128xi32>
    tpu.vector_store %arg4[%swap3A_803, %swap3A_804, %swap3A_805], %swap3A_808 {strides = array<i32>} : memref<18x1x128xi32, #tpu.memory_space<vmem>>, vector<1x1x128xi32>,
    %while3A_809 = arith.subi %shift_right_logical3A_784, %shift_right_logical3A_769 : i32
    %while3A_810 = arith.addi %shift_right_logical3A_769, %while3A_809 : i32
    %while3A_811 = arith.constant 1 : i32
    %while3A_812 = arith.divsi %while3A_809, %while3A_811 : i32
    %while3A_813 = arith.muli %while3A_812, %while3A_811 : i32
    %while3A_814 = arith.addi %shift_right_logical3A_769, %while3A_813 : i32
    %while3A_815 = arith.constant 1 : i32
    %while3A_816 = scf.for %while3A_1603 = %shift_right_logical3A_769 to %while3A_814 step %while3A_815 iter_args(%while3A_1604 = %broadcast_in_dim3A_786) -> (vector<1x128xi32>)  : i32 {
      %mul3A_1605 = arith.constant 8 : i32
      %mul3A_1606 = arith.muli %while3A_1603, %mul3A_1605 : i32
      %get3A_1607 = arith.index_cast %mul3A_1606 : i32 to index
      %get3A_1608 = arith.constant 0 : index
      %get3A_1609 = vector.load %arg9[%get3A_1607, %get3A_1608] : memref<256x128xi32, #tpu.memory_space<vmem>>, vector<8x128xi32>
      %reshape3A_1610 = vector.shape_cast %get3A_1609 : vector<8x128xi32> to vector<8x128x1xi32>
      %mul3A_1611 = arith.constant 1024 : i32
      %mul3A_1612 = arith.muli %while3A_1603, %mul3A_1611 : i32
      %add3A_1613 = vector.broadcast %mul3A_1612 : i32 to vector<8x128x1xi32>
      %add3A_1614 = arith.addi %add3A_1613, %add3A_90 : vector<8x128x1xi32>
      %add3A_1615 = arith.constant 896 : i32
      %add3A_1616 = vector.broadcast %add3A_1615 : i32 to vector<1x1x128xi32>
      %add3A_1617 = arith.addi %iota3A_91, %add3A_1616 : vector<1x1x128xi32>
      %eq3A_1618 = vector.broadcast %reshape3A_1610 : vector<8x128x1xi32> to vector<8x128x128xi32>
      %eq3A_1619 = vector.broadcast %add3A_1617 : vector<1x1x128xi32> to vector<8x128x128xi32>
      %eq3A_1620 = arith.cmpi eq, %eq3A_1618, %eq3A_1619 : vector<8x128x128xi32>
      %jit3A_1621 = arith.constant 0 : i32
      %broadcast_in_dim3A_1622 = vector.shape_cast %add3A_1614 : vector<8x128x1xi32> to vector<8x128x1xi32>
      %broadcast_in_dim3A_1623 = vector.broadcast %broadcast_in_dim3A_1622 : vector<8x128x1xi32> to vector<8x128x128xi32>
      %broadcast_in_dim3A_1624 = vector.broadcast %jit3A_1621 : i32 to vector<8x128x128xi32>
      %select_n3A_1625 = arith.select %eq3A_1620, %broadcast_in_dim3A_1623, %broadcast_in_dim3A_1624 : vector<8x128x128xi1>, vector<8x128x128xi32>
      %reduce_sum3A_1626 = arith.constant dense<0> : vector<128x128xi32>
      %reduce_sum3A_1627 = vector.multi_reduction <add>, %select_n3A_1625, %reduce_sum3A_1626 [0] : vector<8x128x128xi32> to vector<128x128xi32>
      %reduce_sum3A_1628 = arith.constant dense<0> : vector<128xi32>
      %reduce_sum3A_1629 = vector.multi_reduction <add>, %reduce_sum3A_1627, %reduce_sum3A_1628 [0] : vector<128x128xi32> to vector<128xi32>
      %broadcast_in_dim3A_1630 = vector.shape_cast %reduce_sum3A_1629 : vector<128xi32> to vector<1x128xi32>
      %add3A_1631 = arith.addi %while3A_1604, %broadcast_in_dim3A_1630 : vector<1x128xi32>
      scf.yield %add3A_1631 : vector<1x128xi32>
    }
    %while3A_817 = arith.constant 1 : i32
    %while3A_818 = scf.for %while3A_1603 = %while3A_814 to %while3A_810 step %while3A_817 iter_args(%while3A_1604 = %while3A_816) -> (vector<1x128xi32>)  : i32 {
      %mul3A_1605 = arith.constant 8 : i32
      %mul3A_1606 = arith.muli %while3A_1603, %mul3A_1605 : i32
      %get3A_1607 = arith.index_cast %mul3A_1606 : i32 to index
      %get3A_1608 = arith.constant 0 : index
      %get3A_1609 = vector.load %arg9[%get3A_1607, %get3A_1608] : memref<256x128xi32, #tpu.memory_space<vmem>>, vector<8x128xi32>
      %reshape3A_1610 = vector.shape_cast %get3A_1609 : vector<8x128xi32> to vector<8x128x1xi32>
      %mul3A_1611 = arith.constant 1024 : i32
      %mul3A_1612 = arith.muli %while3A_1603, %mul3A_1611 : i32
      %add3A_1613 = vector.broadcast %mul3A_1612 : i32 to vector<8x128x1xi32>
      %add3A_1614 = arith.addi %add3A_1613, %add3A_90 : vector<8x128x1xi32>
      %add3A_1615 = arith.constant 896 : i32
      %add3A_1616 = vector.broadcast %add3A_1615 : i32 to vector<1x1x128xi32>
      %add3A_1617 = arith.addi %iota3A_91, %add3A_1616 : vector<1x1x128xi32>
      %eq3A_1618 = vector.broadcast %reshape3A_1610 : vector<8x128x1xi32> to vector<8x128x128xi32>
      %eq3A_1619 = vector.broadcast %add3A_1617 : vector<1x1x128xi32> to vector<8x128x128xi32>
      %eq3A_1620 = arith.cmpi eq, %eq3A_1618, %eq3A_1619 : vector<8x128x128xi32>
      %jit3A_1621 = arith.constant 0 : i32
      %broadcast_in_dim3A_1622 = vector.shape_cast %add3A_1614 : vector<8x128x1xi32> to vector<8x128x1xi32>
      %broadcast_in_dim3A_1623 = vector.broadcast %broadcast_in_dim3A_1622 : vector<8x128x1xi32> to vector<8x128x128xi32>
      %broadcast_in_dim3A_1624 = vector.broadcast %jit3A_1621 : i32 to vector<8x128x128xi32>
      %select_n3A_1625 = arith.select %eq3A_1620, %broadcast_in_dim3A_1623, %broadcast_in_dim3A_1624 : vector<8x128x128xi1>, vector<8x128x128xi32>
      %reduce_sum3A_1626 = arith.constant dense<0> : vector<128x128xi32>
      %reduce_sum3A_1627 = vector.multi_reduction <add>, %select_n3A_1625, %reduce_sum3A_1626 [0] : vector<8x128x128xi32> to vector<128x128xi32>
      %reduce_sum3A_1628 = arith.constant dense<0> : vector<128xi32>
      %reduce_sum3A_1629 = vector.multi_reduction <add>, %reduce_sum3A_1627, %reduce_sum3A_1628 [0] : vector<128x128xi32> to vector<128xi32>
      %broadcast_in_dim3A_1630 = vector.shape_cast %reduce_sum3A_1629 : vector<128xi32> to vector<1x128xi32>
      %add3A_1631 = arith.addi %while3A_1604, %broadcast_in_dim3A_1630 : vector<1x128xi32>
      scf.yield %add3A_1631 : vector<1x128xi32>
    }
    %swap3A_819 = arith.constant 7 : index
    %swap3A_820 = arith.constant 0 : index
    %swap3A_821 = arith.constant 0 : index
    %swap3A_822 = vector.load %arg5[%swap3A_819, %swap3A_820, %swap3A_821] : memref<18x1x128xi32, #tpu.memory_space<vmem>>, vector<1x1x128xi32>
    %swap3A_823 = vector.shape_cast %swap3A_822 : vector<1x1x128xi32> to vector<1x128xi32>
    %swap3A_824 = vector.shape_cast %while3A_818 : vector<1x128xi32> to vector<1x1x128xi32>
    tpu.vector_store %arg5[%swap3A_819, %swap3A_820, %swap3A_821], %swap3A_824 {strides = array<i32>} : memref<18x1x128xi32, #tpu.memory_space<vmem>>, vector<1x1x128xi32>,
    %le3A_825 = arith.constant 1.024000e+03 : f32
    %le3A_826 = vector.broadcast %le3A_825 : f32 to vector<256x1xf32>
    %le3A_827 = arith.cmpf ole, %add3A, %le3A_826 : vector<256x1xf32>
    %convert_element_type3A_828 = arith.extui %le3A_827 : vector<256x1xi1> to vector<256x1xi32>
    %reduce_sum3A_829 = vector.shape_cast %convert_element_type3A_828 : vector<256x1xi32> to vector<1x256x1xi32>
    %reduce_sum3A_830 = arith.constant dense<0> : vector<1xi32>
    %reduce_sum3A_831 = vector.multi_reduction <add>, %reduce_sum3A_829, %reduce_sum3A_830 [1, 2] : vector<1x256x1xi32> to vector<1xi32>
    %reduce_sum3A_832 = vector.shape_cast %reduce_sum3A_831 : vector<1xi32> to vector<1x1x1xi32>
    %reduce_sum3A_833 = vector.extract %reduce_sum3A_832[0, 0, 0] : i32 from vector<1x1x1xi32>
    %shift_right_logical3A_834 = arith.constant 3 : i32
    %shift_right_logical3A_835 = arith.shrui %reduce_sum3A_833, %shift_right_logical3A_834 : i32
    %add3A_836 = arith.constant 1.024000e+03 : f32
    %add3A_837 = arith.constant 1.280000e+02 : f32
    %add3A_838 = arith.addf %add3A_836, %add3A_837 : f32
    %lt3A_839 = vector.broadcast %add3A_838 : f32 to vector<256x1xf32>
    %lt3A_840 = arith.cmpf olt, %dot_general3A_63, %lt3A_839 : vector<256x1xf32>
    %convert_element_type3A_841 = arith.extui %lt3A_840 : vector<256x1xi1> to vector<256x1xi32>
    %reduce_sum3A_842 = vector.shape_cast %convert_element_type3A_841 : vector<256x1xi32> to vector<1x256x1xi32>
    %reduce_sum3A_843 = arith.constant dense<0> : vector<1xi32>
    %reduce_sum3A_844 = vector.multi_reduction <add>, %reduce_sum3A_842, %reduce_sum3A_843 [1, 2] : vector<1x256x1xi32> to vector<1xi32>
    %reduce_sum3A_845 = vector.shape_cast %reduce_sum3A_844 : vector<1xi32> to vector<1x1x1xi32>
    %reduce_sum3A_846 = vector.extract %reduce_sum3A_845[0, 0, 0] : i32 from vector<1x1x1xi32>
    %add3A_847 = arith.constant 7 : i32
    %add3A_848 = arith.addi %reduce_sum3A_846, %add3A_847 : i32
    %shift_right_logical3A_849 = arith.constant 3 : i32
    %shift_right_logical3A_850 = arith.shrui %add3A_848, %shift_right_logical3A_849 : i32
    %le3A_851 = arith.constant 1.024000e+03 : f32
    %le3A_852 = vector.broadcast %le3A_851 : f32 to vector<256x1xf32>
    %le3A_853 = arith.cmpf ole, %add3A_66, %le3A_852 : vector<256x1xf32>
    %convert_element_type3A_854 = arith.extui %le3A_853 : vector<256x1xi1> to vector<256x1xi32>
    %reduce_sum3A_855 = vector.shape_cast %convert_element_type3A_854 : vector<256x1xi32> to vector<1x256x1xi32>
    %reduce_sum3A_856 = arith.constant dense<0> : vector<1xi32>
    %reduce_sum3A_857 = vector.multi_reduction <add>, %reduce_sum3A_855, %reduce_sum3A_856 [1, 2] : vector<1x256x1xi32> to vector<1xi32>
    %reduce_sum3A_858 = vector.shape_cast %reduce_sum3A_857 : vector<1xi32> to vector<1x1x1xi32>
    %reduce_sum3A_859 = vector.extract %reduce_sum3A_858[0, 0, 0] : i32 from vector<1x1x1xi32>
    %shift_right_logical3A_860 = arith.constant 3 : i32
    %shift_right_logical3A_861 = arith.shrui %reduce_sum3A_859, %shift_right_logical3A_860 : i32
    %add3A_862 = arith.constant 1.024000e+03 : f32
    %add3A_863 = arith.constant 1.280000e+02 : f32
    %add3A_864 = arith.addf %add3A_862, %add3A_863 : f32
    %lt3A_865 = vector.broadcast %add3A_864 : f32 to vector<256x1xf32>
    %lt3A_866 = arith.cmpf olt, %dot_general3A_65, %lt3A_865 : vector<256x1xf32>
    %convert_element_type3A_867 = arith.extui %lt3A_866 : vector<256x1xi1> to vector<256x1xi32>
    %reduce_sum3A_868 = vector.shape_cast %convert_element_type3A_867 : vector<256x1xi32> to vector<1x256x1xi32>
    %reduce_sum3A_869 = arith.constant dense<0> : vector<1xi32>
    %reduce_sum3A_870 = vector.multi_reduction <add>, %reduce_sum3A_868, %reduce_sum3A_869 [1, 2] : vector<1x256x1xi32> to vector<1xi32>
    %reduce_sum3A_871 = vector.shape_cast %reduce_sum3A_870 : vector<1xi32> to vector<1x1x1xi32>
    %reduce_sum3A_872 = vector.extract %reduce_sum3A_871[0, 0, 0] : i32 from vector<1x1x1xi32>
    %add3A_873 = arith.constant 7 : i32
    %add3A_874 = arith.addi %reduce_sum3A_872, %add3A_873 : i32
    %shift_right_logical3A_875 = arith.constant 3 : i32
    %shift_right_logical3A_876 = arith.shrui %add3A_874, %shift_right_logical3A_875 : i32
    %broadcast_in_dim3A_877 = arith.constant 0 : i32
    %broadcast_in_dim3A_878 = vector.broadcast %broadcast_in_dim3A_877 : i32 to vector<1x128xi32>
    %while3A_879 = arith.subi %shift_right_logical3A_850, %shift_right_logical3A_835 : i32
    %while3A_880 = arith.addi %shift_right_logical3A_835, %while3A_879 : i32
    %while3A_881 = arith.constant 1 : i32
    %while3A_882 = arith.divsi %while3A_879, %while3A_881 : i32
    %while3A_883 = arith.muli %while3A_882, %while3A_881 : i32
    %while3A_884 = arith.addi %shift_right_logical3A_835, %while3A_883 : i32
    %while3A_885 = arith.constant 1 : i32
    %while3A_886:2 = scf.for %while3A_1603 = %shift_right_logical3A_835 to %while3A_884 step %while3A_885 iter_args(%while3A_1604 = %broadcast_in_dim3A_878, %while3A_1605 = %broadcast_in_dim3A_878) -> (vector<1x128xi32>, vector<1x128xi32>)  : i32 {
      %mul3A_1606 = arith.constant 8 : i32
      %mul3A_1607 = arith.muli %while3A_1603, %mul3A_1606 : i32
      %get3A_1608 = arith.index_cast %mul3A_1607 : i32 to index
      %get3A_1609 = arith.constant 0 : index
      %get3A_1610 = vector.load %arg8[%get3A_1608, %get3A_1609] : memref<256x128xi32, #tpu.memory_space<vmem>>, vector<8x128xi32>
      %reshape3A_1611 = vector.shape_cast %get3A_1610 : vector<8x128xi32> to vector<8x128x1xi32>
      %mul3A_1612 = arith.constant 8 : i32
      %mul3A_1613 = arith.muli %while3A_1603, %mul3A_1612 : i32
      %get3A_1614 = arith.index_cast %mul3A_1613 : i32 to index
      %get3A_1615 = arith.constant 0 : index
      %get3A_1616 = vector.load %arg7[%get3A_1614, %get3A_1615] : memref<256x128xi32, #tpu.memory_space<vmem>>, vector<8x128xi32>
      %reshape3A_1617 = vector.shape_cast %get3A_1616 : vector<8x128xi32> to vector<8x128x1xi32>
      %mul3A_1618 = arith.constant 1024 : i32
      %mul3A_1619 = arith.muli %while3A_1603, %mul3A_1618 : i32
      %add3A_1620 = vector.broadcast %mul3A_1619 : i32 to vector<8x128x1xi32>
      %add3A_1621 = arith.addi %add3A_1620, %add3A_90 : vector<8x128x1xi32>
      %add3A_1622 = arith.constant 1024 : i32
      %add3A_1623 = vector.broadcast %add3A_1622 : i32 to vector<1x1x128xi32>
      %add3A_1624 = arith.addi %iota3A_91, %add3A_1623 : vector<1x1x128xi32>
      %eq3A_1625 = vector.broadcast %reshape3A_1611 : vector<8x128x1xi32> to vector<8x128x128xi32>
      %eq3A_1626 = vector.broadcast %add3A_1624 : vector<1x1x128xi32> to vector<8x128x128xi32>
      %eq3A_1627 = arith.cmpi eq, %eq3A_1625, %eq3A_1626 : vector<8x128x128xi32>
      %jit3A_1628 = arith.constant 0 : i32
      %broadcast_in_dim3A_1629 = vector.shape_cast %add3A_1621 : vector<8x128x1xi32> to vector<8x128x1xi32>
      %broadcast_in_dim3A_1630 = vector.broadcast %broadcast_in_dim3A_1629 : vector<8x128x1xi32> to vector<8x128x128xi32>
      %broadcast_in_dim3A_1631 = vector.broadcast %jit3A_1628 : i32 to vector<8x128x128xi32>
      %select_n3A_1632 = arith.select %eq3A_1627, %broadcast_in_dim3A_1630, %broadcast_in_dim3A_1631 : vector<8x128x128xi1>, vector<8x128x128xi32>
      %reduce_sum3A_1633 = arith.constant dense<0> : vector<128x128xi32>
      %reduce_sum3A_1634 = vector.multi_reduction <add>, %select_n3A_1632, %reduce_sum3A_1633 [0] : vector<8x128x128xi32> to vector<128x128xi32>
      %reduce_sum3A_1635 = arith.constant dense<0> : vector<128xi32>
      %reduce_sum3A_1636 = vector.multi_reduction <add>, %reduce_sum3A_1634, %reduce_sum3A_1635 [0] : vector<128x128xi32> to vector<128xi32>
      %broadcast_in_dim3A_1637 = vector.shape_cast %reduce_sum3A_1636 : vector<128xi32> to vector<1x128xi32>
      %add3A_1638 = arith.addi %while3A_1604, %broadcast_in_dim3A_1637 : vector<1x128xi32>
      %jit3A_1639 = arith.constant 0 : i32
      %broadcast_in_dim3A_1640 = vector.shape_cast %reshape3A_1617 : vector<8x128x1xi32> to vector<8x128x1xi32>
      %broadcast_in_dim3A_1641 = vector.broadcast %broadcast_in_dim3A_1640 : vector<8x128x1xi32> to vector<8x128x128xi32>
      %broadcast_in_dim3A_1642 = vector.broadcast %jit3A_1639 : i32 to vector<8x128x128xi32>
      %select_n3A_1643 = arith.select %eq3A_1627, %broadcast_in_dim3A_1641, %broadcast_in_dim3A_1642 : vector<8x128x128xi1>, vector<8x128x128xi32>
      %reduce_sum3A_1644 = arith.constant dense<0> : vector<128x128xi32>
      %reduce_sum3A_1645 = vector.multi_reduction <add>, %select_n3A_1643, %reduce_sum3A_1644 [0] : vector<8x128x128xi32> to vector<128x128xi32>
      %reduce_sum3A_1646 = arith.constant dense<0> : vector<128xi32>
      %reduce_sum3A_1647 = vector.multi_reduction <add>, %reduce_sum3A_1645, %reduce_sum3A_1646 [0] : vector<128x128xi32> to vector<128xi32>
      %broadcast_in_dim3A_1648 = vector.shape_cast %reduce_sum3A_1647 : vector<128xi32> to vector<1x128xi32>
      %add3A_1649 = arith.addi %while3A_1605, %broadcast_in_dim3A_1648 : vector<1x128xi32>
      scf.yield %add3A_1638, %add3A_1649 : vector<1x128xi32>, vector<1x128xi32>
    }
    %while3A_887 = arith.constant 1 : i32
    %while3A_888:2 = scf.for %while3A_1603 = %while3A_884 to %while3A_880 step %while3A_887 iter_args(%while3A_1604 = %while3A_886#0, %while3A_1605 = %while3A_886#1) -> (vector<1x128xi32>, vector<1x128xi32>)  : i32 {
      %mul3A_1606 = arith.constant 8 : i32
      %mul3A_1607 = arith.muli %while3A_1603, %mul3A_1606 : i32
      %get3A_1608 = arith.index_cast %mul3A_1607 : i32 to index
      %get3A_1609 = arith.constant 0 : index
      %get3A_1610 = vector.load %arg8[%get3A_1608, %get3A_1609] : memref<256x128xi32, #tpu.memory_space<vmem>>, vector<8x128xi32>
      %reshape3A_1611 = vector.shape_cast %get3A_1610 : vector<8x128xi32> to vector<8x128x1xi32>
      %mul3A_1612 = arith.constant 8 : i32
      %mul3A_1613 = arith.muli %while3A_1603, %mul3A_1612 : i32
      %get3A_1614 = arith.index_cast %mul3A_1613 : i32 to index
      %get3A_1615 = arith.constant 0 : index
      %get3A_1616 = vector.load %arg7[%get3A_1614, %get3A_1615] : memref<256x128xi32, #tpu.memory_space<vmem>>, vector<8x128xi32>
      %reshape3A_1617 = vector.shape_cast %get3A_1616 : vector<8x128xi32> to vector<8x128x1xi32>
      %mul3A_1618 = arith.constant 1024 : i32
      %mul3A_1619 = arith.muli %while3A_1603, %mul3A_1618 : i32
      %add3A_1620 = vector.broadcast %mul3A_1619 : i32 to vector<8x128x1xi32>
      %add3A_1621 = arith.addi %add3A_1620, %add3A_90 : vector<8x128x1xi32>
      %add3A_1622 = arith.constant 1024 : i32
      %add3A_1623 = vector.broadcast %add3A_1622 : i32 to vector<1x1x128xi32>
      %add3A_1624 = arith.addi %iota3A_91, %add3A_1623 : vector<1x1x128xi32>
      %eq3A_1625 = vector.broadcast %reshape3A_1611 : vector<8x128x1xi32> to vector<8x128x128xi32>
      %eq3A_1626 = vector.broadcast %add3A_1624 : vector<1x1x128xi32> to vector<8x128x128xi32>
      %eq3A_1627 = arith.cmpi eq, %eq3A_1625, %eq3A_1626 : vector<8x128x128xi32>
      %jit3A_1628 = arith.constant 0 : i32
      %broadcast_in_dim3A_1629 = vector.shape_cast %add3A_1621 : vector<8x128x1xi32> to vector<8x128x1xi32>
      %broadcast_in_dim3A_1630 = vector.broadcast %broadcast_in_dim3A_1629 : vector<8x128x1xi32> to vector<8x128x128xi32>
      %broadcast_in_dim3A_1631 = vector.broadcast %jit3A_1628 : i32 to vector<8x128x128xi32>
      %select_n3A_1632 = arith.select %eq3A_1627, %broadcast_in_dim3A_1630, %broadcast_in_dim3A_1631 : vector<8x128x128xi1>, vector<8x128x128xi32>
      %reduce_sum3A_1633 = arith.constant dense<0> : vector<128x128xi32>
      %reduce_sum3A_1634 = vector.multi_reduction <add>, %select_n3A_1632, %reduce_sum3A_1633 [0] : vector<8x128x128xi32> to vector<128x128xi32>
      %reduce_sum3A_1635 = arith.constant dense<0> : vector<128xi32>
      %reduce_sum3A_1636 = vector.multi_reduction <add>, %reduce_sum3A_1634, %reduce_sum3A_1635 [0] : vector<128x128xi32> to vector<128xi32>
      %broadcast_in_dim3A_1637 = vector.shape_cast %reduce_sum3A_1636 : vector<128xi32> to vector<1x128xi32>
      %add3A_1638 = arith.addi %while3A_1604, %broadcast_in_dim3A_1637 : vector<1x128xi32>
      %jit3A_1639 = arith.constant 0 : i32
      %broadcast_in_dim3A_1640 = vector.shape_cast %reshape3A_1617 : vector<8x128x1xi32> to vector<8x128x1xi32>
      %broadcast_in_dim3A_1641 = vector.broadcast %broadcast_in_dim3A_1640 : vector<8x128x1xi32> to vector<8x128x128xi32>
      %broadcast_in_dim3A_1642 = vector.broadcast %jit3A_1639 : i32 to vector<8x128x128xi32>
      %select_n3A_1643 = arith.select %eq3A_1627, %broadcast_in_dim3A_1641, %broadcast_in_dim3A_1642 : vector<8x128x128xi1>, vector<8x128x128xi32>
      %reduce_sum3A_1644 = arith.constant dense<0> : vector<128x128xi32>
      %reduce_sum3A_1645 = vector.multi_reduction <add>, %select_n3A_1643, %reduce_sum3A_1644 [0] : vector<8x128x128xi32> to vector<128x128xi32>
      %reduce_sum3A_1646 = arith.constant dense<0> : vector<128xi32>
      %reduce_sum3A_1647 = vector.multi_reduction <add>, %reduce_sum3A_1645, %reduce_sum3A_1646 [0] : vector<128x128xi32> to vector<128xi32>
      %broadcast_in_dim3A_1648 = vector.shape_cast %reduce_sum3A_1647 : vector<128xi32> to vector<1x128xi32>
      %add3A_1649 = arith.addi %while3A_1605, %broadcast_in_dim3A_1648 : vector<1x128xi32>
      scf.yield %add3A_1638, %add3A_1649 : vector<1x128xi32>, vector<1x128xi32>
    }
    %swap3A_889 = arith.constant 8 : index
    %swap3A_890 = arith.constant 0 : index
    %swap3A_891 = arith.constant 0 : index
    %swap3A_892 = vector.load %arg3[%swap3A_889, %swap3A_890, %swap3A_891] : memref<18x1x128xi32, #tpu.memory_space<vmem>>, vector<1x1x128xi32>
    %swap3A_893 = vector.shape_cast %swap3A_892 : vector<1x1x128xi32> to vector<1x128xi32>
    %swap3A_894 = vector.shape_cast %while3A_888#1 : vector<1x128xi32> to vector<1x1x128xi32>
    tpu.vector_store %arg3[%swap3A_889, %swap3A_890, %swap3A_891], %swap3A_894 {strides = array<i32>} : memref<18x1x128xi32, #tpu.memory_space<vmem>>, vector<1x1x128xi32>,
    %swap3A_895 = arith.constant 8 : index
    %swap3A_896 = arith.constant 0 : index
    %swap3A_897 = arith.constant 0 : index
    %swap3A_898 = vector.load %arg4[%swap3A_895, %swap3A_896, %swap3A_897] : memref<18x1x128xi32, #tpu.memory_space<vmem>>, vector<1x1x128xi32>
    %swap3A_899 = vector.shape_cast %swap3A_898 : vector<1x1x128xi32> to vector<1x128xi32>
    %swap3A_900 = vector.shape_cast %while3A_888#0 : vector<1x128xi32> to vector<1x1x128xi32>
    tpu.vector_store %arg4[%swap3A_895, %swap3A_896, %swap3A_897], %swap3A_900 {strides = array<i32>} : memref<18x1x128xi32, #tpu.memory_space<vmem>>, vector<1x1x128xi32>,
    %while3A_901 = arith.subi %shift_right_logical3A_876, %shift_right_logical3A_861 : i32
    %while3A_902 = arith.addi %shift_right_logical3A_861, %while3A_901 : i32
    %while3A_903 = arith.constant 1 : i32
    %while3A_904 = arith.divsi %while3A_901, %while3A_903 : i32
    %while3A_905 = arith.muli %while3A_904, %while3A_903 : i32
    %while3A_906 = arith.addi %shift_right_logical3A_861, %while3A_905 : i32
    %while3A_907 = arith.constant 1 : i32
    %while3A_908 = scf.for %while3A_1603 = %shift_right_logical3A_861 to %while3A_906 step %while3A_907 iter_args(%while3A_1604 = %broadcast_in_dim3A_878) -> (vector<1x128xi32>)  : i32 {
      %mul3A_1605 = arith.constant 8 : i32
      %mul3A_1606 = arith.muli %while3A_1603, %mul3A_1605 : i32
      %get3A_1607 = arith.index_cast %mul3A_1606 : i32 to index
      %get3A_1608 = arith.constant 0 : index
      %get3A_1609 = vector.load %arg9[%get3A_1607, %get3A_1608] : memref<256x128xi32, #tpu.memory_space<vmem>>, vector<8x128xi32>
      %reshape3A_1610 = vector.shape_cast %get3A_1609 : vector<8x128xi32> to vector<8x128x1xi32>
      %mul3A_1611 = arith.constant 1024 : i32
      %mul3A_1612 = arith.muli %while3A_1603, %mul3A_1611 : i32
      %add3A_1613 = vector.broadcast %mul3A_1612 : i32 to vector<8x128x1xi32>
      %add3A_1614 = arith.addi %add3A_1613, %add3A_90 : vector<8x128x1xi32>
      %add3A_1615 = arith.constant 1024 : i32
      %add3A_1616 = vector.broadcast %add3A_1615 : i32 to vector<1x1x128xi32>
      %add3A_1617 = arith.addi %iota3A_91, %add3A_1616 : vector<1x1x128xi32>
      %eq3A_1618 = vector.broadcast %reshape3A_1610 : vector<8x128x1xi32> to vector<8x128x128xi32>
      %eq3A_1619 = vector.broadcast %add3A_1617 : vector<1x1x128xi32> to vector<8x128x128xi32>
      %eq3A_1620 = arith.cmpi eq, %eq3A_1618, %eq3A_1619 : vector<8x128x128xi32>
      %jit3A_1621 = arith.constant 0 : i32
      %broadcast_in_dim3A_1622 = vector.shape_cast %add3A_1614 : vector<8x128x1xi32> to vector<8x128x1xi32>
      %broadcast_in_dim3A_1623 = vector.broadcast %broadcast_in_dim3A_1622 : vector<8x128x1xi32> to vector<8x128x128xi32>
      %broadcast_in_dim3A_1624 = vector.broadcast %jit3A_1621 : i32 to vector<8x128x128xi32>
      %select_n3A_1625 = arith.select %eq3A_1620, %broadcast_in_dim3A_1623, %broadcast_in_dim3A_1624 : vector<8x128x128xi1>, vector<8x128x128xi32>
      %reduce_sum3A_1626 = arith.constant dense<0> : vector<128x128xi32>
      %reduce_sum3A_1627 = vector.multi_reduction <add>, %select_n3A_1625, %reduce_sum3A_1626 [0] : vector<8x128x128xi32> to vector<128x128xi32>
      %reduce_sum3A_1628 = arith.constant dense<0> : vector<128xi32>
      %reduce_sum3A_1629 = vector.multi_reduction <add>, %reduce_sum3A_1627, %reduce_sum3A_1628 [0] : vector<128x128xi32> to vector<128xi32>
      %broadcast_in_dim3A_1630 = vector.shape_cast %reduce_sum3A_1629 : vector<128xi32> to vector<1x128xi32>
      %add3A_1631 = arith.addi %while3A_1604, %broadcast_in_dim3A_1630 : vector<1x128xi32>
      scf.yield %add3A_1631 : vector<1x128xi32>
    }
    %while3A_909 = arith.constant 1 : i32
    %while3A_910 = scf.for %while3A_1603 = %while3A_906 to %while3A_902 step %while3A_909 iter_args(%while3A_1604 = %while3A_908) -> (vector<1x128xi32>)  : i32 {
      %mul3A_1605 = arith.constant 8 : i32
      %mul3A_1606 = arith.muli %while3A_1603, %mul3A_1605 : i32
      %get3A_1607 = arith.index_cast %mul3A_1606 : i32 to index
      %get3A_1608 = arith.constant 0 : index
      %get3A_1609 = vector.load %arg9[%get3A_1607, %get3A_1608] : memref<256x128xi32, #tpu.memory_space<vmem>>, vector<8x128xi32>
      %reshape3A_1610 = vector.shape_cast %get3A_1609 : vector<8x128xi32> to vector<8x128x1xi32>
      %mul3A_1611 = arith.constant 1024 : i32
      %mul3A_1612 = arith.muli %while3A_1603, %mul3A_1611 : i32
      %add3A_1613 = vector.broadcast %mul3A_1612 : i32 to vector<8x128x1xi32>
      %add3A_1614 = arith.addi %add3A_1613, %add3A_90 : vector<8x128x1xi32>
      %add3A_1615 = arith.constant 1024 : i32
      %add3A_1616 = vector.broadcast %add3A_1615 : i32 to vector<1x1x128xi32>
      %add3A_1617 = arith.addi %iota3A_91, %add3A_1616 : vector<1x1x128xi32>
      %eq3A_1618 = vector.broadcast %reshape3A_1610 : vector<8x128x1xi32> to vector<8x128x128xi32>
      %eq3A_1619 = vector.broadcast %add3A_1617 : vector<1x1x128xi32> to vector<8x128x128xi32>
      %eq3A_1620 = arith.cmpi eq, %eq3A_1618, %eq3A_1619 : vector<8x128x128xi32>
      %jit3A_1621 = arith.constant 0 : i32
      %broadcast_in_dim3A_1622 = vector.shape_cast %add3A_1614 : vector<8x128x1xi32> to vector<8x128x1xi32>
      %broadcast_in_dim3A_1623 = vector.broadcast %broadcast_in_dim3A_1622 : vector<8x128x1xi32> to vector<8x128x128xi32>
      %broadcast_in_dim3A_1624 = vector.broadcast %jit3A_1621 : i32 to vector<8x128x128xi32>
      %select_n3A_1625 = arith.select %eq3A_1620, %broadcast_in_dim3A_1623, %broadcast_in_dim3A_1624 : vector<8x128x128xi1>, vector<8x128x128xi32>
      %reduce_sum3A_1626 = arith.constant dense<0> : vector<128x128xi32>
      %reduce_sum3A_1627 = vector.multi_reduction <add>, %select_n3A_1625, %reduce_sum3A_1626 [0] : vector<8x128x128xi32> to vector<128x128xi32>
      %reduce_sum3A_1628 = arith.constant dense<0> : vector<128xi32>
      %reduce_sum3A_1629 = vector.multi_reduction <add>, %reduce_sum3A_1627, %reduce_sum3A_1628 [0] : vector<128x128xi32> to vector<128xi32>
      %broadcast_in_dim3A_1630 = vector.shape_cast %reduce_sum3A_1629 : vector<128xi32> to vector<1x128xi32>
      %add3A_1631 = arith.addi %while3A_1604, %broadcast_in_dim3A_1630 : vector<1x128xi32>
      scf.yield %add3A_1631 : vector<1x128xi32>
    }
    %swap3A_911 = arith.constant 8 : index
    %swap3A_912 = arith.constant 0 : index
    %swap3A_913 = arith.constant 0 : index
    %swap3A_914 = vector.load %arg5[%swap3A_911, %swap3A_912, %swap3A_913] : memref<18x1x128xi32, #tpu.memory_space<vmem>>, vector<1x1x128xi32>
    %swap3A_915 = vector.shape_cast %swap3A_914 : vector<1x1x128xi32> to vector<1x128xi32>
    %swap3A_916 = vector.shape_cast %while3A_910 : vector<1x128xi32> to vector<1x1x128xi32>
    tpu.vector_store %arg5[%swap3A_911, %swap3A_912, %swap3A_913], %swap3A_916 {strides = array<i32>} : memref<18x1x128xi32, #tpu.memory_space<vmem>>, vector<1x1x128xi32>,
    %le3A_917 = arith.constant 1.152000e+03 : f32
    %le3A_918 = vector.broadcast %le3A_917 : f32 to vector<256x1xf32>
    %le3A_919 = arith.cmpf ole, %add3A, %le3A_918 : vector<256x1xf32>
    %convert_element_type3A_920 = arith.extui %le3A_919 : vector<256x1xi1> to vector<256x1xi32>
    %reduce_sum3A_921 = vector.shape_cast %convert_element_type3A_920 : vector<256x1xi32> to vector<1x256x1xi32>
    %reduce_sum3A_922 = arith.constant dense<0> : vector<1xi32>
    %reduce_sum3A_923 = vector.multi_reduction <add>, %reduce_sum3A_921, %reduce_sum3A_922 [1, 2] : vector<1x256x1xi32> to vector<1xi32>
    %reduce_sum3A_924 = vector.shape_cast %reduce_sum3A_923 : vector<1xi32> to vector<1x1x1xi32>
    %reduce_sum3A_925 = vector.extract %reduce_sum3A_924[0, 0, 0] : i32 from vector<1x1x1xi32>
    %shift_right_logical3A_926 = arith.constant 3 : i32
    %shift_right_logical3A_927 = arith.shrui %reduce_sum3A_925, %shift_right_logical3A_926 : i32
    %add3A_928 = arith.constant 1.152000e+03 : f32
    %add3A_929 = arith.constant 1.280000e+02 : f32
    %add3A_930 = arith.addf %add3A_928, %add3A_929 : f32
    %lt3A_931 = vector.broadcast %add3A_930 : f32 to vector<256x1xf32>
    %lt3A_932 = arith.cmpf olt, %dot_general3A_63, %lt3A_931 : vector<256x1xf32>
    %convert_element_type3A_933 = arith.extui %lt3A_932 : vector<256x1xi1> to vector<256x1xi32>
    %reduce_sum3A_934 = vector.shape_cast %convert_element_type3A_933 : vector<256x1xi32> to vector<1x256x1xi32>
    %reduce_sum3A_935 = arith.constant dense<0> : vector<1xi32>
    %reduce_sum3A_936 = vector.multi_reduction <add>, %reduce_sum3A_934, %reduce_sum3A_935 [1, 2] : vector<1x256x1xi32> to vector<1xi32>
    %reduce_sum3A_937 = vector.shape_cast %reduce_sum3A_936 : vector<1xi32> to vector<1x1x1xi32>
    %reduce_sum3A_938 = vector.extract %reduce_sum3A_937[0, 0, 0] : i32 from vector<1x1x1xi32>
    %add3A_939 = arith.constant 7 : i32
    %add3A_940 = arith.addi %reduce_sum3A_938, %add3A_939 : i32
    %shift_right_logical3A_941 = arith.constant 3 : i32
    %shift_right_logical3A_942 = arith.shrui %add3A_940, %shift_right_logical3A_941 : i32
    %le3A_943 = arith.constant 1.152000e+03 : f32
    %le3A_944 = vector.broadcast %le3A_943 : f32 to vector<256x1xf32>
    %le3A_945 = arith.cmpf ole, %add3A_66, %le3A_944 : vector<256x1xf32>
    %convert_element_type3A_946 = arith.extui %le3A_945 : vector<256x1xi1> to vector<256x1xi32>
    %reduce_sum3A_947 = vector.shape_cast %convert_element_type3A_946 : vector<256x1xi32> to vector<1x256x1xi32>
    %reduce_sum3A_948 = arith.constant dense<0> : vector<1xi32>
    %reduce_sum3A_949 = vector.multi_reduction <add>, %reduce_sum3A_947, %reduce_sum3A_948 [1, 2] : vector<1x256x1xi32> to vector<1xi32>
    %reduce_sum3A_950 = vector.shape_cast %reduce_sum3A_949 : vector<1xi32> to vector<1x1x1xi32>
    %reduce_sum3A_951 = vector.extract %reduce_sum3A_950[0, 0, 0] : i32 from vector<1x1x1xi32>
    %shift_right_logical3A_952 = arith.constant 3 : i32
    %shift_right_logical3A_953 = arith.shrui %reduce_sum3A_951, %shift_right_logical3A_952 : i32
    %add3A_954 = arith.constant 1.152000e+03 : f32
    %add3A_955 = arith.constant 1.280000e+02 : f32
    %add3A_956 = arith.addf %add3A_954, %add3A_955 : f32
    %lt3A_957 = vector.broadcast %add3A_956 : f32 to vector<256x1xf32>
    %lt3A_958 = arith.cmpf olt, %dot_general3A_65, %lt3A_957 : vector<256x1xf32>
    %convert_element_type3A_959 = arith.extui %lt3A_958 : vector<256x1xi1> to vector<256x1xi32>
    %reduce_sum3A_960 = vector.shape_cast %convert_element_type3A_959 : vector<256x1xi32> to vector<1x256x1xi32>
    %reduce_sum3A_961 = arith.constant dense<0> : vector<1xi32>
    %reduce_sum3A_962 = vector.multi_reduction <add>, %reduce_sum3A_960, %reduce_sum3A_961 [1, 2] : vector<1x256x1xi32> to vector<1xi32>
    %reduce_sum3A_963 = vector.shape_cast %reduce_sum3A_962 : vector<1xi32> to vector<1x1x1xi32>
    %reduce_sum3A_964 = vector.extract %reduce_sum3A_963[0, 0, 0] : i32 from vector<1x1x1xi32>
    %add3A_965 = arith.constant 7 : i32
    %add3A_966 = arith.addi %reduce_sum3A_964, %add3A_965 : i32
    %shift_right_logical3A_967 = arith.constant 3 : i32
    %shift_right_logical3A_968 = arith.shrui %add3A_966, %shift_right_logical3A_967 : i32
    %broadcast_in_dim3A_969 = arith.constant 0 : i32
    %broadcast_in_dim3A_970 = vector.broadcast %broadcast_in_dim3A_969 : i32 to vector<1x128xi32>
    %while3A_971 = arith.subi %shift_right_logical3A_942, %shift_right_logical3A_927 : i32
    %while3A_972 = arith.addi %shift_right_logical3A_927, %while3A_971 : i32
    %while3A_973 = arith.constant 1 : i32
    %while3A_974 = arith.divsi %while3A_971, %while3A_973 : i32
    %while3A_975 = arith.muli %while3A_974, %while3A_973 : i32
    %while3A_976 = arith.addi %shift_right_logical3A_927, %while3A_975 : i32
    %while3A_977 = arith.constant 1 : i32
    %while3A_978:2 = scf.for %while3A_1603 = %shift_right_logical3A_927 to %while3A_976 step %while3A_977 iter_args(%while3A_1604 = %broadcast_in_dim3A_970, %while3A_1605 = %broadcast_in_dim3A_970) -> (vector<1x128xi32>, vector<1x128xi32>)  : i32 {
      %mul3A_1606 = arith.constant 8 : i32
      %mul3A_1607 = arith.muli %while3A_1603, %mul3A_1606 : i32
      %get3A_1608 = arith.index_cast %mul3A_1607 : i32 to index
      %get3A_1609 = arith.constant 0 : index
      %get3A_1610 = vector.load %arg8[%get3A_1608, %get3A_1609] : memref<256x128xi32, #tpu.memory_space<vmem>>, vector<8x128xi32>
      %reshape3A_1611 = vector.shape_cast %get3A_1610 : vector<8x128xi32> to vector<8x128x1xi32>
      %mul3A_1612 = arith.constant 8 : i32
      %mul3A_1613 = arith.muli %while3A_1603, %mul3A_1612 : i32
      %get3A_1614 = arith.index_cast %mul3A_1613 : i32 to index
      %get3A_1615 = arith.constant 0 : index
      %get3A_1616 = vector.load %arg7[%get3A_1614, %get3A_1615] : memref<256x128xi32, #tpu.memory_space<vmem>>, vector<8x128xi32>
      %reshape3A_1617 = vector.shape_cast %get3A_1616 : vector<8x128xi32> to vector<8x128x1xi32>
      %mul3A_1618 = arith.constant 1024 : i32
      %mul3A_1619 = arith.muli %while3A_1603, %mul3A_1618 : i32
      %add3A_1620 = vector.broadcast %mul3A_1619 : i32 to vector<8x128x1xi32>
      %add3A_1621 = arith.addi %add3A_1620, %add3A_90 : vector<8x128x1xi32>
      %add3A_1622 = arith.constant 1152 : i32
      %add3A_1623 = vector.broadcast %add3A_1622 : i32 to vector<1x1x128xi32>
      %add3A_1624 = arith.addi %iota3A_91, %add3A_1623 : vector<1x1x128xi32>
      %eq3A_1625 = vector.broadcast %reshape3A_1611 : vector<8x128x1xi32> to vector<8x128x128xi32>
      %eq3A_1626 = vector.broadcast %add3A_1624 : vector<1x1x128xi32> to vector<8x128x128xi32>
      %eq3A_1627 = arith.cmpi eq, %eq3A_1625, %eq3A_1626 : vector<8x128x128xi32>
      %jit3A_1628 = arith.constant 0 : i32
      %broadcast_in_dim3A_1629 = vector.shape_cast %add3A_1621 : vector<8x128x1xi32> to vector<8x128x1xi32>
      %broadcast_in_dim3A_1630 = vector.broadcast %broadcast_in_dim3A_1629 : vector<8x128x1xi32> to vector<8x128x128xi32>
      %broadcast_in_dim3A_1631 = vector.broadcast %jit3A_1628 : i32 to vector<8x128x128xi32>
      %select_n3A_1632 = arith.select %eq3A_1627, %broadcast_in_dim3A_1630, %broadcast_in_dim3A_1631 : vector<8x128x128xi1>, vector<8x128x128xi32>
      %reduce_sum3A_1633 = arith.constant dense<0> : vector<128x128xi32>
      %reduce_sum3A_1634 = vector.multi_reduction <add>, %select_n3A_1632, %reduce_sum3A_1633 [0] : vector<8x128x128xi32> to vector<128x128xi32>
      %reduce_sum3A_1635 = arith.constant dense<0> : vector<128xi32>
      %reduce_sum3A_1636 = vector.multi_reduction <add>, %reduce_sum3A_1634, %reduce_sum3A_1635 [0] : vector<128x128xi32> to vector<128xi32>
      %broadcast_in_dim3A_1637 = vector.shape_cast %reduce_sum3A_1636 : vector<128xi32> to vector<1x128xi32>
      %add3A_1638 = arith.addi %while3A_1604, %broadcast_in_dim3A_1637 : vector<1x128xi32>
      %jit3A_1639 = arith.constant 0 : i32
      %broadcast_in_dim3A_1640 = vector.shape_cast %reshape3A_1617 : vector<8x128x1xi32> to vector<8x128x1xi32>
      %broadcast_in_dim3A_1641 = vector.broadcast %broadcast_in_dim3A_1640 : vector<8x128x1xi32> to vector<8x128x128xi32>
      %broadcast_in_dim3A_1642 = vector.broadcast %jit3A_1639 : i32 to vector<8x128x128xi32>
      %select_n3A_1643 = arith.select %eq3A_1627, %broadcast_in_dim3A_1641, %broadcast_in_dim3A_1642 : vector<8x128x128xi1>, vector<8x128x128xi32>
      %reduce_sum3A_1644 = arith.constant dense<0> : vector<128x128xi32>
      %reduce_sum3A_1645 = vector.multi_reduction <add>, %select_n3A_1643, %reduce_sum3A_1644 [0] : vector<8x128x128xi32> to vector<128x128xi32>
      %reduce_sum3A_1646 = arith.constant dense<0> : vector<128xi32>
      %reduce_sum3A_1647 = vector.multi_reduction <add>, %reduce_sum3A_1645, %reduce_sum3A_1646 [0] : vector<128x128xi32> to vector<128xi32>
      %broadcast_in_dim3A_1648 = vector.shape_cast %reduce_sum3A_1647 : vector<128xi32> to vector<1x128xi32>
      %add3A_1649 = arith.addi %while3A_1605, %broadcast_in_dim3A_1648 : vector<1x128xi32>
      scf.yield %add3A_1638, %add3A_1649 : vector<1x128xi32>, vector<1x128xi32>
    }
    %while3A_979 = arith.constant 1 : i32
    %while3A_980:2 = scf.for %while3A_1603 = %while3A_976 to %while3A_972 step %while3A_979 iter_args(%while3A_1604 = %while3A_978#0, %while3A_1605 = %while3A_978#1) -> (vector<1x128xi32>, vector<1x128xi32>)  : i32 {
      %mul3A_1606 = arith.constant 8 : i32
      %mul3A_1607 = arith.muli %while3A_1603, %mul3A_1606 : i32
      %get3A_1608 = arith.index_cast %mul3A_1607 : i32 to index
      %get3A_1609 = arith.constant 0 : index
      %get3A_1610 = vector.load %arg8[%get3A_1608, %get3A_1609] : memref<256x128xi32, #tpu.memory_space<vmem>>, vector<8x128xi32>
      %reshape3A_1611 = vector.shape_cast %get3A_1610 : vector<8x128xi32> to vector<8x128x1xi32>
      %mul3A_1612 = arith.constant 8 : i32
      %mul3A_1613 = arith.muli %while3A_1603, %mul3A_1612 : i32
      %get3A_1614 = arith.index_cast %mul3A_1613 : i32 to index
      %get3A_1615 = arith.constant 0 : index
      %get3A_1616 = vector.load %arg7[%get3A_1614, %get3A_1615] : memref<256x128xi32, #tpu.memory_space<vmem>>, vector<8x128xi32>
      %reshape3A_1617 = vector.shape_cast %get3A_1616 : vector<8x128xi32> to vector<8x128x1xi32>
      %mul3A_1618 = arith.constant 1024 : i32
      %mul3A_1619 = arith.muli %while3A_1603, %mul3A_1618 : i32
      %add3A_1620 = vector.broadcast %mul3A_1619 : i32 to vector<8x128x1xi32>
      %add3A_1621 = arith.addi %add3A_1620, %add3A_90 : vector<8x128x1xi32>
      %add3A_1622 = arith.constant 1152 : i32
      %add3A_1623 = vector.broadcast %add3A_1622 : i32 to vector<1x1x128xi32>
      %add3A_1624 = arith.addi %iota3A_91, %add3A_1623 : vector<1x1x128xi32>
      %eq3A_1625 = vector.broadcast %reshape3A_1611 : vector<8x128x1xi32> to vector<8x128x128xi32>
      %eq3A_1626 = vector.broadcast %add3A_1624 : vector<1x1x128xi32> to vector<8x128x128xi32>
      %eq3A_1627 = arith.cmpi eq, %eq3A_1625, %eq3A_1626 : vector<8x128x128xi32>
      %jit3A_1628 = arith.constant 0 : i32
      %broadcast_in_dim3A_1629 = vector.shape_cast %add3A_1621 : vector<8x128x1xi32> to vector<8x128x1xi32>
      %broadcast_in_dim3A_1630 = vector.broadcast %broadcast_in_dim3A_1629 : vector<8x128x1xi32> to vector<8x128x128xi32>
      %broadcast_in_dim3A_1631 = vector.broadcast %jit3A_1628 : i32 to vector<8x128x128xi32>
      %select_n3A_1632 = arith.select %eq3A_1627, %broadcast_in_dim3A_1630, %broadcast_in_dim3A_1631 : vector<8x128x128xi1>, vector<8x128x128xi32>
      %reduce_sum3A_1633 = arith.constant dense<0> : vector<128x128xi32>
      %reduce_sum3A_1634 = vector.multi_reduction <add>, %select_n3A_1632, %reduce_sum3A_1633 [0] : vector<8x128x128xi32> to vector<128x128xi32>
      %reduce_sum3A_1635 = arith.constant dense<0> : vector<128xi32>
      %reduce_sum3A_1636 = vector.multi_reduction <add>, %reduce_sum3A_1634, %reduce_sum3A_1635 [0] : vector<128x128xi32> to vector<128xi32>
      %broadcast_in_dim3A_1637 = vector.shape_cast %reduce_sum3A_1636 : vector<128xi32> to vector<1x128xi32>
      %add3A_1638 = arith.addi %while3A_1604, %broadcast_in_dim3A_1637 : vector<1x128xi32>
      %jit3A_1639 = arith.constant 0 : i32
      %broadcast_in_dim3A_1640 = vector.shape_cast %reshape3A_1617 : vector<8x128x1xi32> to vector<8x128x1xi32>
      %broadcast_in_dim3A_1641 = vector.broadcast %broadcast_in_dim3A_1640 : vector<8x128x1xi32> to vector<8x128x128xi32>
      %broadcast_in_dim3A_1642 = vector.broadcast %jit3A_1639 : i32 to vector<8x128x128xi32>
      %select_n3A_1643 = arith.select %eq3A_1627, %broadcast_in_dim3A_1641, %broadcast_in_dim3A_1642 : vector<8x128x128xi1>, vector<8x128x128xi32>
      %reduce_sum3A_1644 = arith.constant dense<0> : vector<128x128xi32>
      %reduce_sum3A_1645 = vector.multi_reduction <add>, %select_n3A_1643, %reduce_sum3A_1644 [0] : vector<8x128x128xi32> to vector<128x128xi32>
      %reduce_sum3A_1646 = arith.constant dense<0> : vector<128xi32>
      %reduce_sum3A_1647 = vector.multi_reduction <add>, %reduce_sum3A_1645, %reduce_sum3A_1646 [0] : vector<128x128xi32> to vector<128xi32>
      %broadcast_in_dim3A_1648 = vector.shape_cast %reduce_sum3A_1647 : vector<128xi32> to vector<1x128xi32>
      %add3A_1649 = arith.addi %while3A_1605, %broadcast_in_dim3A_1648 : vector<1x128xi32>
      scf.yield %add3A_1638, %add3A_1649 : vector<1x128xi32>, vector<1x128xi32>
    }
    %swap3A_981 = arith.constant 9 : index
    %swap3A_982 = arith.constant 0 : index
    %swap3A_983 = arith.constant 0 : index
    %swap3A_984 = vector.load %arg3[%swap3A_981, %swap3A_982, %swap3A_983] : memref<18x1x128xi32, #tpu.memory_space<vmem>>, vector<1x1x128xi32>
    %swap3A_985 = vector.shape_cast %swap3A_984 : vector<1x1x128xi32> to vector<1x128xi32>
    %swap3A_986 = vector.shape_cast %while3A_980#1 : vector<1x128xi32> to vector<1x1x128xi32>
    tpu.vector_store %arg3[%swap3A_981, %swap3A_982, %swap3A_983], %swap3A_986 {strides = array<i32>} : memref<18x1x128xi32, #tpu.memory_space<vmem>>, vector<1x1x128xi32>,
    %swap3A_987 = arith.constant 9 : index
    %swap3A_988 = arith.constant 0 : index
    %swap3A_989 = arith.constant 0 : index
    %swap3A_990 = vector.load %arg4[%swap3A_987, %swap3A_988, %swap3A_989] : memref<18x1x128xi32, #tpu.memory_space<vmem>>, vector<1x1x128xi32>
    %swap3A_991 = vector.shape_cast %swap3A_990 : vector<1x1x128xi32> to vector<1x128xi32>
    %swap3A_992 = vector.shape_cast %while3A_980#0 : vector<1x128xi32> to vector<1x1x128xi32>
    tpu.vector_store %arg4[%swap3A_987, %swap3A_988, %swap3A_989], %swap3A_992 {strides = array<i32>} : memref<18x1x128xi32, #tpu.memory_space<vmem>>, vector<1x1x128xi32>,
    %while3A_993 = arith.subi %shift_right_logical3A_968, %shift_right_logical3A_953 : i32
    %while3A_994 = arith.addi %shift_right_logical3A_953, %while3A_993 : i32
    %while3A_995 = arith.constant 1 : i32
    %while3A_996 = arith.divsi %while3A_993, %while3A_995 : i32
    %while3A_997 = arith.muli %while3A_996, %while3A_995 : i32
    %while3A_998 = arith.addi %shift_right_logical3A_953, %while3A_997 : i32
    %while3A_999 = arith.constant 1 : i32
    %while3A_1000 = scf.for %while3A_1603 = %shift_right_logical3A_953 to %while3A_998 step %while3A_999 iter_args(%while3A_1604 = %broadcast_in_dim3A_970) -> (vector<1x128xi32>)  : i32 {
      %mul3A_1605 = arith.constant 8 : i32
      %mul3A_1606 = arith.muli %while3A_1603, %mul3A_1605 : i32
      %get3A_1607 = arith.index_cast %mul3A_1606 : i32 to index
      %get3A_1608 = arith.constant 0 : index
      %get3A_1609 = vector.load %arg9[%get3A_1607, %get3A_1608] : memref<256x128xi32, #tpu.memory_space<vmem>>, vector<8x128xi32>
      %reshape3A_1610 = vector.shape_cast %get3A_1609 : vector<8x128xi32> to vector<8x128x1xi32>
      %mul3A_1611 = arith.constant 1024 : i32
      %mul3A_1612 = arith.muli %while3A_1603, %mul3A_1611 : i32
      %add3A_1613 = vector.broadcast %mul3A_1612 : i32 to vector<8x128x1xi32>
      %add3A_1614 = arith.addi %add3A_1613, %add3A_90 : vector<8x128x1xi32>
      %add3A_1615 = arith.constant 1152 : i32
      %add3A_1616 = vector.broadcast %add3A_1615 : i32 to vector<1x1x128xi32>
      %add3A_1617 = arith.addi %iota3A_91, %add3A_1616 : vector<1x1x128xi32>
      %eq3A_1618 = vector.broadcast %reshape3A_1610 : vector<8x128x1xi32> to vector<8x128x128xi32>
      %eq3A_1619 = vector.broadcast %add3A_1617 : vector<1x1x128xi32> to vector<8x128x128xi32>
      %eq3A_1620 = arith.cmpi eq, %eq3A_1618, %eq3A_1619 : vector<8x128x128xi32>
      %jit3A_1621 = arith.constant 0 : i32
      %broadcast_in_dim3A_1622 = vector.shape_cast %add3A_1614 : vector<8x128x1xi32> to vector<8x128x1xi32>
      %broadcast_in_dim3A_1623 = vector.broadcast %broadcast_in_dim3A_1622 : vector<8x128x1xi32> to vector<8x128x128xi32>
      %broadcast_in_dim3A_1624 = vector.broadcast %jit3A_1621 : i32 to vector<8x128x128xi32>
      %select_n3A_1625 = arith.select %eq3A_1620, %broadcast_in_dim3A_1623, %broadcast_in_dim3A_1624 : vector<8x128x128xi1>, vector<8x128x128xi32>
      %reduce_sum3A_1626 = arith.constant dense<0> : vector<128x128xi32>
      %reduce_sum3A_1627 = vector.multi_reduction <add>, %select_n3A_1625, %reduce_sum3A_1626 [0] : vector<8x128x128xi32> to vector<128x128xi32>
      %reduce_sum3A_1628 = arith.constant dense<0> : vector<128xi32>
      %reduce_sum3A_1629 = vector.multi_reduction <add>, %reduce_sum3A_1627, %reduce_sum3A_1628 [0] : vector<128x128xi32> to vector<128xi32>
      %broadcast_in_dim3A_1630 = vector.shape_cast %reduce_sum3A_1629 : vector<128xi32> to vector<1x128xi32>
      %add3A_1631 = arith.addi %while3A_1604, %broadcast_in_dim3A_1630 : vector<1x128xi32>
      scf.yield %add3A_1631 : vector<1x128xi32>
    }
    %while3A_1001 = arith.constant 1 : i32
    %while3A_1002 = scf.for %while3A_1603 = %while3A_998 to %while3A_994 step %while3A_1001 iter_args(%while3A_1604 = %while3A_1000) -> (vector<1x128xi32>)  : i32 {
      %mul3A_1605 = arith.constant 8 : i32
      %mul3A_1606 = arith.muli %while3A_1603, %mul3A_1605 : i32
      %get3A_1607 = arith.index_cast %mul3A_1606 : i32 to index
      %get3A_1608 = arith.constant 0 : index
      %get3A_1609 = vector.load %arg9[%get3A_1607, %get3A_1608] : memref<256x128xi32, #tpu.memory_space<vmem>>, vector<8x128xi32>
      %reshape3A_1610 = vector.shape_cast %get3A_1609 : vector<8x128xi32> to vector<8x128x1xi32>
      %mul3A_1611 = arith.constant 1024 : i32
      %mul3A_1612 = arith.muli %while3A_1603, %mul3A_1611 : i32
      %add3A_1613 = vector.broadcast %mul3A_1612 : i32 to vector<8x128x1xi32>
      %add3A_1614 = arith.addi %add3A_1613, %add3A_90 : vector<8x128x1xi32>
      %add3A_1615 = arith.constant 1152 : i32
      %add3A_1616 = vector.broadcast %add3A_1615 : i32 to vector<1x1x128xi32>
      %add3A_1617 = arith.addi %iota3A_91, %add3A_1616 : vector<1x1x128xi32>
      %eq3A_1618 = vector.broadcast %reshape3A_1610 : vector<8x128x1xi32> to vector<8x128x128xi32>
      %eq3A_1619 = vector.broadcast %add3A_1617 : vector<1x1x128xi32> to vector<8x128x128xi32>
      %eq3A_1620 = arith.cmpi eq, %eq3A_1618, %eq3A_1619 : vector<8x128x128xi32>
      %jit3A_1621 = arith.constant 0 : i32
      %broadcast_in_dim3A_1622 = vector.shape_cast %add3A_1614 : vector<8x128x1xi32> to vector<8x128x1xi32>
      %broadcast_in_dim3A_1623 = vector.broadcast %broadcast_in_dim3A_1622 : vector<8x128x1xi32> to vector<8x128x128xi32>
      %broadcast_in_dim3A_1624 = vector.broadcast %jit3A_1621 : i32 to vector<8x128x128xi32>
      %select_n3A_1625 = arith.select %eq3A_1620, %broadcast_in_dim3A_1623, %broadcast_in_dim3A_1624 : vector<8x128x128xi1>, vector<8x128x128xi32>
      %reduce_sum3A_1626 = arith.constant dense<0> : vector<128x128xi32>
      %reduce_sum3A_1627 = vector.multi_reduction <add>, %select_n3A_1625, %reduce_sum3A_1626 [0] : vector<8x128x128xi32> to vector<128x128xi32>
      %reduce_sum3A_1628 = arith.constant dense<0> : vector<128xi32>
      %reduce_sum3A_1629 = vector.multi_reduction <add>, %reduce_sum3A_1627, %reduce_sum3A_1628 [0] : vector<128x128xi32> to vector<128xi32>
      %broadcast_in_dim3A_1630 = vector.shape_cast %reduce_sum3A_1629 : vector<128xi32> to vector<1x128xi32>
      %add3A_1631 = arith.addi %while3A_1604, %broadcast_in_dim3A_1630 : vector<1x128xi32>
      scf.yield %add3A_1631 : vector<1x128xi32>
    }
    %swap3A_1003 = arith.constant 9 : index
    %swap3A_1004 = arith.constant 0 : index
    %swap3A_1005 = arith.constant 0 : index
    %swap3A_1006 = vector.load %arg5[%swap3A_1003, %swap3A_1004, %swap3A_1005] : memref<18x1x128xi32, #tpu.memory_space<vmem>>, vector<1x1x128xi32>
    %swap3A_1007 = vector.shape_cast %swap3A_1006 : vector<1x1x128xi32> to vector<1x128xi32>
    %swap3A_1008 = vector.shape_cast %while3A_1002 : vector<1x128xi32> to vector<1x1x128xi32>
    tpu.vector_store %arg5[%swap3A_1003, %swap3A_1004, %swap3A_1005], %swap3A_1008 {strides = array<i32>} : memref<18x1x128xi32, #tpu.memory_space<vmem>>, vector<1x1x128xi32>,
    %le3A_1009 = arith.constant 1.280000e+03 : f32
    %le3A_1010 = vector.broadcast %le3A_1009 : f32 to vector<256x1xf32>
    %le3A_1011 = arith.cmpf ole, %add3A, %le3A_1010 : vector<256x1xf32>
    %convert_element_type3A_1012 = arith.extui %le3A_1011 : vector<256x1xi1> to vector<256x1xi32>
    %reduce_sum3A_1013 = vector.shape_cast %convert_element_type3A_1012 : vector<256x1xi32> to vector<1x256x1xi32>
    %reduce_sum3A_1014 = arith.constant dense<0> : vector<1xi32>
    %reduce_sum3A_1015 = vector.multi_reduction <add>, %reduce_sum3A_1013, %reduce_sum3A_1014 [1, 2] : vector<1x256x1xi32> to vector<1xi32>
    %reduce_sum3A_1016 = vector.shape_cast %reduce_sum3A_1015 : vector<1xi32> to vector<1x1x1xi32>
    %reduce_sum3A_1017 = vector.extract %reduce_sum3A_1016[0, 0, 0] : i32 from vector<1x1x1xi32>
    %shift_right_logical3A_1018 = arith.constant 3 : i32
    %shift_right_logical3A_1019 = arith.shrui %reduce_sum3A_1017, %shift_right_logical3A_1018 : i32
    %add3A_1020 = arith.constant 1.280000e+03 : f32
    %add3A_1021 = arith.constant 1.280000e+02 : f32
    %add3A_1022 = arith.addf %add3A_1020, %add3A_1021 : f32
    %lt3A_1023 = vector.broadcast %add3A_1022 : f32 to vector<256x1xf32>
    %lt3A_1024 = arith.cmpf olt, %dot_general3A_63, %lt3A_1023 : vector<256x1xf32>
    %convert_element_type3A_1025 = arith.extui %lt3A_1024 : vector<256x1xi1> to vector<256x1xi32>
    %reduce_sum3A_1026 = vector.shape_cast %convert_element_type3A_1025 : vector<256x1xi32> to vector<1x256x1xi32>
    %reduce_sum3A_1027 = arith.constant dense<0> : vector<1xi32>
    %reduce_sum3A_1028 = vector.multi_reduction <add>, %reduce_sum3A_1026, %reduce_sum3A_1027 [1, 2] : vector<1x256x1xi32> to vector<1xi32>
    %reduce_sum3A_1029 = vector.shape_cast %reduce_sum3A_1028 : vector<1xi32> to vector<1x1x1xi32>
    %reduce_sum3A_1030 = vector.extract %reduce_sum3A_1029[0, 0, 0] : i32 from vector<1x1x1xi32>
    %add3A_1031 = arith.constant 7 : i32
    %add3A_1032 = arith.addi %reduce_sum3A_1030, %add3A_1031 : i32
    %shift_right_logical3A_1033 = arith.constant 3 : i32
    %shift_right_logical3A_1034 = arith.shrui %add3A_1032, %shift_right_logical3A_1033 : i32
    %le3A_1035 = arith.constant 1.280000e+03 : f32
    %le3A_1036 = vector.broadcast %le3A_1035 : f32 to vector<256x1xf32>
    %le3A_1037 = arith.cmpf ole, %add3A_66, %le3A_1036 : vector<256x1xf32>
    %convert_element_type3A_1038 = arith.extui %le3A_1037 : vector<256x1xi1> to vector<256x1xi32>
    %reduce_sum3A_1039 = vector.shape_cast %convert_element_type3A_1038 : vector<256x1xi32> to vector<1x256x1xi32>
    %reduce_sum3A_1040 = arith.constant dense<0> : vector<1xi32>
    %reduce_sum3A_1041 = vector.multi_reduction <add>, %reduce_sum3A_1039, %reduce_sum3A_1040 [1, 2] : vector<1x256x1xi32> to vector<1xi32>
    %reduce_sum3A_1042 = vector.shape_cast %reduce_sum3A_1041 : vector<1xi32> to vector<1x1x1xi32>
    %reduce_sum3A_1043 = vector.extract %reduce_sum3A_1042[0, 0, 0] : i32 from vector<1x1x1xi32>
    %shift_right_logical3A_1044 = arith.constant 3 : i32
    %shift_right_logical3A_1045 = arith.shrui %reduce_sum3A_1043, %shift_right_logical3A_1044 : i32
    %add3A_1046 = arith.constant 1.280000e+03 : f32
    %add3A_1047 = arith.constant 1.280000e+02 : f32
    %add3A_1048 = arith.addf %add3A_1046, %add3A_1047 : f32
    %lt3A_1049 = vector.broadcast %add3A_1048 : f32 to vector<256x1xf32>
    %lt3A_1050 = arith.cmpf olt, %dot_general3A_65, %lt3A_1049 : vector<256x1xf32>
    %convert_element_type3A_1051 = arith.extui %lt3A_1050 : vector<256x1xi1> to vector<256x1xi32>
    %reduce_sum3A_1052 = vector.shape_cast %convert_element_type3A_1051 : vector<256x1xi32> to vector<1x256x1xi32>
    %reduce_sum3A_1053 = arith.constant dense<0> : vector<1xi32>
    %reduce_sum3A_1054 = vector.multi_reduction <add>, %reduce_sum3A_1052, %reduce_sum3A_1053 [1, 2] : vector<1x256x1xi32> to vector<1xi32>
    %reduce_sum3A_1055 = vector.shape_cast %reduce_sum3A_1054 : vector<1xi32> to vector<1x1x1xi32>
    %reduce_sum3A_1056 = vector.extract %reduce_sum3A_1055[0, 0, 0] : i32 from vector<1x1x1xi32>
    %add3A_1057 = arith.constant 7 : i32
    %add3A_1058 = arith.addi %reduce_sum3A_1056, %add3A_1057 : i32
    %shift_right_logical3A_1059 = arith.constant 3 : i32
    %shift_right_logical3A_1060 = arith.shrui %add3A_1058, %shift_right_logical3A_1059 : i32
    %broadcast_in_dim3A_1061 = arith.constant 0 : i32
    %broadcast_in_dim3A_1062 = vector.broadcast %broadcast_in_dim3A_1061 : i32 to vector<1x128xi32>
    %while3A_1063 = arith.subi %shift_right_logical3A_1034, %shift_right_logical3A_1019 : i32
    %while3A_1064 = arith.addi %shift_right_logical3A_1019, %while3A_1063 : i32
    %while3A_1065 = arith.constant 1 : i32
    %while3A_1066 = arith.divsi %while3A_1063, %while3A_1065 : i32
    %while3A_1067 = arith.muli %while3A_1066, %while3A_1065 : i32
    %while3A_1068 = arith.addi %shift_right_logical3A_1019, %while3A_1067 : i32
    %while3A_1069 = arith.constant 1 : i32
    %while3A_1070:2 = scf.for %while3A_1603 = %shift_right_logical3A_1019 to %while3A_1068 step %while3A_1069 iter_args(%while3A_1604 = %broadcast_in_dim3A_1062, %while3A_1605 = %broadcast_in_dim3A_1062) -> (vector<1x128xi32>, vector<1x128xi32>)  : i32 {
      %mul3A_1606 = arith.constant 8 : i32
      %mul3A_1607 = arith.muli %while3A_1603, %mul3A_1606 : i32
      %get3A_1608 = arith.index_cast %mul3A_1607 : i32 to index
      %get3A_1609 = arith.constant 0 : index
      %get3A_1610 = vector.load %arg8[%get3A_1608, %get3A_1609] : memref<256x128xi32, #tpu.memory_space<vmem>>, vector<8x128xi32>
      %reshape3A_1611 = vector.shape_cast %get3A_1610 : vector<8x128xi32> to vector<8x128x1xi32>
      %mul3A_1612 = arith.constant 8 : i32
      %mul3A_1613 = arith.muli %while3A_1603, %mul3A_1612 : i32
      %get3A_1614 = arith.index_cast %mul3A_1613 : i32 to index
      %get3A_1615 = arith.constant 0 : index
      %get3A_1616 = vector.load %arg7[%get3A_1614, %get3A_1615] : memref<256x128xi32, #tpu.memory_space<vmem>>, vector<8x128xi32>
      %reshape3A_1617 = vector.shape_cast %get3A_1616 : vector<8x128xi32> to vector<8x128x1xi32>
      %mul3A_1618 = arith.constant 1024 : i32
      %mul3A_1619 = arith.muli %while3A_1603, %mul3A_1618 : i32
      %add3A_1620 = vector.broadcast %mul3A_1619 : i32 to vector<8x128x1xi32>
      %add3A_1621 = arith.addi %add3A_1620, %add3A_90 : vector<8x128x1xi32>
      %add3A_1622 = arith.constant 1280 : i32
      %add3A_1623 = vector.broadcast %add3A_1622 : i32 to vector<1x1x128xi32>
      %add3A_1624 = arith.addi %iota3A_91, %add3A_1623 : vector<1x1x128xi32>
      %eq3A_1625 = vector.broadcast %reshape3A_1611 : vector<8x128x1xi32> to vector<8x128x128xi32>
      %eq3A_1626 = vector.broadcast %add3A_1624 : vector<1x1x128xi32> to vector<8x128x128xi32>
      %eq3A_1627 = arith.cmpi eq, %eq3A_1625, %eq3A_1626 : vector<8x128x128xi32>
      %jit3A_1628 = arith.constant 0 : i32
      %broadcast_in_dim3A_1629 = vector.shape_cast %add3A_1621 : vector<8x128x1xi32> to vector<8x128x1xi32>
      %broadcast_in_dim3A_1630 = vector.broadcast %broadcast_in_dim3A_1629 : vector<8x128x1xi32> to vector<8x128x128xi32>
      %broadcast_in_dim3A_1631 = vector.broadcast %jit3A_1628 : i32 to vector<8x128x128xi32>
      %select_n3A_1632 = arith.select %eq3A_1627, %broadcast_in_dim3A_1630, %broadcast_in_dim3A_1631 : vector<8x128x128xi1>, vector<8x128x128xi32>
      %reduce_sum3A_1633 = arith.constant dense<0> : vector<128x128xi32>
      %reduce_sum3A_1634 = vector.multi_reduction <add>, %select_n3A_1632, %reduce_sum3A_1633 [0] : vector<8x128x128xi32> to vector<128x128xi32>
      %reduce_sum3A_1635 = arith.constant dense<0> : vector<128xi32>
      %reduce_sum3A_1636 = vector.multi_reduction <add>, %reduce_sum3A_1634, %reduce_sum3A_1635 [0] : vector<128x128xi32> to vector<128xi32>
      %broadcast_in_dim3A_1637 = vector.shape_cast %reduce_sum3A_1636 : vector<128xi32> to vector<1x128xi32>
      %add3A_1638 = arith.addi %while3A_1604, %broadcast_in_dim3A_1637 : vector<1x128xi32>
      %jit3A_1639 = arith.constant 0 : i32
      %broadcast_in_dim3A_1640 = vector.shape_cast %reshape3A_1617 : vector<8x128x1xi32> to vector<8x128x1xi32>
      %broadcast_in_dim3A_1641 = vector.broadcast %broadcast_in_dim3A_1640 : vector<8x128x1xi32> to vector<8x128x128xi32>
      %broadcast_in_dim3A_1642 = vector.broadcast %jit3A_1639 : i32 to vector<8x128x128xi32>
      %select_n3A_1643 = arith.select %eq3A_1627, %broadcast_in_dim3A_1641, %broadcast_in_dim3A_1642 : vector<8x128x128xi1>, vector<8x128x128xi32>
      %reduce_sum3A_1644 = arith.constant dense<0> : vector<128x128xi32>
      %reduce_sum3A_1645 = vector.multi_reduction <add>, %select_n3A_1643, %reduce_sum3A_1644 [0] : vector<8x128x128xi32> to vector<128x128xi32>
      %reduce_sum3A_1646 = arith.constant dense<0> : vector<128xi32>
      %reduce_sum3A_1647 = vector.multi_reduction <add>, %reduce_sum3A_1645, %reduce_sum3A_1646 [0] : vector<128x128xi32> to vector<128xi32>
      %broadcast_in_dim3A_1648 = vector.shape_cast %reduce_sum3A_1647 : vector<128xi32> to vector<1x128xi32>
      %add3A_1649 = arith.addi %while3A_1605, %broadcast_in_dim3A_1648 : vector<1x128xi32>
      scf.yield %add3A_1638, %add3A_1649 : vector<1x128xi32>, vector<1x128xi32>
    }
    %while3A_1071 = arith.constant 1 : i32
    %while3A_1072:2 = scf.for %while3A_1603 = %while3A_1068 to %while3A_1064 step %while3A_1071 iter_args(%while3A_1604 = %while3A_1070#0, %while3A_1605 = %while3A_1070#1) -> (vector<1x128xi32>, vector<1x128xi32>)  : i32 {
      %mul3A_1606 = arith.constant 8 : i32
      %mul3A_1607 = arith.muli %while3A_1603, %mul3A_1606 : i32
      %get3A_1608 = arith.index_cast %mul3A_1607 : i32 to index
      %get3A_1609 = arith.constant 0 : index
      %get3A_1610 = vector.load %arg8[%get3A_1608, %get3A_1609] : memref<256x128xi32, #tpu.memory_space<vmem>>, vector<8x128xi32>
      %reshape3A_1611 = vector.shape_cast %get3A_1610 : vector<8x128xi32> to vector<8x128x1xi32>
      %mul3A_1612 = arith.constant 8 : i32
      %mul3A_1613 = arith.muli %while3A_1603, %mul3A_1612 : i32
      %get3A_1614 = arith.index_cast %mul3A_1613 : i32 to index
      %get3A_1615 = arith.constant 0 : index
      %get3A_1616 = vector.load %arg7[%get3A_1614, %get3A_1615] : memref<256x128xi32, #tpu.memory_space<vmem>>, vector<8x128xi32>
      %reshape3A_1617 = vector.shape_cast %get3A_1616 : vector<8x128xi32> to vector<8x128x1xi32>
      %mul3A_1618 = arith.constant 1024 : i32
      %mul3A_1619 = arith.muli %while3A_1603, %mul3A_1618 : i32
      %add3A_1620 = vector.broadcast %mul3A_1619 : i32 to vector<8x128x1xi32>
      %add3A_1621 = arith.addi %add3A_1620, %add3A_90 : vector<8x128x1xi32>
      %add3A_1622 = arith.constant 1280 : i32
      %add3A_1623 = vector.broadcast %add3A_1622 : i32 to vector<1x1x128xi32>
      %add3A_1624 = arith.addi %iota3A_91, %add3A_1623 : vector<1x1x128xi32>
      %eq3A_1625 = vector.broadcast %reshape3A_1611 : vector<8x128x1xi32> to vector<8x128x128xi32>
      %eq3A_1626 = vector.broadcast %add3A_1624 : vector<1x1x128xi32> to vector<8x128x128xi32>
      %eq3A_1627 = arith.cmpi eq, %eq3A_1625, %eq3A_1626 : vector<8x128x128xi32>
      %jit3A_1628 = arith.constant 0 : i32
      %broadcast_in_dim3A_1629 = vector.shape_cast %add3A_1621 : vector<8x128x1xi32> to vector<8x128x1xi32>
      %broadcast_in_dim3A_1630 = vector.broadcast %broadcast_in_dim3A_1629 : vector<8x128x1xi32> to vector<8x128x128xi32>
      %broadcast_in_dim3A_1631 = vector.broadcast %jit3A_1628 : i32 to vector<8x128x128xi32>
      %select_n3A_1632 = arith.select %eq3A_1627, %broadcast_in_dim3A_1630, %broadcast_in_dim3A_1631 : vector<8x128x128xi1>, vector<8x128x128xi32>
      %reduce_sum3A_1633 = arith.constant dense<0> : vector<128x128xi32>
      %reduce_sum3A_1634 = vector.multi_reduction <add>, %select_n3A_1632, %reduce_sum3A_1633 [0] : vector<8x128x128xi32> to vector<128x128xi32>
      %reduce_sum3A_1635 = arith.constant dense<0> : vector<128xi32>
      %reduce_sum3A_1636 = vector.multi_reduction <add>, %reduce_sum3A_1634, %reduce_sum3A_1635 [0] : vector<128x128xi32> to vector<128xi32>
      %broadcast_in_dim3A_1637 = vector.shape_cast %reduce_sum3A_1636 : vector<128xi32> to vector<1x128xi32>
      %add3A_1638 = arith.addi %while3A_1604, %broadcast_in_dim3A_1637 : vector<1x128xi32>
      %jit3A_1639 = arith.constant 0 : i32
      %broadcast_in_dim3A_1640 = vector.shape_cast %reshape3A_1617 : vector<8x128x1xi32> to vector<8x128x1xi32>
      %broadcast_in_dim3A_1641 = vector.broadcast %broadcast_in_dim3A_1640 : vector<8x128x1xi32> to vector<8x128x128xi32>
      %broadcast_in_dim3A_1642 = vector.broadcast %jit3A_1639 : i32 to vector<8x128x128xi32>
      %select_n3A_1643 = arith.select %eq3A_1627, %broadcast_in_dim3A_1641, %broadcast_in_dim3A_1642 : vector<8x128x128xi1>, vector<8x128x128xi32>
      %reduce_sum3A_1644 = arith.constant dense<0> : vector<128x128xi32>
      %reduce_sum3A_1645 = vector.multi_reduction <add>, %select_n3A_1643, %reduce_sum3A_1644 [0] : vector<8x128x128xi32> to vector<128x128xi32>
      %reduce_sum3A_1646 = arith.constant dense<0> : vector<128xi32>
      %reduce_sum3A_1647 = vector.multi_reduction <add>, %reduce_sum3A_1645, %reduce_sum3A_1646 [0] : vector<128x128xi32> to vector<128xi32>
      %broadcast_in_dim3A_1648 = vector.shape_cast %reduce_sum3A_1647 : vector<128xi32> to vector<1x128xi32>
      %add3A_1649 = arith.addi %while3A_1605, %broadcast_in_dim3A_1648 : vector<1x128xi32>
      scf.yield %add3A_1638, %add3A_1649 : vector<1x128xi32>, vector<1x128xi32>
    }
    %swap3A_1073 = arith.constant 10 : index
    %swap3A_1074 = arith.constant 0 : index
    %swap3A_1075 = arith.constant 0 : index
    %swap3A_1076 = vector.load %arg3[%swap3A_1073, %swap3A_1074, %swap3A_1075] : memref<18x1x128xi32, #tpu.memory_space<vmem>>, vector<1x1x128xi32>
    %swap3A_1077 = vector.shape_cast %swap3A_1076 : vector<1x1x128xi32> to vector<1x128xi32>
    %swap3A_1078 = vector.shape_cast %while3A_1072#1 : vector<1x128xi32> to vector<1x1x128xi32>
    tpu.vector_store %arg3[%swap3A_1073, %swap3A_1074, %swap3A_1075], %swap3A_1078 {strides = array<i32>} : memref<18x1x128xi32, #tpu.memory_space<vmem>>, vector<1x1x128xi32>,
    %swap3A_1079 = arith.constant 10 : index
    %swap3A_1080 = arith.constant 0 : index
    %swap3A_1081 = arith.constant 0 : index
    %swap3A_1082 = vector.load %arg4[%swap3A_1079, %swap3A_1080, %swap3A_1081] : memref<18x1x128xi32, #tpu.memory_space<vmem>>, vector<1x1x128xi32>
    %swap3A_1083 = vector.shape_cast %swap3A_1082 : vector<1x1x128xi32> to vector<1x128xi32>
    %swap3A_1084 = vector.shape_cast %while3A_1072#0 : vector<1x128xi32> to vector<1x1x128xi32>
    tpu.vector_store %arg4[%swap3A_1079, %swap3A_1080, %swap3A_1081], %swap3A_1084 {strides = array<i32>} : memref<18x1x128xi32, #tpu.memory_space<vmem>>, vector<1x1x128xi32>,
    %while3A_1085 = arith.subi %shift_right_logical3A_1060, %shift_right_logical3A_1045 : i32
    %while3A_1086 = arith.addi %shift_right_logical3A_1045, %while3A_1085 : i32
    %while3A_1087 = arith.constant 1 : i32
    %while3A_1088 = arith.divsi %while3A_1085, %while3A_1087 : i32
    %while3A_1089 = arith.muli %while3A_1088, %while3A_1087 : i32
    %while3A_1090 = arith.addi %shift_right_logical3A_1045, %while3A_1089 : i32
    %while3A_1091 = arith.constant 1 : i32
    %while3A_1092 = scf.for %while3A_1603 = %shift_right_logical3A_1045 to %while3A_1090 step %while3A_1091 iter_args(%while3A_1604 = %broadcast_in_dim3A_1062) -> (vector<1x128xi32>)  : i32 {
      %mul3A_1605 = arith.constant 8 : i32
      %mul3A_1606 = arith.muli %while3A_1603, %mul3A_1605 : i32
      %get3A_1607 = arith.index_cast %mul3A_1606 : i32 to index
      %get3A_1608 = arith.constant 0 : index
      %get3A_1609 = vector.load %arg9[%get3A_1607, %get3A_1608] : memref<256x128xi32, #tpu.memory_space<vmem>>, vector<8x128xi32>
      %reshape3A_1610 = vector.shape_cast %get3A_1609 : vector<8x128xi32> to vector<8x128x1xi32>
      %mul3A_1611 = arith.constant 1024 : i32
      %mul3A_1612 = arith.muli %while3A_1603, %mul3A_1611 : i32
      %add3A_1613 = vector.broadcast %mul3A_1612 : i32 to vector<8x128x1xi32>
      %add3A_1614 = arith.addi %add3A_1613, %add3A_90 : vector<8x128x1xi32>
      %add3A_1615 = arith.constant 1280 : i32
      %add3A_1616 = vector.broadcast %add3A_1615 : i32 to vector<1x1x128xi32>
      %add3A_1617 = arith.addi %iota3A_91, %add3A_1616 : vector<1x1x128xi32>
      %eq3A_1618 = vector.broadcast %reshape3A_1610 : vector<8x128x1xi32> to vector<8x128x128xi32>
      %eq3A_1619 = vector.broadcast %add3A_1617 : vector<1x1x128xi32> to vector<8x128x128xi32>
      %eq3A_1620 = arith.cmpi eq, %eq3A_1618, %eq3A_1619 : vector<8x128x128xi32>
      %jit3A_1621 = arith.constant 0 : i32
      %broadcast_in_dim3A_1622 = vector.shape_cast %add3A_1614 : vector<8x128x1xi32> to vector<8x128x1xi32>
      %broadcast_in_dim3A_1623 = vector.broadcast %broadcast_in_dim3A_1622 : vector<8x128x1xi32> to vector<8x128x128xi32>
      %broadcast_in_dim3A_1624 = vector.broadcast %jit3A_1621 : i32 to vector<8x128x128xi32>
      %select_n3A_1625 = arith.select %eq3A_1620, %broadcast_in_dim3A_1623, %broadcast_in_dim3A_1624 : vector<8x128x128xi1>, vector<8x128x128xi32>
      %reduce_sum3A_1626 = arith.constant dense<0> : vector<128x128xi32>
      %reduce_sum3A_1627 = vector.multi_reduction <add>, %select_n3A_1625, %reduce_sum3A_1626 [0] : vector<8x128x128xi32> to vector<128x128xi32>
      %reduce_sum3A_1628 = arith.constant dense<0> : vector<128xi32>
      %reduce_sum3A_1629 = vector.multi_reduction <add>, %reduce_sum3A_1627, %reduce_sum3A_1628 [0] : vector<128x128xi32> to vector<128xi32>
      %broadcast_in_dim3A_1630 = vector.shape_cast %reduce_sum3A_1629 : vector<128xi32> to vector<1x128xi32>
      %add3A_1631 = arith.addi %while3A_1604, %broadcast_in_dim3A_1630 : vector<1x128xi32>
      scf.yield %add3A_1631 : vector<1x128xi32>
    }
    %while3A_1093 = arith.constant 1 : i32
    %while3A_1094 = scf.for %while3A_1603 = %while3A_1090 to %while3A_1086 step %while3A_1093 iter_args(%while3A_1604 = %while3A_1092) -> (vector<1x128xi32>)  : i32 {
      %mul3A_1605 = arith.constant 8 : i32
      %mul3A_1606 = arith.muli %while3A_1603, %mul3A_1605 : i32
      %get3A_1607 = arith.index_cast %mul3A_1606 : i32 to index
      %get3A_1608 = arith.constant 0 : index
      %get3A_1609 = vector.load %arg9[%get3A_1607, %get3A_1608] : memref<256x128xi32, #tpu.memory_space<vmem>>, vector<8x128xi32>
      %reshape3A_1610 = vector.shape_cast %get3A_1609 : vector<8x128xi32> to vector<8x128x1xi32>
      %mul3A_1611 = arith.constant 1024 : i32
      %mul3A_1612 = arith.muli %while3A_1603, %mul3A_1611 : i32
      %add3A_1613 = vector.broadcast %mul3A_1612 : i32 to vector<8x128x1xi32>
      %add3A_1614 = arith.addi %add3A_1613, %add3A_90 : vector<8x128x1xi32>
      %add3A_1615 = arith.constant 1280 : i32
      %add3A_1616 = vector.broadcast %add3A_1615 : i32 to vector<1x1x128xi32>
      %add3A_1617 = arith.addi %iota3A_91, %add3A_1616 : vector<1x1x128xi32>
      %eq3A_1618 = vector.broadcast %reshape3A_1610 : vector<8x128x1xi32> to vector<8x128x128xi32>
      %eq3A_1619 = vector.broadcast %add3A_1617 : vector<1x1x128xi32> to vector<8x128x128xi32>
      %eq3A_1620 = arith.cmpi eq, %eq3A_1618, %eq3A_1619 : vector<8x128x128xi32>
      %jit3A_1621 = arith.constant 0 : i32
      %broadcast_in_dim3A_1622 = vector.shape_cast %add3A_1614 : vector<8x128x1xi32> to vector<8x128x1xi32>
      %broadcast_in_dim3A_1623 = vector.broadcast %broadcast_in_dim3A_1622 : vector<8x128x1xi32> to vector<8x128x128xi32>
      %broadcast_in_dim3A_1624 = vector.broadcast %jit3A_1621 : i32 to vector<8x128x128xi32>
      %select_n3A_1625 = arith.select %eq3A_1620, %broadcast_in_dim3A_1623, %broadcast_in_dim3A_1624 : vector<8x128x128xi1>, vector<8x128x128xi32>
      %reduce_sum3A_1626 = arith.constant dense<0> : vector<128x128xi32>
      %reduce_sum3A_1627 = vector.multi_reduction <add>, %select_n3A_1625, %reduce_sum3A_1626 [0] : vector<8x128x128xi32> to vector<128x128xi32>
      %reduce_sum3A_1628 = arith.constant dense<0> : vector<128xi32>
      %reduce_sum3A_1629 = vector.multi_reduction <add>, %reduce_sum3A_1627, %reduce_sum3A_1628 [0] : vector<128x128xi32> to vector<128xi32>
      %broadcast_in_dim3A_1630 = vector.shape_cast %reduce_sum3A_1629 : vector<128xi32> to vector<1x128xi32>
      %add3A_1631 = arith.addi %while3A_1604, %broadcast_in_dim3A_1630 : vector<1x128xi32>
      scf.yield %add3A_1631 : vector<1x128xi32>
    }
    %swap3A_1095 = arith.constant 10 : index
    %swap3A_1096 = arith.constant 0 : index
    %swap3A_1097 = arith.constant 0 : index
    %swap3A_1098 = vector.load %arg5[%swap3A_1095, %swap3A_1096, %swap3A_1097] : memref<18x1x128xi32, #tpu.memory_space<vmem>>, vector<1x1x128xi32>
    %swap3A_1099 = vector.shape_cast %swap3A_1098 : vector<1x1x128xi32> to vector<1x128xi32>
    %swap3A_1100 = vector.shape_cast %while3A_1094 : vector<1x128xi32> to vector<1x1x128xi32>
    tpu.vector_store %arg5[%swap3A_1095, %swap3A_1096, %swap3A_1097], %swap3A_1100 {strides = array<i32>} : memref<18x1x128xi32, #tpu.memory_space<vmem>>, vector<1x1x128xi32>,
    %le3A_1101 = arith.constant 1.408000e+03 : f32
    %le3A_1102 = vector.broadcast %le3A_1101 : f32 to vector<256x1xf32>
    %le3A_1103 = arith.cmpf ole, %add3A, %le3A_1102 : vector<256x1xf32>
    %convert_element_type3A_1104 = arith.extui %le3A_1103 : vector<256x1xi1> to vector<256x1xi32>
    %reduce_sum3A_1105 = vector.shape_cast %convert_element_type3A_1104 : vector<256x1xi32> to vector<1x256x1xi32>
    %reduce_sum3A_1106 = arith.constant dense<0> : vector<1xi32>
    %reduce_sum3A_1107 = vector.multi_reduction <add>, %reduce_sum3A_1105, %reduce_sum3A_1106 [1, 2] : vector<1x256x1xi32> to vector<1xi32>
    %reduce_sum3A_1108 = vector.shape_cast %reduce_sum3A_1107 : vector<1xi32> to vector<1x1x1xi32>
    %reduce_sum3A_1109 = vector.extract %reduce_sum3A_1108[0, 0, 0] : i32 from vector<1x1x1xi32>
    %shift_right_logical3A_1110 = arith.constant 3 : i32
    %shift_right_logical3A_1111 = arith.shrui %reduce_sum3A_1109, %shift_right_logical3A_1110 : i32
    %add3A_1112 = arith.constant 1.408000e+03 : f32
    %add3A_1113 = arith.constant 1.280000e+02 : f32
    %add3A_1114 = arith.addf %add3A_1112, %add3A_1113 : f32
    %lt3A_1115 = vector.broadcast %add3A_1114 : f32 to vector<256x1xf32>
    %lt3A_1116 = arith.cmpf olt, %dot_general3A_63, %lt3A_1115 : vector<256x1xf32>
    %convert_element_type3A_1117 = arith.extui %lt3A_1116 : vector<256x1xi1> to vector<256x1xi32>
    %reduce_sum3A_1118 = vector.shape_cast %convert_element_type3A_1117 : vector<256x1xi32> to vector<1x256x1xi32>
    %reduce_sum3A_1119 = arith.constant dense<0> : vector<1xi32>
    %reduce_sum3A_1120 = vector.multi_reduction <add>, %reduce_sum3A_1118, %reduce_sum3A_1119 [1, 2] : vector<1x256x1xi32> to vector<1xi32>
    %reduce_sum3A_1121 = vector.shape_cast %reduce_sum3A_1120 : vector<1xi32> to vector<1x1x1xi32>
    %reduce_sum3A_1122 = vector.extract %reduce_sum3A_1121[0, 0, 0] : i32 from vector<1x1x1xi32>
    %add3A_1123 = arith.constant 7 : i32
    %add3A_1124 = arith.addi %reduce_sum3A_1122, %add3A_1123 : i32
    %shift_right_logical3A_1125 = arith.constant 3 : i32
    %shift_right_logical3A_1126 = arith.shrui %add3A_1124, %shift_right_logical3A_1125 : i32
    %le3A_1127 = arith.constant 1.408000e+03 : f32
    %le3A_1128 = vector.broadcast %le3A_1127 : f32 to vector<256x1xf32>
    %le3A_1129 = arith.cmpf ole, %add3A_66, %le3A_1128 : vector<256x1xf32>
    %convert_element_type3A_1130 = arith.extui %le3A_1129 : vector<256x1xi1> to vector<256x1xi32>
    %reduce_sum3A_1131 = vector.shape_cast %convert_element_type3A_1130 : vector<256x1xi32> to vector<1x256x1xi32>
    %reduce_sum3A_1132 = arith.constant dense<0> : vector<1xi32>
    %reduce_sum3A_1133 = vector.multi_reduction <add>, %reduce_sum3A_1131, %reduce_sum3A_1132 [1, 2] : vector<1x256x1xi32> to vector<1xi32>
    %reduce_sum3A_1134 = vector.shape_cast %reduce_sum3A_1133 : vector<1xi32> to vector<1x1x1xi32>
    %reduce_sum3A_1135 = vector.extract %reduce_sum3A_1134[0, 0, 0] : i32 from vector<1x1x1xi32>
    %shift_right_logical3A_1136 = arith.constant 3 : i32
    %shift_right_logical3A_1137 = arith.shrui %reduce_sum3A_1135, %shift_right_logical3A_1136 : i32
    %add3A_1138 = arith.constant 1.408000e+03 : f32
    %add3A_1139 = arith.constant 1.280000e+02 : f32
    %add3A_1140 = arith.addf %add3A_1138, %add3A_1139 : f32
    %lt3A_1141 = vector.broadcast %add3A_1140 : f32 to vector<256x1xf32>
    %lt3A_1142 = arith.cmpf olt, %dot_general3A_65, %lt3A_1141 : vector<256x1xf32>
    %convert_element_type3A_1143 = arith.extui %lt3A_1142 : vector<256x1xi1> to vector<256x1xi32>
    %reduce_sum3A_1144 = vector.shape_cast %convert_element_type3A_1143 : vector<256x1xi32> to vector<1x256x1xi32>
    %reduce_sum3A_1145 = arith.constant dense<0> : vector<1xi32>
    %reduce_sum3A_1146 = vector.multi_reduction <add>, %reduce_sum3A_1144, %reduce_sum3A_1145 [1, 2] : vector<1x256x1xi32> to vector<1xi32>
    %reduce_sum3A_1147 = vector.shape_cast %reduce_sum3A_1146 : vector<1xi32> to vector<1x1x1xi32>
    %reduce_sum3A_1148 = vector.extract %reduce_sum3A_1147[0, 0, 0] : i32 from vector<1x1x1xi32>
    %add3A_1149 = arith.constant 7 : i32
    %add3A_1150 = arith.addi %reduce_sum3A_1148, %add3A_1149 : i32
    %shift_right_logical3A_1151 = arith.constant 3 : i32
    %shift_right_logical3A_1152 = arith.shrui %add3A_1150, %shift_right_logical3A_1151 : i32
    %broadcast_in_dim3A_1153 = arith.constant 0 : i32
    %broadcast_in_dim3A_1154 = vector.broadcast %broadcast_in_dim3A_1153 : i32 to vector<1x128xi32>
    %while3A_1155 = arith.subi %shift_right_logical3A_1126, %shift_right_logical3A_1111 : i32
    %while3A_1156 = arith.addi %shift_right_logical3A_1111, %while3A_1155 : i32
    %while3A_1157 = arith.constant 1 : i32
    %while3A_1158 = arith.divsi %while3A_1155, %while3A_1157 : i32
    %while3A_1159 = arith.muli %while3A_1158, %while3A_1157 : i32
    %while3A_1160 = arith.addi %shift_right_logical3A_1111, %while3A_1159 : i32
    %while3A_1161 = arith.constant 1 : i32
    %while3A_1162:2 = scf.for %while3A_1603 = %shift_right_logical3A_1111 to %while3A_1160 step %while3A_1161 iter_args(%while3A_1604 = %broadcast_in_dim3A_1154, %while3A_1605 = %broadcast_in_dim3A_1154) -> (vector<1x128xi32>, vector<1x128xi32>)  : i32 {
      %mul3A_1606 = arith.constant 8 : i32
      %mul3A_1607 = arith.muli %while3A_1603, %mul3A_1606 : i32
      %get3A_1608 = arith.index_cast %mul3A_1607 : i32 to index
      %get3A_1609 = arith.constant 0 : index
      %get3A_1610 = vector.load %arg8[%get3A_1608, %get3A_1609] : memref<256x128xi32, #tpu.memory_space<vmem>>, vector<8x128xi32>
      %reshape3A_1611 = vector.shape_cast %get3A_1610 : vector<8x128xi32> to vector<8x128x1xi32>
      %mul3A_1612 = arith.constant 8 : i32
      %mul3A_1613 = arith.muli %while3A_1603, %mul3A_1612 : i32
      %get3A_1614 = arith.index_cast %mul3A_1613 : i32 to index
      %get3A_1615 = arith.constant 0 : index
      %get3A_1616 = vector.load %arg7[%get3A_1614, %get3A_1615] : memref<256x128xi32, #tpu.memory_space<vmem>>, vector<8x128xi32>
      %reshape3A_1617 = vector.shape_cast %get3A_1616 : vector<8x128xi32> to vector<8x128x1xi32>
      %mul3A_1618 = arith.constant 1024 : i32
      %mul3A_1619 = arith.muli %while3A_1603, %mul3A_1618 : i32
      %add3A_1620 = vector.broadcast %mul3A_1619 : i32 to vector<8x128x1xi32>
      %add3A_1621 = arith.addi %add3A_1620, %add3A_90 : vector<8x128x1xi32>
      %add3A_1622 = arith.constant 1408 : i32
      %add3A_1623 = vector.broadcast %add3A_1622 : i32 to vector<1x1x128xi32>
      %add3A_1624 = arith.addi %iota3A_91, %add3A_1623 : vector<1x1x128xi32>
      %eq3A_1625 = vector.broadcast %reshape3A_1611 : vector<8x128x1xi32> to vector<8x128x128xi32>
      %eq3A_1626 = vector.broadcast %add3A_1624 : vector<1x1x128xi32> to vector<8x128x128xi32>
      %eq3A_1627 = arith.cmpi eq, %eq3A_1625, %eq3A_1626 : vector<8x128x128xi32>
      %jit3A_1628 = arith.constant 0 : i32
      %broadcast_in_dim3A_1629 = vector.shape_cast %add3A_1621 : vector<8x128x1xi32> to vector<8x128x1xi32>
      %broadcast_in_dim3A_1630 = vector.broadcast %broadcast_in_dim3A_1629 : vector<8x128x1xi32> to vector<8x128x128xi32>
      %broadcast_in_dim3A_1631 = vector.broadcast %jit3A_1628 : i32 to vector<8x128x128xi32>
      %select_n3A_1632 = arith.select %eq3A_1627, %broadcast_in_dim3A_1630, %broadcast_in_dim3A_1631 : vector<8x128x128xi1>, vector<8x128x128xi32>
      %reduce_sum3A_1633 = arith.constant dense<0> : vector<128x128xi32>
      %reduce_sum3A_1634 = vector.multi_reduction <add>, %select_n3A_1632, %reduce_sum3A_1633 [0] : vector<8x128x128xi32> to vector<128x128xi32>
      %reduce_sum3A_1635 = arith.constant dense<0> : vector<128xi32>
      %reduce_sum3A_1636 = vector.multi_reduction <add>, %reduce_sum3A_1634, %reduce_sum3A_1635 [0] : vector<128x128xi32> to vector<128xi32>
      %broadcast_in_dim3A_1637 = vector.shape_cast %reduce_sum3A_1636 : vector<128xi32> to vector<1x128xi32>
      %add3A_1638 = arith.addi %while3A_1604, %broadcast_in_dim3A_1637 : vector<1x128xi32>
      %jit3A_1639 = arith.constant 0 : i32
      %broadcast_in_dim3A_1640 = vector.shape_cast %reshape3A_1617 : vector<8x128x1xi32> to vector<8x128x1xi32>
      %broadcast_in_dim3A_1641 = vector.broadcast %broadcast_in_dim3A_1640 : vector<8x128x1xi32> to vector<8x128x128xi32>
      %broadcast_in_dim3A_1642 = vector.broadcast %jit3A_1639 : i32 to vector<8x128x128xi32>
      %select_n3A_1643 = arith.select %eq3A_1627, %broadcast_in_dim3A_1641, %broadcast_in_dim3A_1642 : vector<8x128x128xi1>, vector<8x128x128xi32>
      %reduce_sum3A_1644 = arith.constant dense<0> : vector<128x128xi32>
      %reduce_sum3A_1645 = vector.multi_reduction <add>, %select_n3A_1643, %reduce_sum3A_1644 [0] : vector<8x128x128xi32> to vector<128x128xi32>
      %reduce_sum3A_1646 = arith.constant dense<0> : vector<128xi32>
      %reduce_sum3A_1647 = vector.multi_reduction <add>, %reduce_sum3A_1645, %reduce_sum3A_1646 [0] : vector<128x128xi32> to vector<128xi32>
      %broadcast_in_dim3A_1648 = vector.shape_cast %reduce_sum3A_1647 : vector<128xi32> to vector<1x128xi32>
      %add3A_1649 = arith.addi %while3A_1605, %broadcast_in_dim3A_1648 : vector<1x128xi32>
      scf.yield %add3A_1638, %add3A_1649 : vector<1x128xi32>, vector<1x128xi32>
    }
    %while3A_1163 = arith.constant 1 : i32
    %while3A_1164:2 = scf.for %while3A_1603 = %while3A_1160 to %while3A_1156 step %while3A_1163 iter_args(%while3A_1604 = %while3A_1162#0, %while3A_1605 = %while3A_1162#1) -> (vector<1x128xi32>, vector<1x128xi32>)  : i32 {
      %mul3A_1606 = arith.constant 8 : i32
      %mul3A_1607 = arith.muli %while3A_1603, %mul3A_1606 : i32
      %get3A_1608 = arith.index_cast %mul3A_1607 : i32 to index
      %get3A_1609 = arith.constant 0 : index
      %get3A_1610 = vector.load %arg8[%get3A_1608, %get3A_1609] : memref<256x128xi32, #tpu.memory_space<vmem>>, vector<8x128xi32>
      %reshape3A_1611 = vector.shape_cast %get3A_1610 : vector<8x128xi32> to vector<8x128x1xi32>
      %mul3A_1612 = arith.constant 8 : i32
      %mul3A_1613 = arith.muli %while3A_1603, %mul3A_1612 : i32
      %get3A_1614 = arith.index_cast %mul3A_1613 : i32 to index
      %get3A_1615 = arith.constant 0 : index
      %get3A_1616 = vector.load %arg7[%get3A_1614, %get3A_1615] : memref<256x128xi32, #tpu.memory_space<vmem>>, vector<8x128xi32>
      %reshape3A_1617 = vector.shape_cast %get3A_1616 : vector<8x128xi32> to vector<8x128x1xi32>
      %mul3A_1618 = arith.constant 1024 : i32
      %mul3A_1619 = arith.muli %while3A_1603, %mul3A_1618 : i32
      %add3A_1620 = vector.broadcast %mul3A_1619 : i32 to vector<8x128x1xi32>
      %add3A_1621 = arith.addi %add3A_1620, %add3A_90 : vector<8x128x1xi32>
      %add3A_1622 = arith.constant 1408 : i32
      %add3A_1623 = vector.broadcast %add3A_1622 : i32 to vector<1x1x128xi32>
      %add3A_1624 = arith.addi %iota3A_91, %add3A_1623 : vector<1x1x128xi32>
      %eq3A_1625 = vector.broadcast %reshape3A_1611 : vector<8x128x1xi32> to vector<8x128x128xi32>
      %eq3A_1626 = vector.broadcast %add3A_1624 : vector<1x1x128xi32> to vector<8x128x128xi32>
      %eq3A_1627 = arith.cmpi eq, %eq3A_1625, %eq3A_1626 : vector<8x128x128xi32>
      %jit3A_1628 = arith.constant 0 : i32
      %broadcast_in_dim3A_1629 = vector.shape_cast %add3A_1621 : vector<8x128x1xi32> to vector<8x128x1xi32>
      %broadcast_in_dim3A_1630 = vector.broadcast %broadcast_in_dim3A_1629 : vector<8x128x1xi32> to vector<8x128x128xi32>
      %broadcast_in_dim3A_1631 = vector.broadcast %jit3A_1628 : i32 to vector<8x128x128xi32>
      %select_n3A_1632 = arith.select %eq3A_1627, %broadcast_in_dim3A_1630, %broadcast_in_dim3A_1631 : vector<8x128x128xi1>, vector<8x128x128xi32>
      %reduce_sum3A_1633 = arith.constant dense<0> : vector<128x128xi32>
      %reduce_sum3A_1634 = vector.multi_reduction <add>, %select_n3A_1632, %reduce_sum3A_1633 [0] : vector<8x128x128xi32> to vector<128x128xi32>
      %reduce_sum3A_1635 = arith.constant dense<0> : vector<128xi32>
      %reduce_sum3A_1636 = vector.multi_reduction <add>, %reduce_sum3A_1634, %reduce_sum3A_1635 [0] : vector<128x128xi32> to vector<128xi32>
      %broadcast_in_dim3A_1637 = vector.shape_cast %reduce_sum3A_1636 : vector<128xi32> to vector<1x128xi32>
      %add3A_1638 = arith.addi %while3A_1604, %broadcast_in_dim3A_1637 : vector<1x128xi32>
      %jit3A_1639 = arith.constant 0 : i32
      %broadcast_in_dim3A_1640 = vector.shape_cast %reshape3A_1617 : vector<8x128x1xi32> to vector<8x128x1xi32>
      %broadcast_in_dim3A_1641 = vector.broadcast %broadcast_in_dim3A_1640 : vector<8x128x1xi32> to vector<8x128x128xi32>
      %broadcast_in_dim3A_1642 = vector.broadcast %jit3A_1639 : i32 to vector<8x128x128xi32>
      %select_n3A_1643 = arith.select %eq3A_1627, %broadcast_in_dim3A_1641, %broadcast_in_dim3A_1642 : vector<8x128x128xi1>, vector<8x128x128xi32>
      %reduce_sum3A_1644 = arith.constant dense<0> : vector<128x128xi32>
      %reduce_sum3A_1645 = vector.multi_reduction <add>, %select_n3A_1643, %reduce_sum3A_1644 [0] : vector<8x128x128xi32> to vector<128x128xi32>
      %reduce_sum3A_1646 = arith.constant dense<0> : vector<128xi32>
      %reduce_sum3A_1647 = vector.multi_reduction <add>, %reduce_sum3A_1645, %reduce_sum3A_1646 [0] : vector<128x128xi32> to vector<128xi32>
      %broadcast_in_dim3A_1648 = vector.shape_cast %reduce_sum3A_1647 : vector<128xi32> to vector<1x128xi32>
      %add3A_1649 = arith.addi %while3A_1605, %broadcast_in_dim3A_1648 : vector<1x128xi32>
      scf.yield %add3A_1638, %add3A_1649 : vector<1x128xi32>, vector<1x128xi32>
    }
    %swap3A_1165 = arith.constant 11 : index
    %swap3A_1166 = arith.constant 0 : index
    %swap3A_1167 = arith.constant 0 : index
    %swap3A_1168 = vector.load %arg3[%swap3A_1165, %swap3A_1166, %swap3A_1167] : memref<18x1x128xi32, #tpu.memory_space<vmem>>, vector<1x1x128xi32>
    %swap3A_1169 = vector.shape_cast %swap3A_1168 : vector<1x1x128xi32> to vector<1x128xi32>
    %swap3A_1170 = vector.shape_cast %while3A_1164#1 : vector<1x128xi32> to vector<1x1x128xi32>
    tpu.vector_store %arg3[%swap3A_1165, %swap3A_1166, %swap3A_1167], %swap3A_1170 {strides = array<i32>} : memref<18x1x128xi32, #tpu.memory_space<vmem>>, vector<1x1x128xi32>,
    %swap3A_1171 = arith.constant 11 : index
    %swap3A_1172 = arith.constant 0 : index
    %swap3A_1173 = arith.constant 0 : index
    %swap3A_1174 = vector.load %arg4[%swap3A_1171, %swap3A_1172, %swap3A_1173] : memref<18x1x128xi32, #tpu.memory_space<vmem>>, vector<1x1x128xi32>
    %swap3A_1175 = vector.shape_cast %swap3A_1174 : vector<1x1x128xi32> to vector<1x128xi32>
    %swap3A_1176 = vector.shape_cast %while3A_1164#0 : vector<1x128xi32> to vector<1x1x128xi32>
    tpu.vector_store %arg4[%swap3A_1171, %swap3A_1172, %swap3A_1173], %swap3A_1176 {strides = array<i32>} : memref<18x1x128xi32, #tpu.memory_space<vmem>>, vector<1x1x128xi32>,
    %while3A_1177 = arith.subi %shift_right_logical3A_1152, %shift_right_logical3A_1137 : i32
    %while3A_1178 = arith.addi %shift_right_logical3A_1137, %while3A_1177 : i32
    %while3A_1179 = arith.constant 1 : i32
    %while3A_1180 = arith.divsi %while3A_1177, %while3A_1179 : i32
    %while3A_1181 = arith.muli %while3A_1180, %while3A_1179 : i32
    %while3A_1182 = arith.addi %shift_right_logical3A_1137, %while3A_1181 : i32
    %while3A_1183 = arith.constant 1 : i32
    %while3A_1184 = scf.for %while3A_1603 = %shift_right_logical3A_1137 to %while3A_1182 step %while3A_1183 iter_args(%while3A_1604 = %broadcast_in_dim3A_1154) -> (vector<1x128xi32>)  : i32 {
      %mul3A_1605 = arith.constant 8 : i32
      %mul3A_1606 = arith.muli %while3A_1603, %mul3A_1605 : i32
      %get3A_1607 = arith.index_cast %mul3A_1606 : i32 to index
      %get3A_1608 = arith.constant 0 : index
      %get3A_1609 = vector.load %arg9[%get3A_1607, %get3A_1608] : memref<256x128xi32, #tpu.memory_space<vmem>>, vector<8x128xi32>
      %reshape3A_1610 = vector.shape_cast %get3A_1609 : vector<8x128xi32> to vector<8x128x1xi32>
      %mul3A_1611 = arith.constant 1024 : i32
      %mul3A_1612 = arith.muli %while3A_1603, %mul3A_1611 : i32
      %add3A_1613 = vector.broadcast %mul3A_1612 : i32 to vector<8x128x1xi32>
      %add3A_1614 = arith.addi %add3A_1613, %add3A_90 : vector<8x128x1xi32>
      %add3A_1615 = arith.constant 1408 : i32
      %add3A_1616 = vector.broadcast %add3A_1615 : i32 to vector<1x1x128xi32>
      %add3A_1617 = arith.addi %iota3A_91, %add3A_1616 : vector<1x1x128xi32>
      %eq3A_1618 = vector.broadcast %reshape3A_1610 : vector<8x128x1xi32> to vector<8x128x128xi32>
      %eq3A_1619 = vector.broadcast %add3A_1617 : vector<1x1x128xi32> to vector<8x128x128xi32>
      %eq3A_1620 = arith.cmpi eq, %eq3A_1618, %eq3A_1619 : vector<8x128x128xi32>
      %jit3A_1621 = arith.constant 0 : i32
      %broadcast_in_dim3A_1622 = vector.shape_cast %add3A_1614 : vector<8x128x1xi32> to vector<8x128x1xi32>
      %broadcast_in_dim3A_1623 = vector.broadcast %broadcast_in_dim3A_1622 : vector<8x128x1xi32> to vector<8x128x128xi32>
      %broadcast_in_dim3A_1624 = vector.broadcast %jit3A_1621 : i32 to vector<8x128x128xi32>
      %select_n3A_1625 = arith.select %eq3A_1620, %broadcast_in_dim3A_1623, %broadcast_in_dim3A_1624 : vector<8x128x128xi1>, vector<8x128x128xi32>
      %reduce_sum3A_1626 = arith.constant dense<0> : vector<128x128xi32>
      %reduce_sum3A_1627 = vector.multi_reduction <add>, %select_n3A_1625, %reduce_sum3A_1626 [0] : vector<8x128x128xi32> to vector<128x128xi32>
      %reduce_sum3A_1628 = arith.constant dense<0> : vector<128xi32>
      %reduce_sum3A_1629 = vector.multi_reduction <add>, %reduce_sum3A_1627, %reduce_sum3A_1628 [0] : vector<128x128xi32> to vector<128xi32>
      %broadcast_in_dim3A_1630 = vector.shape_cast %reduce_sum3A_1629 : vector<128xi32> to vector<1x128xi32>
      %add3A_1631 = arith.addi %while3A_1604, %broadcast_in_dim3A_1630 : vector<1x128xi32>
      scf.yield %add3A_1631 : vector<1x128xi32>
    }
    %while3A_1185 = arith.constant 1 : i32
    %while3A_1186 = scf.for %while3A_1603 = %while3A_1182 to %while3A_1178 step %while3A_1185 iter_args(%while3A_1604 = %while3A_1184) -> (vector<1x128xi32>)  : i32 {
      %mul3A_1605 = arith.constant 8 : i32
      %mul3A_1606 = arith.muli %while3A_1603, %mul3A_1605 : i32
      %get3A_1607 = arith.index_cast %mul3A_1606 : i32 to index
      %get3A_1608 = arith.constant 0 : index
      %get3A_1609 = vector.load %arg9[%get3A_1607, %get3A_1608] : memref<256x128xi32, #tpu.memory_space<vmem>>, vector<8x128xi32>
      %reshape3A_1610 = vector.shape_cast %get3A_1609 : vector<8x128xi32> to vector<8x128x1xi32>
      %mul3A_1611 = arith.constant 1024 : i32
      %mul3A_1612 = arith.muli %while3A_1603, %mul3A_1611 : i32
      %add3A_1613 = vector.broadcast %mul3A_1612 : i32 to vector<8x128x1xi32>
      %add3A_1614 = arith.addi %add3A_1613, %add3A_90 : vector<8x128x1xi32>
      %add3A_1615 = arith.constant 1408 : i32
      %add3A_1616 = vector.broadcast %add3A_1615 : i32 to vector<1x1x128xi32>
      %add3A_1617 = arith.addi %iota3A_91, %add3A_1616 : vector<1x1x128xi32>
      %eq3A_1618 = vector.broadcast %reshape3A_1610 : vector<8x128x1xi32> to vector<8x128x128xi32>
      %eq3A_1619 = vector.broadcast %add3A_1617 : vector<1x1x128xi32> to vector<8x128x128xi32>
      %eq3A_1620 = arith.cmpi eq, %eq3A_1618, %eq3A_1619 : vector<8x128x128xi32>
      %jit3A_1621 = arith.constant 0 : i32
      %broadcast_in_dim3A_1622 = vector.shape_cast %add3A_1614 : vector<8x128x1xi32> to vector<8x128x1xi32>
      %broadcast_in_dim3A_1623 = vector.broadcast %broadcast_in_dim3A_1622 : vector<8x128x1xi32> to vector<8x128x128xi32>
      %broadcast_in_dim3A_1624 = vector.broadcast %jit3A_1621 : i32 to vector<8x128x128xi32>
      %select_n3A_1625 = arith.select %eq3A_1620, %broadcast_in_dim3A_1623, %broadcast_in_dim3A_1624 : vector<8x128x128xi1>, vector<8x128x128xi32>
      %reduce_sum3A_1626 = arith.constant dense<0> : vector<128x128xi32>
      %reduce_sum3A_1627 = vector.multi_reduction <add>, %select_n3A_1625, %reduce_sum3A_1626 [0] : vector<8x128x128xi32> to vector<128x128xi32>
      %reduce_sum3A_1628 = arith.constant dense<0> : vector<128xi32>
      %reduce_sum3A_1629 = vector.multi_reduction <add>, %reduce_sum3A_1627, %reduce_sum3A_1628 [0] : vector<128x128xi32> to vector<128xi32>
      %broadcast_in_dim3A_1630 = vector.shape_cast %reduce_sum3A_1629 : vector<128xi32> to vector<1x128xi32>
      %add3A_1631 = arith.addi %while3A_1604, %broadcast_in_dim3A_1630 : vector<1x128xi32>
      scf.yield %add3A_1631 : vector<1x128xi32>
    }
    %swap3A_1187 = arith.constant 11 : index
    %swap3A_1188 = arith.constant 0 : index
    %swap3A_1189 = arith.constant 0 : index
    %swap3A_1190 = vector.load %arg5[%swap3A_1187, %swap3A_1188, %swap3A_1189] : memref<18x1x128xi32, #tpu.memory_space<vmem>>, vector<1x1x128xi32>
    %swap3A_1191 = vector.shape_cast %swap3A_1190 : vector<1x1x128xi32> to vector<1x128xi32>
    %swap3A_1192 = vector.shape_cast %while3A_1186 : vector<1x128xi32> to vector<1x1x128xi32>
    tpu.vector_store %arg5[%swap3A_1187, %swap3A_1188, %swap3A_1189], %swap3A_1192 {strides = array<i32>} : memref<18x1x128xi32, #tpu.memory_space<vmem>>, vector<1x1x128xi32>,
    %le3A_1193 = arith.constant 1.536000e+03 : f32
    %le3A_1194 = vector.broadcast %le3A_1193 : f32 to vector<256x1xf32>
    %le3A_1195 = arith.cmpf ole, %add3A, %le3A_1194 : vector<256x1xf32>
    %convert_element_type3A_1196 = arith.extui %le3A_1195 : vector<256x1xi1> to vector<256x1xi32>
    %reduce_sum3A_1197 = vector.shape_cast %convert_element_type3A_1196 : vector<256x1xi32> to vector<1x256x1xi32>
    %reduce_sum3A_1198 = arith.constant dense<0> : vector<1xi32>
    %reduce_sum3A_1199 = vector.multi_reduction <add>, %reduce_sum3A_1197, %reduce_sum3A_1198 [1, 2] : vector<1x256x1xi32> to vector<1xi32>
    %reduce_sum3A_1200 = vector.shape_cast %reduce_sum3A_1199 : vector<1xi32> to vector<1x1x1xi32>
    %reduce_sum3A_1201 = vector.extract %reduce_sum3A_1200[0, 0, 0] : i32 from vector<1x1x1xi32>
    %shift_right_logical3A_1202 = arith.constant 3 : i32
    %shift_right_logical3A_1203 = arith.shrui %reduce_sum3A_1201, %shift_right_logical3A_1202 : i32
    %add3A_1204 = arith.constant 1.536000e+03 : f32
    %add3A_1205 = arith.constant 1.280000e+02 : f32
    %add3A_1206 = arith.addf %add3A_1204, %add3A_1205 : f32
    %lt3A_1207 = vector.broadcast %add3A_1206 : f32 to vector<256x1xf32>
    %lt3A_1208 = arith.cmpf olt, %dot_general3A_63, %lt3A_1207 : vector<256x1xf32>
    %convert_element_type3A_1209 = arith.extui %lt3A_1208 : vector<256x1xi1> to vector<256x1xi32>
    %reduce_sum3A_1210 = vector.shape_cast %convert_element_type3A_1209 : vector<256x1xi32> to vector<1x256x1xi32>
    %reduce_sum3A_1211 = arith.constant dense<0> : vector<1xi32>
    %reduce_sum3A_1212 = vector.multi_reduction <add>, %reduce_sum3A_1210, %reduce_sum3A_1211 [1, 2] : vector<1x256x1xi32> to vector<1xi32>
    %reduce_sum3A_1213 = vector.shape_cast %reduce_sum3A_1212 : vector<1xi32> to vector<1x1x1xi32>
    %reduce_sum3A_1214 = vector.extract %reduce_sum3A_1213[0, 0, 0] : i32 from vector<1x1x1xi32>
    %add3A_1215 = arith.constant 7 : i32
    %add3A_1216 = arith.addi %reduce_sum3A_1214, %add3A_1215 : i32
    %shift_right_logical3A_1217 = arith.constant 3 : i32
    %shift_right_logical3A_1218 = arith.shrui %add3A_1216, %shift_right_logical3A_1217 : i32
    %le3A_1219 = arith.constant 1.536000e+03 : f32
    %le3A_1220 = vector.broadcast %le3A_1219 : f32 to vector<256x1xf32>
    %le3A_1221 = arith.cmpf ole, %add3A_66, %le3A_1220 : vector<256x1xf32>
    %convert_element_type3A_1222 = arith.extui %le3A_1221 : vector<256x1xi1> to vector<256x1xi32>
    %reduce_sum3A_1223 = vector.shape_cast %convert_element_type3A_1222 : vector<256x1xi32> to vector<1x256x1xi32>
    %reduce_sum3A_1224 = arith.constant dense<0> : vector<1xi32>
    %reduce_sum3A_1225 = vector.multi_reduction <add>, %reduce_sum3A_1223, %reduce_sum3A_1224 [1, 2] : vector<1x256x1xi32> to vector<1xi32>
    %reduce_sum3A_1226 = vector.shape_cast %reduce_sum3A_1225 : vector<1xi32> to vector<1x1x1xi32>
    %reduce_sum3A_1227 = vector.extract %reduce_sum3A_1226[0, 0, 0] : i32 from vector<1x1x1xi32>
    %shift_right_logical3A_1228 = arith.constant 3 : i32
    %shift_right_logical3A_1229 = arith.shrui %reduce_sum3A_1227, %shift_right_logical3A_1228 : i32
    %add3A_1230 = arith.constant 1.536000e+03 : f32
    %add3A_1231 = arith.constant 1.280000e+02 : f32
    %add3A_1232 = arith.addf %add3A_1230, %add3A_1231 : f32
    %lt3A_1233 = vector.broadcast %add3A_1232 : f32 to vector<256x1xf32>
    %lt3A_1234 = arith.cmpf olt, %dot_general3A_65, %lt3A_1233 : vector<256x1xf32>
    %convert_element_type3A_1235 = arith.extui %lt3A_1234 : vector<256x1xi1> to vector<256x1xi32>
    %reduce_sum3A_1236 = vector.shape_cast %convert_element_type3A_1235 : vector<256x1xi32> to vector<1x256x1xi32>
    %reduce_sum3A_1237 = arith.constant dense<0> : vector<1xi32>
    %reduce_sum3A_1238 = vector.multi_reduction <add>, %reduce_sum3A_1236, %reduce_sum3A_1237 [1, 2] : vector<1x256x1xi32> to vector<1xi32>
    %reduce_sum3A_1239 = vector.shape_cast %reduce_sum3A_1238 : vector<1xi32> to vector<1x1x1xi32>
    %reduce_sum3A_1240 = vector.extract %reduce_sum3A_1239[0, 0, 0] : i32 from vector<1x1x1xi32>
    %add3A_1241 = arith.constant 7 : i32
    %add3A_1242 = arith.addi %reduce_sum3A_1240, %add3A_1241 : i32
    %shift_right_logical3A_1243 = arith.constant 3 : i32
    %shift_right_logical3A_1244 = arith.shrui %add3A_1242, %shift_right_logical3A_1243 : i32
    %broadcast_in_dim3A_1245 = arith.constant 0 : i32
    %broadcast_in_dim3A_1246 = vector.broadcast %broadcast_in_dim3A_1245 : i32 to vector<1x128xi32>
    %while3A_1247 = arith.subi %shift_right_logical3A_1218, %shift_right_logical3A_1203 : i32
    %while3A_1248 = arith.addi %shift_right_logical3A_1203, %while3A_1247 : i32
    %while3A_1249 = arith.constant 1 : i32
    %while3A_1250 = arith.divsi %while3A_1247, %while3A_1249 : i32
    %while3A_1251 = arith.muli %while3A_1250, %while3A_1249 : i32
    %while3A_1252 = arith.addi %shift_right_logical3A_1203, %while3A_1251 : i32
    %while3A_1253 = arith.constant 1 : i32
    %while3A_1254:2 = scf.for %while3A_1603 = %shift_right_logical3A_1203 to %while3A_1252 step %while3A_1253 iter_args(%while3A_1604 = %broadcast_in_dim3A_1246, %while3A_1605 = %broadcast_in_dim3A_1246) -> (vector<1x128xi32>, vector<1x128xi32>)  : i32 {
      %mul3A_1606 = arith.constant 8 : i32
      %mul3A_1607 = arith.muli %while3A_1603, %mul3A_1606 : i32
      %get3A_1608 = arith.index_cast %mul3A_1607 : i32 to index
      %get3A_1609 = arith.constant 0 : index
      %get3A_1610 = vector.load %arg8[%get3A_1608, %get3A_1609] : memref<256x128xi32, #tpu.memory_space<vmem>>, vector<8x128xi32>
      %reshape3A_1611 = vector.shape_cast %get3A_1610 : vector<8x128xi32> to vector<8x128x1xi32>
      %mul3A_1612 = arith.constant 8 : i32
      %mul3A_1613 = arith.muli %while3A_1603, %mul3A_1612 : i32
      %get3A_1614 = arith.index_cast %mul3A_1613 : i32 to index
      %get3A_1615 = arith.constant 0 : index
      %get3A_1616 = vector.load %arg7[%get3A_1614, %get3A_1615] : memref<256x128xi32, #tpu.memory_space<vmem>>, vector<8x128xi32>
      %reshape3A_1617 = vector.shape_cast %get3A_1616 : vector<8x128xi32> to vector<8x128x1xi32>
      %mul3A_1618 = arith.constant 1024 : i32
      %mul3A_1619 = arith.muli %while3A_1603, %mul3A_1618 : i32
      %add3A_1620 = vector.broadcast %mul3A_1619 : i32 to vector<8x128x1xi32>
      %add3A_1621 = arith.addi %add3A_1620, %add3A_90 : vector<8x128x1xi32>
      %add3A_1622 = arith.constant 1536 : i32
      %add3A_1623 = vector.broadcast %add3A_1622 : i32 to vector<1x1x128xi32>
      %add3A_1624 = arith.addi %iota3A_91, %add3A_1623 : vector<1x1x128xi32>
      %eq3A_1625 = vector.broadcast %reshape3A_1611 : vector<8x128x1xi32> to vector<8x128x128xi32>
      %eq3A_1626 = vector.broadcast %add3A_1624 : vector<1x1x128xi32> to vector<8x128x128xi32>
      %eq3A_1627 = arith.cmpi eq, %eq3A_1625, %eq3A_1626 : vector<8x128x128xi32>
      %jit3A_1628 = arith.constant 0 : i32
      %broadcast_in_dim3A_1629 = vector.shape_cast %add3A_1621 : vector<8x128x1xi32> to vector<8x128x1xi32>
      %broadcast_in_dim3A_1630 = vector.broadcast %broadcast_in_dim3A_1629 : vector<8x128x1xi32> to vector<8x128x128xi32>
      %broadcast_in_dim3A_1631 = vector.broadcast %jit3A_1628 : i32 to vector<8x128x128xi32>
      %select_n3A_1632 = arith.select %eq3A_1627, %broadcast_in_dim3A_1630, %broadcast_in_dim3A_1631 : vector<8x128x128xi1>, vector<8x128x128xi32>
      %reduce_sum3A_1633 = arith.constant dense<0> : vector<128x128xi32>
      %reduce_sum3A_1634 = vector.multi_reduction <add>, %select_n3A_1632, %reduce_sum3A_1633 [0] : vector<8x128x128xi32> to vector<128x128xi32>
      %reduce_sum3A_1635 = arith.constant dense<0> : vector<128xi32>
      %reduce_sum3A_1636 = vector.multi_reduction <add>, %reduce_sum3A_1634, %reduce_sum3A_1635 [0] : vector<128x128xi32> to vector<128xi32>
      %broadcast_in_dim3A_1637 = vector.shape_cast %reduce_sum3A_1636 : vector<128xi32> to vector<1x128xi32>
      %add3A_1638 = arith.addi %while3A_1604, %broadcast_in_dim3A_1637 : vector<1x128xi32>
      %jit3A_1639 = arith.constant 0 : i32
      %broadcast_in_dim3A_1640 = vector.shape_cast %reshape3A_1617 : vector<8x128x1xi32> to vector<8x128x1xi32>
      %broadcast_in_dim3A_1641 = vector.broadcast %broadcast_in_dim3A_1640 : vector<8x128x1xi32> to vector<8x128x128xi32>
      %broadcast_in_dim3A_1642 = vector.broadcast %jit3A_1639 : i32 to vector<8x128x128xi32>
      %select_n3A_1643 = arith.select %eq3A_1627, %broadcast_in_dim3A_1641, %broadcast_in_dim3A_1642 : vector<8x128x128xi1>, vector<8x128x128xi32>
      %reduce_sum3A_1644 = arith.constant dense<0> : vector<128x128xi32>
      %reduce_sum3A_1645 = vector.multi_reduction <add>, %select_n3A_1643, %reduce_sum3A_1644 [0] : vector<8x128x128xi32> to vector<128x128xi32>
      %reduce_sum3A_1646 = arith.constant dense<0> : vector<128xi32>
      %reduce_sum3A_1647 = vector.multi_reduction <add>, %reduce_sum3A_1645, %reduce_sum3A_1646 [0] : vector<128x128xi32> to vector<128xi32>
      %broadcast_in_dim3A_1648 = vector.shape_cast %reduce_sum3A_1647 : vector<128xi32> to vector<1x128xi32>
      %add3A_1649 = arith.addi %while3A_1605, %broadcast_in_dim3A_1648 : vector<1x128xi32>
      scf.yield %add3A_1638, %add3A_1649 : vector<1x128xi32>, vector<1x128xi32>
    }
    %while3A_1255 = arith.constant 1 : i32
    %while3A_1256:2 = scf.for %while3A_1603 = %while3A_1252 to %while3A_1248 step %while3A_1255 iter_args(%while3A_1604 = %while3A_1254#0, %while3A_1605 = %while3A_1254#1) -> (vector<1x128xi32>, vector<1x128xi32>)  : i32 {
      %mul3A_1606 = arith.constant 8 : i32
      %mul3A_1607 = arith.muli %while3A_1603, %mul3A_1606 : i32
      %get3A_1608 = arith.index_cast %mul3A_1607 : i32 to index
      %get3A_1609 = arith.constant 0 : index
      %get3A_1610 = vector.load %arg8[%get3A_1608, %get3A_1609] : memref<256x128xi32, #tpu.memory_space<vmem>>, vector<8x128xi32>
      %reshape3A_1611 = vector.shape_cast %get3A_1610 : vector<8x128xi32> to vector<8x128x1xi32>
      %mul3A_1612 = arith.constant 8 : i32
      %mul3A_1613 = arith.muli %while3A_1603, %mul3A_1612 : i32
      %get3A_1614 = arith.index_cast %mul3A_1613 : i32 to index
      %get3A_1615 = arith.constant 0 : index
      %get3A_1616 = vector.load %arg7[%get3A_1614, %get3A_1615] : memref<256x128xi32, #tpu.memory_space<vmem>>, vector<8x128xi32>
      %reshape3A_1617 = vector.shape_cast %get3A_1616 : vector<8x128xi32> to vector<8x128x1xi32>
      %mul3A_1618 = arith.constant 1024 : i32
      %mul3A_1619 = arith.muli %while3A_1603, %mul3A_1618 : i32
      %add3A_1620 = vector.broadcast %mul3A_1619 : i32 to vector<8x128x1xi32>
      %add3A_1621 = arith.addi %add3A_1620, %add3A_90 : vector<8x128x1xi32>
      %add3A_1622 = arith.constant 1536 : i32
      %add3A_1623 = vector.broadcast %add3A_1622 : i32 to vector<1x1x128xi32>
      %add3A_1624 = arith.addi %iota3A_91, %add3A_1623 : vector<1x1x128xi32>
      %eq3A_1625 = vector.broadcast %reshape3A_1611 : vector<8x128x1xi32> to vector<8x128x128xi32>
      %eq3A_1626 = vector.broadcast %add3A_1624 : vector<1x1x128xi32> to vector<8x128x128xi32>
      %eq3A_1627 = arith.cmpi eq, %eq3A_1625, %eq3A_1626 : vector<8x128x128xi32>
      %jit3A_1628 = arith.constant 0 : i32
      %broadcast_in_dim3A_1629 = vector.shape_cast %add3A_1621 : vector<8x128x1xi32> to vector<8x128x1xi32>
      %broadcast_in_dim3A_1630 = vector.broadcast %broadcast_in_dim3A_1629 : vector<8x128x1xi32> to vector<8x128x128xi32>
      %broadcast_in_dim3A_1631 = vector.broadcast %jit3A_1628 : i32 to vector<8x128x128xi32>
      %select_n3A_1632 = arith.select %eq3A_1627, %broadcast_in_dim3A_1630, %broadcast_in_dim3A_1631 : vector<8x128x128xi1>, vector<8x128x128xi32>
      %reduce_sum3A_1633 = arith.constant dense<0> : vector<128x128xi32>
      %reduce_sum3A_1634 = vector.multi_reduction <add>, %select_n3A_1632, %reduce_sum3A_1633 [0] : vector<8x128x128xi32> to vector<128x128xi32>
      %reduce_sum3A_1635 = arith.constant dense<0> : vector<128xi32>
      %reduce_sum3A_1636 = vector.multi_reduction <add>, %reduce_sum3A_1634, %reduce_sum3A_1635 [0] : vector<128x128xi32> to vector<128xi32>
      %broadcast_in_dim3A_1637 = vector.shape_cast %reduce_sum3A_1636 : vector<128xi32> to vector<1x128xi32>
      %add3A_1638 = arith.addi %while3A_1604, %broadcast_in_dim3A_1637 : vector<1x128xi32>
      %jit3A_1639 = arith.constant 0 : i32
      %broadcast_in_dim3A_1640 = vector.shape_cast %reshape3A_1617 : vector<8x128x1xi32> to vector<8x128x1xi32>
      %broadcast_in_dim3A_1641 = vector.broadcast %broadcast_in_dim3A_1640 : vector<8x128x1xi32> to vector<8x128x128xi32>
      %broadcast_in_dim3A_1642 = vector.broadcast %jit3A_1639 : i32 to vector<8x128x128xi32>
      %select_n3A_1643 = arith.select %eq3A_1627, %broadcast_in_dim3A_1641, %broadcast_in_dim3A_1642 : vector<8x128x128xi1>, vector<8x128x128xi32>
      %reduce_sum3A_1644 = arith.constant dense<0> : vector<128x128xi32>
      %reduce_sum3A_1645 = vector.multi_reduction <add>, %select_n3A_1643, %reduce_sum3A_1644 [0] : vector<8x128x128xi32> to vector<128x128xi32>
      %reduce_sum3A_1646 = arith.constant dense<0> : vector<128xi32>
      %reduce_sum3A_1647 = vector.multi_reduction <add>, %reduce_sum3A_1645, %reduce_sum3A_1646 [0] : vector<128x128xi32> to vector<128xi32>
      %broadcast_in_dim3A_1648 = vector.shape_cast %reduce_sum3A_1647 : vector<128xi32> to vector<1x128xi32>
      %add3A_1649 = arith.addi %while3A_1605, %broadcast_in_dim3A_1648 : vector<1x128xi32>
      scf.yield %add3A_1638, %add3A_1649 : vector<1x128xi32>, vector<1x128xi32>
    }
    %swap3A_1257 = arith.constant 12 : index
    %swap3A_1258 = arith.constant 0 : index
    %swap3A_1259 = arith.constant 0 : index
    %swap3A_1260 = vector.load %arg3[%swap3A_1257, %swap3A_1258, %swap3A_1259] : memref<18x1x128xi32, #tpu.memory_space<vmem>>, vector<1x1x128xi32>
    %swap3A_1261 = vector.shape_cast %swap3A_1260 : vector<1x1x128xi32> to vector<1x128xi32>
    %swap3A_1262 = vector.shape_cast %while3A_1256#1 : vector<1x128xi32> to vector<1x1x128xi32>
    tpu.vector_store %arg3[%swap3A_1257, %swap3A_1258, %swap3A_1259], %swap3A_1262 {strides = array<i32>} : memref<18x1x128xi32, #tpu.memory_space<vmem>>, vector<1x1x128xi32>,
    %swap3A_1263 = arith.constant 12 : index
    %swap3A_1264 = arith.constant 0 : index
    %swap3A_1265 = arith.constant 0 : index
    %swap3A_1266 = vector.load %arg4[%swap3A_1263, %swap3A_1264, %swap3A_1265] : memref<18x1x128xi32, #tpu.memory_space<vmem>>, vector<1x1x128xi32>
    %swap3A_1267 = vector.shape_cast %swap3A_1266 : vector<1x1x128xi32> to vector<1x128xi32>
    %swap3A_1268 = vector.shape_cast %while3A_1256#0 : vector<1x128xi32> to vector<1x1x128xi32>
    tpu.vector_store %arg4[%swap3A_1263, %swap3A_1264, %swap3A_1265], %swap3A_1268 {strides = array<i32>} : memref<18x1x128xi32, #tpu.memory_space<vmem>>, vector<1x1x128xi32>,
    %while3A_1269 = arith.subi %shift_right_logical3A_1244, %shift_right_logical3A_1229 : i32
    %while3A_1270 = arith.addi %shift_right_logical3A_1229, %while3A_1269 : i32
    %while3A_1271 = arith.constant 1 : i32
    %while3A_1272 = arith.divsi %while3A_1269, %while3A_1271 : i32
    %while3A_1273 = arith.muli %while3A_1272, %while3A_1271 : i32
    %while3A_1274 = arith.addi %shift_right_logical3A_1229, %while3A_1273 : i32
    %while3A_1275 = arith.constant 1 : i32
    %while3A_1276 = scf.for %while3A_1603 = %shift_right_logical3A_1229 to %while3A_1274 step %while3A_1275 iter_args(%while3A_1604 = %broadcast_in_dim3A_1246) -> (vector<1x128xi32>)  : i32 {
      %mul3A_1605 = arith.constant 8 : i32
      %mul3A_1606 = arith.muli %while3A_1603, %mul3A_1605 : i32
      %get3A_1607 = arith.index_cast %mul3A_1606 : i32 to index
      %get3A_1608 = arith.constant 0 : index
      %get3A_1609 = vector.load %arg9[%get3A_1607, %get3A_1608] : memref<256x128xi32, #tpu.memory_space<vmem>>, vector<8x128xi32>
      %reshape3A_1610 = vector.shape_cast %get3A_1609 : vector<8x128xi32> to vector<8x128x1xi32>
      %mul3A_1611 = arith.constant 1024 : i32
      %mul3A_1612 = arith.muli %while3A_1603, %mul3A_1611 : i32
      %add3A_1613 = vector.broadcast %mul3A_1612 : i32 to vector<8x128x1xi32>
      %add3A_1614 = arith.addi %add3A_1613, %add3A_90 : vector<8x128x1xi32>
      %add3A_1615 = arith.constant 1536 : i32
      %add3A_1616 = vector.broadcast %add3A_1615 : i32 to vector<1x1x128xi32>
      %add3A_1617 = arith.addi %iota3A_91, %add3A_1616 : vector<1x1x128xi32>
      %eq3A_1618 = vector.broadcast %reshape3A_1610 : vector<8x128x1xi32> to vector<8x128x128xi32>
      %eq3A_1619 = vector.broadcast %add3A_1617 : vector<1x1x128xi32> to vector<8x128x128xi32>
      %eq3A_1620 = arith.cmpi eq, %eq3A_1618, %eq3A_1619 : vector<8x128x128xi32>
      %jit3A_1621 = arith.constant 0 : i32
      %broadcast_in_dim3A_1622 = vector.shape_cast %add3A_1614 : vector<8x128x1xi32> to vector<8x128x1xi32>
      %broadcast_in_dim3A_1623 = vector.broadcast %broadcast_in_dim3A_1622 : vector<8x128x1xi32> to vector<8x128x128xi32>
      %broadcast_in_dim3A_1624 = vector.broadcast %jit3A_1621 : i32 to vector<8x128x128xi32>
      %select_n3A_1625 = arith.select %eq3A_1620, %broadcast_in_dim3A_1623, %broadcast_in_dim3A_1624 : vector<8x128x128xi1>, vector<8x128x128xi32>
      %reduce_sum3A_1626 = arith.constant dense<0> : vector<128x128xi32>
      %reduce_sum3A_1627 = vector.multi_reduction <add>, %select_n3A_1625, %reduce_sum3A_1626 [0] : vector<8x128x128xi32> to vector<128x128xi32>
      %reduce_sum3A_1628 = arith.constant dense<0> : vector<128xi32>
      %reduce_sum3A_1629 = vector.multi_reduction <add>, %reduce_sum3A_1627, %reduce_sum3A_1628 [0] : vector<128x128xi32> to vector<128xi32>
      %broadcast_in_dim3A_1630 = vector.shape_cast %reduce_sum3A_1629 : vector<128xi32> to vector<1x128xi32>
      %add3A_1631 = arith.addi %while3A_1604, %broadcast_in_dim3A_1630 : vector<1x128xi32>
      scf.yield %add3A_1631 : vector<1x128xi32>
    }
    %while3A_1277 = arith.constant 1 : i32
    %while3A_1278 = scf.for %while3A_1603 = %while3A_1274 to %while3A_1270 step %while3A_1277 iter_args(%while3A_1604 = %while3A_1276) -> (vector<1x128xi32>)  : i32 {
      %mul3A_1605 = arith.constant 8 : i32
      %mul3A_1606 = arith.muli %while3A_1603, %mul3A_1605 : i32
      %get3A_1607 = arith.index_cast %mul3A_1606 : i32 to index
      %get3A_1608 = arith.constant 0 : index
      %get3A_1609 = vector.load %arg9[%get3A_1607, %get3A_1608] : memref<256x128xi32, #tpu.memory_space<vmem>>, vector<8x128xi32>
      %reshape3A_1610 = vector.shape_cast %get3A_1609 : vector<8x128xi32> to vector<8x128x1xi32>
      %mul3A_1611 = arith.constant 1024 : i32
      %mul3A_1612 = arith.muli %while3A_1603, %mul3A_1611 : i32
      %add3A_1613 = vector.broadcast %mul3A_1612 : i32 to vector<8x128x1xi32>
      %add3A_1614 = arith.addi %add3A_1613, %add3A_90 : vector<8x128x1xi32>
      %add3A_1615 = arith.constant 1536 : i32
      %add3A_1616 = vector.broadcast %add3A_1615 : i32 to vector<1x1x128xi32>
      %add3A_1617 = arith.addi %iota3A_91, %add3A_1616 : vector<1x1x128xi32>
      %eq3A_1618 = vector.broadcast %reshape3A_1610 : vector<8x128x1xi32> to vector<8x128x128xi32>
      %eq3A_1619 = vector.broadcast %add3A_1617 : vector<1x1x128xi32> to vector<8x128x128xi32>
      %eq3A_1620 = arith.cmpi eq, %eq3A_1618, %eq3A_1619 : vector<8x128x128xi32>
      %jit3A_1621 = arith.constant 0 : i32
      %broadcast_in_dim3A_1622 = vector.shape_cast %add3A_1614 : vector<8x128x1xi32> to vector<8x128x1xi32>
      %broadcast_in_dim3A_1623 = vector.broadcast %broadcast_in_dim3A_1622 : vector<8x128x1xi32> to vector<8x128x128xi32>
      %broadcast_in_dim3A_1624 = vector.broadcast %jit3A_1621 : i32 to vector<8x128x128xi32>
      %select_n3A_1625 = arith.select %eq3A_1620, %broadcast_in_dim3A_1623, %broadcast_in_dim3A_1624 : vector<8x128x128xi1>, vector<8x128x128xi32>
      %reduce_sum3A_1626 = arith.constant dense<0> : vector<128x128xi32>
      %reduce_sum3A_1627 = vector.multi_reduction <add>, %select_n3A_1625, %reduce_sum3A_1626 [0] : vector<8x128x128xi32> to vector<128x128xi32>
      %reduce_sum3A_1628 = arith.constant dense<0> : vector<128xi32>
      %reduce_sum3A_1629 = vector.multi_reduction <add>, %reduce_sum3A_1627, %reduce_sum3A_1628 [0] : vector<128x128xi32> to vector<128xi32>
      %broadcast_in_dim3A_1630 = vector.shape_cast %reduce_sum3A_1629 : vector<128xi32> to vector<1x128xi32>
      %add3A_1631 = arith.addi %while3A_1604, %broadcast_in_dim3A_1630 : vector<1x128xi32>
      scf.yield %add3A_1631 : vector<1x128xi32>
    }
    %swap3A_1279 = arith.constant 12 : index
    %swap3A_1280 = arith.constant 0 : index
    %swap3A_1281 = arith.constant 0 : index
    %swap3A_1282 = vector.load %arg5[%swap3A_1279, %swap3A_1280, %swap3A_1281] : memref<18x1x128xi32, #tpu.memory_space<vmem>>, vector<1x1x128xi32>
    %swap3A_1283 = vector.shape_cast %swap3A_1282 : vector<1x1x128xi32> to vector<1x128xi32>
    %swap3A_1284 = vector.shape_cast %while3A_1278 : vector<1x128xi32> to vector<1x1x128xi32>
    tpu.vector_store %arg5[%swap3A_1279, %swap3A_1280, %swap3A_1281], %swap3A_1284 {strides = array<i32>} : memref<18x1x128xi32, #tpu.memory_space<vmem>>, vector<1x1x128xi32>,
    %le3A_1285 = arith.constant 1.664000e+03 : f32
    %le3A_1286 = vector.broadcast %le3A_1285 : f32 to vector<256x1xf32>
    %le3A_1287 = arith.cmpf ole, %add3A, %le3A_1286 : vector<256x1xf32>
    %convert_element_type3A_1288 = arith.extui %le3A_1287 : vector<256x1xi1> to vector<256x1xi32>
    %reduce_sum3A_1289 = vector.shape_cast %convert_element_type3A_1288 : vector<256x1xi32> to vector<1x256x1xi32>
    %reduce_sum3A_1290 = arith.constant dense<0> : vector<1xi32>
    %reduce_sum3A_1291 = vector.multi_reduction <add>, %reduce_sum3A_1289, %reduce_sum3A_1290 [1, 2] : vector<1x256x1xi32> to vector<1xi32>
    %reduce_sum3A_1292 = vector.shape_cast %reduce_sum3A_1291 : vector<1xi32> to vector<1x1x1xi32>
    %reduce_sum3A_1293 = vector.extract %reduce_sum3A_1292[0, 0, 0] : i32 from vector<1x1x1xi32>
    %shift_right_logical3A_1294 = arith.constant 3 : i32
    %shift_right_logical3A_1295 = arith.shrui %reduce_sum3A_1293, %shift_right_logical3A_1294 : i32
    %add3A_1296 = arith.constant 1.664000e+03 : f32
    %add3A_1297 = arith.constant 1.280000e+02 : f32
    %add3A_1298 = arith.addf %add3A_1296, %add3A_1297 : f32
    %lt3A_1299 = vector.broadcast %add3A_1298 : f32 to vector<256x1xf32>
    %lt3A_1300 = arith.cmpf olt, %dot_general3A_63, %lt3A_1299 : vector<256x1xf32>
    %convert_element_type3A_1301 = arith.extui %lt3A_1300 : vector<256x1xi1> to vector<256x1xi32>
    %reduce_sum3A_1302 = vector.shape_cast %convert_element_type3A_1301 : vector<256x1xi32> to vector<1x256x1xi32>
    %reduce_sum3A_1303 = arith.constant dense<0> : vector<1xi32>
    %reduce_sum3A_1304 = vector.multi_reduction <add>, %reduce_sum3A_1302, %reduce_sum3A_1303 [1, 2] : vector<1x256x1xi32> to vector<1xi32>
    %reduce_sum3A_1305 = vector.shape_cast %reduce_sum3A_1304 : vector<1xi32> to vector<1x1x1xi32>
    %reduce_sum3A_1306 = vector.extract %reduce_sum3A_1305[0, 0, 0] : i32 from vector<1x1x1xi32>
    %add3A_1307 = arith.constant 7 : i32
    %add3A_1308 = arith.addi %reduce_sum3A_1306, %add3A_1307 : i32
    %shift_right_logical3A_1309 = arith.constant 3 : i32
    %shift_right_logical3A_1310 = arith.shrui %add3A_1308, %shift_right_logical3A_1309 : i32
    %le3A_1311 = arith.constant 1.664000e+03 : f32
    %le3A_1312 = vector.broadcast %le3A_1311 : f32 to vector<256x1xf32>
    %le3A_1313 = arith.cmpf ole, %add3A_66, %le3A_1312 : vector<256x1xf32>
    %convert_element_type3A_1314 = arith.extui %le3A_1313 : vector<256x1xi1> to vector<256x1xi32>
    %reduce_sum3A_1315 = vector.shape_cast %convert_element_type3A_1314 : vector<256x1xi32> to vector<1x256x1xi32>
    %reduce_sum3A_1316 = arith.constant dense<0> : vector<1xi32>
    %reduce_sum3A_1317 = vector.multi_reduction <add>, %reduce_sum3A_1315, %reduce_sum3A_1316 [1, 2] : vector<1x256x1xi32> to vector<1xi32>
    %reduce_sum3A_1318 = vector.shape_cast %reduce_sum3A_1317 : vector<1xi32> to vector<1x1x1xi32>
    %reduce_sum3A_1319 = vector.extract %reduce_sum3A_1318[0, 0, 0] : i32 from vector<1x1x1xi32>
    %shift_right_logical3A_1320 = arith.constant 3 : i32
    %shift_right_logical3A_1321 = arith.shrui %reduce_sum3A_1319, %shift_right_logical3A_1320 : i32
    %add3A_1322 = arith.constant 1.664000e+03 : f32
    %add3A_1323 = arith.constant 1.280000e+02 : f32
    %add3A_1324 = arith.addf %add3A_1322, %add3A_1323 : f32
    %lt3A_1325 = vector.broadcast %add3A_1324 : f32 to vector<256x1xf32>
    %lt3A_1326 = arith.cmpf olt, %dot_general3A_65, %lt3A_1325 : vector<256x1xf32>
    %convert_element_type3A_1327 = arith.extui %lt3A_1326 : vector<256x1xi1> to vector<256x1xi32>
    %reduce_sum3A_1328 = vector.shape_cast %convert_element_type3A_1327 : vector<256x1xi32> to vector<1x256x1xi32>
    %reduce_sum3A_1329 = arith.constant dense<0> : vector<1xi32>
    %reduce_sum3A_1330 = vector.multi_reduction <add>, %reduce_sum3A_1328, %reduce_sum3A_1329 [1, 2] : vector<1x256x1xi32> to vector<1xi32>
    %reduce_sum3A_1331 = vector.shape_cast %reduce_sum3A_1330 : vector<1xi32> to vector<1x1x1xi32>
    %reduce_sum3A_1332 = vector.extract %reduce_sum3A_1331[0, 0, 0] : i32 from vector<1x1x1xi32>
    %add3A_1333 = arith.constant 7 : i32
    %add3A_1334 = arith.addi %reduce_sum3A_1332, %add3A_1333 : i32
    %shift_right_logical3A_1335 = arith.constant 3 : i32
    %shift_right_logical3A_1336 = arith.shrui %add3A_1334, %shift_right_logical3A_1335 : i32
    %broadcast_in_dim3A_1337 = arith.constant 0 : i32
    %broadcast_in_dim3A_1338 = vector.broadcast %broadcast_in_dim3A_1337 : i32 to vector<1x128xi32>
    %while3A_1339 = arith.subi %shift_right_logical3A_1310, %shift_right_logical3A_1295 : i32
    %while3A_1340 = arith.addi %shift_right_logical3A_1295, %while3A_1339 : i32
    %while3A_1341 = arith.constant 1 : i32
    %while3A_1342 = arith.divsi %while3A_1339, %while3A_1341 : i32
    %while3A_1343 = arith.muli %while3A_1342, %while3A_1341 : i32
    %while3A_1344 = arith.addi %shift_right_logical3A_1295, %while3A_1343 : i32
    %while3A_1345 = arith.constant 1 : i32
    %while3A_1346:2 = scf.for %while3A_1603 = %shift_right_logical3A_1295 to %while3A_1344 step %while3A_1345 iter_args(%while3A_1604 = %broadcast_in_dim3A_1338, %while3A_1605 = %broadcast_in_dim3A_1338) -> (vector<1x128xi32>, vector<1x128xi32>)  : i32 {
      %mul3A_1606 = arith.constant 8 : i32
      %mul3A_1607 = arith.muli %while3A_1603, %mul3A_1606 : i32
      %get3A_1608 = arith.index_cast %mul3A_1607 : i32 to index
      %get3A_1609 = arith.constant 0 : index
      %get3A_1610 = vector.load %arg8[%get3A_1608, %get3A_1609] : memref<256x128xi32, #tpu.memory_space<vmem>>, vector<8x128xi32>
      %reshape3A_1611 = vector.shape_cast %get3A_1610 : vector<8x128xi32> to vector<8x128x1xi32>
      %mul3A_1612 = arith.constant 8 : i32
      %mul3A_1613 = arith.muli %while3A_1603, %mul3A_1612 : i32
      %get3A_1614 = arith.index_cast %mul3A_1613 : i32 to index
      %get3A_1615 = arith.constant 0 : index
      %get3A_1616 = vector.load %arg7[%get3A_1614, %get3A_1615] : memref<256x128xi32, #tpu.memory_space<vmem>>, vector<8x128xi32>
      %reshape3A_1617 = vector.shape_cast %get3A_1616 : vector<8x128xi32> to vector<8x128x1xi32>
      %mul3A_1618 = arith.constant 1024 : i32
      %mul3A_1619 = arith.muli %while3A_1603, %mul3A_1618 : i32
      %add3A_1620 = vector.broadcast %mul3A_1619 : i32 to vector<8x128x1xi32>
      %add3A_1621 = arith.addi %add3A_1620, %add3A_90 : vector<8x128x1xi32>
      %add3A_1622 = arith.constant 1664 : i32
      %add3A_1623 = vector.broadcast %add3A_1622 : i32 to vector<1x1x128xi32>
      %add3A_1624 = arith.addi %iota3A_91, %add3A_1623 : vector<1x1x128xi32>
      %eq3A_1625 = vector.broadcast %reshape3A_1611 : vector<8x128x1xi32> to vector<8x128x128xi32>
      %eq3A_1626 = vector.broadcast %add3A_1624 : vector<1x1x128xi32> to vector<8x128x128xi32>
      %eq3A_1627 = arith.cmpi eq, %eq3A_1625, %eq3A_1626 : vector<8x128x128xi32>
      %jit3A_1628 = arith.constant 0 : i32
      %broadcast_in_dim3A_1629 = vector.shape_cast %add3A_1621 : vector<8x128x1xi32> to vector<8x128x1xi32>
      %broadcast_in_dim3A_1630 = vector.broadcast %broadcast_in_dim3A_1629 : vector<8x128x1xi32> to vector<8x128x128xi32>
      %broadcast_in_dim3A_1631 = vector.broadcast %jit3A_1628 : i32 to vector<8x128x128xi32>
      %select_n3A_1632 = arith.select %eq3A_1627, %broadcast_in_dim3A_1630, %broadcast_in_dim3A_1631 : vector<8x128x128xi1>, vector<8x128x128xi32>
      %reduce_sum3A_1633 = arith.constant dense<0> : vector<128x128xi32>
      %reduce_sum3A_1634 = vector.multi_reduction <add>, %select_n3A_1632, %reduce_sum3A_1633 [0] : vector<8x128x128xi32> to vector<128x128xi32>
      %reduce_sum3A_1635 = arith.constant dense<0> : vector<128xi32>
      %reduce_sum3A_1636 = vector.multi_reduction <add>, %reduce_sum3A_1634, %reduce_sum3A_1635 [0] : vector<128x128xi32> to vector<128xi32>
      %broadcast_in_dim3A_1637 = vector.shape_cast %reduce_sum3A_1636 : vector<128xi32> to vector<1x128xi32>
      %add3A_1638 = arith.addi %while3A_1604, %broadcast_in_dim3A_1637 : vector<1x128xi32>
      %jit3A_1639 = arith.constant 0 : i32
      %broadcast_in_dim3A_1640 = vector.shape_cast %reshape3A_1617 : vector<8x128x1xi32> to vector<8x128x1xi32>
      %broadcast_in_dim3A_1641 = vector.broadcast %broadcast_in_dim3A_1640 : vector<8x128x1xi32> to vector<8x128x128xi32>
      %broadcast_in_dim3A_1642 = vector.broadcast %jit3A_1639 : i32 to vector<8x128x128xi32>
      %select_n3A_1643 = arith.select %eq3A_1627, %broadcast_in_dim3A_1641, %broadcast_in_dim3A_1642 : vector<8x128x128xi1>, vector<8x128x128xi32>
      %reduce_sum3A_1644 = arith.constant dense<0> : vector<128x128xi32>
      %reduce_sum3A_1645 = vector.multi_reduction <add>, %select_n3A_1643, %reduce_sum3A_1644 [0] : vector<8x128x128xi32> to vector<128x128xi32>
      %reduce_sum3A_1646 = arith.constant dense<0> : vector<128xi32>
      %reduce_sum3A_1647 = vector.multi_reduction <add>, %reduce_sum3A_1645, %reduce_sum3A_1646 [0] : vector<128x128xi32> to vector<128xi32>
      %broadcast_in_dim3A_1648 = vector.shape_cast %reduce_sum3A_1647 : vector<128xi32> to vector<1x128xi32>
      %add3A_1649 = arith.addi %while3A_1605, %broadcast_in_dim3A_1648 : vector<1x128xi32>
      scf.yield %add3A_1638, %add3A_1649 : vector<1x128xi32>, vector<1x128xi32>
    }
    %while3A_1347 = arith.constant 1 : i32
    %while3A_1348:2 = scf.for %while3A_1603 = %while3A_1344 to %while3A_1340 step %while3A_1347 iter_args(%while3A_1604 = %while3A_1346#0, %while3A_1605 = %while3A_1346#1) -> (vector<1x128xi32>, vector<1x128xi32>)  : i32 {
      %mul3A_1606 = arith.constant 8 : i32
      %mul3A_1607 = arith.muli %while3A_1603, %mul3A_1606 : i32
      %get3A_1608 = arith.index_cast %mul3A_1607 : i32 to index
      %get3A_1609 = arith.constant 0 : index
      %get3A_1610 = vector.load %arg8[%get3A_1608, %get3A_1609] : memref<256x128xi32, #tpu.memory_space<vmem>>, vector<8x128xi32>
      %reshape3A_1611 = vector.shape_cast %get3A_1610 : vector<8x128xi32> to vector<8x128x1xi32>
      %mul3A_1612 = arith.constant 8 : i32
      %mul3A_1613 = arith.muli %while3A_1603, %mul3A_1612 : i32
      %get3A_1614 = arith.index_cast %mul3A_1613 : i32 to index
      %get3A_1615 = arith.constant 0 : index
      %get3A_1616 = vector.load %arg7[%get3A_1614, %get3A_1615] : memref<256x128xi32, #tpu.memory_space<vmem>>, vector<8x128xi32>
      %reshape3A_1617 = vector.shape_cast %get3A_1616 : vector<8x128xi32> to vector<8x128x1xi32>
      %mul3A_1618 = arith.constant 1024 : i32
      %mul3A_1619 = arith.muli %while3A_1603, %mul3A_1618 : i32
      %add3A_1620 = vector.broadcast %mul3A_1619 : i32 to vector<8x128x1xi32>
      %add3A_1621 = arith.addi %add3A_1620, %add3A_90 : vector<8x128x1xi32>
      %add3A_1622 = arith.constant 1664 : i32
      %add3A_1623 = vector.broadcast %add3A_1622 : i32 to vector<1x1x128xi32>
      %add3A_1624 = arith.addi %iota3A_91, %add3A_1623 : vector<1x1x128xi32>
      %eq3A_1625 = vector.broadcast %reshape3A_1611 : vector<8x128x1xi32> to vector<8x128x128xi32>
      %eq3A_1626 = vector.broadcast %add3A_1624 : vector<1x1x128xi32> to vector<8x128x128xi32>
      %eq3A_1627 = arith.cmpi eq, %eq3A_1625, %eq3A_1626 : vector<8x128x128xi32>
      %jit3A_1628 = arith.constant 0 : i32
      %broadcast_in_dim3A_1629 = vector.shape_cast %add3A_1621 : vector<8x128x1xi32> to vector<8x128x1xi32>
      %broadcast_in_dim3A_1630 = vector.broadcast %broadcast_in_dim3A_1629 : vector<8x128x1xi32> to vector<8x128x128xi32>
      %broadcast_in_dim3A_1631 = vector.broadcast %jit3A_1628 : i32 to vector<8x128x128xi32>
      %select_n3A_1632 = arith.select %eq3A_1627, %broadcast_in_dim3A_1630, %broadcast_in_dim3A_1631 : vector<8x128x128xi1>, vector<8x128x128xi32>
      %reduce_sum3A_1633 = arith.constant dense<0> : vector<128x128xi32>
      %reduce_sum3A_1634 = vector.multi_reduction <add>, %select_n3A_1632, %reduce_sum3A_1633 [0] : vector<8x128x128xi32> to vector<128x128xi32>
      %reduce_sum3A_1635 = arith.constant dense<0> : vector<128xi32>
      %reduce_sum3A_1636 = vector.multi_reduction <add>, %reduce_sum3A_1634, %reduce_sum3A_1635 [0] : vector<128x128xi32> to vector<128xi32>
      %broadcast_in_dim3A_1637 = vector.shape_cast %reduce_sum3A_1636 : vector<128xi32> to vector<1x128xi32>
      %add3A_1638 = arith.addi %while3A_1604, %broadcast_in_dim3A_1637 : vector<1x128xi32>
      %jit3A_1639 = arith.constant 0 : i32
      %broadcast_in_dim3A_1640 = vector.shape_cast %reshape3A_1617 : vector<8x128x1xi32> to vector<8x128x1xi32>
      %broadcast_in_dim3A_1641 = vector.broadcast %broadcast_in_dim3A_1640 : vector<8x128x1xi32> to vector<8x128x128xi32>
      %broadcast_in_dim3A_1642 = vector.broadcast %jit3A_1639 : i32 to vector<8x128x128xi32>
      %select_n3A_1643 = arith.select %eq3A_1627, %broadcast_in_dim3A_1641, %broadcast_in_dim3A_1642 : vector<8x128x128xi1>, vector<8x128x128xi32>
      %reduce_sum3A_1644 = arith.constant dense<0> : vector<128x128xi32>
      %reduce_sum3A_1645 = vector.multi_reduction <add>, %select_n3A_1643, %reduce_sum3A_1644 [0] : vector<8x128x128xi32> to vector<128x128xi32>
      %reduce_sum3A_1646 = arith.constant dense<0> : vector<128xi32>
      %reduce_sum3A_1647 = vector.multi_reduction <add>, %reduce_sum3A_1645, %reduce_sum3A_1646 [0] : vector<128x128xi32> to vector<128xi32>
      %broadcast_in_dim3A_1648 = vector.shape_cast %reduce_sum3A_1647 : vector<128xi32> to vector<1x128xi32>
      %add3A_1649 = arith.addi %while3A_1605, %broadcast_in_dim3A_1648 : vector<1x128xi32>
      scf.yield %add3A_1638, %add3A_1649 : vector<1x128xi32>, vector<1x128xi32>
    }
    %swap3A_1349 = arith.constant 13 : index
    %swap3A_1350 = arith.constant 0 : index
    %swap3A_1351 = arith.constant 0 : index
    %swap3A_1352 = vector.load %arg3[%swap3A_1349, %swap3A_1350, %swap3A_1351] : memref<18x1x128xi32, #tpu.memory_space<vmem>>, vector<1x1x128xi32>
    %swap3A_1353 = vector.shape_cast %swap3A_1352 : vector<1x1x128xi32> to vector<1x128xi32>
    %swap3A_1354 = vector.shape_cast %while3A_1348#1 : vector<1x128xi32> to vector<1x1x128xi32>
    tpu.vector_store %arg3[%swap3A_1349, %swap3A_1350, %swap3A_1351], %swap3A_1354 {strides = array<i32>} : memref<18x1x128xi32, #tpu.memory_space<vmem>>, vector<1x1x128xi32>,
    %swap3A_1355 = arith.constant 13 : index
    %swap3A_1356 = arith.constant 0 : index
    %swap3A_1357 = arith.constant 0 : index
    %swap3A_1358 = vector.load %arg4[%swap3A_1355, %swap3A_1356, %swap3A_1357] : memref<18x1x128xi32, #tpu.memory_space<vmem>>, vector<1x1x128xi32>
    %swap3A_1359 = vector.shape_cast %swap3A_1358 : vector<1x1x128xi32> to vector<1x128xi32>
    %swap3A_1360 = vector.shape_cast %while3A_1348#0 : vector<1x128xi32> to vector<1x1x128xi32>
    tpu.vector_store %arg4[%swap3A_1355, %swap3A_1356, %swap3A_1357], %swap3A_1360 {strides = array<i32>} : memref<18x1x128xi32, #tpu.memory_space<vmem>>, vector<1x1x128xi32>,
    %while3A_1361 = arith.subi %shift_right_logical3A_1336, %shift_right_logical3A_1321 : i32
    %while3A_1362 = arith.addi %shift_right_logical3A_1321, %while3A_1361 : i32
    %while3A_1363 = arith.constant 1 : i32
    %while3A_1364 = arith.divsi %while3A_1361, %while3A_1363 : i32
    %while3A_1365 = arith.muli %while3A_1364, %while3A_1363 : i32
    %while3A_1366 = arith.addi %shift_right_logical3A_1321, %while3A_1365 : i32
    %while3A_1367 = arith.constant 1 : i32
    %while3A_1368 = scf.for %while3A_1603 = %shift_right_logical3A_1321 to %while3A_1366 step %while3A_1367 iter_args(%while3A_1604 = %broadcast_in_dim3A_1338) -> (vector<1x128xi32>)  : i32 {
      %mul3A_1605 = arith.constant 8 : i32
      %mul3A_1606 = arith.muli %while3A_1603, %mul3A_1605 : i32
      %get3A_1607 = arith.index_cast %mul3A_1606 : i32 to index
      %get3A_1608 = arith.constant 0 : index
      %get3A_1609 = vector.load %arg9[%get3A_1607, %get3A_1608] : memref<256x128xi32, #tpu.memory_space<vmem>>, vector<8x128xi32>
      %reshape3A_1610 = vector.shape_cast %get3A_1609 : vector<8x128xi32> to vector<8x128x1xi32>
      %mul3A_1611 = arith.constant 1024 : i32
      %mul3A_1612 = arith.muli %while3A_1603, %mul3A_1611 : i32
      %add3A_1613 = vector.broadcast %mul3A_1612 : i32 to vector<8x128x1xi32>
      %add3A_1614 = arith.addi %add3A_1613, %add3A_90 : vector<8x128x1xi32>
      %add3A_1615 = arith.constant 1664 : i32
      %add3A_1616 = vector.broadcast %add3A_1615 : i32 to vector<1x1x128xi32>
      %add3A_1617 = arith.addi %iota3A_91, %add3A_1616 : vector<1x1x128xi32>
      %eq3A_1618 = vector.broadcast %reshape3A_1610 : vector<8x128x1xi32> to vector<8x128x128xi32>
      %eq3A_1619 = vector.broadcast %add3A_1617 : vector<1x1x128xi32> to vector<8x128x128xi32>
      %eq3A_1620 = arith.cmpi eq, %eq3A_1618, %eq3A_1619 : vector<8x128x128xi32>
      %jit3A_1621 = arith.constant 0 : i32
      %broadcast_in_dim3A_1622 = vector.shape_cast %add3A_1614 : vector<8x128x1xi32> to vector<8x128x1xi32>
      %broadcast_in_dim3A_1623 = vector.broadcast %broadcast_in_dim3A_1622 : vector<8x128x1xi32> to vector<8x128x128xi32>
      %broadcast_in_dim3A_1624 = vector.broadcast %jit3A_1621 : i32 to vector<8x128x128xi32>
      %select_n3A_1625 = arith.select %eq3A_1620, %broadcast_in_dim3A_1623, %broadcast_in_dim3A_1624 : vector<8x128x128xi1>, vector<8x128x128xi32>
      %reduce_sum3A_1626 = arith.constant dense<0> : vector<128x128xi32>
      %reduce_sum3A_1627 = vector.multi_reduction <add>, %select_n3A_1625, %reduce_sum3A_1626 [0] : vector<8x128x128xi32> to vector<128x128xi32>
      %reduce_sum3A_1628 = arith.constant dense<0> : vector<128xi32>
      %reduce_sum3A_1629 = vector.multi_reduction <add>, %reduce_sum3A_1627, %reduce_sum3A_1628 [0] : vector<128x128xi32> to vector<128xi32>
      %broadcast_in_dim3A_1630 = vector.shape_cast %reduce_sum3A_1629 : vector<128xi32> to vector<1x128xi32>
      %add3A_1631 = arith.addi %while3A_1604, %broadcast_in_dim3A_1630 : vector<1x128xi32>
      scf.yield %add3A_1631 : vector<1x128xi32>
    }
    %while3A_1369 = arith.constant 1 : i32
    %while3A_1370 = scf.for %while3A_1603 = %while3A_1366 to %while3A_1362 step %while3A_1369 iter_args(%while3A_1604 = %while3A_1368) -> (vector<1x128xi32>)  : i32 {
      %mul3A_1605 = arith.constant 8 : i32
      %mul3A_1606 = arith.muli %while3A_1603, %mul3A_1605 : i32
      %get3A_1607 = arith.index_cast %mul3A_1606 : i32 to index
      %get3A_1608 = arith.constant 0 : index
      %get3A_1609 = vector.load %arg9[%get3A_1607, %get3A_1608] : memref<256x128xi32, #tpu.memory_space<vmem>>, vector<8x128xi32>
      %reshape3A_1610 = vector.shape_cast %get3A_1609 : vector<8x128xi32> to vector<8x128x1xi32>
      %mul3A_1611 = arith.constant 1024 : i32
      %mul3A_1612 = arith.muli %while3A_1603, %mul3A_1611 : i32
      %add3A_1613 = vector.broadcast %mul3A_1612 : i32 to vector<8x128x1xi32>
      %add3A_1614 = arith.addi %add3A_1613, %add3A_90 : vector<8x128x1xi32>
      %add3A_1615 = arith.constant 1664 : i32
      %add3A_1616 = vector.broadcast %add3A_1615 : i32 to vector<1x1x128xi32>
      %add3A_1617 = arith.addi %iota3A_91, %add3A_1616 : vector<1x1x128xi32>
      %eq3A_1618 = vector.broadcast %reshape3A_1610 : vector<8x128x1xi32> to vector<8x128x128xi32>
      %eq3A_1619 = vector.broadcast %add3A_1617 : vector<1x1x128xi32> to vector<8x128x128xi32>
      %eq3A_1620 = arith.cmpi eq, %eq3A_1618, %eq3A_1619 : vector<8x128x128xi32>
      %jit3A_1621 = arith.constant 0 : i32
      %broadcast_in_dim3A_1622 = vector.shape_cast %add3A_1614 : vector<8x128x1xi32> to vector<8x128x1xi32>
      %broadcast_in_dim3A_1623 = vector.broadcast %broadcast_in_dim3A_1622 : vector<8x128x1xi32> to vector<8x128x128xi32>
      %broadcast_in_dim3A_1624 = vector.broadcast %jit3A_1621 : i32 to vector<8x128x128xi32>
      %select_n3A_1625 = arith.select %eq3A_1620, %broadcast_in_dim3A_1623, %broadcast_in_dim3A_1624 : vector<8x128x128xi1>, vector<8x128x128xi32>
      %reduce_sum3A_1626 = arith.constant dense<0> : vector<128x128xi32>
      %reduce_sum3A_1627 = vector.multi_reduction <add>, %select_n3A_1625, %reduce_sum3A_1626 [0] : vector<8x128x128xi32> to vector<128x128xi32>
      %reduce_sum3A_1628 = arith.constant dense<0> : vector<128xi32>
      %reduce_sum3A_1629 = vector.multi_reduction <add>, %reduce_sum3A_1627, %reduce_sum3A_1628 [0] : vector<128x128xi32> to vector<128xi32>
      %broadcast_in_dim3A_1630 = vector.shape_cast %reduce_sum3A_1629 : vector<128xi32> to vector<1x128xi32>
      %add3A_1631 = arith.addi %while3A_1604, %broadcast_in_dim3A_1630 : vector<1x128xi32>
      scf.yield %add3A_1631 : vector<1x128xi32>
    }
    %swap3A_1371 = arith.constant 13 : index
    %swap3A_1372 = arith.constant 0 : index
    %swap3A_1373 = arith.constant 0 : index
    %swap3A_1374 = vector.load %arg5[%swap3A_1371, %swap3A_1372, %swap3A_1373] : memref<18x1x128xi32, #tpu.memory_space<vmem>>, vector<1x1x128xi32>
    %swap3A_1375 = vector.shape_cast %swap3A_1374 : vector<1x1x128xi32> to vector<1x128xi32>
    %swap3A_1376 = vector.shape_cast %while3A_1370 : vector<1x128xi32> to vector<1x1x128xi32>
    tpu.vector_store %arg5[%swap3A_1371, %swap3A_1372, %swap3A_1373], %swap3A_1376 {strides = array<i32>} : memref<18x1x128xi32, #tpu.memory_space<vmem>>, vector<1x1x128xi32>,
    %le3A_1377 = arith.constant 1.792000e+03 : f32
    %le3A_1378 = vector.broadcast %le3A_1377 : f32 to vector<256x1xf32>
    %le3A_1379 = arith.cmpf ole, %add3A, %le3A_1378 : vector<256x1xf32>
    %convert_element_type3A_1380 = arith.extui %le3A_1379 : vector<256x1xi1> to vector<256x1xi32>
    %reduce_sum3A_1381 = vector.shape_cast %convert_element_type3A_1380 : vector<256x1xi32> to vector<1x256x1xi32>
    %reduce_sum3A_1382 = arith.constant dense<0> : vector<1xi32>
    %reduce_sum3A_1383 = vector.multi_reduction <add>, %reduce_sum3A_1381, %reduce_sum3A_1382 [1, 2] : vector<1x256x1xi32> to vector<1xi32>
    %reduce_sum3A_1384 = vector.shape_cast %reduce_sum3A_1383 : vector<1xi32> to vector<1x1x1xi32>
    %reduce_sum3A_1385 = vector.extract %reduce_sum3A_1384[0, 0, 0] : i32 from vector<1x1x1xi32>
    %shift_right_logical3A_1386 = arith.constant 3 : i32
    %shift_right_logical3A_1387 = arith.shrui %reduce_sum3A_1385, %shift_right_logical3A_1386 : i32
    %add3A_1388 = arith.constant 1.792000e+03 : f32
    %add3A_1389 = arith.constant 1.280000e+02 : f32
    %add3A_1390 = arith.addf %add3A_1388, %add3A_1389 : f32
    %lt3A_1391 = vector.broadcast %add3A_1390 : f32 to vector<256x1xf32>
    %lt3A_1392 = arith.cmpf olt, %dot_general3A_63, %lt3A_1391 : vector<256x1xf32>
    %convert_element_type3A_1393 = arith.extui %lt3A_1392 : vector<256x1xi1> to vector<256x1xi32>
    %reduce_sum3A_1394 = vector.shape_cast %convert_element_type3A_1393 : vector<256x1xi32> to vector<1x256x1xi32>
    %reduce_sum3A_1395 = arith.constant dense<0> : vector<1xi32>
    %reduce_sum3A_1396 = vector.multi_reduction <add>, %reduce_sum3A_1394, %reduce_sum3A_1395 [1, 2] : vector<1x256x1xi32> to vector<1xi32>
    %reduce_sum3A_1397 = vector.shape_cast %reduce_sum3A_1396 : vector<1xi32> to vector<1x1x1xi32>
    %reduce_sum3A_1398 = vector.extract %reduce_sum3A_1397[0, 0, 0] : i32 from vector<1x1x1xi32>
    %add3A_1399 = arith.constant 7 : i32
    %add3A_1400 = arith.addi %reduce_sum3A_1398, %add3A_1399 : i32
    %shift_right_logical3A_1401 = arith.constant 3 : i32
    %shift_right_logical3A_1402 = arith.shrui %add3A_1400, %shift_right_logical3A_1401 : i32
    %le3A_1403 = arith.constant 1.792000e+03 : f32
    %le3A_1404 = vector.broadcast %le3A_1403 : f32 to vector<256x1xf32>
    %le3A_1405 = arith.cmpf ole, %add3A_66, %le3A_1404 : vector<256x1xf32>
    %convert_element_type3A_1406 = arith.extui %le3A_1405 : vector<256x1xi1> to vector<256x1xi32>
    %reduce_sum3A_1407 = vector.shape_cast %convert_element_type3A_1406 : vector<256x1xi32> to vector<1x256x1xi32>
    %reduce_sum3A_1408 = arith.constant dense<0> : vector<1xi32>
    %reduce_sum3A_1409 = vector.multi_reduction <add>, %reduce_sum3A_1407, %reduce_sum3A_1408 [1, 2] : vector<1x256x1xi32> to vector<1xi32>
    %reduce_sum3A_1410 = vector.shape_cast %reduce_sum3A_1409 : vector<1xi32> to vector<1x1x1xi32>
    %reduce_sum3A_1411 = vector.extract %reduce_sum3A_1410[0, 0, 0] : i32 from vector<1x1x1xi32>
    %shift_right_logical3A_1412 = arith.constant 3 : i32
    %shift_right_logical3A_1413 = arith.shrui %reduce_sum3A_1411, %shift_right_logical3A_1412 : i32
    %add3A_1414 = arith.constant 1.792000e+03 : f32
    %add3A_1415 = arith.constant 1.280000e+02 : f32
    %add3A_1416 = arith.addf %add3A_1414, %add3A_1415 : f32
    %lt3A_1417 = vector.broadcast %add3A_1416 : f32 to vector<256x1xf32>
    %lt3A_1418 = arith.cmpf olt, %dot_general3A_65, %lt3A_1417 : vector<256x1xf32>
    %convert_element_type3A_1419 = arith.extui %lt3A_1418 : vector<256x1xi1> to vector<256x1xi32>
    %reduce_sum3A_1420 = vector.shape_cast %convert_element_type3A_1419 : vector<256x1xi32> to vector<1x256x1xi32>
    %reduce_sum3A_1421 = arith.constant dense<0> : vector<1xi32>
    %reduce_sum3A_1422 = vector.multi_reduction <add>, %reduce_sum3A_1420, %reduce_sum3A_1421 [1, 2] : vector<1x256x1xi32> to vector<1xi32>
    %reduce_sum3A_1423 = vector.shape_cast %reduce_sum3A_1422 : vector<1xi32> to vector<1x1x1xi32>
    %reduce_sum3A_1424 = vector.extract %reduce_sum3A_1423[0, 0, 0] : i32 from vector<1x1x1xi32>
    %add3A_1425 = arith.constant 7 : i32
    %add3A_1426 = arith.addi %reduce_sum3A_1424, %add3A_1425 : i32
    %shift_right_logical3A_1427 = arith.constant 3 : i32
    %shift_right_logical3A_1428 = arith.shrui %add3A_1426, %shift_right_logical3A_1427 : i32
    %broadcast_in_dim3A_1429 = arith.constant 0 : i32
    %broadcast_in_dim3A_1430 = vector.broadcast %broadcast_in_dim3A_1429 : i32 to vector<1x128xi32>
    %while3A_1431 = arith.subi %shift_right_logical3A_1402, %shift_right_logical3A_1387 : i32
    %while3A_1432 = arith.addi %shift_right_logical3A_1387, %while3A_1431 : i32
    %while3A_1433 = arith.constant 1 : i32
    %while3A_1434 = arith.divsi %while3A_1431, %while3A_1433 : i32
    %while3A_1435 = arith.muli %while3A_1434, %while3A_1433 : i32
    %while3A_1436 = arith.addi %shift_right_logical3A_1387, %while3A_1435 : i32
    %while3A_1437 = arith.constant 1 : i32
    %while3A_1438:2 = scf.for %while3A_1603 = %shift_right_logical3A_1387 to %while3A_1436 step %while3A_1437 iter_args(%while3A_1604 = %broadcast_in_dim3A_1430, %while3A_1605 = %broadcast_in_dim3A_1430) -> (vector<1x128xi32>, vector<1x128xi32>)  : i32 {
      %mul3A_1606 = arith.constant 8 : i32
      %mul3A_1607 = arith.muli %while3A_1603, %mul3A_1606 : i32
      %get3A_1608 = arith.index_cast %mul3A_1607 : i32 to index
      %get3A_1609 = arith.constant 0 : index
      %get3A_1610 = vector.load %arg8[%get3A_1608, %get3A_1609] : memref<256x128xi32, #tpu.memory_space<vmem>>, vector<8x128xi32>
      %reshape3A_1611 = vector.shape_cast %get3A_1610 : vector<8x128xi32> to vector<8x128x1xi32>
      %mul3A_1612 = arith.constant 8 : i32
      %mul3A_1613 = arith.muli %while3A_1603, %mul3A_1612 : i32
      %get3A_1614 = arith.index_cast %mul3A_1613 : i32 to index
      %get3A_1615 = arith.constant 0 : index
      %get3A_1616 = vector.load %arg7[%get3A_1614, %get3A_1615] : memref<256x128xi32, #tpu.memory_space<vmem>>, vector<8x128xi32>
      %reshape3A_1617 = vector.shape_cast %get3A_1616 : vector<8x128xi32> to vector<8x128x1xi32>
      %mul3A_1618 = arith.constant 1024 : i32
      %mul3A_1619 = arith.muli %while3A_1603, %mul3A_1618 : i32
      %add3A_1620 = vector.broadcast %mul3A_1619 : i32 to vector<8x128x1xi32>
      %add3A_1621 = arith.addi %add3A_1620, %add3A_90 : vector<8x128x1xi32>
      %add3A_1622 = arith.constant 1792 : i32
      %add3A_1623 = vector.broadcast %add3A_1622 : i32 to vector<1x1x128xi32>
      %add3A_1624 = arith.addi %iota3A_91, %add3A_1623 : vector<1x1x128xi32>
      %eq3A_1625 = vector.broadcast %reshape3A_1611 : vector<8x128x1xi32> to vector<8x128x128xi32>
      %eq3A_1626 = vector.broadcast %add3A_1624 : vector<1x1x128xi32> to vector<8x128x128xi32>
      %eq3A_1627 = arith.cmpi eq, %eq3A_1625, %eq3A_1626 : vector<8x128x128xi32>
      %jit3A_1628 = arith.constant 0 : i32
      %broadcast_in_dim3A_1629 = vector.shape_cast %add3A_1621 : vector<8x128x1xi32> to vector<8x128x1xi32>
      %broadcast_in_dim3A_1630 = vector.broadcast %broadcast_in_dim3A_1629 : vector<8x128x1xi32> to vector<8x128x128xi32>
      %broadcast_in_dim3A_1631 = vector.broadcast %jit3A_1628 : i32 to vector<8x128x128xi32>
      %select_n3A_1632 = arith.select %eq3A_1627, %broadcast_in_dim3A_1630, %broadcast_in_dim3A_1631 : vector<8x128x128xi1>, vector<8x128x128xi32>
      %reduce_sum3A_1633 = arith.constant dense<0> : vector<128x128xi32>
      %reduce_sum3A_1634 = vector.multi_reduction <add>, %select_n3A_1632, %reduce_sum3A_1633 [0] : vector<8x128x128xi32> to vector<128x128xi32>
      %reduce_sum3A_1635 = arith.constant dense<0> : vector<128xi32>
      %reduce_sum3A_1636 = vector.multi_reduction <add>, %reduce_sum3A_1634, %reduce_sum3A_1635 [0] : vector<128x128xi32> to vector<128xi32>
      %broadcast_in_dim3A_1637 = vector.shape_cast %reduce_sum3A_1636 : vector<128xi32> to vector<1x128xi32>
      %add3A_1638 = arith.addi %while3A_1604, %broadcast_in_dim3A_1637 : vector<1x128xi32>
      %jit3A_1639 = arith.constant 0 : i32
      %broadcast_in_dim3A_1640 = vector.shape_cast %reshape3A_1617 : vector<8x128x1xi32> to vector<8x128x1xi32>
      %broadcast_in_dim3A_1641 = vector.broadcast %broadcast_in_dim3A_1640 : vector<8x128x1xi32> to vector<8x128x128xi32>
      %broadcast_in_dim3A_1642 = vector.broadcast %jit3A_1639 : i32 to vector<8x128x128xi32>
      %select_n3A_1643 = arith.select %eq3A_1627, %broadcast_in_dim3A_1641, %broadcast_in_dim3A_1642 : vector<8x128x128xi1>, vector<8x128x128xi32>
      %reduce_sum3A_1644 = arith.constant dense<0> : vector<128x128xi32>
      %reduce_sum3A_1645 = vector.multi_reduction <add>, %select_n3A_1643, %reduce_sum3A_1644 [0] : vector<8x128x128xi32> to vector<128x128xi32>
      %reduce_sum3A_1646 = arith.constant dense<0> : vector<128xi32>
      %reduce_sum3A_1647 = vector.multi_reduction <add>, %reduce_sum3A_1645, %reduce_sum3A_1646 [0] : vector<128x128xi32> to vector<128xi32>
      %broadcast_in_dim3A_1648 = vector.shape_cast %reduce_sum3A_1647 : vector<128xi32> to vector<1x128xi32>
      %add3A_1649 = arith.addi %while3A_1605, %broadcast_in_dim3A_1648 : vector<1x128xi32>
      scf.yield %add3A_1638, %add3A_1649 : vector<1x128xi32>, vector<1x128xi32>
    }
    %while3A_1439 = arith.constant 1 : i32
    %while3A_1440:2 = scf.for %while3A_1603 = %while3A_1436 to %while3A_1432 step %while3A_1439 iter_args(%while3A_1604 = %while3A_1438#0, %while3A_1605 = %while3A_1438#1) -> (vector<1x128xi32>, vector<1x128xi32>)  : i32 {
      %mul3A_1606 = arith.constant 8 : i32
      %mul3A_1607 = arith.muli %while3A_1603, %mul3A_1606 : i32
      %get3A_1608 = arith.index_cast %mul3A_1607 : i32 to index
      %get3A_1609 = arith.constant 0 : index
      %get3A_1610 = vector.load %arg8[%get3A_1608, %get3A_1609] : memref<256x128xi32, #tpu.memory_space<vmem>>, vector<8x128xi32>
      %reshape3A_1611 = vector.shape_cast %get3A_1610 : vector<8x128xi32> to vector<8x128x1xi32>
      %mul3A_1612 = arith.constant 8 : i32
      %mul3A_1613 = arith.muli %while3A_1603, %mul3A_1612 : i32
      %get3A_1614 = arith.index_cast %mul3A_1613 : i32 to index
      %get3A_1615 = arith.constant 0 : index
      %get3A_1616 = vector.load %arg7[%get3A_1614, %get3A_1615] : memref<256x128xi32, #tpu.memory_space<vmem>>, vector<8x128xi32>
      %reshape3A_1617 = vector.shape_cast %get3A_1616 : vector<8x128xi32> to vector<8x128x1xi32>
      %mul3A_1618 = arith.constant 1024 : i32
      %mul3A_1619 = arith.muli %while3A_1603, %mul3A_1618 : i32
      %add3A_1620 = vector.broadcast %mul3A_1619 : i32 to vector<8x128x1xi32>
      %add3A_1621 = arith.addi %add3A_1620, %add3A_90 : vector<8x128x1xi32>
      %add3A_1622 = arith.constant 1792 : i32
      %add3A_1623 = vector.broadcast %add3A_1622 : i32 to vector<1x1x128xi32>
      %add3A_1624 = arith.addi %iota3A_91, %add3A_1623 : vector<1x1x128xi32>
      %eq3A_1625 = vector.broadcast %reshape3A_1611 : vector<8x128x1xi32> to vector<8x128x128xi32>
      %eq3A_1626 = vector.broadcast %add3A_1624 : vector<1x1x128xi32> to vector<8x128x128xi32>
      %eq3A_1627 = arith.cmpi eq, %eq3A_1625, %eq3A_1626 : vector<8x128x128xi32>
      %jit3A_1628 = arith.constant 0 : i32
      %broadcast_in_dim3A_1629 = vector.shape_cast %add3A_1621 : vector<8x128x1xi32> to vector<8x128x1xi32>
      %broadcast_in_dim3A_1630 = vector.broadcast %broadcast_in_dim3A_1629 : vector<8x128x1xi32> to vector<8x128x128xi32>
      %broadcast_in_dim3A_1631 = vector.broadcast %jit3A_1628 : i32 to vector<8x128x128xi32>
      %select_n3A_1632 = arith.select %eq3A_1627, %broadcast_in_dim3A_1630, %broadcast_in_dim3A_1631 : vector<8x128x128xi1>, vector<8x128x128xi32>
      %reduce_sum3A_1633 = arith.constant dense<0> : vector<128x128xi32>
      %reduce_sum3A_1634 = vector.multi_reduction <add>, %select_n3A_1632, %reduce_sum3A_1633 [0] : vector<8x128x128xi32> to vector<128x128xi32>
      %reduce_sum3A_1635 = arith.constant dense<0> : vector<128xi32>
      %reduce_sum3A_1636 = vector.multi_reduction <add>, %reduce_sum3A_1634, %reduce_sum3A_1635 [0] : vector<128x128xi32> to vector<128xi32>
      %broadcast_in_dim3A_1637 = vector.shape_cast %reduce_sum3A_1636 : vector<128xi32> to vector<1x128xi32>
      %add3A_1638 = arith.addi %while3A_1604, %broadcast_in_dim3A_1637 : vector<1x128xi32>
      %jit3A_1639 = arith.constant 0 : i32
      %broadcast_in_dim3A_1640 = vector.shape_cast %reshape3A_1617 : vector<8x128x1xi32> to vector<8x128x1xi32>
      %broadcast_in_dim3A_1641 = vector.broadcast %broadcast_in_dim3A_1640 : vector<8x128x1xi32> to vector<8x128x128xi32>
      %broadcast_in_dim3A_1642 = vector.broadcast %jit3A_1639 : i32 to vector<8x128x128xi32>
      %select_n3A_1643 = arith.select %eq3A_1627, %broadcast_in_dim3A_1641, %broadcast_in_dim3A_1642 : vector<8x128x128xi1>, vector<8x128x128xi32>
      %reduce_sum3A_1644 = arith.constant dense<0> : vector<128x128xi32>
      %reduce_sum3A_1645 = vector.multi_reduction <add>, %select_n3A_1643, %reduce_sum3A_1644 [0] : vector<8x128x128xi32> to vector<128x128xi32>
      %reduce_sum3A_1646 = arith.constant dense<0> : vector<128xi32>
      %reduce_sum3A_1647 = vector.multi_reduction <add>, %reduce_sum3A_1645, %reduce_sum3A_1646 [0] : vector<128x128xi32> to vector<128xi32>
      %broadcast_in_dim3A_1648 = vector.shape_cast %reduce_sum3A_1647 : vector<128xi32> to vector<1x128xi32>
      %add3A_1649 = arith.addi %while3A_1605, %broadcast_in_dim3A_1648 : vector<1x128xi32>
      scf.yield %add3A_1638, %add3A_1649 : vector<1x128xi32>, vector<1x128xi32>
    }
    %swap3A_1441 = arith.constant 14 : index
    %swap3A_1442 = arith.constant 0 : index
    %swap3A_1443 = arith.constant 0 : index
    %swap3A_1444 = vector.load %arg3[%swap3A_1441, %swap3A_1442, %swap3A_1443] : memref<18x1x128xi32, #tpu.memory_space<vmem>>, vector<1x1x128xi32>
    %swap3A_1445 = vector.shape_cast %swap3A_1444 : vector<1x1x128xi32> to vector<1x128xi32>
    %swap3A_1446 = vector.shape_cast %while3A_1440#1 : vector<1x128xi32> to vector<1x1x128xi32>
    tpu.vector_store %arg3[%swap3A_1441, %swap3A_1442, %swap3A_1443], %swap3A_1446 {strides = array<i32>} : memref<18x1x128xi32, #tpu.memory_space<vmem>>, vector<1x1x128xi32>,
    %swap3A_1447 = arith.constant 14 : index
    %swap3A_1448 = arith.constant 0 : index
    %swap3A_1449 = arith.constant 0 : index
    %swap3A_1450 = vector.load %arg4[%swap3A_1447, %swap3A_1448, %swap3A_1449] : memref<18x1x128xi32, #tpu.memory_space<vmem>>, vector<1x1x128xi32>
    %swap3A_1451 = vector.shape_cast %swap3A_1450 : vector<1x1x128xi32> to vector<1x128xi32>
    %swap3A_1452 = vector.shape_cast %while3A_1440#0 : vector<1x128xi32> to vector<1x1x128xi32>
    tpu.vector_store %arg4[%swap3A_1447, %swap3A_1448, %swap3A_1449], %swap3A_1452 {strides = array<i32>} : memref<18x1x128xi32, #tpu.memory_space<vmem>>, vector<1x1x128xi32>,
    %while3A_1453 = arith.subi %shift_right_logical3A_1428, %shift_right_logical3A_1413 : i32
    %while3A_1454 = arith.addi %shift_right_logical3A_1413, %while3A_1453 : i32
    %while3A_1455 = arith.constant 1 : i32
    %while3A_1456 = arith.divsi %while3A_1453, %while3A_1455 : i32
    %while3A_1457 = arith.muli %while3A_1456, %while3A_1455 : i32
    %while3A_1458 = arith.addi %shift_right_logical3A_1413, %while3A_1457 : i32
    %while3A_1459 = arith.constant 1 : i32
    %while3A_1460 = scf.for %while3A_1603 = %shift_right_logical3A_1413 to %while3A_1458 step %while3A_1459 iter_args(%while3A_1604 = %broadcast_in_dim3A_1430) -> (vector<1x128xi32>)  : i32 {
      %mul3A_1605 = arith.constant 8 : i32
      %mul3A_1606 = arith.muli %while3A_1603, %mul3A_1605 : i32
      %get3A_1607 = arith.index_cast %mul3A_1606 : i32 to index
      %get3A_1608 = arith.constant 0 : index
      %get3A_1609 = vector.load %arg9[%get3A_1607, %get3A_1608] : memref<256x128xi32, #tpu.memory_space<vmem>>, vector<8x128xi32>
      %reshape3A_1610 = vector.shape_cast %get3A_1609 : vector<8x128xi32> to vector<8x128x1xi32>
      %mul3A_1611 = arith.constant 1024 : i32
      %mul3A_1612 = arith.muli %while3A_1603, %mul3A_1611 : i32
      %add3A_1613 = vector.broadcast %mul3A_1612 : i32 to vector<8x128x1xi32>
      %add3A_1614 = arith.addi %add3A_1613, %add3A_90 : vector<8x128x1xi32>
      %add3A_1615 = arith.constant 1792 : i32
      %add3A_1616 = vector.broadcast %add3A_1615 : i32 to vector<1x1x128xi32>
      %add3A_1617 = arith.addi %iota3A_91, %add3A_1616 : vector<1x1x128xi32>
      %eq3A_1618 = vector.broadcast %reshape3A_1610 : vector<8x128x1xi32> to vector<8x128x128xi32>
      %eq3A_1619 = vector.broadcast %add3A_1617 : vector<1x1x128xi32> to vector<8x128x128xi32>
      %eq3A_1620 = arith.cmpi eq, %eq3A_1618, %eq3A_1619 : vector<8x128x128xi32>
      %jit3A_1621 = arith.constant 0 : i32
      %broadcast_in_dim3A_1622 = vector.shape_cast %add3A_1614 : vector<8x128x1xi32> to vector<8x128x1xi32>
      %broadcast_in_dim3A_1623 = vector.broadcast %broadcast_in_dim3A_1622 : vector<8x128x1xi32> to vector<8x128x128xi32>
      %broadcast_in_dim3A_1624 = vector.broadcast %jit3A_1621 : i32 to vector<8x128x128xi32>
      %select_n3A_1625 = arith.select %eq3A_1620, %broadcast_in_dim3A_1623, %broadcast_in_dim3A_1624 : vector<8x128x128xi1>, vector<8x128x128xi32>
      %reduce_sum3A_1626 = arith.constant dense<0> : vector<128x128xi32>
      %reduce_sum3A_1627 = vector.multi_reduction <add>, %select_n3A_1625, %reduce_sum3A_1626 [0] : vector<8x128x128xi32> to vector<128x128xi32>
      %reduce_sum3A_1628 = arith.constant dense<0> : vector<128xi32>
      %reduce_sum3A_1629 = vector.multi_reduction <add>, %reduce_sum3A_1627, %reduce_sum3A_1628 [0] : vector<128x128xi32> to vector<128xi32>
      %broadcast_in_dim3A_1630 = vector.shape_cast %reduce_sum3A_1629 : vector<128xi32> to vector<1x128xi32>
      %add3A_1631 = arith.addi %while3A_1604, %broadcast_in_dim3A_1630 : vector<1x128xi32>
      scf.yield %add3A_1631 : vector<1x128xi32>
    }
    %while3A_1461 = arith.constant 1 : i32
    %while3A_1462 = scf.for %while3A_1603 = %while3A_1458 to %while3A_1454 step %while3A_1461 iter_args(%while3A_1604 = %while3A_1460) -> (vector<1x128xi32>)  : i32 {
      %mul3A_1605 = arith.constant 8 : i32
      %mul3A_1606 = arith.muli %while3A_1603, %mul3A_1605 : i32
      %get3A_1607 = arith.index_cast %mul3A_1606 : i32 to index
      %get3A_1608 = arith.constant 0 : index
      %get3A_1609 = vector.load %arg9[%get3A_1607, %get3A_1608] : memref<256x128xi32, #tpu.memory_space<vmem>>, vector<8x128xi32>
      %reshape3A_1610 = vector.shape_cast %get3A_1609 : vector<8x128xi32> to vector<8x128x1xi32>
      %mul3A_1611 = arith.constant 1024 : i32
      %mul3A_1612 = arith.muli %while3A_1603, %mul3A_1611 : i32
      %add3A_1613 = vector.broadcast %mul3A_1612 : i32 to vector<8x128x1xi32>
      %add3A_1614 = arith.addi %add3A_1613, %add3A_90 : vector<8x128x1xi32>
      %add3A_1615 = arith.constant 1792 : i32
      %add3A_1616 = vector.broadcast %add3A_1615 : i32 to vector<1x1x128xi32>
      %add3A_1617 = arith.addi %iota3A_91, %add3A_1616 : vector<1x1x128xi32>
      %eq3A_1618 = vector.broadcast %reshape3A_1610 : vector<8x128x1xi32> to vector<8x128x128xi32>
      %eq3A_1619 = vector.broadcast %add3A_1617 : vector<1x1x128xi32> to vector<8x128x128xi32>
      %eq3A_1620 = arith.cmpi eq, %eq3A_1618, %eq3A_1619 : vector<8x128x128xi32>
      %jit3A_1621 = arith.constant 0 : i32
      %broadcast_in_dim3A_1622 = vector.shape_cast %add3A_1614 : vector<8x128x1xi32> to vector<8x128x1xi32>
      %broadcast_in_dim3A_1623 = vector.broadcast %broadcast_in_dim3A_1622 : vector<8x128x1xi32> to vector<8x128x128xi32>
      %broadcast_in_dim3A_1624 = vector.broadcast %jit3A_1621 : i32 to vector<8x128x128xi32>
      %select_n3A_1625 = arith.select %eq3A_1620, %broadcast_in_dim3A_1623, %broadcast_in_dim3A_1624 : vector<8x128x128xi1>, vector<8x128x128xi32>
      %reduce_sum3A_1626 = arith.constant dense<0> : vector<128x128xi32>
      %reduce_sum3A_1627 = vector.multi_reduction <add>, %select_n3A_1625, %reduce_sum3A_1626 [0] : vector<8x128x128xi32> to vector<128x128xi32>
      %reduce_sum3A_1628 = arith.constant dense<0> : vector<128xi32>
      %reduce_sum3A_1629 = vector.multi_reduction <add>, %reduce_sum3A_1627, %reduce_sum3A_1628 [0] : vector<128x128xi32> to vector<128xi32>
      %broadcast_in_dim3A_1630 = vector.shape_cast %reduce_sum3A_1629 : vector<128xi32> to vector<1x128xi32>
      %add3A_1631 = arith.addi %while3A_1604, %broadcast_in_dim3A_1630 : vector<1x128xi32>
      scf.yield %add3A_1631 : vector<1x128xi32>
    }
    %swap3A_1463 = arith.constant 14 : index
    %swap3A_1464 = arith.constant 0 : index
    %swap3A_1465 = arith.constant 0 : index
    %swap3A_1466 = vector.load %arg5[%swap3A_1463, %swap3A_1464, %swap3A_1465] : memref<18x1x128xi32, #tpu.memory_space<vmem>>, vector<1x1x128xi32>
    %swap3A_1467 = vector.shape_cast %swap3A_1466 : vector<1x1x128xi32> to vector<1x128xi32>
    %swap3A_1468 = vector.shape_cast %while3A_1462 : vector<1x128xi32> to vector<1x1x128xi32>
    tpu.vector_store %arg5[%swap3A_1463, %swap3A_1464, %swap3A_1465], %swap3A_1468 {strides = array<i32>} : memref<18x1x128xi32, #tpu.memory_space<vmem>>, vector<1x1x128xi32>,
    %le3A_1469 = arith.constant 1.920000e+03 : f32
    %le3A_1470 = vector.broadcast %le3A_1469 : f32 to vector<256x1xf32>
    %le3A_1471 = arith.cmpf ole, %add3A, %le3A_1470 : vector<256x1xf32>
    %convert_element_type3A_1472 = arith.extui %le3A_1471 : vector<256x1xi1> to vector<256x1xi32>
    %reduce_sum3A_1473 = vector.shape_cast %convert_element_type3A_1472 : vector<256x1xi32> to vector<1x256x1xi32>
    %reduce_sum3A_1474 = arith.constant dense<0> : vector<1xi32>
    %reduce_sum3A_1475 = vector.multi_reduction <add>, %reduce_sum3A_1473, %reduce_sum3A_1474 [1, 2] : vector<1x256x1xi32> to vector<1xi32>
    %reduce_sum3A_1476 = vector.shape_cast %reduce_sum3A_1475 : vector<1xi32> to vector<1x1x1xi32>
    %reduce_sum3A_1477 = vector.extract %reduce_sum3A_1476[0, 0, 0] : i32 from vector<1x1x1xi32>
    %shift_right_logical3A_1478 = arith.constant 3 : i32
    %shift_right_logical3A_1479 = arith.shrui %reduce_sum3A_1477, %shift_right_logical3A_1478 : i32
    %add3A_1480 = arith.constant 1.920000e+03 : f32
    %add3A_1481 = arith.constant 1.280000e+02 : f32
    %add3A_1482 = arith.addf %add3A_1480, %add3A_1481 : f32
    %lt3A_1483 = vector.broadcast %add3A_1482 : f32 to vector<256x1xf32>
    %lt3A_1484 = arith.cmpf olt, %dot_general3A_63, %lt3A_1483 : vector<256x1xf32>
    %convert_element_type3A_1485 = arith.extui %lt3A_1484 : vector<256x1xi1> to vector<256x1xi32>
    %reduce_sum3A_1486 = vector.shape_cast %convert_element_type3A_1485 : vector<256x1xi32> to vector<1x256x1xi32>
    %reduce_sum3A_1487 = arith.constant dense<0> : vector<1xi32>
    %reduce_sum3A_1488 = vector.multi_reduction <add>, %reduce_sum3A_1486, %reduce_sum3A_1487 [1, 2] : vector<1x256x1xi32> to vector<1xi32>
    %reduce_sum3A_1489 = vector.shape_cast %reduce_sum3A_1488 : vector<1xi32> to vector<1x1x1xi32>
    %reduce_sum3A_1490 = vector.extract %reduce_sum3A_1489[0, 0, 0] : i32 from vector<1x1x1xi32>
    %add3A_1491 = arith.constant 7 : i32
    %add3A_1492 = arith.addi %reduce_sum3A_1490, %add3A_1491 : i32
    %shift_right_logical3A_1493 = arith.constant 3 : i32
    %shift_right_logical3A_1494 = arith.shrui %add3A_1492, %shift_right_logical3A_1493 : i32
    %le3A_1495 = arith.constant 1.920000e+03 : f32
    %le3A_1496 = vector.broadcast %le3A_1495 : f32 to vector<256x1xf32>
    %le3A_1497 = arith.cmpf ole, %add3A_66, %le3A_1496 : vector<256x1xf32>
    %convert_element_type3A_1498 = arith.extui %le3A_1497 : vector<256x1xi1> to vector<256x1xi32>
    %reduce_sum3A_1499 = vector.shape_cast %convert_element_type3A_1498 : vector<256x1xi32> to vector<1x256x1xi32>
    %reduce_sum3A_1500 = arith.constant dense<0> : vector<1xi32>
    %reduce_sum3A_1501 = vector.multi_reduction <add>, %reduce_sum3A_1499, %reduce_sum3A_1500 [1, 2] : vector<1x256x1xi32> to vector<1xi32>
    %reduce_sum3A_1502 = vector.shape_cast %reduce_sum3A_1501 : vector<1xi32> to vector<1x1x1xi32>
    %reduce_sum3A_1503 = vector.extract %reduce_sum3A_1502[0, 0, 0] : i32 from vector<1x1x1xi32>
    %shift_right_logical3A_1504 = arith.constant 3 : i32
    %shift_right_logical3A_1505 = arith.shrui %reduce_sum3A_1503, %shift_right_logical3A_1504 : i32
    %add3A_1506 = arith.constant 1.920000e+03 : f32
    %add3A_1507 = arith.constant 1.280000e+02 : f32
    %add3A_1508 = arith.addf %add3A_1506, %add3A_1507 : f32
    %lt3A_1509 = vector.broadcast %add3A_1508 : f32 to vector<256x1xf32>
    %lt3A_1510 = arith.cmpf olt, %dot_general3A_65, %lt3A_1509 : vector<256x1xf32>
    %convert_element_type3A_1511 = arith.extui %lt3A_1510 : vector<256x1xi1> to vector<256x1xi32>
    %reduce_sum3A_1512 = vector.shape_cast %convert_element_type3A_1511 : vector<256x1xi32> to vector<1x256x1xi32>
    %reduce_sum3A_1513 = arith.constant dense<0> : vector<1xi32>
    %reduce_sum3A_1514 = vector.multi_reduction <add>, %reduce_sum3A_1512, %reduce_sum3A_1513 [1, 2] : vector<1x256x1xi32> to vector<1xi32>
    %reduce_sum3A_1515 = vector.shape_cast %reduce_sum3A_1514 : vector<1xi32> to vector<1x1x1xi32>
    %reduce_sum3A_1516 = vector.extract %reduce_sum3A_1515[0, 0, 0] : i32 from vector<1x1x1xi32>
    %add3A_1517 = arith.constant 7 : i32
    %add3A_1518 = arith.addi %reduce_sum3A_1516, %add3A_1517 : i32
    %shift_right_logical3A_1519 = arith.constant 3 : i32
    %shift_right_logical3A_1520 = arith.shrui %add3A_1518, %shift_right_logical3A_1519 : i32
    %broadcast_in_dim3A_1521 = arith.constant 0 : i32
    %broadcast_in_dim3A_1522 = vector.broadcast %broadcast_in_dim3A_1521 : i32 to vector<1x128xi32>
    %while3A_1523 = arith.subi %shift_right_logical3A_1494, %shift_right_logical3A_1479 : i32
    %while3A_1524 = arith.addi %shift_right_logical3A_1479, %while3A_1523 : i32
    %while3A_1525 = arith.constant 1 : i32
    %while3A_1526 = arith.divsi %while3A_1523, %while3A_1525 : i32
    %while3A_1527 = arith.muli %while3A_1526, %while3A_1525 : i32
    %while3A_1528 = arith.addi %shift_right_logical3A_1479, %while3A_1527 : i32
    %while3A_1529 = arith.constant 1 : i32
    %while3A_1530:2 = scf.for %while3A_1603 = %shift_right_logical3A_1479 to %while3A_1528 step %while3A_1529 iter_args(%while3A_1604 = %broadcast_in_dim3A_1522, %while3A_1605 = %broadcast_in_dim3A_1522) -> (vector<1x128xi32>, vector<1x128xi32>)  : i32 {
      %mul3A_1606 = arith.constant 8 : i32
      %mul3A_1607 = arith.muli %while3A_1603, %mul3A_1606 : i32
      %get3A_1608 = arith.index_cast %mul3A_1607 : i32 to index
      %get3A_1609 = arith.constant 0 : index
      %get3A_1610 = vector.load %arg8[%get3A_1608, %get3A_1609] : memref<256x128xi32, #tpu.memory_space<vmem>>, vector<8x128xi32>
      %reshape3A_1611 = vector.shape_cast %get3A_1610 : vector<8x128xi32> to vector<8x128x1xi32>
      %mul3A_1612 = arith.constant 8 : i32
      %mul3A_1613 = arith.muli %while3A_1603, %mul3A_1612 : i32
      %get3A_1614 = arith.index_cast %mul3A_1613 : i32 to index
      %get3A_1615 = arith.constant 0 : index
      %get3A_1616 = vector.load %arg7[%get3A_1614, %get3A_1615] : memref<256x128xi32, #tpu.memory_space<vmem>>, vector<8x128xi32>
      %reshape3A_1617 = vector.shape_cast %get3A_1616 : vector<8x128xi32> to vector<8x128x1xi32>
      %mul3A_1618 = arith.constant 1024 : i32
      %mul3A_1619 = arith.muli %while3A_1603, %mul3A_1618 : i32
      %add3A_1620 = vector.broadcast %mul3A_1619 : i32 to vector<8x128x1xi32>
      %add3A_1621 = arith.addi %add3A_1620, %add3A_90 : vector<8x128x1xi32>
      %add3A_1622 = arith.constant 1920 : i32
      %add3A_1623 = vector.broadcast %add3A_1622 : i32 to vector<1x1x128xi32>
      %add3A_1624 = arith.addi %iota3A_91, %add3A_1623 : vector<1x1x128xi32>
      %eq3A_1625 = vector.broadcast %reshape3A_1611 : vector<8x128x1xi32> to vector<8x128x128xi32>
      %eq3A_1626 = vector.broadcast %add3A_1624 : vector<1x1x128xi32> to vector<8x128x128xi32>
      %eq3A_1627 = arith.cmpi eq, %eq3A_1625, %eq3A_1626 : vector<8x128x128xi32>
      %jit3A_1628 = arith.constant 0 : i32
      %broadcast_in_dim3A_1629 = vector.shape_cast %add3A_1621 : vector<8x128x1xi32> to vector<8x128x1xi32>
      %broadcast_in_dim3A_1630 = vector.broadcast %broadcast_in_dim3A_1629 : vector<8x128x1xi32> to vector<8x128x128xi32>
      %broadcast_in_dim3A_1631 = vector.broadcast %jit3A_1628 : i32 to vector<8x128x128xi32>
      %select_n3A_1632 = arith.select %eq3A_1627, %broadcast_in_dim3A_1630, %broadcast_in_dim3A_1631 : vector<8x128x128xi1>, vector<8x128x128xi32>
      %reduce_sum3A_1633 = arith.constant dense<0> : vector<128x128xi32>
      %reduce_sum3A_1634 = vector.multi_reduction <add>, %select_n3A_1632, %reduce_sum3A_1633 [0] : vector<8x128x128xi32> to vector<128x128xi32>
      %reduce_sum3A_1635 = arith.constant dense<0> : vector<128xi32>
      %reduce_sum3A_1636 = vector.multi_reduction <add>, %reduce_sum3A_1634, %reduce_sum3A_1635 [0] : vector<128x128xi32> to vector<128xi32>
      %broadcast_in_dim3A_1637 = vector.shape_cast %reduce_sum3A_1636 : vector<128xi32> to vector<1x128xi32>
      %add3A_1638 = arith.addi %while3A_1604, %broadcast_in_dim3A_1637 : vector<1x128xi32>
      %jit3A_1639 = arith.constant 0 : i32
      %broadcast_in_dim3A_1640 = vector.shape_cast %reshape3A_1617 : vector<8x128x1xi32> to vector<8x128x1xi32>
      %broadcast_in_dim3A_1641 = vector.broadcast %broadcast_in_dim3A_1640 : vector<8x128x1xi32> to vector<8x128x128xi32>
      %broadcast_in_dim3A_1642 = vector.broadcast %jit3A_1639 : i32 to vector<8x128x128xi32>
      %select_n3A_1643 = arith.select %eq3A_1627, %broadcast_in_dim3A_1641, %broadcast_in_dim3A_1642 : vector<8x128x128xi1>, vector<8x128x128xi32>
      %reduce_sum3A_1644 = arith.constant dense<0> : vector<128x128xi32>
      %reduce_sum3A_1645 = vector.multi_reduction <add>, %select_n3A_1643, %reduce_sum3A_1644 [0] : vector<8x128x128xi32> to vector<128x128xi32>
      %reduce_sum3A_1646 = arith.constant dense<0> : vector<128xi32>
      %reduce_sum3A_1647 = vector.multi_reduction <add>, %reduce_sum3A_1645, %reduce_sum3A_1646 [0] : vector<128x128xi32> to vector<128xi32>
      %broadcast_in_dim3A_1648 = vector.shape_cast %reduce_sum3A_1647 : vector<128xi32> to vector<1x128xi32>
      %add3A_1649 = arith.addi %while3A_1605, %broadcast_in_dim3A_1648 : vector<1x128xi32>
      scf.yield %add3A_1638, %add3A_1649 : vector<1x128xi32>, vector<1x128xi32>
    }
    %while3A_1531 = arith.constant 1 : i32
    %while3A_1532:2 = scf.for %while3A_1603 = %while3A_1528 to %while3A_1524 step %while3A_1531 iter_args(%while3A_1604 = %while3A_1530#0, %while3A_1605 = %while3A_1530#1) -> (vector<1x128xi32>, vector<1x128xi32>)  : i32 {
      %mul3A_1606 = arith.constant 8 : i32
      %mul3A_1607 = arith.muli %while3A_1603, %mul3A_1606 : i32
      %get3A_1608 = arith.index_cast %mul3A_1607 : i32 to index
      %get3A_1609 = arith.constant 0 : index
      %get3A_1610 = vector.load %arg8[%get3A_1608, %get3A_1609] : memref<256x128xi32, #tpu.memory_space<vmem>>, vector<8x128xi32>
      %reshape3A_1611 = vector.shape_cast %get3A_1610 : vector<8x128xi32> to vector<8x128x1xi32>
      %mul3A_1612 = arith.constant 8 : i32
      %mul3A_1613 = arith.muli %while3A_1603, %mul3A_1612 : i32
      %get3A_1614 = arith.index_cast %mul3A_1613 : i32 to index
      %get3A_1615 = arith.constant 0 : index
      %get3A_1616 = vector.load %arg7[%get3A_1614, %get3A_1615] : memref<256x128xi32, #tpu.memory_space<vmem>>, vector<8x128xi32>
      %reshape3A_1617 = vector.shape_cast %get3A_1616 : vector<8x128xi32> to vector<8x128x1xi32>
      %mul3A_1618 = arith.constant 1024 : i32
      %mul3A_1619 = arith.muli %while3A_1603, %mul3A_1618 : i32
      %add3A_1620 = vector.broadcast %mul3A_1619 : i32 to vector<8x128x1xi32>
      %add3A_1621 = arith.addi %add3A_1620, %add3A_90 : vector<8x128x1xi32>
      %add3A_1622 = arith.constant 1920 : i32
      %add3A_1623 = vector.broadcast %add3A_1622 : i32 to vector<1x1x128xi32>
      %add3A_1624 = arith.addi %iota3A_91, %add3A_1623 : vector<1x1x128xi32>
      %eq3A_1625 = vector.broadcast %reshape3A_1611 : vector<8x128x1xi32> to vector<8x128x128xi32>
      %eq3A_1626 = vector.broadcast %add3A_1624 : vector<1x1x128xi32> to vector<8x128x128xi32>
      %eq3A_1627 = arith.cmpi eq, %eq3A_1625, %eq3A_1626 : vector<8x128x128xi32>
      %jit3A_1628 = arith.constant 0 : i32
      %broadcast_in_dim3A_1629 = vector.shape_cast %add3A_1621 : vector<8x128x1xi32> to vector<8x128x1xi32>
      %broadcast_in_dim3A_1630 = vector.broadcast %broadcast_in_dim3A_1629 : vector<8x128x1xi32> to vector<8x128x128xi32>
      %broadcast_in_dim3A_1631 = vector.broadcast %jit3A_1628 : i32 to vector<8x128x128xi32>
      %select_n3A_1632 = arith.select %eq3A_1627, %broadcast_in_dim3A_1630, %broadcast_in_dim3A_1631 : vector<8x128x128xi1>, vector<8x128x128xi32>
      %reduce_sum3A_1633 = arith.constant dense<0> : vector<128x128xi32>
      %reduce_sum3A_1634 = vector.multi_reduction <add>, %select_n3A_1632, %reduce_sum3A_1633 [0] : vector<8x128x128xi32> to vector<128x128xi32>
      %reduce_sum3A_1635 = arith.constant dense<0> : vector<128xi32>
      %reduce_sum3A_1636 = vector.multi_reduction <add>, %reduce_sum3A_1634, %reduce_sum3A_1635 [0] : vector<128x128xi32> to vector<128xi32>
      %broadcast_in_dim3A_1637 = vector.shape_cast %reduce_sum3A_1636 : vector<128xi32> to vector<1x128xi32>
      %add3A_1638 = arith.addi %while3A_1604, %broadcast_in_dim3A_1637 : vector<1x128xi32>
      %jit3A_1639 = arith.constant 0 : i32
      %broadcast_in_dim3A_1640 = vector.shape_cast %reshape3A_1617 : vector<8x128x1xi32> to vector<8x128x1xi32>
      %broadcast_in_dim3A_1641 = vector.broadcast %broadcast_in_dim3A_1640 : vector<8x128x1xi32> to vector<8x128x128xi32>
      %broadcast_in_dim3A_1642 = vector.broadcast %jit3A_1639 : i32 to vector<8x128x128xi32>
      %select_n3A_1643 = arith.select %eq3A_1627, %broadcast_in_dim3A_1641, %broadcast_in_dim3A_1642 : vector<8x128x128xi1>, vector<8x128x128xi32>
      %reduce_sum3A_1644 = arith.constant dense<0> : vector<128x128xi32>
      %reduce_sum3A_1645 = vector.multi_reduction <add>, %select_n3A_1643, %reduce_sum3A_1644 [0] : vector<8x128x128xi32> to vector<128x128xi32>
      %reduce_sum3A_1646 = arith.constant dense<0> : vector<128xi32>
      %reduce_sum3A_1647 = vector.multi_reduction <add>, %reduce_sum3A_1645, %reduce_sum3A_1646 [0] : vector<128x128xi32> to vector<128xi32>
      %broadcast_in_dim3A_1648 = vector.shape_cast %reduce_sum3A_1647 : vector<128xi32> to vector<1x128xi32>
      %add3A_1649 = arith.addi %while3A_1605, %broadcast_in_dim3A_1648 : vector<1x128xi32>
      scf.yield %add3A_1638, %add3A_1649 : vector<1x128xi32>, vector<1x128xi32>
    }
    %swap3A_1533 = arith.constant 15 : index
    %swap3A_1534 = arith.constant 0 : index
    %swap3A_1535 = arith.constant 0 : index
    %swap3A_1536 = vector.load %arg3[%swap3A_1533, %swap3A_1534, %swap3A_1535] : memref<18x1x128xi32, #tpu.memory_space<vmem>>, vector<1x1x128xi32>
    %swap3A_1537 = vector.shape_cast %swap3A_1536 : vector<1x1x128xi32> to vector<1x128xi32>
    %swap3A_1538 = vector.shape_cast %while3A_1532#1 : vector<1x128xi32> to vector<1x1x128xi32>
    tpu.vector_store %arg3[%swap3A_1533, %swap3A_1534, %swap3A_1535], %swap3A_1538 {strides = array<i32>} : memref<18x1x128xi32, #tpu.memory_space<vmem>>, vector<1x1x128xi32>,
    %swap3A_1539 = arith.constant 15 : index
    %swap3A_1540 = arith.constant 0 : index
    %swap3A_1541 = arith.constant 0 : index
    %swap3A_1542 = vector.load %arg4[%swap3A_1539, %swap3A_1540, %swap3A_1541] : memref<18x1x128xi32, #tpu.memory_space<vmem>>, vector<1x1x128xi32>
    %swap3A_1543 = vector.shape_cast %swap3A_1542 : vector<1x1x128xi32> to vector<1x128xi32>
    %swap3A_1544 = vector.shape_cast %while3A_1532#0 : vector<1x128xi32> to vector<1x1x128xi32>
    tpu.vector_store %arg4[%swap3A_1539, %swap3A_1540, %swap3A_1541], %swap3A_1544 {strides = array<i32>} : memref<18x1x128xi32, #tpu.memory_space<vmem>>, vector<1x1x128xi32>,
    %while3A_1545 = arith.subi %shift_right_logical3A_1520, %shift_right_logical3A_1505 : i32
    %while3A_1546 = arith.addi %shift_right_logical3A_1505, %while3A_1545 : i32
    %while3A_1547 = arith.constant 1 : i32
    %while3A_1548 = arith.divsi %while3A_1545, %while3A_1547 : i32
    %while3A_1549 = arith.muli %while3A_1548, %while3A_1547 : i32
    %while3A_1550 = arith.addi %shift_right_logical3A_1505, %while3A_1549 : i32
    %while3A_1551 = arith.constant 1 : i32
    %while3A_1552 = scf.for %while3A_1603 = %shift_right_logical3A_1505 to %while3A_1550 step %while3A_1551 iter_args(%while3A_1604 = %broadcast_in_dim3A_1522) -> (vector<1x128xi32>)  : i32 {
      %mul3A_1605 = arith.constant 8 : i32
      %mul3A_1606 = arith.muli %while3A_1603, %mul3A_1605 : i32
      %get3A_1607 = arith.index_cast %mul3A_1606 : i32 to index
      %get3A_1608 = arith.constant 0 : index
      %get3A_1609 = vector.load %arg9[%get3A_1607, %get3A_1608] : memref<256x128xi32, #tpu.memory_space<vmem>>, vector<8x128xi32>
      %reshape3A_1610 = vector.shape_cast %get3A_1609 : vector<8x128xi32> to vector<8x128x1xi32>
      %mul3A_1611 = arith.constant 1024 : i32
      %mul3A_1612 = arith.muli %while3A_1603, %mul3A_1611 : i32
      %add3A_1613 = vector.broadcast %mul3A_1612 : i32 to vector<8x128x1xi32>
      %add3A_1614 = arith.addi %add3A_1613, %add3A_90 : vector<8x128x1xi32>
      %add3A_1615 = arith.constant 1920 : i32
      %add3A_1616 = vector.broadcast %add3A_1615 : i32 to vector<1x1x128xi32>
      %add3A_1617 = arith.addi %iota3A_91, %add3A_1616 : vector<1x1x128xi32>
      %eq3A_1618 = vector.broadcast %reshape3A_1610 : vector<8x128x1xi32> to vector<8x128x128xi32>
      %eq3A_1619 = vector.broadcast %add3A_1617 : vector<1x1x128xi32> to vector<8x128x128xi32>
      %eq3A_1620 = arith.cmpi eq, %eq3A_1618, %eq3A_1619 : vector<8x128x128xi32>
      %jit3A_1621 = arith.constant 0 : i32
      %broadcast_in_dim3A_1622 = vector.shape_cast %add3A_1614 : vector<8x128x1xi32> to vector<8x128x1xi32>
      %broadcast_in_dim3A_1623 = vector.broadcast %broadcast_in_dim3A_1622 : vector<8x128x1xi32> to vector<8x128x128xi32>
      %broadcast_in_dim3A_1624 = vector.broadcast %jit3A_1621 : i32 to vector<8x128x128xi32>
      %select_n3A_1625 = arith.select %eq3A_1620, %broadcast_in_dim3A_1623, %broadcast_in_dim3A_1624 : vector<8x128x128xi1>, vector<8x128x128xi32>
      %reduce_sum3A_1626 = arith.constant dense<0> : vector<128x128xi32>
      %reduce_sum3A_1627 = vector.multi_reduction <add>, %select_n3A_1625, %reduce_sum3A_1626 [0] : vector<8x128x128xi32> to vector<128x128xi32>
      %reduce_sum3A_1628 = arith.constant dense<0> : vector<128xi32>
      %reduce_sum3A_1629 = vector.multi_reduction <add>, %reduce_sum3A_1627, %reduce_sum3A_1628 [0] : vector<128x128xi32> to vector<128xi32>
      %broadcast_in_dim3A_1630 = vector.shape_cast %reduce_sum3A_1629 : vector<128xi32> to vector<1x128xi32>
      %add3A_1631 = arith.addi %while3A_1604, %broadcast_in_dim3A_1630 : vector<1x128xi32>
      scf.yield %add3A_1631 : vector<1x128xi32>
    }
    %while3A_1553 = arith.constant 1 : i32
    %while3A_1554 = scf.for %while3A_1603 = %while3A_1550 to %while3A_1546 step %while3A_1553 iter_args(%while3A_1604 = %while3A_1552) -> (vector<1x128xi32>)  : i32 {
      %mul3A_1605 = arith.constant 8 : i32
      %mul3A_1606 = arith.muli %while3A_1603, %mul3A_1605 : i32
      %get3A_1607 = arith.index_cast %mul3A_1606 : i32 to index
      %get3A_1608 = arith.constant 0 : index
      %get3A_1609 = vector.load %arg9[%get3A_1607, %get3A_1608] : memref<256x128xi32, #tpu.memory_space<vmem>>, vector<8x128xi32>
      %reshape3A_1610 = vector.shape_cast %get3A_1609 : vector<8x128xi32> to vector<8x128x1xi32>
      %mul3A_1611 = arith.constant 1024 : i32
      %mul3A_1612 = arith.muli %while3A_1603, %mul3A_1611 : i32
      %add3A_1613 = vector.broadcast %mul3A_1612 : i32 to vector<8x128x1xi32>
      %add3A_1614 = arith.addi %add3A_1613, %add3A_90 : vector<8x128x1xi32>
      %add3A_1615 = arith.constant 1920 : i32
      %add3A_1616 = vector.broadcast %add3A_1615 : i32 to vector<1x1x128xi32>
      %add3A_1617 = arith.addi %iota3A_91, %add3A_1616 : vector<1x1x128xi32>
      %eq3A_1618 = vector.broadcast %reshape3A_1610 : vector<8x128x1xi32> to vector<8x128x128xi32>
      %eq3A_1619 = vector.broadcast %add3A_1617 : vector<1x1x128xi32> to vector<8x128x128xi32>
      %eq3A_1620 = arith.cmpi eq, %eq3A_1618, %eq3A_1619 : vector<8x128x128xi32>
      %jit3A_1621 = arith.constant 0 : i32
      %broadcast_in_dim3A_1622 = vector.shape_cast %add3A_1614 : vector<8x128x1xi32> to vector<8x128x1xi32>
      %broadcast_in_dim3A_1623 = vector.broadcast %broadcast_in_dim3A_1622 : vector<8x128x1xi32> to vector<8x128x128xi32>
      %broadcast_in_dim3A_1624 = vector.broadcast %jit3A_1621 : i32 to vector<8x128x128xi32>
      %select_n3A_1625 = arith.select %eq3A_1620, %broadcast_in_dim3A_1623, %broadcast_in_dim3A_1624 : vector<8x128x128xi1>, vector<8x128x128xi32>
      %reduce_sum3A_1626 = arith.constant dense<0> : vector<128x128xi32>
      %reduce_sum3A_1627 = vector.multi_reduction <add>, %select_n3A_1625, %reduce_sum3A_1626 [0] : vector<8x128x128xi32> to vector<128x128xi32>
      %reduce_sum3A_1628 = arith.constant dense<0> : vector<128xi32>
      %reduce_sum3A_1629 = vector.multi_reduction <add>, %reduce_sum3A_1627, %reduce_sum3A_1628 [0] : vector<128x128xi32> to vector<128xi32>
      %broadcast_in_dim3A_1630 = vector.shape_cast %reduce_sum3A_1629 : vector<128xi32> to vector<1x128xi32>
      %add3A_1631 = arith.addi %while3A_1604, %broadcast_in_dim3A_1630 : vector<1x128xi32>
      scf.yield %add3A_1631 : vector<1x128xi32>
    }
    %swap3A_1555 = arith.constant 15 : index
    %swap3A_1556 = arith.constant 0 : index
    %swap3A_1557 = arith.constant 0 : index
    %swap3A_1558 = vector.load %arg5[%swap3A_1555, %swap3A_1556, %swap3A_1557] : memref<18x1x128xi32, #tpu.memory_space<vmem>>, vector<1x1x128xi32>
    %swap3A_1559 = vector.shape_cast %swap3A_1558 : vector<1x1x128xi32> to vector<1x128xi32>
    %swap3A_1560 = vector.shape_cast %while3A_1554 : vector<1x128xi32> to vector<1x1x128xi32>
    tpu.vector_store %arg5[%swap3A_1555, %swap3A_1556, %swap3A_1557], %swap3A_1560 {strides = array<i32>} : memref<18x1x128xi32, #tpu.memory_space<vmem>>, vector<1x1x128xi32>,
    %get3A_1561 = arith.constant 0 : index
    %get3A_1562 = arith.constant 0 : index
    %get3A_1563 = arith.constant 0 : index
    %get3A_1564 = vector.load %arg3[%get3A_1561, %get3A_1562, %get3A_1563] : memref<18x1x128xi32, #tpu.memory_space<vmem>>, vector<16x1x128xi32>
    %reshape3A = vector.shape_cast %get3A_1564 : vector<16x1x128xi32> to vector<1x16x128xi32>
    %get3A_1565 = arith.constant 0 : index
    %get3A_1566 = arith.constant 0 : index
    %get3A_1567 = arith.constant 0 : index
    %get3A_1568 = vector.load %arg4[%get3A_1565, %get3A_1566, %get3A_1567] : memref<18x1x128xi32, #tpu.memory_space<vmem>>, vector<16x1x128xi32>
    %reshape3A_1569 = vector.shape_cast %get3A_1568 : vector<16x1x128xi32> to vector<1x16x128xi32>
    %transpose3A = tpu.transpose %iota3A_85, [1, 0] : vector<1x128xi32> -> vector<128x1xi32>
    %iota3A_1570 = tpu.iota {dimensions = array<i32: 1>} : vector<1x16x128xi32>
    %mul3A_1571 = arith.constant 128 : i32
    %mul3A_1572 = vector.broadcast %mul3A_1571 : i32 to vector<1x16x128xi32>
    %mul3A_1573 = arith.muli %iota3A_1570, %mul3A_1572 : vector<1x16x128xi32>
    %iota3A_1574 = tpu.iota {dimensions = array<i32: 2>} : vector<1x16x128xi32>
    %add3A_1575 = arith.addi %mul3A_1573, %iota3A_1574 : vector<1x16x128xi32>
    %lt3A_1576 = vector.broadcast %reduce_sum3A_29 : i32 to vector<1x16x128xi32>
    %lt3A_1577 = arith.cmpi slt, %add3A_1575, %lt3A_1576 : vector<1x16x128xi32>
    %scan3A_1578 = arith.constant 0 : i32
    %scan3A_1579 = arith.constant 16 : i32
    %scan3A_1580 = arith.addi %scan3A_1578, %scan3A_1579 : i32
    %scan3A_1581 = arith.constant 1 : i32
    scf.for %scan3A_1603 = %scan3A_1578 to %scan3A_1580 step %scan3A_1581  : i32 {
      %get3A_1604 = arith.index_cast %scan3A_1603 : i32 to index
      %get3A_1605 = arith.constant 0 : index
      %get3A_1606 = arith.constant 0 : index
      %get3A_1607 = vector.load %arg3[%get3A_1604, %get3A_1605, %get3A_1606] : memref<18x1x128xi32, #tpu.memory_space<vmem>>, vector<1x1x128xi32>
      %reshape3A_1608 = vector.shape_cast %get3A_1607 : vector<1x1x128xi32> to vector<1x128xi32>
      %get3A_1609 = arith.index_cast %scan3A_1603 : i32 to index
      %get3A_1610 = arith.constant 0 : index
      %get3A_1611 = arith.constant 0 : index
      %get3A_1612 = vector.load %arg4[%get3A_1609, %get3A_1610, %get3A_1611] : memref<18x1x128xi32, #tpu.memory_space<vmem>>, vector<1x1x128xi32>
      %reshape3A_1613 = vector.shape_cast %get3A_1612 : vector<1x1x128xi32> to vector<1x128xi32>
      %transpose3A_1614 = tpu.transpose %reshape3A_1608, [1, 0] : vector<1x128xi32> -> vector<128x1xi32>
      %reshape3A_1615 = vector.shape_cast %transpose3A_1614 : vector<128x1xi32> to vector<128x1x1xi32>
      %transpose3A_1616 = tpu.transpose %reshape3A_1613, [1, 0] : vector<1x128xi32> -> vector<128x1xi32>
      %reshape3A_1617 = vector.shape_cast %transpose3A_1616 : vector<128x1xi32> to vector<128x1x1xi32>
      %gt3A_1618 = vector.broadcast %reshape3A : vector<1x16x128xi32> to vector<128x16x128xi32>
      %gt3A_1619 = vector.broadcast %reshape3A_1615 : vector<128x1x1xi32> to vector<128x16x128xi32>
      %gt3A_1620 = arith.cmpi sgt, %gt3A_1618, %gt3A_1619 : vector<128x16x128xi32>
      %and3A = vector.broadcast %lt3A_1577 : vector<1x16x128xi1> to vector<128x16x128xi1>
      %and3A_1621 = arith.andi %gt3A_1620, %and3A : vector<128x16x128xi1>
      %convert_element_type3A_1622 = arith.extui %and3A_1621 : vector<128x16x128xi1> to vector<128x16x128xi32>
      %eq3A_1623 = vector.broadcast %reshape3A : vector<1x16x128xi32> to vector<128x16x128xi32>
      %eq3A_1624 = vector.broadcast %reshape3A_1615 : vector<128x1x1xi32> to vector<128x16x128xi32>
      %eq3A_1625 = arith.cmpi eq, %eq3A_1623, %eq3A_1624 : vector<128x16x128xi32>
      %lt3A_1626 = vector.broadcast %reshape3A_1569 : vector<1x16x128xi32> to vector<128x16x128xi32>
      %lt3A_1627 = vector.broadcast %reshape3A_1617 : vector<128x1x1xi32> to vector<128x16x128xi32>
      %lt3A_1628 = arith.cmpi slt, %lt3A_1626, %lt3A_1627 : vector<128x16x128xi32>
      %and3A_1629 = arith.andi %eq3A_1625, %lt3A_1628 : vector<128x16x128xi1>
      %and3A_1630 = vector.broadcast %lt3A_1577 : vector<1x16x128xi1> to vector<128x16x128xi1>
      %and3A_1631 = arith.andi %and3A_1629, %and3A_1630 : vector<128x16x128xi1>
      %convert_element_type3A_1632 = arith.extui %and3A_1631 : vector<128x16x128xi1> to vector<128x16x128xi32>
      %add3A_1633 = arith.addi %convert_element_type3A_1622, %convert_element_type3A_1632 : vector<128x16x128xi32>
      %reduce_sum3A_1634 = arith.constant dense<0> : vector<128x16xi32>
      %reduce_sum3A_1635 = vector.multi_reduction <add>, %add3A_1633, %reduce_sum3A_1634 [2] : vector<128x16x128xi32> to vector<128x16xi32>
      %reduce_sum3A_1636 = arith.constant dense<0> : vector<128xi32>
      %reduce_sum3A_1637 = vector.multi_reduction <add>, %reduce_sum3A_1635, %reduce_sum3A_1636 [1] : vector<128x16xi32> to vector<128xi32>
      %broadcast_in_dim3A_1638 = vector.shape_cast %reduce_sum3A_1637 : vector<128xi32> to vector<128x1xi32>
      %transpose3A_1639 = tpu.transpose %broadcast_in_dim3A_1638, [1, 0] : vector<128x1xi32> -> vector<1x128xi32>
      %mul3A_1640 = arith.constant 128 : i32
      %mul3A_1641 = arith.muli %scan3A_1603, %mul3A_1640 : i32
      %add3A_1642 = vector.broadcast %mul3A_1641 : i32 to vector<1x128xi32>
      %add3A_1643 = arith.addi %add3A_1642, %iota3A_85 : vector<1x128xi32>
      %ge3A_1644 = vector.broadcast %reduce_sum3A_29 : i32 to vector<1x128xi32>
      %ge3A_1645 = arith.cmpi sge, %add3A_1643, %ge3A_1644 : vector<1x128xi32>
      %jit3A_1646 = arith.constant 4096 : i32
      %broadcast_in_dim3A_1647 = vector.broadcast %jit3A_1646 : i32 to vector<1x128xi32>
      %select_n3A_1648 = arith.select %ge3A_1645, %broadcast_in_dim3A_1647, %transpose3A_1639 : vector<1x128xi1>, vector<1x128xi32>
      %swap3A_1649 = arith.index_cast %scan3A_1603 : i32 to index
      %swap3A_1650 = arith.constant 0 : index
      %swap3A_1651 = vector.load %arg6[%swap3A_1649, %swap3A_1650] : memref<16x128xi32, #tpu.memory_space<vmem>>, vector<1x128xi32>
      tpu.vector_store %arg6[%swap3A_1649, %swap3A_1650], %select_n3A_1648 {strides = array<i32>} : memref<16x128xi32, #tpu.memory_space<vmem>>, vector<1x128xi32>,
    }
    %scan3A_1582 = arith.constant 16 : i32
    %broadcast_in_dim3A_1583 = arith.constant 0 : i32
    %broadcast_in_dim3A_1584 = vector.broadcast %broadcast_in_dim3A_1583 : i32 to vector<16x128xi32>
    %scan3A_1585 = arith.constant 0 : i32
    %scan3A_1586 = arith.constant 16 : i32
    %scan3A_1587 = arith.addi %scan3A_1585, %scan3A_1586 : i32
    %scan3A_1588 = arith.constant 1 : i32
    %scan3A_1589 = scf.for %scan3A_1603 = %scan3A_1585 to %scan3A_1587 step %scan3A_1588 iter_args(%scan3A_1604 = %broadcast_in_dim3A_1584) -> (vector<16x128xi32>)  : i32 {
      %get3A_1605 = arith.index_cast %scan3A_1603 : i32 to index
      %get3A_1606 = arith.constant 0 : index
      %get3A_1607 = vector.load %arg6[%get3A_1605, %get3A_1606] : memref<16x128xi32, #tpu.memory_space<vmem>>, vector<1x128xi32>
      %get3A_1608 = arith.index_cast %scan3A_1603 : i32 to index
      %get3A_1609 = arith.constant 0 : index
      %get3A_1610 = arith.constant 0 : index
      %get3A_1611 = vector.load %arg4[%get3A_1608, %get3A_1609, %get3A_1610] : memref<18x1x128xi32, #tpu.memory_space<vmem>>, vector<1x1x128xi32>
      %reshape3A_1612 = vector.shape_cast %get3A_1611 : vector<1x1x128xi32> to vector<1x128xi32>
      %transpose3A_1613 = tpu.transpose %get3A_1607, [1, 0] : vector<1x128xi32> -> vector<128x1xi32>
      %reshape3A_1614 = vector.shape_cast %transpose3A_1613 : vector<128x1xi32> to vector<128x1x1xi32>
      %transpose3A_1615 = tpu.transpose %reshape3A_1612, [1, 0] : vector<1x128xi32> -> vector<128x1xi32>
      %reshape3A_1616 = vector.shape_cast %transpose3A_1615 : vector<128x1xi32> to vector<128x1x1xi32>
      %eq3A_1617 = vector.broadcast %reshape3A_1614 : vector<128x1x1xi32> to vector<128x16x128xi32>
      %eq3A_1618 = vector.broadcast %add3A_1575 : vector<1x16x128xi32> to vector<128x16x128xi32>
      %eq3A_1619 = arith.cmpi eq, %eq3A_1617, %eq3A_1618 : vector<128x16x128xi32>
      %jit3A_1620 = arith.constant 0 : i32
      %broadcast_in_dim3A_1621 = vector.shape_cast %reshape3A_1616 : vector<128x1x1xi32> to vector<128x1x1xi32>
      %broadcast_in_dim3A_1622 = vector.broadcast %broadcast_in_dim3A_1621 : vector<128x1x1xi32> to vector<128x16x128xi32>
      %broadcast_in_dim3A_1623 = vector.broadcast %jit3A_1620 : i32 to vector<128x16x128xi32>
      %select_n3A_1624 = arith.select %eq3A_1619, %broadcast_in_dim3A_1622, %broadcast_in_dim3A_1623 : vector<128x16x128xi1>, vector<128x16x128xi32>
      %reduce_sum3A_1625 = arith.constant dense<0> : vector<16x128xi32>
      %reduce_sum3A_1626 = vector.multi_reduction <add>, %select_n3A_1624, %reduce_sum3A_1625 [0] : vector<128x16x128xi32> to vector<16x128xi32>
      %add3A_1627 = arith.addi %scan3A_1604, %reduce_sum3A_1626 : vector<16x128xi32>
      scf.yield %add3A_1627 : vector<16x128xi32>
    }
    %scan3A_1590 = arith.constant 16 : i32
    %sub3A = arith.constant 2048 : i32
    %sub3A_1591 = arith.subi %sub3A, %reduce_sum3A_29 : i32
    %eq3A_1592 = arith.constant 1 : i32
    %eq3A_1593 = arith.cmpi eq, %sub3A_1591, %eq3A_1592 : i32
    %convert_element_type3A_1594 = arith.extui %eq3A_1593 : i1 to i32
    %cond3A = arith.constant 0 : i32
    %cond3A_1595 = arith.cmpi ne, %convert_element_type3A_1594, %cond3A : i32
    %cond3A_1596 = scf.if %cond3A_1595 -> (vector<16x128xi32>) {
      %squeeze3A = vector.shape_cast %add3A_1575 : vector<1x16x128xi32> to vector<16x128xi32>
      %eq3A_1603 = arith.constant 0 : i32
      %eq3A_1604 = vector.broadcast %eq3A_1603 : i32 to vector<16x128xi32>
      %eq3A_1605 = arith.cmpi eq, %squeeze3A, %eq3A_1604 : vector<16x128xi32>
      %get3A_1606 = arith.constant 0 : index
      %get3A_1607 = arith.constant 0 : index
      %get3A_1608 = arith.constant 0 : index
      %get3A_1609 = vector.load %arg5[%get3A_1606, %get3A_1607, %get3A_1608] : memref<18x1x128xi32, #tpu.memory_space<vmem>>, vector<1x1x128xi32>
      %get3A_1610 = vector.shape_cast %get3A_1609 : vector<1x1x128xi32> to vector<1x128xi32>
      %jit3A_1611 = arith.constant 0 : i32
      %broadcast_in_dim3A_1612 = vector.shape_cast %get3A_1610 : vector<1x128xi32> to vector<1x128xi32>
      %broadcast_in_dim3A_1613 = vector.broadcast %broadcast_in_dim3A_1612 : vector<1x128xi32> to vector<16x128xi32>
      %broadcast_in_dim3A_1614 = vector.broadcast %jit3A_1611 : i32 to vector<16x128xi32>
      %select_n3A_1615 = arith.select %eq3A_1605, %broadcast_in_dim3A_1613, %broadcast_in_dim3A_1614 : vector<16x128xi1>, vector<16x128xi32>
      %reduce_sum3A_1616 = vector.shape_cast %select_n3A_1615 : vector<16x128xi32> to vector<1x16x128xi32>
      %reduce_sum3A_1617 = arith.constant dense<0> : vector<1xi32>
      %reduce_sum3A_1618 = vector.multi_reduction <add>, %reduce_sum3A_1616, %reduce_sum3A_1617 [1, 2] : vector<1x16x128xi32> to vector<1xi32>
      %reduce_sum3A_1619 = vector.shape_cast %reduce_sum3A_1618 : vector<1xi32> to vector<1x1x1xi32>
      %reduce_sum3A_1620 = vector.extract %reduce_sum3A_1619[0, 0, 0] : i32 from vector<1x1x1xi32>
      %squeeze3A_1621 = vector.shape_cast %add3A_1575 : vector<1x16x128xi32> to vector<16x128xi32>
      %eq3A_1622 = vector.broadcast %reduce_sum3A_29 : i32 to vector<16x128xi32>
      %eq3A_1623 = arith.cmpi eq, %squeeze3A_1621, %eq3A_1622 : vector<16x128xi32>
      %broadcast_in_dim3A_1624 = vector.broadcast %reduce_sum3A_1620 : i32 to vector<16x128xi32>
      %select_n3A_1625 = arith.select %eq3A_1623, %broadcast_in_dim3A_1624, %scan3A_1589 : vector<16x128xi1>, vector<16x128xi32>
      scf.yield %select_n3A_1625 : vector<16x128xi32>
    } else {
      %scan3A_1603 = arith.constant 0 : i32
      %scan3A_1604 = arith.constant 16 : i32
      %scan3A_1605 = arith.addi %scan3A_1603, %scan3A_1604 : i32
      %scan3A_1606 = arith.constant 1 : i32
      %scan3A_1607 = scf.for %scan3A_1609 = %scan3A_1603 to %scan3A_1605 step %scan3A_1606 iter_args(%scan3A_1610 = %scan3A_1589) -> (vector<16x128xi32>)  : i32 {
        %mul3A_1611 = arith.constant 128 : i32
        %mul3A_1612 = arith.muli %scan3A_1609, %mul3A_1611 : i32
        %add3A_1613 = vector.broadcast %mul3A_1612 : i32 to vector<128x1xi32>
        %add3A_1614 = arith.addi %add3A_1613, %transpose3A : vector<128x1xi32>
        %reshape3A_1615 = vector.shape_cast %add3A_1614 : vector<128x1xi32> to vector<128x1x1xi32>
        %sub3A_1616 = arith.constant 2048 : i32
        %sub3A_1617 = arith.subi %sub3A_1616, %reduce_sum3A_29 : i32
        %lt3A_1618 = vector.broadcast %sub3A_1617 : i32 to vector<128x1x1xi32>
        %lt3A_1619 = arith.cmpi slt, %reshape3A_1615, %lt3A_1618 : vector<128x1x1xi32>
        %add3A_1620 = vector.broadcast %reduce_sum3A_29 : i32 to vector<128x1x1xi32>
        %add3A_1621 = arith.addi %reshape3A_1615, %add3A_1620 : vector<128x1x1xi32>
        %jit3A_1622 = arith.constant 4096 : i32
        %broadcast_in_dim3A_1623 = vector.broadcast %jit3A_1622 : i32 to vector<128x1x1xi32>
        %select_n3A_1624 = arith.select %lt3A_1619, %add3A_1621, %broadcast_in_dim3A_1623 : vector<128x1x1xi1>, vector<128x1x1xi32>
        %get3A_1625 = arith.index_cast %scan3A_1609 : i32 to index
        %get3A_1626 = arith.constant 0 : index
        %get3A_1627 = arith.constant 0 : index
        %get3A_1628 = vector.load %arg5[%get3A_1625, %get3A_1626, %get3A_1627] : memref<18x1x128xi32, #tpu.memory_space<vmem>>, vector<1x1x128xi32>
        %reshape3A_1629 = vector.shape_cast %get3A_1628 : vector<1x1x128xi32> to vector<1x128xi32>
        %transpose3A_1630 = tpu.transpose %reshape3A_1629, [1, 0] : vector<1x128xi32> -> vector<128x1xi32>
        %reshape3A_1631 = vector.shape_cast %transpose3A_1630 : vector<128x1xi32> to vector<128x1x1xi32>
        %eq3A_1632 = vector.broadcast %select_n3A_1624 : vector<128x1x1xi32> to vector<128x16x128xi32>
        %eq3A_1633 = vector.broadcast %add3A_1575 : vector<1x16x128xi32> to vector<128x16x128xi32>
        %eq3A_1634 = arith.cmpi eq, %eq3A_1632, %eq3A_1633 : vector<128x16x128xi32>
        %jit3A_1635 = arith.constant 0 : i32
        %broadcast_in_dim3A_1636 = vector.shape_cast %reshape3A_1631 : vector<128x1x1xi32> to vector<128x1x1xi32>
        %broadcast_in_dim3A_1637 = vector.broadcast %broadcast_in_dim3A_1636 : vector<128x1x1xi32> to vector<128x16x128xi32>
        %broadcast_in_dim3A_1638 = vector.broadcast %jit3A_1635 : i32 to vector<128x16x128xi32>
        %select_n3A_1639 = arith.select %eq3A_1634, %broadcast_in_dim3A_1637, %broadcast_in_dim3A_1638 : vector<128x16x128xi1>, vector<128x16x128xi32>
        %reduce_sum3A_1640 = arith.constant dense<0> : vector<16x128xi32>
        %reduce_sum3A_1641 = vector.multi_reduction <add>, %select_n3A_1639, %reduce_sum3A_1640 [0] : vector<128x16x128xi32> to vector<16x128xi32>
        %add3A_1642 = arith.addi %scan3A_1610, %reduce_sum3A_1641 : vector<16x128xi32>
        scf.yield %add3A_1642 : vector<16x128xi32>
      }
      %scan3A_1608 = arith.constant 16 : i32
      scf.yield %scan3A_1607 : vector<16x128xi32>
    }
    %swap3A_1597 = arith.constant 0 : index
    %swap3A_1598 = arith.constant 0 : index
    %swap3A_1599 = arith.constant 0 : index
    %swap3A_1600 = vector.load %arg2[%swap3A_1597, %swap3A_1598, %swap3A_1599] : memref<1x16x128xi32, #tpu.memory_space<vmem>>, vector<1x16x128xi32>
    %swap3A_1601 = vector.shape_cast %swap3A_1600 : vector<1x16x128xi32> to vector<16x128xi32>
    %swap3A_1602 = vector.shape_cast %cond3A_1596 : vector<16x128xi32> to vector<1x16x128xi32>
    tpu.vector_store %arg2[%swap3A_1597, %swap3A_1598, %swap3A_1599], %swap3A_1602 {strides = array<i32>} : memref<1x16x128xi32, #tpu.memory_space<vmem>>, vector<1x16x128xi32>,
    return
  }
  func.func @transform_0(%arg0: i32) -> (i32, i32, i32) {
    %c0_i32 = arith.constant 0 : i32
    %c0_i32_0 = arith.constant 0 : i32
    %c0_i32_1 = arith.constant 0 : i32
    return %arg0, %c0_i32, %c0_i32_0 : i32, i32, i32
  }
  func.func @transform_1(%arg0: i32) -> (i32, i32, i32) {
    %c0_i32 = arith.constant 0 : i32
    %c0_i32_0 = arith.constant 0 : i32
    %c0_i32_1 = arith.constant 0 : i32
    return %arg0, %c0_i32, %c0_i32_0 : i32, i32, i32
  }
}

</mosaic_0001>

<sc_bundles>
// kernel: kernel.6.cloned.1.call-start
scs
__scs_entry_jumppad:
0x0: {  	(pc) =	sbr.rel $0x88, $3  }
0x1: {  	(tag) =	ssettag $0x0;
	lr =	simm.s32 $0x1  }
0x2: {  	[smem:$0x3F99] =	sst lr;
	_ =	strace $0xD0000000  }
0x3: {  	_ = 	snop  }
0x4: {  	_ = 	snop  }
0x5: {  	_ = 	snop  }
0x6: {  	_ = 	snop  }
0x7: {  	_ = 	snop  }
__scs_overlays_trampoline_lowered:
0x8: {  	[smem:$0x3FA8] =	sst s0  }
0x9: {  	[smem:$0x3FA9] =	sst s1  }
0xa: {  	[smem:$0x3FAA] =	sst s2  }
0xb: {  	[smem:$0x3FAB] =	sst s3  }
0xc: {  	[smem:$0x3FAC] =	sst s4  }
0xd: {  	[smem:$0x3FAD] =	sst s5  }
0xe: {  	[smem:$0x3FAE] =	sst s6  }
0xf: {  	[smem:$0x3FAF] =	sst s7  }
0x10: {  	[smem:$0x3FB0] =	sst s8  }
0x11: {  	[smem:$0x3FB1] =	sst s9;
	s0 =	simm.s32 @!p0 $0x0  }
0x12: {  	s1 =	sld [smem:$0x3F97];
	s0 =	simm.s32 @p0 $0x1  }
0x13: {  	[smem:$0x3FB2] =	sst s0;
	s0 =	simm.s32 @!p1 $0x0  }
0x14: {  	s2 =	sld [smem:$0x3F96];
	s0 =	simm.s32 @p1 $0x1  }
0x15: {  	[smem:$0x3FB3] =	sst s0;
	s0 =	simm.s32 @!p2 $0x0  }
0x16: {  	s3 =	sld [smem:$0x3FDB];
	s0 =	simm.s32 @p2 $0x1  }
0x17: {  	s4 =	simm.s32 $0x1BF5;
	[smem:$0x3FB5] =	sst s0  }
0x18: {  	s0 =	sld [smem:$0x3F98];
	_ =	swait.ge [sflag:s4], $0x0  }
0x19: {  	s7 =	sld [smem:$0x3F99]  }
0x1a: {  	s8 =	sadd.s32 $0xFFFFE003, lr  }
0x1b: {  	s9 =	sadd.s32 $0xFFFFFEF7, lr;
	s5 =	simm.s32 $0xFFFFFFFF;
	p2 =	slt.u32 s8, $0xFFFFF086  }
0x1c: {  	p1 =	slt.u32 s9, $0xF7A;
	s5 =	simm.s32 @!p2 $0x0  }
0x1d: {  	s5 =	simm.s32 @p1 $0x1;
	p0 =	seq.s32 s7, s2  }
0x1e: {  	s7 =	smul.u32 @!p0 $0xF7A, s2;
	p2 =	seq.s32 @!p0 s5, $0x0  }
0x1f: {  	s9 =	smul.u32 $0xF7A, s1;
	s8 =	simm.s32 @!p0 $0x1BF5;
	p2 =	por !p2, p0  }
0x20: {  	[sflag:s8] =	ssyncset.s32 @!p0 $0xFFFFF086;
	s6 =	sadd.s32 @!p0 s3, s7;
	s7 =	simm.s32 @!p0 $0x108  }
0x21: {  	s3 =	sadd.s32 s3, s9;
	s6 =	sadd.s32 @!p0 $0x88, s6;
	s7 =	simm.s32 @p2 $0x1082  }
0x22: {  	[simem:s7], [sflag:s8] =	dma.local @!p0 [hbm:s6], $0xF7A  }
0x23: {  	s9 =	sor.u32 $0xD0000000, s2;
	s6 =	simm.s32 $0x108;
	_ =	swait.ge @!p0 [sflag:s8], $0x0  }
0x24: {  	s3 =	sadd.s32 $0x88, s3;
	s6 =	simm.s32 @!p1 $0x1082;
	[sflag:s4] =	ssyncset.s32 $0xFFFFF086  }
0x25: {  	[simem:s6], [sflag:s4] =	dma.local [hbm:s3], $0xF7A  }
0x26: {  	[smem:$0x3F99] =	sst s1;
	(tag) =	ssettag s2;
	_ =	strace s9  }
0x27: {  	s1 =	sld [smem:$0x3FA9]  }
0x28: {  	s2 =	sld [smem:$0x3FAA]  }
0x29: {  	s4 =	sld [smem:$0x3FAC]  }
0x2a: {  	p0 =	seq.s32 s5, $0x0;
	s5 =	sld [smem:$0x3FAD]  }
0x2b: {  	s6 =	sld [smem:$0x3FAE]  }
0x2c: {  	s7 =	sld [smem:$0x3FAF]  }
0x2d: {  	s3 =	simm.s32 $0x108;
	s8 =	sld [smem:$0x3FB0]  }
0x2e: {  	s3 =	simm.s32 @!p0 $0x1082;
	s9 =	sld [smem:$0x3FB1]  }
0x2f: {  	lr =	sadd.s32 s0, s3;
	s0 =	sld [smem:$0x3FA8]  }
0x30: {  	s3 =	sld [smem:$0x3FAB]  }
0x31: {  	[smem:$0x3FB4] =	sst s10  }
0x32: {  	s10 =	sld [smem:$0x3FB2];
	_ =	sdelay $0x3  }
0x33: {  	p0 =	seq.s32 s10, $0x1;
	s10 =	sld [smem:$0x3FB4];
	_ =	sdelay $0x3  }
0x34: {  	[smem:$0x3FB4] =	sst s10  }
0x35: {  	s10 =	sld [smem:$0x3FB3];
	_ =	sdelay $0x3  }
0x36: {  	p1 =	seq.s32 s10, $0x1;
	s10 =	sld [smem:$0x3FB4];
	_ =	sdelay $0x3  }
0x37: {  	[smem:$0x3FB4] =	sst s10  }
0x38: {  	s10 =	sld [smem:$0x3FB5]  }
0x39: {  	_ = 	snop;
	(pc) =	sbr.ind lr, $3  }
0x3a: {  	_ = 	snop  }
0x3b: {  	_ = 	snop  }
0x3c: {  	p2 =	seq.s32 s10, $0x1;
	s10 =	sld [smem:$0x3FB4]  }
0x3d: {  	_ =	shalt  }
0x3e: {  	_ =	shalt  }
0x3f: {  	_ =	shalt  }
0x40: {  	_ =	shalt  }
0x41: {  	_ =	shalt  }
0x42: {  	_ =	shalt  }
0x43: {  	_ =	shalt  }
0x44: {  	_ =	shalt  }
0x45: {  	_ =	shalt  }
0x46: {  	_ =	shalt  }
0x47: {  	_ =	shalt  }
0x48: {  	_ =	shalt  }
0x49: {  	_ =	shalt  }
0x4a: {  	_ =	shalt  }
0x4b: {  	_ =	shalt  }
0x4c: {  	_ =	shalt  }
0x4d: {  	_ =	shalt  }
0x4e: {  	_ =	shalt  }
0x4f: {  	_ =	shalt  }
0x50: {  	_ =	shalt  }
0x51: {  	_ =	shalt  }
0x52: {  	_ =	shalt  }
0x53: {  	_ =	shalt  }
0x54: {  	_ =	shalt  }
0x55: {  	_ =	shalt  }
0x56: {  	_ =	shalt  }
0x57: {  	_ =	shalt  }
0x58: {  	_ =	shalt  }
0x59: {  	_ =	shalt  }
0x5a: {  	_ =	shalt  }
0x5b: {  	_ =	shalt  }
0x5c: {  	_ =	shalt  }
0x5d: {  	_ =	shalt  }
0x5e: {  	_ =	shalt  }
0x5f: {  	_ =	shalt  }
0x60: {  	_ =	shalt  }
0x61: {  	_ =	shalt  }
0x62: {  	_ =	shalt  }
0x63: {  	_ =	shalt  }
0x64: {  	_ =	shalt  }
0x65: {  	_ =	shalt  }
0x66: {  	_ =	shalt  }
0x67: {  	_ =	shalt  }
0x68: {  	_ =	shalt  }
0x69: {  	_ =	shalt  }
0x6a: {  	_ =	shalt  }
0x6b: {  	_ =	shalt  }
0x6c: {  	_ =	shalt  }
0x6d: {  	_ =	shalt  }
0x6e: {  	_ =	shalt  }
0x6f: {  	_ =	shalt  }
0x70: {  	_ =	shalt  }
0x71: {  	_ =	shalt  }
0x72: {  	_ =	shalt  }
0x73: {  	_ =	shalt  }
0x74: {  	_ =	shalt  }
0x75: {  	_ =	shalt  }
0x76: {  	_ =	shalt  }
0x77: {  	_ =	shalt  }
0x78: {  	_ =	shalt  }
0x79: {  	_ =	shalt  }
0x7a: {  	_ =	shalt  }
0x7b: {  	_ =	shalt  }
0x7c: {  	_ =	shalt  }
0x7d: {  	_ =	shalt  }
0x7e: {  	_ =	shalt  }
0x7f: {  	_ =	shalt  }
0x80: {  	_ =	shalt  }
0x81: {  	_ =	shalt  }
0x82: {  	_ =	shalt  }
0x83: {  	_ =	shalt  }
0x84: {  	_ =	shalt  }
0x85: {  	_ =	shalt  }
0x86: {  	_ =	shalt  }
0x87: {  	_ =	shalt  }
.Lfunc_end0:
.L_simem_size_0:
called_computation_lowered:
.L_overlay_start_0:
0x88: {  	s2 =	sld [smem:$0x3FD9]  }
0x89: {  	s3 =	sld [smem:$0x3FFE];
	_ =	sdelay $0x1  }
0x8a: {  	s1 =	srdreg.scid  }
0x8b: {  	s0 =	sand.u32 $0x1, s1  }
0x8c: {  	s14 =	sshll.u32 s0, $0xA;
	s2 =	sadd.s32 s3, s2  }
0x8d: {  	s2 =	sadd.s32 s2, s14  }
0x8e: {  	[smem:$0x3FC0] =	sst s2  }
0x8f: {  	_ = 	snop  }
0x90: {  	s2 =	sld [smem:$0x3FD0];
	_ =	sdelay $0x2  }
0x91: {  	s4 =	simm.s32 $0xA;
	s5 =	simm.s32 $0x10;
	s15 =	sld [smem:$0x3FC9]  }
0x92: {  	[smem:s5], [sflag:s4] =	dma.local [hbm:s2], $0x1  }
0x93: {  	_ =	swait.eq [sflag:s4], $0x1  }
0x94: {  	[sflag:s4] =	ssyncset.done $0x0  }
0x95: {  	[sflag:s4] =	ssyncadd.s32 $0xFFFFFFFF  }
0x96: {  	s16 =	sld [smem:$0x10];
	(tm) =	ssettm $0x1  }
0x97: {  	s17 =	sld [smem:$0x3FFB];
	_ =	sdelay $0x3  }
0x98: {  	_ =	strace s17  }
0x99: {  	s4 =	sld [smem:$0x3FFC];
	_ =	sdelay $0x3  }
0x9a: {  	_ =	strace s4  }
0x9b: {  	s4 =	sld [smem:$0x3FFD];
	_ =	sdelay $0x3  }
0x9c: {  	_ =	strace s4  }
0x9d: {  	_ =	strace $0x8FFFFFFF  }
0x9e: {  	s18 =	sld [smem:$0x3FDB];
	_ =	sdelay $0x1  }
0x9f: {  	s19 =	simm.s32 $_scs_section_size  }
0xa0: {  	s6 =	simm.s32 $_size__tile_overlayer_lowered;
	s7 =	simm.s32 $_tile_overlayer_lowered  }
0xa1: {  	s22 =	simm.s32 $0x1BFF;
	s21 =	sshll.u32 s7, $0x1;
	s4 =	sadd.s32 s19, s18  }
0xa2: {  	s8 =	simm.s32 $0x0;
	s20 =	sshll.u32 s6, $0x1;
	s6 =	sadd.s32 s21, s4  }
0xa3: {  	[timem:s8], [sflag:s22] =	dma.local [hbm:s6], s20  }
0xa4: {  	_ =	swait.ge [sflag:s22], s20  }
0xa5: {  	s5 =	ssub.s32 $0x0, s20;
	[sflag:s22] =	ssyncset.done $0x0  }
0xa6: {  	[sflag:s22] =	ssyncadd.s32 s5;
	_ =	sdelay $0x1  }
0xa7: {  	s23 =	simm.s32 $0x1B8B  }
0xa8: {  	_ =	swait.ge [sflag:s23], $0x1  }
0xa9: {  	[sflag:s23] =	ssyncset.done $0x0  }
0xaa: {  	s25 =	simm.s32 $0x1B8E;
	s24 =	sld [smem:$0x3FFE];
	[sflag:s23] =	ssyncadd.s32 $0xFFFFFFFF  }
0xab: {  	s26 =	simm.s32 $execute0_lowered;
	[smem:$0x3FD2] =	sst s25  }
0xac: {  	s6 =	sshll.u32 s26, $0x1;
	_ =	strace $0x80000046;
	[dreg:$0x1] =	wrdreg $0xFFFFFFFF  }
0xad: {  	s28 =	simm.s32 $_size_execute0_lowered;
	s4 =	sadd.s32 s4, s6;
	[dreg:$0x0] =	wrdreg $0x0  }
0xae: {  	s6 =	sshll.u32 s28, $0x1;
	[dreg:$0x2] =	wrdreg s4  }
0xaf: {  	[dreg:$0x3] =	wrdreg s6  }
0xb0: {  	[dreg:$0x4] =	wrdreg $0xC0  }
0xb1: {  	_ =	task [dreg:s8], $0x5FFFF  }
0xb2: {  	[dreg:$0x1] =	wrdreg $0xFFFFFFFF  }
0xb3: {  	[dreg:$0x0] =	wrdreg $0x60  }
0xb4: {  	[dreg:$0x2] =	wrdreg s15  }
0xb5: {  	[dreg:$0x3] =	wrdreg s24  }
0xb6: {  	[dreg:$0x4] =	wrdreg s16  }
0xb7: {  	[dreg:$0x5] =	wrdreg $0x9  }
0xb8: {  	_ =	task.clear_ibuf [dreg:s8], $0x6FFFF;
	_ =	strace $0x90000046  }
0xb9: {  	s29 =	simm.s32 $0x9;
	_ =	strace $0x80000048  }
0xba: {  	_ =	swait.ge [sflag:s29], $0x1  }
0xbb: {  	[sflag:s29] =	ssyncadd.s32 $0xFFFFFFFF  }
0xbc: {  	_ =	strace $0x90000048  }
0xbd: {  	_ =	sfence  }
0xbe: {  	s30 =	sld [smem:$0x0];
	_ =	sdelay $0x2  }
0xbf: {  	s31 =	sshll.u32 s1, $0xD;
	s1 =	sshrl.u32 s1, $0x2  }
0xc0: {  	s3 =	sand.u32 $0x4000, s31;
	s1 =	sadd.s32 s1, s30  }
0xc1: {  	s0 =	sor.u32 s3, s0;
	s1 =	sshll.u32 s1, $0x11  }
0xc2: {  	s0 =	sor.u32 s1, s0  }
0xc3: {  	s0 =	sadd.s32 $0x8F2B, s0  }
0xc4: {  	[sflag:s0] =	ssyncadd.remote.s32 $0x1  }
0xc5: {  	_ =	sfence.sel $0xFFFF  }
0xc6: {  	[dreg:$0x0] =	wrdreg $0xFFFFFFFF;
	(pc) =	sbr.abs _section_cstart, $3  }
0xc7: {  	[dreg:$0x1] =	wrdreg $0xFFFFFFFF  }
0xc8: {  	_ =	task.clear_ibuf [dreg:s8], $0x2FFFF;
	_ =	strace $0x9FFFFFFF  }
0xc9: {  	(tm) =	ssettm $0x7FFFFFFF  }
tec
execute0_lowered:
.L_overlay_start_1:
0x0: {  	(tag) =	ssettag $0x1  }
0x1: {  	s1 =	rddreg [dreg:$0x0]  }
0x2: {  	s0 =	rddreg [dreg:$0x1];
	s3 =	srdreg.scid  }
0x3: {  	s2 =	rddreg [dreg:$0x2];
	s5 =	stileid.u32;
	s4 =	sand.u32 $0x1, s3  }
0x4: {  	s3 =	simm.s32 $0x0;
	s5 =	sshll.u32 s5, $0x7;
	s6 =	sshll.u32 s4, $0x6  }
0x5: {  	s0 =	sadd.s32 $0x9200, s0;
	[smem:$0x7FF] =	sst s3;
	s5 =	sor.u32 s6, s5  }
0x6: {  	s4 =	ssub.s32 $0x2, s4;
	_ =	strace $0x80000047;
	s6 =	smul.u32 $0x300, s5  }
0x7: {  	s7 =	sadd.s32 s0, s5;
	s8 =	sor.u32 $0x8, s5;
	s29 =	sor.u32 $0x10, s5  }
0x8: {  	s10 =	sor.u32 $0x18, s5;
	[dreg:$0x4] =	wrdreg s7;
	s28 =	sadd.s32 s0, s8  }
0x9: {  	s14 =	sor.u32 $0x20, s5;
	s9 =	sadd.s32 s0, s29;
	[dreg:$0x6] =	wrdreg s28  }
0xa: {  	s18 =	sor.u32 $0x28, s5;
	s13 =	sadd.s32 s0, s10;
	[dreg:$0x8] =	wrdreg s9  }
0xb: {  	s22 =	sor.u32 $0x30, s5;
	s17 =	sadd.s32 s0, s14;
	[dreg:$0xa] =	wrdreg s13  }
0xc: {  	s5 =	sor.u32 $0x38, s5;
	s21 =	sadd.s32 s0, s18;
	[dreg:$0xc] =	wrdreg s17  }
0xd: {  	s26 =	smul.u32 $0x300, s8;
	s25 =	sadd.s32 s0, s22;
	[dreg:$0xe] =	wrdreg s21  }
0xe: {  	s31 =	smul.u32 $0x300, s29;
	s0 =	sadd.s32 s0, s5;
	[dreg:$0x10] =	wrdreg s25  }
0xf: {  	s12 =	smul.u32 $0x300, s10;
	s6 =	sadd.s32 s2, s6;
	[dreg:$0x12] =	wrdreg s0  }
0x10: {  	s16 =	smul.u32 $0x300, s14;
	[dreg:$0x5] =	wrdreg s6;
	s30 =	sadd.s32 s2, s26  }
0x11: {  	s20 =	smul.u32 $0x300, s18;
	s11 =	sadd.s32 s2, s31;
	[dreg:$0x7] =	wrdreg s30  }
0x12: {  	s24 =	smul.u32 $0x300, s22;
	s15 =	sadd.s32 s2, s12;
	[dreg:$0x9] =	wrdreg s11  }
0x13: {  	s29 =	sshrl.u32 s4, $0x1;
	s19 =	sadd.s32 s2, s16;
	[dreg:$0xb] =	wrdreg s15  }
0x14: {  	s7 =	simm.s32 $0x2;
	s23 =	sadd.s32 s2, s20;
	[dreg:$0xd] =	wrdreg s19  }
0x15: {  	s28 =	smul.u32 $0x300, s5;
	s26 =	sadd.s32 s2, s24;
	[dreg:$0xf] =	wrdreg s23  }
0x16: {  	v2 =	vlaneseq.u32;
	s8 =	simm.s32 $0x80;
	s5 =	sadd.s32 $0x200, s1;
	[dreg:$0x11] =	wrdreg s26  }
0x17: {  	vm0 =	vmmov $0xffff;
	v1 =	vshrl.u32 v2, $0x3;
	s30 =	ssub.s32 s4, s29;
	s31 =	sadd.s32 s2, s28;
	s4 =	sadd.s32 $0x100, s1  }
0x18: {  	v0 =	vand.u32 $0x7, v2;
	v2 =	vor.u32 $0x8, v2;
	v1 =	vmul.u32 $0x8, v1;
	s2 =	simm.s32 $0x1;
	[dreg:$0x13] =	wrdreg s31;
	s11 =	smax.u32 s30, $0x1  }
.LBB2_1:
0x19: {  	s9 =	rddreg [dreg:$0x4]  }
0x1a: {  	[tilespmem:s3], [sflag:$0x2] =	stream.linear.gather [hbm4b:s9+s3], $0x40, $0x38;
	[tilespmem:$0xC080] =	vst v63  }
0x1b: {  	_ =	swait.ge [sflag:s7], $0x40  }
0x1c: {  	[sflag:s7] =	ssyncset.done $0x0  }
0x1d: {  	[sflag:s7] =	ssyncadd.s32 $0xFFFFFFC0  }
0x1e: {  	v3 =	vld [tilespmem:$0x0];
	_ =	sdelay $0x4  }
0x1f: {  	v4 =	vshrl.u32 v3, $0x3  }
0x20: {  	v4 =	vmul.u32 $0x30, v4  }
0x21: {  	v3 =	vand.u32 $0x7, v3  }
0x22: {  	v3 =	vor.u32 v3, v4  }
0x23: {  	v4 =	vperm.xlane v3, v0;
	_ =	sdelay $0x1  }
0x24: {  	v4 =	vadd.s32 v1, v4;
	_ =	sdelay $0x3  }
0x25: {  	v3 =	vperm.xlane v3, v2  }
0x26: {  	[tilespmem:s8], [sflag:$0x1] =	stream.indirect_vreg.gather [hbm4b:s1+s3], $0x80, v4, vm0, $0xb8;
	[tilespmem:$0xC080] =	vst v63  }
0x27: {  	s0 =	simm.s32 $0x880;
	v3 =	vadd.s32 v1, v3  }
0x28: {  	[tilespmem:s0], [sflag:$0x1] =	stream.indirect_vreg.gather [hbm4b:s4+s3], $0x80, v4, vm0, $0xb8;
	[tilespmem:$0xC080] =	vst v63  }
0x29: {  	s29 =	simm.s32 $0x1080  }
0x2a: {  	[tilespmem:s29], [sflag:$0x1] =	stream.indirect_vreg.gather [hbm4b:s5+s3], $0x80, v4, vm0, $0xb8;
	[tilespmem:$0xC080] =	vst v63  }
0x2b: {  	s30 =	simm.s32 $0x1880  }
0x2c: {  	[tilespmem:s30], [sflag:$0x1] =	stream.indirect_vreg.gather [hbm4b:s1+s3], $0x80, v3, vm0, $0xb8;
	[tilespmem:$0xC080] =	vst v63  }
0x2d: {  	s31 =	simm.s32 $0x2080  }
0x2e: {  	[tilespmem:s31], [sflag:$0x1] =	stream.indirect_vreg.gather [hbm4b:s4+s3], $0x80, v3, vm0, $0xb8;
	[tilespmem:$0xC080] =	vst v63  }
0x2f: {  	s6 =	simm.s32 $0x2880  }
0x30: {  	[tilespmem:s6], [sflag:$0x1] =	stream.indirect_vreg.gather [hbm4b:s5+s3], $0x80, v3, vm0, $0xb8;
	[tilespmem:$0xC080] =	vst v63  }
0x31: {  	v3 =	vld [tilespmem:$0x10];
	_ =	sdelay $0x4  }
0x32: {  	v33 =	vshrl.u32 v3, $0x3  }
0x33: {  	v4 =	vmul.u32 $0x30, v33  }
0x34: {  	v3 =	vand.u32 $0x7, v3  }
0x35: {  	v3 =	vor.u32 v3, v4  }
0x36: {  	v4 =	vperm.xlane v3, v0;
	_ =	sdelay $0x1  }
0x37: {  	v4 =	vadd.s32 v1, v4;
	_ =	sdelay $0x3  }
0x38: {  	s9 =	simm.s32 $0x3080;
	v3 =	vperm.xlane v3, v2  }
0x39: {  	[tilespmem:s9], [sflag:$0x1] =	stream.indirect_vreg.gather [hbm4b:s1+s3], $0x80, v4, vm0, $0xb8;
	[tilespmem:$0xC080] =	vst v63  }
0x3a: {  	s10 =	simm.s32 $0x3880;
	v3 =	vadd.s32 v1, v3  }
0x3b: {  	[tilespmem:s10], [sflag:$0x1] =	stream.indirect_vreg.gather [hbm4b:s4+s3], $0x80, v4, vm0, $0xb8;
	[tilespmem:$0xC080] =	vst v63  }
0x3c: {  	s12 =	simm.s32 $0x4080  }
0x3d: {  	[tilespmem:s12], [sflag:$0x1] =	stream.indirect_vreg.gather [hbm4b:s5+s3], $0x80, v4, vm0, $0xb8;
	[tilespmem:$0xC080] =	vst v63  }
0x3e: {  	s13 =	simm.s32 $0x4880  }
0x3f: {  	[tilespmem:s13], [sflag:$0x1] =	stream.indirect_vreg.gather [hbm4b:s1+s3], $0x80, v3, vm0, $0xb8;
	[tilespmem:$0xC080] =	vst v63  }
0x40: {  	s14 =	simm.s32 $0x5080  }
0x41: {  	[tilespmem:s14], [sflag:$0x1] =	stream.indirect_vreg.gather [hbm4b:s4+s3], $0x80, v3, vm0, $0xb8;
	[tilespmem:$0xC080] =	vst v63  }
0x42: {  	s15 =	simm.s32 $0x5880  }
0x43: {  	[tilespmem:s15], [sflag:$0x1] =	stream.indirect_vreg.gather [hbm4b:s5+s3], $0x80, v3, vm0, $0xb8;
	[tilespmem:$0xC080] =	vst v63  }
0x44: {  	v3 =	vld [tilespmem:$0x20];
	_ =	sdelay $0x4  }
0x45: {  	v34 =	vshrl.u32 v3, $0x3  }
0x46: {  	v4 =	vmul.u32 $0x30, v34  }
0x47: {  	v3 =	vand.u32 $0x7, v3  }
0x48: {  	v3 =	vor.u32 v3, v4  }
0x49: {  	v4 =	vperm.xlane v3, v0;
	_ =	sdelay $0x1  }
0x4a: {  	v4 =	vadd.s32 v1, v4;
	_ =	sdelay $0x3  }
0x4b: {  	s16 =	simm.s32 $0x6080;
	v3 =	vperm.xlane v3, v2  }
0x4c: {  	[tilespmem:s16], [sflag:$0x1] =	stream.indirect_vreg.gather [hbm4b:s1+s3], $0x80, v4, vm0, $0xb8;
	[tilespmem:$0xC080] =	vst v63  }
0x4d: {  	s17 =	simm.s32 $0x6880;
	v3 =	vadd.s32 v1, v3  }
0x4e: {  	[tilespmem:s17], [sflag:$0x1] =	stream.indirect_vreg.gather [hbm4b:s4+s3], $0x80, v4, vm0, $0xb8;
	[tilespmem:$0xC080] =	vst v63  }
0x4f: {  	s18 =	simm.s32 $0x7080  }
0x50: {  	[tilespmem:s18], [sflag:$0x1] =	stream.indirect_vreg.gather [hbm4b:s5+s3], $0x80, v4, vm0, $0xb8;
	[tilespmem:$0xC080] =	vst v63  }
0x51: {  	s19 =	simm.s32 $0x7880  }
0x52: {  	[tilespmem:s19], [sflag:$0x1] =	stream.indirect_vreg.gather [hbm4b:s1+s3], $0x80, v3, vm0, $0xb8;
	[tilespmem:$0xC080] =	vst v63  }
0x53: {  	s20 =	simm.s32 $0x8080  }
0x54: {  	[tilespmem:s20], [sflag:$0x1] =	stream.indirect_vreg.gather [hbm4b:s4+s3], $0x80, v3, vm0, $0xb8;
	[tilespmem:$0xC080] =	vst v63  }
0x55: {  	s21 =	simm.s32 $0x8880  }
0x56: {  	[tilespmem:s21], [sflag:$0x1] =	stream.indirect_vreg.gather [hbm4b:s5+s3], $0x80, v3, vm0, $0xb8;
	[tilespmem:$0xC080] =	vst v63  }
0x57: {  	v3 =	vld [tilespmem:$0x30];
	_ =	sdelay $0x4  }
0x58: {  	v35 =	vshrl.u32 v3, $0x3  }
0x59: {  	v4 =	vmul.u32 $0x30, v35  }
0x5a: {  	v3 =	vand.u32 $0x7, v3  }
0x5b: {  	v3 =	vor.u32 v3, v4  }
0x5c: {  	v4 =	vperm.xlane v3, v0;
	_ =	sdelay $0x1  }
0x5d: {  	v4 =	vadd.s32 v1, v4;
	_ =	sdelay $0x3  }
0x5e: {  	s22 =	simm.s32 $0x9080;
	v3 =	vperm.xlane v3, v2  }
0x5f: {  	[tilespmem:s22], [sflag:$0x1] =	stream.indirect_vreg.gather [hbm4b:s1+s3], $0x80, v4, vm0, $0xb8;
	[tilespmem:$0xC080] =	vst v63  }
0x60: {  	s23 =	simm.s32 $0x9880;
	v3 =	vadd.s32 v1, v3  }
0x61: {  	[tilespmem:s23], [sflag:$0x1] =	stream.indirect_vreg.gather [hbm4b:s4+s3], $0x80, v4, vm0, $0xb8;
	[tilespmem:$0xC080] =	vst v63  }
0x62: {  	s24 =	simm.s32 $0xA080  }
0x63: {  	[tilespmem:s24], [sflag:$0x1] =	stream.indirect_vreg.gather [hbm4b:s5+s3], $0x80, v4, vm0, $0xb8;
	[tilespmem:$0xC080] =	vst v63  }
0x64: {  	s25 =	simm.s32 $0xA880  }
0x65: {  	[tilespmem:s25], [sflag:$0x1] =	stream.indirect_vreg.gather [hbm4b:s1+s3], $0x80, v3, vm0, $0xb8;
	[tilespmem:$0xC080] =	vst v63  }
0x66: {  	s26 =	simm.s32 $0xB080  }
0x67: {  	[tilespmem:s26], [sflag:$0x1] =	stream.indirect_vreg.gather [hbm4b:s4+s3], $0x80, v3, vm0, $0xb8;
	[tilespmem:$0xC080] =	vst v63  }
0x68: {  	s28 =	simm.s32 $0xB880  }
0x69: {  	[tilespmem:s28], [sflag:$0x1] =	stream.indirect_vreg.gather [hbm4b:s5+s3], $0x80, v3, vm0, $0xb8;
	[tilespmem:$0xC080] =	vst v63  }
0x6a: {  	_ =	swait.ge [sflag:s2], $0xC000  }
0x6b: {  	[sflag:s2] =	ssyncset.done $0x0  }
0x6c: {  	s29 =	rddreg [dreg:$0x5];
	[sflag:s2] =	ssyncadd.s32 $0xFFFF4000  }
0x6d: {  	[hbm4b:s29+s3] =	stream.linear.scatter [tilespmem:s8], [sflag:$0x2], $0xC000, $0x38;
	[tilespmem:$0xC080] =	vst v63  }
0x6e: {  	_ =	swait.ge [sflag:s7], $0xC000  }
0x6f: {  	[sflag:s7] =	ssyncset.done $0x0  }
0x70: {  	s30 =	rddreg [dreg:$0x6];
	[sflag:s7] =	ssyncadd.s32 $0xFFFF4000  }
0x71: {  	[tilespmem:s3], [sflag:$0x2] =	stream.linear.gather [hbm4b:s30+s3], $0x40, $0x38;
	[tilespmem:$0xC080] =	vst v63  }
0x72: {  	_ =	swait.ge [sflag:s7], $0x40  }
0x73: {  	[sflag:s7] =	ssyncset.done $0x0  }
0x74: {  	[sflag:s7] =	ssyncadd.s32 $0xFFFFFFC0  }
0x75: {  	v3 =	vld [tilespmem:$0x0];
	_ =	sdelay $0x4  }
0x76: {  	v36 =	vshrl.u32 v3, $0x3  }
0x77: {  	v4 =	vmul.u32 $0x30, v36  }
0x78: {  	v3 =	vand.u32 $0x7, v3  }
0x79: {  	v3 =	vor.u32 v3, v4  }
0x7a: {  	v4 =	vperm.xlane v3, v0;
	_ =	sdelay $0x1  }
0x7b: {  	v4 =	vadd.s32 v1, v4;
	_ =	sdelay $0x3  }
0x7c: {  	v3 =	vperm.xlane v3, v2  }
0x7d: {  	[tilespmem:s8], [sflag:$0x1] =	stream.indirect_vreg.gather [hbm4b:s1+s3], $0x80, v4, vm0, $0xb8;
	[tilespmem:$0xC080] =	vst v63  }
0x7e: {  	s0 =	simm.s32 $0x880;
	v3 =	vadd.s32 v1, v3  }
0x7f: {  	[tilespmem:s0], [sflag:$0x1] =	stream.indirect_vreg.gather [hbm4b:s4+s3], $0x80, v4, vm0, $0xb8;
	[tilespmem:$0xC080] =	vst v63  }
0x80: {  	s6 =	simm.s32 $0x1080  }
0x81: {  	[tilespmem:s6], [sflag:$0x1] =	stream.indirect_vreg.gather [hbm4b:s5+s3], $0x80, v4, vm0, $0xb8;
	[tilespmem:$0xC080] =	vst v63  }
0x82: {  	s12 =	simm.s32 $0x1880  }
0x83: {  	[tilespmem:s12], [sflag:$0x1] =	stream.indirect_vreg.gather [hbm4b:s1+s3], $0x80, v3, vm0, $0xb8;
	[tilespmem:$0xC080] =	vst v63  }
0x84: {  	s13 =	simm.s32 $0x2080  }
0x85: {  	[tilespmem:s13], [sflag:$0x1] =	stream.indirect_vreg.gather [hbm4b:s4+s3], $0x80, v3, vm0, $0xb8;
	[tilespmem:$0xC080] =	vst v63  }
0x86: {  	s14 =	simm.s32 $0x2880  }
0x87: {  	[tilespmem:s14], [sflag:$0x1] =	stream.indirect_vreg.gather [hbm4b:s5+s3], $0x80, v3, vm0, $0xb8;
	[tilespmem:$0xC080] =	vst v63  }
0x88: {  	v3 =	vld [tilespmem:$0x10];
	_ =	sdelay $0x4  }
0x89: {  	v37 =	vshrl.u32 v3, $0x3  }
0x8a: {  	v4 =	vmul.u32 $0x30, v37  }
0x8b: {  	v3 =	vand.u32 $0x7, v3  }
0x8c: {  	v3 =	vor.u32 v3, v4  }
0x8d: {  	v4 =	vperm.xlane v3, v0;
	_ =	sdelay $0x1  }
0x8e: {  	v4 =	vadd.s32 v1, v4;
	_ =	sdelay $0x3  }
0x8f: {  	s15 =	simm.s32 $0x3080;
	v3 =	vperm.xlane v3, v2  }
0x90: {  	[tilespmem:s15], [sflag:$0x1] =	stream.indirect_vreg.gather [hbm4b:s1+s3], $0x80, v4, vm0, $0xb8;
	[tilespmem:$0xC080] =	vst v63  }
0x91: {  	s16 =	simm.s32 $0x3880;
	v3 =	vadd.s32 v1, v3  }
0x92: {  	[tilespmem:s16], [sflag:$0x1] =	stream.indirect_vreg.gather [hbm4b:s4+s3], $0x80, v4, vm0, $0xb8;
	[tilespmem:$0xC080] =	vst v63  }
0x93: {  	s17 =	simm.s32 $0x4080  }
0x94: {  	[tilespmem:s17], [sflag:$0x1] =	stream.indirect_vreg.gather [hbm4b:s5+s3], $0x80, v4, vm0, $0xb8;
	[tilespmem:$0xC080] =	vst v63  }
0x95: {  	s18 =	simm.s32 $0x4880  }
0x96: {  	[tilespmem:s18], [sflag:$0x1] =	stream.indirect_vreg.gather [hbm4b:s1+s3], $0x80, v3, vm0, $0xb8;
	[tilespmem:$0xC080] =	vst v63  }
0x97: {  	s19 =	simm.s32 $0x5080  }
0x98: {  	[tilespmem:s19], [sflag:$0x1] =	stream.indirect_vreg.gather [hbm4b:s4+s3], $0x80, v3, vm0, $0xb8;
	[tilespmem:$0xC080] =	vst v63  }
0x99: {  	s20 =	simm.s32 $0x5880  }
0x9a: {  	[tilespmem:s20], [sflag:$0x1] =	stream.indirect_vreg.gather [hbm4b:s5+s3], $0x80, v3, vm0, $0xb8;
	[tilespmem:$0xC080] =	vst v63  }
0x9b: {  	v3 =	vld [tilespmem:$0x20];
	_ =	sdelay $0x4  }
0x9c: {  	v38 =	vshrl.u32 v3, $0x3  }
0x9d: {  	v4 =	vmul.u32 $0x30, v38  }
0x9e: {  	v3 =	vand.u32 $0x7, v3  }
0x9f: {  	v3 =	vor.u32 v3, v4  }
0xa0: {  	v4 =	vperm.xlane v3, v0;
	_ =	sdelay $0x1  }
0xa1: {  	v4 =	vadd.s32 v1, v4;
	_ =	sdelay $0x3  }
0xa2: {  	s21 =	simm.s32 $0x6080;
	v3 =	vperm.xlane v3, v2  }
0xa3: {  	[tilespmem:s21], [sflag:$0x1] =	stream.indirect_vreg.gather [hbm4b:s1+s3], $0x80, v4, vm0, $0xb8;
	[tilespmem:$0xC080] =	vst v63  }
0xa4: {  	s22 =	simm.s32 $0x6880;
	v3 =	vadd.s32 v1, v3  }
0xa5: {  	[tilespmem:s22], [sflag:$0x1] =	stream.indirect_vreg.gather [hbm4b:s4+s3], $0x80, v4, vm0, $0xb8;
	[tilespmem:$0xC080] =	vst v63  }
0xa6: {  	s23 =	simm.s32 $0x7080  }
0xa7: {  	[tilespmem:s23], [sflag:$0x1] =	stream.indirect_vreg.gather [hbm4b:s5+s3], $0x80, v4, vm0, $0xb8;
	[tilespmem:$0xC080] =	vst v63  }
0xa8: {  	s24 =	simm.s32 $0x7880  }
0xa9: {  	[tilespmem:s24], [sflag:$0x1] =	stream.indirect_vreg.gather [hbm4b:s1+s3], $0x80, v3, vm0, $0xb8;
	[tilespmem:$0xC080] =	vst v63  }
0xaa: {  	s25 =	simm.s32 $0x8080  }
0xab: {  	[tilespmem:s25], [sflag:$0x1] =	stream.indirect_vreg.gather [hbm4b:s4+s3], $0x80, v3, vm0, $0xb8;
	[tilespmem:$0xC080] =	vst v63  }
0xac: {  	s26 =	simm.s32 $0x8880  }
0xad: {  	[tilespmem:s26], [sflag:$0x1] =	stream.indirect_vreg.gather [hbm4b:s5+s3], $0x80, v3, vm0, $0xb8;
	[tilespmem:$0xC080] =	vst v63  }
0xae: {  	v3 =	vld [tilespmem:$0x30];
	_ =	sdelay $0x4  }
0xaf: {  	v39 =	vshrl.u32 v3, $0x3  }
0xb0: {  	v4 =	vmul.u32 $0x30, v39  }
0xb1: {  	v3 =	vand.u32 $0x7, v3  }
0xb2: {  	v3 =	vor.u32 v3, v4  }
0xb3: {  	v4 =	vperm.xlane v3, v0;
	_ =	sdelay $0x1  }
0xb4: {  	v4 =	vadd.s32 v1, v4;
	_ =	sdelay $0x3  }
0xb5: {  	s28 =	simm.s32 $0x9080;
	v3 =	vperm.xlane v3, v2  }
0xb6: {  	[tilespmem:s28], [sflag:$0x1] =	stream.indirect_vreg.gather [hbm4b:s1+s3], $0x80, v4, vm0, $0xb8;
	[tilespmem:$0xC080] =	vst v63  }
0xb7: {  	s29 =	simm.s32 $0x9880;
	v3 =	vadd.s32 v1, v3  }
0xb8: {  	[tilespmem:s29], [sflag:$0x1] =	stream.indirect_vreg.gather [hbm4b:s4+s3], $0x80, v4, vm0, $0xb8;
	[tilespmem:$0xC080] =	vst v63  }
0xb9: {  	s30 =	simm.s32 $0xA080  }
0xba: {  	[tilespmem:s30], [sflag:$0x1] =	stream.indirect_vreg.gather [hbm4b:s5+s3], $0x80, v4, vm0, $0xb8;
	[tilespmem:$0xC080] =	vst v63  }
0xbb: {  	s31 =	simm.s32 $0xA880  }
0xbc: {  	[tilespmem:s31], [sflag:$0x1] =	stream.indirect_vreg.gather [hbm4b:s1+s3], $0x80, v3, vm0, $0xb8;
	[tilespmem:$0xC080] =	vst v63  }
0xbd: {  	s9 =	simm.s32 $0xB080  }
0xbe: {  	[tilespmem:s9], [sflag:$0x1] =	stream.indirect_vreg.gather [hbm4b:s4+s3], $0x80, v3, vm0, $0xb8;
	[tilespmem:$0xC080] =	vst v63  }
0xbf: {  	s10 =	simm.s32 $0xB880  }
0xc0: {  	[tilespmem:s10], [sflag:$0x1] =	stream.indirect_vreg.gather [hbm4b:s5+s3], $0x80, v3, vm0, $0xb8;
	[tilespmem:$0xC080] =	vst v63  }
0xc1: {  	_ =	swait.ge [sflag:s2], $0xC000  }
0xc2: {  	[sflag:s2] =	ssyncset.done $0x0  }
0xc3: {  	s9 =	rddreg [dreg:$0x7];
	[sflag:s2] =	ssyncadd.s32 $0xFFFF4000  }
0xc4: {  	[hbm4b:s9+s3] =	stream.linear.scatter [tilespmem:s8], [sflag:$0x2], $0xC000, $0x38;
	[tilespmem:$0xC080] =	vst v63  }
0xc5: {  	_ =	swait.ge [sflag:s7], $0xC000  }
0xc6: {  	[sflag:s7] =	ssyncset.done $0x0  }
0xc7: {  	s9 =	rddreg [dreg:$0x8];
	[sflag:s7] =	ssyncadd.s32 $0xFFFF4000  }
0xc8: {  	[tilespmem:s3], [sflag:$0x2] =	stream.linear.gather [hbm4b:s9+s3], $0x40, $0x38;
	[tilespmem:$0xC080] =	vst v63  }
0xc9: {  	_ =	swait.ge [sflag:s7], $0x40  }
0xca: {  	[sflag:s7] =	ssyncset.done $0x0  }
0xcb: {  	[sflag:s7] =	ssyncadd.s32 $0xFFFFFFC0  }
0xcc: {  	v3 =	vld [tilespmem:$0x0];
	_ =	sdelay $0x4  }
0xcd: {  	v40 =	vshrl.u32 v3, $0x3  }
0xce: {  	v4 =	vmul.u32 $0x30, v40  }
0xcf: {  	v3 =	vand.u32 $0x7, v3  }
0xd0: {  	v3 =	vor.u32 v3, v4  }
0xd1: {  	v4 =	vperm.xlane v3, v0;
	_ =	sdelay $0x1  }
0xd2: {  	v4 =	vadd.s32 v1, v4;
	_ =	sdelay $0x3  }
0xd3: {  	v3 =	vperm.xlane v3, v2  }
0xd4: {  	[tilespmem:s8], [sflag:$0x1] =	stream.indirect_vreg.gather [hbm4b:s1+s3], $0x80, v4, vm0, $0xb8;
	[tilespmem:$0xC080] =	vst v63  }
0xd5: {  	v3 =	vadd.s32 v1, v3  }
0xd6: {  	[tilespmem:s0], [sflag:$0x1] =	stream.indirect_vreg.gather [hbm4b:s4+s3], $0x80, v4, vm0, $0xb8;
	[tilespmem:$0xC080] =	vst v63  }
0xd7: {  	_ = 	snop  }
0xd8: {  	[tilespmem:s6], [sflag:$0x1] =	stream.indirect_vreg.gather [hbm4b:s5+s3], $0x80, v4, vm0, $0xb8;
	[tilespmem:$0xC080] =	vst v63  }
0xd9: {  	_ = 	snop  }
0xda: {  	[tilespmem:s12], [sflag:$0x1] =	stream.indirect_vreg.gather [hbm4b:s1+s3], $0x80, v3, vm0, $0xb8;
	[tilespmem:$0xC080] =	vst v63  }
0xdb: {  	_ = 	snop  }
0xdc: {  	[tilespmem:s13], [sflag:$0x1] =	stream.indirect_vreg.gather [hbm4b:s4+s3], $0x80, v3, vm0, $0xb8;
	[tilespmem:$0xC080] =	vst v63  }
0xdd: {  	_ = 	snop  }
0xde: {  	[tilespmem:s14], [sflag:$0x1] =	stream.indirect_vreg.gather [hbm4b:s5+s3], $0x80, v3, vm0, $0xb8;
	[tilespmem:$0xC080] =	vst v63  }
0xdf: {  	v3 =	vld [tilespmem:$0x10];
	_ =	sdelay $0x4  }
0xe0: {  	v41 =	vshrl.u32 v3, $0x3  }
0xe1: {  	v4 =	vmul.u32 $0x30, v41  }
0xe2: {  	v3 =	vand.u32 $0x7, v3  }
0xe3: {  	v3 =	vor.u32 v3, v4  }
0xe4: {  	v4 =	vperm.xlane v3, v0;
	_ =	sdelay $0x1  }
0xe5: {  	v4 =	vadd.s32 v1, v4;
	_ =	sdelay $0x3  }
0xe6: {  	v3 =	vperm.xlane v3, v2  }
0xe7: {  	[tilespmem:s15], [sflag:$0x1] =	stream.indirect_vreg.gather [hbm4b:s1+s3], $0x80, v4, vm0, $0xb8;
	[tilespmem:$0xC080] =	vst v63  }
0xe8: {  	v3 =	vadd.s32 v1, v3  }
0xe9: {  	[tilespmem:s16], [sflag:$0x1] =	stream.indirect_vreg.gather [hbm4b:s4+s3], $0x80, v4, vm0, $0xb8;
	[tilespmem:$0xC080] =	vst v63  }
0xea: {  	_ = 	snop  }
0xeb: {  	[tilespmem:s17], [sflag:$0x1] =	stream.indirect_vreg.gather [hbm4b:s5+s3], $0x80, v4, vm0, $0xb8;
	[tilespmem:$0xC080] =	vst v63  }
0xec: {  	_ = 	snop  }
0xed: {  	[tilespmem:s18], [sflag:$0x1] =	stream.indirect_vreg.gather [hbm4b:s1+s3], $0x80, v3, vm0, $0xb8;
	[tilespmem:$0xC080] =	vst v63  }
0xee: {  	_ = 	snop  }
0xef: {  	[tilespmem:s19], [sflag:$0x1] =	stream.indirect_vreg.gather [hbm4b:s4+s3], $0x80, v3, vm0, $0xb8;
	[tilespmem:$0xC080] =	vst v63  }
0xf0: {  	_ = 	snop  }
0xf1: {  	[tilespmem:s20], [sflag:$0x1] =	stream.indirect_vreg.gather [hbm4b:s5+s3], $0x80, v3, vm0, $0xb8;
	[tilespmem:$0xC080] =	vst v63  }
0xf2: {  	v3 =	vld [tilespmem:$0x20];
	_ =	sdelay $0x4  }
0xf3: {  	v42 =	vshrl.u32 v3, $0x3  }
0xf4: {  	v4 =	vmul.u32 $0x30, v42  }
0xf5: {  	v3 =	vand.u32 $0x7, v3  }
0xf6: {  	v3 =	vor.u32 v3, v4  }
0xf7: {  	v4 =	vperm.xlane v3, v0;
	_ =	sdelay $0x1  }
0xf8: {  	v4 =	vadd.s32 v1, v4;
	_ =	sdelay $0x3  }
0xf9: {  	v3 =	vperm.xlane v3, v2  }
0xfa: {  	[tilespmem:s21], [sflag:$0x1] =	stream.indirect_vreg.gather [hbm4b:s1+s3], $0x80, v4, vm0, $0xb8;
	[tilespmem:$0xC080] =	vst v63  }
0xfb: {  	v3 =	vadd.s32 v1, v3  }
0xfc: {  	[tilespmem:s22], [sflag:$0x1] =	stream.indirect_vreg.gather [hbm4b:s4+s3], $0x80, v4, vm0, $0xb8;
	[tilespmem:$0xC080] =	vst v63  }
0xfd: {  	_ = 	snop  }
0xfe: {  	[tilespmem:s23], [sflag:$0x1] =	stream.indirect_vreg.gather [hbm4b:s5+s3], $0x80, v4, vm0, $0xb8;
	[tilespmem:$0xC080] =	vst v63  }
0xff: {  	_ = 	snop  }
0x100: {  	[tilespmem:s24], [sflag:$0x1] =	stream.indirect_vreg.gather [hbm4b:s1+s3], $0x80, v3, vm0, $0xb8;
	[tilespmem:$0xC080] =	vst v63  }
0x101: {  	_ = 	snop  }
0x102: {  	[tilespmem:s25], [sflag:$0x1] =	stream.indirect_vreg.gather [hbm4b:s4+s3], $0x80, v3, vm0, $0xb8;
	[tilespmem:$0xC080] =	vst v63  }
0x103: {  	_ = 	snop  }
0x104: {  	[tilespmem:s26], [sflag:$0x1] =	stream.indirect_vreg.gather [hbm4b:s5+s3], $0x80, v3, vm0, $0xb8;
	[tilespmem:$0xC080] =	vst v63  }
0x105: {  	v3 =	vld [tilespmem:$0x30];
	_ =	sdelay $0x4  }
0x106: {  	v43 =	vshrl.u32 v3, $0x3  }
0x107: {  	v4 =	vmul.u32 $0x30, v43  }
0x108: {  	v3 =	vand.u32 $0x7, v3  }
0x109: {  	v3 =	vor.u32 v3, v4  }
0x10a: {  	v4 =	vperm.xlane v3, v0;
	_ =	sdelay $0x1  }
0x10b: {  	v4 =	vadd.s32 v1, v4;
	_ =	sdelay $0x3  }
0x10c: {  	v3 =	vperm.xlane v3, v2  }
0x10d: {  	[tilespmem:s28], [sflag:$0x1] =	stream.indirect_vreg.gather [hbm4b:s1+s3], $0x80, v4, vm0, $0xb8;
	[tilespmem:$0xC080] =	vst v63  }
0x10e: {  	v3 =	vadd.s32 v1, v3  }
0x10f: {  	[tilespmem:s29], [sflag:$0x1] =	stream.indirect_vreg.gather [hbm4b:s4+s3], $0x80, v4, vm0, $0xb8;
	[tilespmem:$0xC080] =	vst v63  }
0x110: {  	_ = 	snop  }
0x111: {  	[tilespmem:s30], [sflag:$0x1] =	stream.indirect_vreg.gather [hbm4b:s5+s3], $0x80, v4, vm0, $0xb8;
	[tilespmem:$0xC080] =	vst v63  }
0x112: {  	_ = 	snop  }
0x113: {  	[tilespmem:s31], [sflag:$0x1] =	stream.indirect_vreg.gather [hbm4b:s1+s3], $0x80, v3, vm0, $0xb8;
	[tilespmem:$0xC080] =	vst v63  }
0x114: {  	s31 =	simm.s32 $0xB080  }
0x115: {  	[tilespmem:s31], [sflag:$0x1] =	stream.indirect_vreg.gather [hbm4b:s4+s3], $0x80, v3, vm0, $0xb8;
	[tilespmem:$0xC080] =	vst v63  }
0x116: {  	s10 =	simm.s32 $0xB880  }
0x117: {  	[tilespmem:s10], [sflag:$0x1] =	stream.indirect_vreg.gather [hbm4b:s5+s3], $0x80, v3, vm0, $0xb8;
	[tilespmem:$0xC080] =	vst v63  }
0x118: {  	_ =	swait.ge [sflag:s2], $0xC000  }
0x119: {  	[sflag:s2] =	ssyncset.done $0x0  }
0x11a: {  	s9 =	rddreg [dreg:$0x9];
	[sflag:s2] =	ssyncadd.s32 $0xFFFF4000  }
0x11b: {  	[hbm4b:s9+s3] =	stream.linear.scatter [tilespmem:s8], [sflag:$0x2], $0xC000, $0x38;
	[tilespmem:$0xC080] =	vst v63  }
0x11c: {  	_ =	swait.ge [sflag:s7], $0xC000  }
0x11d: {  	[sflag:s7] =	ssyncset.done $0x0  }
0x11e: {  	s9 =	rddreg [dreg:$0xa];
	[sflag:s7] =	ssyncadd.s32 $0xFFFF4000  }
0x11f: {  	[tilespmem:s3], [sflag:$0x2] =	stream.linear.gather [hbm4b:s9+s3], $0x40, $0x38;
	[tilespmem:$0xC080] =	vst v63  }
0x120: {  	_ =	swait.ge [sflag:s7], $0x40  }
0x121: {  	[sflag:s7] =	ssyncset.done $0x0  }
0x122: {  	[sflag:s7] =	ssyncadd.s32 $0xFFFFFFC0  }
0x123: {  	v3 =	vld [tilespmem:$0x0];
	_ =	sdelay $0x4  }
0x124: {  	v44 =	vshrl.u32 v3, $0x3  }
0x125: {  	v4 =	vmul.u32 $0x30, v44  }
0x126: {  	v3 =	vand.u32 $0x7, v3  }
0x127: {  	v3 =	vor.u32 v3, v4  }
0x128: {  	v4 =	vperm.xlane v3, v0;
	_ =	sdelay $0x1  }
0x129: {  	v4 =	vadd.s32 v1, v4;
	_ =	sdelay $0x3  }
0x12a: {  	v3 =	vperm.xlane v3, v2  }
0x12b: {  	[tilespmem:s8], [sflag:$0x1] =	stream.indirect_vreg.gather [hbm4b:s1+s3], $0x80, v4, vm0, $0xb8;
	[tilespmem:$0xC080] =	vst v63  }
0x12c: {  	s9 =	simm.s32 $0x880;
	v3 =	vadd.s32 v1, v3  }
0x12d: {  	[tilespmem:s9], [sflag:$0x1] =	stream.indirect_vreg.gather [hbm4b:s4+s3], $0x80, v4, vm0, $0xb8;
	[tilespmem:$0xC080] =	vst v63  }
0x12e: {  	s0 =	simm.s32 $0x1080  }
0x12f: {  	[tilespmem:s0], [sflag:$0x1] =	stream.indirect_vreg.gather [hbm4b:s5+s3], $0x80, v4, vm0, $0xb8;
	[tilespmem:$0xC080] =	vst v63  }
0x130: {  	s6 =	simm.s32 $0x1880  }
0x131: {  	[tilespmem:s6], [sflag:$0x1] =	stream.indirect_vreg.gather [hbm4b:s1+s3], $0x80, v3, vm0, $0xb8;
	[tilespmem:$0xC080] =	vst v63  }
0x132: {  	s12 =	simm.s32 $0x2080  }
0x133: {  	[tilespmem:s12], [sflag:$0x1] =	stream.indirect_vreg.gather [hbm4b:s4+s3], $0x80, v3, vm0, $0xb8;
	[tilespmem:$0xC080] =	vst v63  }
0x134: {  	s13 =	simm.s32 $0x2880  }
0x135: {  	[tilespmem:s13], [sflag:$0x1] =	stream.indirect_vreg.gather [hbm4b:s5+s3], $0x80, v3, vm0, $0xb8;
	[tilespmem:$0xC080] =	vst v63  }
0x136: {  	v3 =	vld [tilespmem:$0x10];
	_ =	sdelay $0x4  }
0x137: {  	v45 =	vshrl.u32 v3, $0x3  }
0x138: {  	v4 =	vmul.u32 $0x30, v45  }
0x139: {  	v3 =	vand.u32 $0x7, v3  }
0x13a: {  	v3 =	vor.u32 v3, v4  }
0x13b: {  	v4 =	vperm.xlane v3, v0;
	_ =	sdelay $0x1  }
0x13c: {  	v4 =	vadd.s32 v1, v4;
	_ =	sdelay $0x3  }
0x13d: {  	s14 =	simm.s32 $0x3080;
	v3 =	vperm.xlane v3, v2  }
0x13e: {  	[tilespmem:s14], [sflag:$0x1] =	stream.indirect_vreg.gather [hbm4b:s1+s3], $0x80, v4, vm0, $0xb8;
	[tilespmem:$0xC080] =	vst v63  }
0x13f: {  	s15 =	simm.s32 $0x3880;
	v3 =	vadd.s32 v1, v3  }
0x140: {  	[tilespmem:s15], [sflag:$0x1] =	stream.indirect_vreg.gather [hbm4b:s4+s3], $0x80, v4, vm0, $0xb8;
	[tilespmem:$0xC080] =	vst v63  }
0x141: {  	s16 =	simm.s32 $0x4080  }
0x142: {  	[tilespmem:s16], [sflag:$0x1] =	stream.indirect_vreg.gather [hbm4b:s5+s3], $0x80, v4, vm0, $0xb8;
	[tilespmem:$0xC080] =	vst v63  }
0x143: {  	s17 =	simm.s32 $0x4880  }
0x144: {  	[tilespmem:s17], [sflag:$0x1] =	stream.indirect_vreg.gather [hbm4b:s1+s3], $0x80, v3, vm0, $0xb8;
	[tilespmem:$0xC080] =	vst v63  }
0x145: {  	s18 =	simm.s32 $0x5080  }
0x146: {  	[tilespmem:s18], [sflag:$0x1] =	stream.indirect_vreg.gather [hbm4b:s4+s3], $0x80, v3, vm0, $0xb8;
	[tilespmem:$0xC080] =	vst v63  }
0x147: {  	s19 =	simm.s32 $0x5880  }
0x148: {  	[tilespmem:s19], [sflag:$0x1] =	stream.indirect_vreg.gather [hbm4b:s5+s3], $0x80, v3, vm0, $0xb8;
	[tilespmem:$0xC080] =	vst v63  }
0x149: {  	v3 =	vld [tilespmem:$0x20];
	_ =	sdelay $0x4  }
0x14a: {  	v46 =	vshrl.u32 v3, $0x3  }
0x14b: {  	v4 =	vmul.u32 $0x30, v46  }
0x14c: {  	v3 =	vand.u32 $0x7, v3  }
0x14d: {  	v3 =	vor.u32 v3, v4  }
0x14e: {  	v4 =	vperm.xlane v3, v0;
	_ =	sdelay $0x1  }
0x14f: {  	v4 =	vadd.s32 v1, v4;
	_ =	sdelay $0x3  }
0x150: {  	s20 =	simm.s32 $0x6080;
	v3 =	vperm.xlane v3, v2  }
0x151: {  	[tilespmem:s20], [sflag:$0x1] =	stream.indirect_vreg.gather [hbm4b:s1+s3], $0x80, v4, vm0, $0xb8;
	[tilespmem:$0xC080] =	vst v63  }
0x152: {  	s21 =	simm.s32 $0x6880;
	v3 =	vadd.s32 v1, v3  }
0x153: {  	[tilespmem:s21], [sflag:$0x1] =	stream.indirect_vreg.gather [hbm4b:s4+s3], $0x80, v4, vm0, $0xb8;
	[tilespmem:$0xC080] =	vst v63  }
0x154: {  	s22 =	simm.s32 $0x7080  }
0x155: {  	[tilespmem:s22], [sflag:$0x1] =	stream.indirect_vreg.gather [hbm4b:s5+s3], $0x80, v4, vm0, $0xb8;
	[tilespmem:$0xC080] =	vst v63  }
0x156: {  	s23 =	simm.s32 $0x7880  }
0x157: {  	[tilespmem:s23], [sflag:$0x1] =	stream.indirect_vreg.gather [hbm4b:s1+s3], $0x80, v3, vm0, $0xb8;
	[tilespmem:$0xC080] =	vst v63  }
0x158: {  	s24 =	simm.s32 $0x8080  }
0x159: {  	[tilespmem:s24], [sflag:$0x1] =	stream.indirect_vreg.gather [hbm4b:s4+s3], $0x80, v3, vm0, $0xb8;
	[tilespmem:$0xC080] =	vst v63  }
0x15a: {  	s25 =	simm.s32 $0x8880  }
0x15b: {  	[tilespmem:s25], [sflag:$0x1] =	stream.indirect_vreg.gather [hbm4b:s5+s3], $0x80, v3, vm0, $0xb8;
	[tilespmem:$0xC080] =	vst v63  }
0x15c: {  	v3 =	vld [tilespmem:$0x30];
	_ =	sdelay $0x4  }
0x15d: {  	v47 =	vshrl.u32 v3, $0x3  }
0x15e: {  	v4 =	vmul.u32 $0x30, v47  }
0x15f: {  	v3 =	vand.u32 $0x7, v3  }
0x160: {  	v3 =	vor.u32 v3, v4  }
0x161: {  	v4 =	vperm.xlane v3, v0;
	_ =	sdelay $0x1  }
0x162: {  	v4 =	vadd.s32 v1, v4;
	_ =	sdelay $0x3  }
0x163: {  	s26 =	simm.s32 $0x9080;
	v3 =	vperm.xlane v3, v2  }
0x164: {  	[tilespmem:s26], [sflag:$0x1] =	stream.indirect_vreg.gather [hbm4b:s1+s3], $0x80, v4, vm0, $0xb8;
	[tilespmem:$0xC080] =	vst v63  }
0x165: {  	s28 =	simm.s32 $0x9880;
	v3 =	vadd.s32 v1, v3  }
0x166: {  	[tilespmem:s28], [sflag:$0x1] =	stream.indirect_vreg.gather [hbm4b:s4+s3], $0x80, v4, vm0, $0xb8;
	[tilespmem:$0xC080] =	vst v63  }
0x167: {  	s29 =	simm.s32 $0xA080  }
0x168: {  	[tilespmem:s29], [sflag:$0x1] =	stream.indirect_vreg.gather [hbm4b:s5+s3], $0x80, v4, vm0, $0xb8;
	[tilespmem:$0xC080] =	vst v63  }
0x169: {  	s30 =	simm.s32 $0xA880  }
0x16a: {  	[tilespmem:s30], [sflag:$0x1] =	stream.indirect_vreg.gather [hbm4b:s1+s3], $0x80, v3, vm0, $0xb8;
	[tilespmem:$0xC080] =	vst v63  }
0x16b: {  	s31 =	simm.s32 $0xB080  }
0x16c: {  	[tilespmem:s31], [sflag:$0x1] =	stream.indirect_vreg.gather [hbm4b:s4+s3], $0x80, v3, vm0, $0xb8;
	[tilespmem:$0xC080] =	vst v63  }
0x16d: {  	s10 =	simm.s32 $0xB880  }
0x16e: {  	[tilespmem:s10], [sflag:$0x1] =	stream.indirect_vreg.gather [hbm4b:s5+s3], $0x80, v3, vm0, $0xb8;
	[tilespmem:$0xC080] =	vst v63  }
0x16f: {  	_ =	swait.ge [sflag:s2], $0xC000  }
0x170: {  	[sflag:s2] =	ssyncset.done $0x0  }
0x171: {  	s9 =	rddreg [dreg:$0xb];
	[sflag:s2] =	ssyncadd.s32 $0xFFFF4000  }
0x172: {  	[hbm4b:s9+s3] =	stream.linear.scatter [tilespmem:s8], [sflag:$0x2], $0xC000, $0x38;
	[tilespmem:$0xC080] =	vst v63  }
0x173: {  	_ =	swait.ge [sflag:s7], $0xC000  }
0x174: {  	[sflag:s7] =	ssyncset.done $0x0  }
0x175: {  	s9 =	rddreg [dreg:$0xc];
	[sflag:s7] =	ssyncadd.s32 $0xFFFF4000  }
0x176: {  	[tilespmem:s3], [sflag:$0x2] =	stream.linear.gather [hbm4b:s9+s3], $0x40, $0x38;
	[tilespmem:$0xC080] =	vst v63  }
0x177: {  	_ =	swait.ge [sflag:s7], $0x40  }
0x178: {  	[sflag:s7] =	ssyncset.done $0x0  }
0x179: {  	[sflag:s7] =	ssyncadd.s32 $0xFFFFFFC0  }
0x17a: {  	v3 =	vld [tilespmem:$0x0];
	_ =	sdelay $0x4  }
0x17b: {  	v48 =	vshrl.u32 v3, $0x3  }
0x17c: {  	v4 =	vmul.u32 $0x30, v48  }
0x17d: {  	v3 =	vand.u32 $0x7, v3  }
0x17e: {  	v3 =	vor.u32 v3, v4  }
0x17f: {  	v4 =	vperm.xlane v3, v0;
	_ =	sdelay $0x1  }
0x180: {  	v4 =	vadd.s32 v1, v4;
	_ =	sdelay $0x3  }
0x181: {  	v3 =	vperm.xlane v3, v2  }
0x182: {  	[tilespmem:s8], [sflag:$0x1] =	stream.indirect_vreg.gather [hbm4b:s1+s3], $0x80, v4, vm0, $0xb8;
	[tilespmem:$0xC080] =	vst v63  }
0x183: {  	s9 =	simm.s32 $0x880;
	v3 =	vadd.s32 v1, v3  }
0x184: {  	[tilespmem:s9], [sflag:$0x1] =	stream.indirect_vreg.gather [hbm4b:s4+s3], $0x80, v4, vm0, $0xb8;
	[tilespmem:$0xC080] =	vst v63  }
0x185: {  	s0 =	simm.s32 $0x1080  }
0x186: {  	[tilespmem:s0], [sflag:$0x1] =	stream.indirect_vreg.gather [hbm4b:s5+s3], $0x80, v4, vm0, $0xb8;
	[tilespmem:$0xC080] =	vst v63  }
0x187: {  	s6 =	simm.s32 $0x1880  }
0x188: {  	[tilespmem:s6], [sflag:$0x1] =	stream.indirect_vreg.gather [hbm4b:s1+s3], $0x80, v3, vm0, $0xb8;
	[tilespmem:$0xC080] =	vst v63  }
0x189: {  	s12 =	simm.s32 $0x2080  }
0x18a: {  	[tilespmem:s12], [sflag:$0x1] =	stream.indirect_vreg.gather [hbm4b:s4+s3], $0x80, v3, vm0, $0xb8;
	[tilespmem:$0xC080] =	vst v63  }
0x18b: {  	s13 =	simm.s32 $0x2880  }
0x18c: {  	[tilespmem:s13], [sflag:$0x1] =	stream.indirect_vreg.gather [hbm4b:s5+s3], $0x80, v3, vm0, $0xb8;
	[tilespmem:$0xC080] =	vst v63  }
0x18d: {  	v3 =	vld [tilespmem:$0x10];
	_ =	sdelay $0x4  }
0x18e: {  	v49 =	vshrl.u32 v3, $0x3  }
0x18f: {  	v4 =	vmul.u32 $0x30, v49  }
0x190: {  	v3 =	vand.u32 $0x7, v3  }
0x191: {  	v3 =	vor.u32 v3, v4  }
0x192: {  	v4 =	vperm.xlane v3, v0;
	_ =	sdelay $0x1  }
0x193: {  	v4 =	vadd.s32 v1, v4;
	_ =	sdelay $0x3  }
0x194: {  	s14 =	simm.s32 $0x3080;
	v3 =	vperm.xlane v3, v2  }
0x195: {  	[tilespmem:s14], [sflag:$0x1] =	stream.indirect_vreg.gather [hbm4b:s1+s3], $0x80, v4, vm0, $0xb8;
	[tilespmem:$0xC080] =	vst v63  }
0x196: {  	s15 =	simm.s32 $0x3880;
	v3 =	vadd.s32 v1, v3  }
0x197: {  	[tilespmem:s15], [sflag:$0x1] =	stream.indirect_vreg.gather [hbm4b:s4+s3], $0x80, v4, vm0, $0xb8;
	[tilespmem:$0xC080] =	vst v63  }
0x198: {  	s16 =	simm.s32 $0x4080  }
0x199: {  	[tilespmem:s16], [sflag:$0x1] =	stream.indirect_vreg.gather [hbm4b:s5+s3], $0x80, v4, vm0, $0xb8;
	[tilespmem:$0xC080] =	vst v63  }
0x19a: {  	s17 =	simm.s32 $0x4880  }
0x19b: {  	[tilespmem:s17], [sflag:$0x1] =	stream.indirect_vreg.gather [hbm4b:s1+s3], $0x80, v3, vm0, $0xb8;
	[tilespmem:$0xC080] =	vst v63  }
0x19c: {  	s18 =	simm.s32 $0x5080  }
0x19d: {  	[tilespmem:s18], [sflag:$0x1] =	stream.indirect_vreg.gather [hbm4b:s4+s3], $0x80, v3, vm0, $0xb8;
	[tilespmem:$0xC080] =	vst v63  }
0x19e: {  	s19 =	simm.s32 $0x5880  }
0x19f: {  	[tilespmem:s19], [sflag:$0x1] =	stream.indirect_vreg.gather [hbm4b:s5+s3], $0x80, v3, vm0, $0xb8;
	[tilespmem:$0xC080] =	vst v63  }
0x1a0: {  	v3 =	vld [tilespmem:$0x20];
	_ =	sdelay $0x4  }
0x1a1: {  	v50 =	vshrl.u32 v3, $0x3  }
0x1a2: {  	v4 =	vmul.u32 $0x30, v50  }
0x1a3: {  	v3 =	vand.u32 $0x7, v3  }
0x1a4: {  	v3 =	vor.u32 v3, v4  }
0x1a5: {  	v4 =	vperm.xlane v3, v0;
	_ =	sdelay $0x1  }
0x1a6: {  	v4 =	vadd.s32 v1, v4;
	_ =	sdelay $0x3  }
0x1a7: {  	s20 =	simm.s32 $0x6080;
	v3 =	vperm.xlane v3, v2  }
0x1a8: {  	[tilespmem:s20], [sflag:$0x1] =	stream.indirect_vreg.gather [hbm4b:s1+s3], $0x80, v4, vm0, $0xb8;
	[tilespmem:$0xC080] =	vst v63  }
0x1a9: {  	s21 =	simm.s32 $0x6880;
	v3 =	vadd.s32 v1, v3  }
0x1aa: {  	[tilespmem:s21], [sflag:$0x1] =	stream.indirect_vreg.gather [hbm4b:s4+s3], $0x80, v4, vm0, $0xb8;
	[tilespmem:$0xC080] =	vst v63  }
0x1ab: {  	s22 =	simm.s32 $0x7080  }
0x1ac: {  	[tilespmem:s22], [sflag:$0x1] =	stream.indirect_vreg.gather [hbm4b:s5+s3], $0x80, v4, vm0, $0xb8;
	[tilespmem:$0xC080] =	vst v63  }
0x1ad: {  	s23 =	simm.s32 $0x7880  }
0x1ae: {  	[tilespmem:s23], [sflag:$0x1] =	stream.indirect_vreg.gather [hbm4b:s1+s3], $0x80, v3, vm0, $0xb8;
	[tilespmem:$0xC080] =	vst v63  }
0x1af: {  	s24 =	simm.s32 $0x8080  }
0x1b0: {  	[tilespmem:s24], [sflag:$0x1] =	stream.indirect_vreg.gather [hbm4b:s4+s3], $0x80, v3, vm0, $0xb8;
	[tilespmem:$0xC080] =	vst v63  }
0x1b1: {  	s25 =	simm.s32 $0x8880  }
0x1b2: {  	[tilespmem:s25], [sflag:$0x1] =	stream.indirect_vreg.gather [hbm4b:s5+s3], $0x80, v3, vm0, $0xb8;
	[tilespmem:$0xC080] =	vst v63  }
0x1b3: {  	v3 =	vld [tilespmem:$0x30];
	_ =	sdelay $0x4  }
0x1b4: {  	v51 =	vshrl.u32 v3, $0x3  }
0x1b5: {  	v4 =	vmul.u32 $0x30, v51  }
0x1b6: {  	v3 =	vand.u32 $0x7, v3  }
0x1b7: {  	v3 =	vor.u32 v3, v4  }
0x1b8: {  	v4 =	vperm.xlane v3, v0;
	_ =	sdelay $0x1  }
0x1b9: {  	v4 =	vadd.s32 v1, v4;
	_ =	sdelay $0x3  }
0x1ba: {  	s26 =	simm.s32 $0x9080;
	v3 =	vperm.xlane v3, v2  }
0x1bb: {  	[tilespmem:s26], [sflag:$0x1] =	stream.indirect_vreg.gather [hbm4b:s1+s3], $0x80, v4, vm0, $0xb8;
	[tilespmem:$0xC080] =	vst v63  }
0x1bc: {  	s28 =	simm.s32 $0x9880;
	v3 =	vadd.s32 v1, v3  }
0x1bd: {  	[tilespmem:s28], [sflag:$0x1] =	stream.indirect_vreg.gather [hbm4b:s4+s3], $0x80, v4, vm0, $0xb8;
	[tilespmem:$0xC080] =	vst v63  }
0x1be: {  	s29 =	simm.s32 $0xA080  }
0x1bf: {  	[tilespmem:s29], [sflag:$0x1] =	stream.indirect_vreg.gather [hbm4b:s5+s3], $0x80, v4, vm0, $0xb8;
	[tilespmem:$0xC080] =	vst v63  }
0x1c0: {  	s30 =	simm.s32 $0xA880  }
0x1c1: {  	[tilespmem:s30], [sflag:$0x1] =	stream.indirect_vreg.gather [hbm4b:s1+s3], $0x80, v3, vm0, $0xb8;
	[tilespmem:$0xC080] =	vst v63  }
0x1c2: {  	s31 =	simm.s32 $0xB080  }
0x1c3: {  	[tilespmem:s31], [sflag:$0x1] =	stream.indirect_vreg.gather [hbm4b:s4+s3], $0x80, v3, vm0, $0xb8;
	[tilespmem:$0xC080] =	vst v63  }
0x1c4: {  	s10 =	simm.s32 $0xB880  }
0x1c5: {  	[tilespmem:s10], [sflag:$0x1] =	stream.indirect_vreg.gather [hbm4b:s5+s3], $0x80, v3, vm0, $0xb8;
	[tilespmem:$0xC080] =	vst v63  }
0x1c6: {  	_ =	swait.ge [sflag:s2], $0xC000  }
0x1c7: {  	[sflag:s2] =	ssyncset.done $0x0  }
0x1c8: {  	s9 =	rddreg [dreg:$0xd];
	[sflag:s2] =	ssyncadd.s32 $0xFFFF4000  }
0x1c9: {  	[hbm4b:s9+s3] =	stream.linear.scatter [tilespmem:s8], [sflag:$0x2], $0xC000, $0x38;
	[tilespmem:$0xC080] =	vst v63  }
0x1ca: {  	_ =	swait.ge [sflag:s7], $0xC000  }
0x1cb: {  	[sflag:s7] =	ssyncset.done $0x0  }
0x1cc: {  	s9 =	rddreg [dreg:$0xe];
	[sflag:s7] =	ssyncadd.s32 $0xFFFF4000  }
0x1cd: {  	[tilespmem:s3], [sflag:$0x2] =	stream.linear.gather [hbm4b:s9+s3], $0x40, $0x38;
	[tilespmem:$0xC080] =	vst v63  }
0x1ce: {  	_ =	swait.ge [sflag:s7], $0x40  }
0x1cf: {  	[sflag:s7] =	ssyncset.done $0x0  }
0x1d0: {  	[sflag:s7] =	ssyncadd.s32 $0xFFFFFFC0  }
0x1d1: {  	v3 =	vld [tilespmem:$0x0];
	_ =	sdelay $0x4  }
0x1d2: {  	v52 =	vshrl.u32 v3, $0x3  }
0x1d3: {  	v4 =	vmul.u32 $0x30, v52  }
0x1d4: {  	v3 =	vand.u32 $0x7, v3  }
0x1d5: {  	v3 =	vor.u32 v3, v4  }
0x1d6: {  	v4 =	vperm.xlane v3, v0;
	_ =	sdelay $0x1  }
0x1d7: {  	v4 =	vadd.s32 v1, v4;
	_ =	sdelay $0x3  }
0x1d8: {  	v3 =	vperm.xlane v3, v2  }
0x1d9: {  	[tilespmem:s8], [sflag:$0x1] =	stream.indirect_vreg.gather [hbm4b:s1+s3], $0x80, v4, vm0, $0xb8;
	[tilespmem:$0xC080] =	vst v63  }
0x1da: {  	s9 =	simm.s32 $0x880;
	v3 =	vadd.s32 v1, v3  }
0x1db: {  	[tilespmem:s9], [sflag:$0x1] =	stream.indirect_vreg.gather [hbm4b:s4+s3], $0x80, v4, vm0, $0xb8;
	[tilespmem:$0xC080] =	vst v63  }
0x1dc: {  	s0 =	simm.s32 $0x1080  }
0x1dd: {  	[tilespmem:s0], [sflag:$0x1] =	stream.indirect_vreg.gather [hbm4b:s5+s3], $0x80, v4, vm0, $0xb8;
	[tilespmem:$0xC080] =	vst v63  }
0x1de: {  	s6 =	simm.s32 $0x1880  }
0x1df: {  	[tilespmem:s6], [sflag:$0x1] =	stream.indirect_vreg.gather [hbm4b:s1+s3], $0x80, v3, vm0, $0xb8;
	[tilespmem:$0xC080] =	vst v63  }
0x1e0: {  	s12 =	simm.s32 $0x2080  }
0x1e1: {  	[tilespmem:s12], [sflag:$0x1] =	stream.indirect_vreg.gather [hbm4b:s4+s3], $0x80, v3, vm0, $0xb8;
	[tilespmem:$0xC080] =	vst v63  }
0x1e2: {  	s13 =	simm.s32 $0x2880  }
0x1e3: {  	[tilespmem:s13], [sflag:$0x1] =	stream.indirect_vreg.gather [hbm4b:s5+s3], $0x80, v3, vm0, $0xb8;
	[tilespmem:$0xC080] =	vst v63  }
0x1e4: {  	v3 =	vld [tilespmem:$0x10];
	_ =	sdelay $0x4  }
0x1e5: {  	v53 =	vshrl.u32 v3, $0x3  }
0x1e6: {  	v4 =	vmul.u32 $0x30, v53  }
0x1e7: {  	v3 =	vand.u32 $0x7, v3  }
0x1e8: {  	v3 =	vor.u32 v3, v4  }
0x1e9: {  	v4 =	vperm.xlane v3, v0;
	_ =	sdelay $0x1  }
0x1ea: {  	v4 =	vadd.s32 v1, v4;
	_ =	sdelay $0x3  }
0x1eb: {  	s14 =	simm.s32 $0x3080;
	v3 =	vperm.xlane v3, v2  }
0x1ec: {  	[tilespmem:s14], [sflag:$0x1] =	stream.indirect_vreg.gather [hbm4b:s1+s3], $0x80, v4, vm0, $0xb8;
	[tilespmem:$0xC080] =	vst v63  }
0x1ed: {  	s15 =	simm.s32 $0x3880;
	v3 =	vadd.s32 v1, v3  }
0x1ee: {  	[tilespmem:s15], [sflag:$0x1] =	stream.indirect_vreg.gather [hbm4b:s4+s3], $0x80, v4, vm0, $0xb8;
	[tilespmem:$0xC080] =	vst v63  }
0x1ef: {  	s16 =	simm.s32 $0x4080  }
0x1f0: {  	[tilespmem:s16], [sflag:$0x1] =	stream.indirect_vreg.gather [hbm4b:s5+s3], $0x80, v4, vm0, $0xb8;
	[tilespmem:$0xC080] =	vst v63  }
0x1f1: {  	s17 =	simm.s32 $0x4880  }
0x1f2: {  	[tilespmem:s17], [sflag:$0x1] =	stream.indirect_vreg.gather [hbm4b:s1+s3], $0x80, v3, vm0, $0xb8;
	[tilespmem:$0xC080] =	vst v63  }
0x1f3: {  	s18 =	simm.s32 $0x5080  }
0x1f4: {  	[tilespmem:s18], [sflag:$0x1] =	stream.indirect_vreg.gather [hbm4b:s4+s3], $0x80, v3, vm0, $0xb8;
	[tilespmem:$0xC080] =	vst v63  }
0x1f5: {  	s19 =	simm.s32 $0x5880  }
0x1f6: {  	[tilespmem:s19], [sflag:$0x1] =	stream.indirect_vreg.gather [hbm4b:s5+s3], $0x80, v3, vm0, $0xb8;
	[tilespmem:$0xC080] =	vst v63  }
0x1f7: {  	v3 =	vld [tilespmem:$0x20];
	_ =	sdelay $0x4  }
0x1f8: {  	v54 =	vshrl.u32 v3, $0x3  }
0x1f9: {  	v4 =	vmul.u32 $0x30, v54  }
0x1fa: {  	v3 =	vand.u32 $0x7, v3  }
0x1fb: {  	v3 =	vor.u32 v3, v4  }
0x1fc: {  	v4 =	vperm.xlane v3, v0;
	_ =	sdelay $0x1  }
0x1fd: {  	v4 =	vadd.s32 v1, v4;
	_ =	sdelay $0x3  }
0x1fe: {  	s20 =	simm.s32 $0x6080;
	v3 =	vperm.xlane v3, v2  }
0x1ff: {  	[tilespmem:s20], [sflag:$0x1] =	stream.indirect_vreg.gather [hbm4b:s1+s3], $0x80, v4, vm0, $0xb8;
	[tilespmem:$0xC080] =	vst v63  }
0x200: {  	s21 =	simm.s32 $0x6880;
	v3 =	vadd.s32 v1, v3  }
0x201: {  	[tilespmem:s21], [sflag:$0x1] =	stream.indirect_vreg.gather [hbm4b:s4+s3], $0x80, v4, vm0, $0xb8;
	[tilespmem:$0xC080] =	vst v63  }
0x202: {  	s22 =	simm.s32 $0x7080  }
0x203: {  	[tilespmem:s22], [sflag:$0x1] =	stream.indirect_vreg.gather [hbm4b:s5+s3], $0x80, v4, vm0, $0xb8;
	[tilespmem:$0xC080] =	vst v63  }
0x204: {  	s23 =	simm.s32 $0x7880  }
0x205: {  	[tilespmem:s23], [sflag:$0x1] =	stream.indirect_vreg.gather [hbm4b:s1+s3], $0x80, v3, vm0, $0xb8;
	[tilespmem:$0xC080] =	vst v63  }
0x206: {  	s24 =	simm.s32 $0x8080  }
0x207: {  	[tilespmem:s24], [sflag:$0x1] =	stream.indirect_vreg.gather [hbm4b:s4+s3], $0x80, v3, vm0, $0xb8;
	[tilespmem:$0xC080] =	vst v63  }
0x208: {  	s25 =	simm.s32 $0x8880  }
0x209: {  	[tilespmem:s25], [sflag:$0x1] =	stream.indirect_vreg.gather [hbm4b:s5+s3], $0x80, v3, vm0, $0xb8;
	[tilespmem:$0xC080] =	vst v63  }
0x20a: {  	v3 =	vld [tilespmem:$0x30];
	_ =	sdelay $0x4  }
0x20b: {  	v55 =	vshrl.u32 v3, $0x3  }
0x20c: {  	v4 =	vmul.u32 $0x30, v55  }
0x20d: {  	v3 =	vand.u32 $0x7, v3  }
0x20e: {  	v3 =	vor.u32 v3, v4  }
0x20f: {  	v4 =	vperm.xlane v3, v0;
	_ =	sdelay $0x1  }
0x210: {  	v4 =	vadd.s32 v1, v4;
	_ =	sdelay $0x3  }
0x211: {  	s26 =	simm.s32 $0x9080;
	v3 =	vperm.xlane v3, v2  }
0x212: {  	[tilespmem:s26], [sflag:$0x1] =	stream.indirect_vreg.gather [hbm4b:s1+s3], $0x80, v4, vm0, $0xb8;
	[tilespmem:$0xC080] =	vst v63  }
0x213: {  	s28 =	simm.s32 $0x9880;
	v3 =	vadd.s32 v1, v3  }
0x214: {  	[tilespmem:s28], [sflag:$0x1] =	stream.indirect_vreg.gather [hbm4b:s4+s3], $0x80, v4, vm0, $0xb8;
	[tilespmem:$0xC080] =	vst v63  }
0x215: {  	s29 =	simm.s32 $0xA080  }
0x216: {  	[tilespmem:s29], [sflag:$0x1] =	stream.indirect_vreg.gather [hbm4b:s5+s3], $0x80, v4, vm0, $0xb8;
	[tilespmem:$0xC080] =	vst v63  }
0x217: {  	s30 =	simm.s32 $0xA880  }
0x218: {  	[tilespmem:s30], [sflag:$0x1] =	stream.indirect_vreg.gather [hbm4b:s1+s3], $0x80, v3, vm0, $0xb8;
	[tilespmem:$0xC080] =	vst v63  }
0x219: {  	s31 =	simm.s32 $0xB080  }
0x21a: {  	[tilespmem:s31], [sflag:$0x1] =	stream.indirect_vreg.gather [hbm4b:s4+s3], $0x80, v3, vm0, $0xb8;
	[tilespmem:$0xC080] =	vst v63  }
0x21b: {  	s10 =	simm.s32 $0xB880  }
0x21c: {  	[tilespmem:s10], [sflag:$0x1] =	stream.indirect_vreg.gather [hbm4b:s5+s3], $0x80, v3, vm0, $0xb8;
	[tilespmem:$0xC080] =	vst v63  }
0x21d: {  	_ =	swait.ge [sflag:s2], $0xC000  }
0x21e: {  	[sflag:s2] =	ssyncset.done $0x0  }
0x21f: {  	s10 =	rddreg [dreg:$0xf];
	[sflag:s2] =	ssyncadd.s32 $0xFFFF4000  }
0x220: {  	[hbm4b:s10+s3] =	stream.linear.scatter [tilespmem:s8], [sflag:$0x2], $0xC000, $0x38;
	[tilespmem:$0xC080] =	vst v63  }
0x221: {  	_ =	swait.ge [sflag:s7], $0xC000  }
0x222: {  	[sflag:s7] =	ssyncset.done $0x0  }
0x223: {  	s31 =	rddreg [dreg:$0x10];
	[sflag:s7] =	ssyncadd.s32 $0xFFFF4000  }
0x224: {  	[tilespmem:s3], [sflag:$0x2] =	stream.linear.gather [hbm4b:s31+s3], $0x40, $0x38;
	[tilespmem:$0xC080] =	vst v63  }
0x225: {  	_ =	swait.ge [sflag:s7], $0x40  }
0x226: {  	[sflag:s7] =	ssyncset.done $0x0  }
0x227: {  	[sflag:s7] =	ssyncadd.s32 $0xFFFFFFC0  }
0x228: {  	v3 =	vld [tilespmem:$0x0];
	_ =	sdelay $0x4  }
0x229: {  	v56 =	vshrl.u32 v3, $0x3  }
0x22a: {  	v4 =	vmul.u32 $0x30, v56  }
0x22b: {  	v3 =	vand.u32 $0x7, v3  }
0x22c: {  	v3 =	vor.u32 v3, v4  }
0x22d: {  	v4 =	vperm.xlane v3, v0;
	_ =	sdelay $0x1  }
0x22e: {  	v4 =	vadd.s32 v1, v4;
	_ =	sdelay $0x3  }
0x22f: {  	v3 =	vperm.xlane v3, v2  }
0x230: {  	[tilespmem:s8], [sflag:$0x1] =	stream.indirect_vreg.gather [hbm4b:s1+s3], $0x80, v4, vm0, $0xb8;
	[tilespmem:$0xC080] =	vst v63  }
0x231: {  	s10 =	simm.s32 $0x880;
	v3 =	vadd.s32 v1, v3  }
0x232: {  	[tilespmem:s10], [sflag:$0x1] =	stream.indirect_vreg.gather [hbm4b:s4+s3], $0x80, v4, vm0, $0xb8;
	[tilespmem:$0xC080] =	vst v63  }
0x233: {  	s0 =	simm.s32 $0x1080  }
0x234: {  	[tilespmem:s0], [sflag:$0x1] =	stream.indirect_vreg.gather [hbm4b:s5+s3], $0x80, v4, vm0, $0xb8;
	[tilespmem:$0xC080] =	vst v63  }
0x235: {  	s6 =	simm.s32 $0x1880  }
0x236: {  	[tilespmem:s6], [sflag:$0x1] =	stream.indirect_vreg.gather [hbm4b:s1+s3], $0x80, v3, vm0, $0xb8;
	[tilespmem:$0xC080] =	vst v63  }
0x237: {  	s12 =	simm.s32 $0x2080  }
0x238: {  	[tilespmem:s12], [sflag:$0x1] =	stream.indirect_vreg.gather [hbm4b:s4+s3], $0x80, v3, vm0, $0xb8;
	[tilespmem:$0xC080] =	vst v63  }
0x239: {  	s13 =	simm.s32 $0x2880  }
0x23a: {  	[tilespmem:s13], [sflag:$0x1] =	stream.indirect_vreg.gather [hbm4b:s5+s3], $0x80, v3, vm0, $0xb8;
	[tilespmem:$0xC080] =	vst v63  }
0x23b: {  	v3 =	vld [tilespmem:$0x10];
	_ =	sdelay $0x4  }
0x23c: {  	v57 =	vshrl.u32 v3, $0x3  }
0x23d: {  	v4 =	vmul.u32 $0x30, v57  }
0x23e: {  	v3 =	vand.u32 $0x7, v3  }
0x23f: {  	v3 =	vor.u32 v3, v4  }
0x240: {  	v4 =	vperm.xlane v3, v0;
	_ =	sdelay $0x1  }
0x241: {  	v4 =	vadd.s32 v1, v4;
	_ =	sdelay $0x3  }
0x242: {  	s14 =	simm.s32 $0x3080;
	v3 =	vperm.xlane v3, v2  }
0x243: {  	[tilespmem:s14], [sflag:$0x1] =	stream.indirect_vreg.gather [hbm4b:s1+s3], $0x80, v4, vm0, $0xb8;
	[tilespmem:$0xC080] =	vst v63  }
0x244: {  	s15 =	simm.s32 $0x3880;
	v3 =	vadd.s32 v1, v3  }
0x245: {  	[tilespmem:s15], [sflag:$0x1] =	stream.indirect_vreg.gather [hbm4b:s4+s3], $0x80, v4, vm0, $0xb8;
	[tilespmem:$0xC080] =	vst v63  }
0x246: {  	s16 =	simm.s32 $0x4080  }
0x247: {  	[tilespmem:s16], [sflag:$0x1] =	stream.indirect_vreg.gather [hbm4b:s5+s3], $0x80, v4, vm0, $0xb8;
	[tilespmem:$0xC080] =	vst v63  }
0x248: {  	s17 =	simm.s32 $0x4880  }
0x249: {  	[tilespmem:s17], [sflag:$0x1] =	stream.indirect_vreg.gather [hbm4b:s1+s3], $0x80, v3, vm0, $0xb8;
	[tilespmem:$0xC080] =	vst v63  }
0x24a: {  	s18 =	simm.s32 $0x5080  }
0x24b: {  	[tilespmem:s18], [sflag:$0x1] =	stream.indirect_vreg.gather [hbm4b:s4+s3], $0x80, v3, vm0, $0xb8;
	[tilespmem:$0xC080] =	vst v63  }
0x24c: {  	s19 =	simm.s32 $0x5880  }
0x24d: {  	[tilespmem:s19], [sflag:$0x1] =	stream.indirect_vreg.gather [hbm4b:s5+s3], $0x80, v3, vm0, $0xb8;
	[tilespmem:$0xC080] =	vst v63  }
0x24e: {  	v3 =	vld [tilespmem:$0x20];
	_ =	sdelay $0x4  }
0x24f: {  	v58 =	vshrl.u32 v3, $0x3  }
0x250: {  	v4 =	vmul.u32 $0x30, v58  }
0x251: {  	v3 =	vand.u32 $0x7, v3  }
0x252: {  	v3 =	vor.u32 v3, v4  }
0x253: {  	v4 =	vperm.xlane v3, v0;
	_ =	sdelay $0x1  }
0x254: {  	v4 =	vadd.s32 v1, v4;
	_ =	sdelay $0x3  }
0x255: {  	s20 =	simm.s32 $0x6080;
	v3 =	vperm.xlane v3, v2  }
0x256: {  	[tilespmem:s20], [sflag:$0x1] =	stream.indirect_vreg.gather [hbm4b:s1+s3], $0x80, v4, vm0, $0xb8;
	[tilespmem:$0xC080] =	vst v63  }
0x257: {  	s21 =	simm.s32 $0x6880;
	v3 =	vadd.s32 v1, v3  }
0x258: {  	[tilespmem:s21], [sflag:$0x1] =	stream.indirect_vreg.gather [hbm4b:s4+s3], $0x80, v4, vm0, $0xb8;
	[tilespmem:$0xC080] =	vst v63  }
0x259: {  	s22 =	simm.s32 $0x7080  }
0x25a: {  	[tilespmem:s22], [sflag:$0x1] =	stream.indirect_vreg.gather [hbm4b:s5+s3], $0x80, v4, vm0, $0xb8;
	[tilespmem:$0xC080] =	vst v63  }
0x25b: {  	s23 =	simm.s32 $0x7880  }
0x25c: {  	[tilespmem:s23], [sflag:$0x1] =	stream.indirect_vreg.gather [hbm4b:s1+s3], $0x80, v3, vm0, $0xb8;
	[tilespmem:$0xC080] =	vst v63  }
0x25d: {  	s24 =	simm.s32 $0x8080  }
0x25e: {  	[tilespmem:s24], [sflag:$0x1] =	stream.indirect_vreg.gather [hbm4b:s4+s3], $0x80, v3, vm0, $0xb8;
	[tilespmem:$0xC080] =	vst v63  }
0x25f: {  	s25 =	simm.s32 $0x8880  }
0x260: {  	[tilespmem:s25], [sflag:$0x1] =	stream.indirect_vreg.gather [hbm4b:s5+s3], $0x80, v3, vm0, $0xb8;
	[tilespmem:$0xC080] =	vst v63  }
0x261: {  	v3 =	vld [tilespmem:$0x30];
	_ =	sdelay $0x4  }
0x262: {  	v59 =	vshrl.u32 v3, $0x3  }
0x263: {  	v4 =	vmul.u32 $0x30, v59  }
0x264: {  	v3 =	vand.u32 $0x7, v3  }
0x265: {  	v3 =	vor.u32 v3, v4  }
0x266: {  	v4 =	vperm.xlane v3, v0;
	_ =	sdelay $0x1  }
0x267: {  	v4 =	vadd.s32 v1, v4;
	_ =	sdelay $0x3  }
0x268: {  	s26 =	simm.s32 $0x9080;
	v3 =	vperm.xlane v3, v2  }
0x269: {  	[tilespmem:s26], [sflag:$0x1] =	stream.indirect_vreg.gather [hbm4b:s1+s3], $0x80, v4, vm0, $0xb8;
	[tilespmem:$0xC080] =	vst v63  }
0x26a: {  	s28 =	simm.s32 $0x9880;
	v3 =	vadd.s32 v1, v3  }
0x26b: {  	[tilespmem:s28], [sflag:$0x1] =	stream.indirect_vreg.gather [hbm4b:s4+s3], $0x80, v4, vm0, $0xb8;
	[tilespmem:$0xC080] =	vst v63  }
0x26c: {  	s29 =	simm.s32 $0xA080  }
0x26d: {  	[tilespmem:s29], [sflag:$0x1] =	stream.indirect_vreg.gather [hbm4b:s5+s3], $0x80, v4, vm0, $0xb8;
	[tilespmem:$0xC080] =	vst v63  }
0x26e: {  	s30 =	simm.s32 $0xA880  }
0x26f: {  	[tilespmem:s30], [sflag:$0x1] =	stream.indirect_vreg.gather [hbm4b:s1+s3], $0x80, v3, vm0, $0xb8;
	[tilespmem:$0xC080] =	vst v63  }
0x270: {  	s30 =	simm.s32 $0xB080  }
0x271: {  	[tilespmem:s30], [sflag:$0x1] =	stream.indirect_vreg.gather [hbm4b:s4+s3], $0x80, v3, vm0, $0xb8;
	[tilespmem:$0xC080] =	vst v63  }
0x272: {  	s30 =	simm.s32 $0xB880  }
0x273: {  	[tilespmem:s30], [sflag:$0x1] =	stream.indirect_vreg.gather [hbm4b:s5+s3], $0x80, v3, vm0, $0xb8;
	[tilespmem:$0xC080] =	vst v63  }
0x274: {  	_ =	swait.ge [sflag:s2], $0xC000  }
0x275: {  	[sflag:s2] =	ssyncset.done $0x0  }
0x276: {  	s9 =	rddreg [dreg:$0x11];
	[sflag:s2] =	ssyncadd.s32 $0xFFFF4000  }
0x277: {  	[hbm4b:s9+s3] =	stream.linear.scatter [tilespmem:s8], [sflag:$0x2], $0xC000, $0x38;
	[tilespmem:$0xC080] =	vst v63  }
0x278: {  	_ =	swait.ge [sflag:s7], $0xC000  }
0x279: {  	[sflag:s7] =	ssyncset.done $0x0  }
0x27a: {  	s9 =	rddreg [dreg:$0x12];
	[sflag:s7] =	ssyncadd.s32 $0xFFFF4000  }
0x27b: {  	[tilespmem:s3], [sflag:$0x2] =	stream.linear.gather [hbm4b:s9+s3], $0x40, $0x38;
	[tilespmem:$0xC080] =	vst v63  }
0x27c: {  	_ =	swait.ge [sflag:s7], $0x40  }
0x27d: {  	[sflag:s7] =	ssyncset.done $0x0  }
0x27e: {  	[sflag:s7] =	ssyncadd.s32 $0xFFFFFFC0  }
0x27f: {  	v3 =	vld [tilespmem:$0x0];
	_ =	sdelay $0x4  }
0x280: {  	v60 =	vshrl.u32 v3, $0x3  }
0x281: {  	v4 =	vmul.u32 $0x30, v60  }
0x282: {  	v3 =	vand.u32 $0x7, v3  }
0x283: {  	v3 =	vor.u32 v3, v4  }
0x284: {  	v4 =	vperm.xlane v3, v0;
	_ =	sdelay $0x1  }
0x285: {  	v4 =	vadd.s32 v1, v4;
	_ =	sdelay $0x3  }
0x286: {  	v3 =	vperm.xlane v3, v2  }
0x287: {  	[tilespmem:s8], [sflag:$0x1] =	stream.indirect_vreg.gather [hbm4b:s1+s3], $0x80, v4, vm0, $0xb8;
	[tilespmem:$0xC080] =	vst v63  }
0x288: {  	s31 =	simm.s32 $0x880;
	v3 =	vadd.s32 v1, v3  }
0x289: {  	[tilespmem:s31], [sflag:$0x1] =	stream.indirect_vreg.gather [hbm4b:s4+s3], $0x80, v4, vm0, $0xb8;
	[tilespmem:$0xC080] =	vst v63  }
0x28a: {  	s10 =	simm.s32 $0x1080  }
0x28b: {  	[tilespmem:s10], [sflag:$0x1] =	stream.indirect_vreg.gather [hbm4b:s5+s3], $0x80, v4, vm0, $0xb8;
	[tilespmem:$0xC080] =	vst v63  }
0x28c: {  	s0 =	simm.s32 $0x1880  }
0x28d: {  	[tilespmem:s0], [sflag:$0x1] =	stream.indirect_vreg.gather [hbm4b:s1+s3], $0x80, v3, vm0, $0xb8;
	[tilespmem:$0xC080] =	vst v63  }
0x28e: {  	s6 =	simm.s32 $0x2080  }
0x28f: {  	[tilespmem:s6], [sflag:$0x1] =	stream.indirect_vreg.gather [hbm4b:s4+s3], $0x80, v3, vm0, $0xb8;
	[tilespmem:$0xC080] =	vst v63  }
0x290: {  	s12 =	simm.s32 $0x2880  }
0x291: {  	[tilespmem:s12], [sflag:$0x1] =	stream.indirect_vreg.gather [hbm4b:s5+s3], $0x80, v3, vm0, $0xb8;
	[tilespmem:$0xC080] =	vst v63  }
0x292: {  	v3 =	vld [tilespmem:$0x10];
	_ =	sdelay $0x4  }
0x293: {  	v61 =	vshrl.u32 v3, $0x3  }
0x294: {  	v4 =	vmul.u32 $0x30, v61  }
0x295: {  	v3 =	vand.u32 $0x7, v3  }
0x296: {  	v3 =	vor.u32 v3, v4  }
0x297: {  	v4 =	vperm.xlane v3, v0;
	_ =	sdelay $0x1  }
0x298: {  	v4 =	vadd.s32 v1, v4;
	_ =	sdelay $0x3  }
0x299: {  	s13 =	simm.s32 $0x3080;
	v3 =	vperm.xlane v3, v2  }
0x29a: {  	[tilespmem:s13], [sflag:$0x1] =	stream.indirect_vreg.gather [hbm4b:s1+s3], $0x80, v4, vm0, $0xb8;
	[tilespmem:$0xC080] =	vst v63  }
0x29b: {  	s14 =	simm.s32 $0x3880;
	v3 =	vadd.s32 v1, v3  }
0x29c: {  	[tilespmem:s14], [sflag:$0x1] =	stream.indirect_vreg.gather [hbm4b:s4+s3], $0x80, v4, vm0, $0xb8;
	[tilespmem:$0xC080] =	vst v63  }
0x29d: {  	s15 =	simm.s32 $0x4080  }
0x29e: {  	[tilespmem:s15], [sflag:$0x1] =	stream.indirect_vreg.gather [hbm4b:s5+s3], $0x80, v4, vm0, $0xb8;
	[tilespmem:$0xC080] =	vst v63  }
0x29f: {  	s16 =	simm.s32 $0x4880  }
0x2a0: {  	[tilespmem:s16], [sflag:$0x1] =	stream.indirect_vreg.gather [hbm4b:s1+s3], $0x80, v3, vm0, $0xb8;
	[tilespmem:$0xC080] =	vst v63  }
0x2a1: {  	s17 =	simm.s32 $0x5080  }
0x2a2: {  	[tilespmem:s17], [sflag:$0x1] =	stream.indirect_vreg.gather [hbm4b:s4+s3], $0x80, v3, vm0, $0xb8;
	[tilespmem:$0xC080] =	vst v63  }
0x2a3: {  	s18 =	simm.s32 $0x5880  }
0x2a4: {  	[tilespmem:s18], [sflag:$0x1] =	stream.indirect_vreg.gather [hbm4b:s5+s3], $0x80, v3, vm0, $0xb8;
	[tilespmem:$0xC080] =	vst v63  }
0x2a5: {  	v3 =	vld [tilespmem:$0x20];
	_ =	sdelay $0x4  }
0x2a6: {  	v62 =	vshrl.u32 v3, $0x3  }
0x2a7: {  	v4 =	vmul.u32 $0x30, v62  }
0x2a8: {  	v3 =	vand.u32 $0x7, v3  }
0x2a9: {  	v3 =	vor.u32 v3, v4  }
0x2aa: {  	v4 =	vperm.xlane v3, v0;
	_ =	sdelay $0x1  }
0x2ab: {  	v4 =	vadd.s32 v1, v4;
	_ =	sdelay $0x3  }
0x2ac: {  	s19 =	simm.s32 $0x6080;
	v3 =	vperm.xlane v3, v2  }
0x2ad: {  	[tilespmem:s19], [sflag:$0x1] =	stream.indirect_vreg.gather [hbm4b:s1+s3], $0x80, v4, vm0, $0xb8;
	[tilespmem:$0xC080] =	vst v63  }
0x2ae: {  	s20 =	simm.s32 $0x6880;
	v3 =	vadd.s32 v1, v3  }
0x2af: {  	[tilespmem:s20], [sflag:$0x1] =	stream.indirect_vreg.gather [hbm4b:s4+s3], $0x80, v4, vm0, $0xb8;
	[tilespmem:$0xC080] =	vst v63  }
0x2b0: {  	s21 =	simm.s32 $0x7080  }
0x2b1: {  	[tilespmem:s21], [sflag:$0x1] =	stream.indirect_vreg.gather [hbm4b:s5+s3], $0x80, v4, vm0, $0xb8;
	[tilespmem:$0xC080] =	vst v63  }
0x2b2: {  	s22 =	simm.s32 $0x7880  }
0x2b3: {  	[tilespmem:s22], [sflag:$0x1] =	stream.indirect_vreg.gather [hbm4b:s1+s3], $0x80, v3, vm0, $0xb8;
	[tilespmem:$0xC080] =	vst v63  }
0x2b4: {  	s23 =	simm.s32 $0x8080  }
0x2b5: {  	[tilespmem:s23], [sflag:$0x1] =	stream.indirect_vreg.gather [hbm4b:s4+s3], $0x80, v3, vm0, $0xb8;
	[tilespmem:$0xC080] =	vst v63  }
0x2b6: {  	s24 =	simm.s32 $0x8880  }
0x2b7: {  	[tilespmem:s24], [sflag:$0x1] =	stream.indirect_vreg.gather [hbm4b:s5+s3], $0x80, v3, vm0, $0xb8;
	[tilespmem:$0xC080] =	vst v63  }
0x2b8: {  	v3 =	vld [tilespmem:$0x30];
	_ =	sdelay $0x4  }
0x2b9: {  	v63 =	vshrl.u32 v3, $0x3  }
0x2ba: {  	v4 =	vmul.u32 $0x30, v63  }
0x2bb: {  	v3 =	vand.u32 $0x7, v3  }
0x2bc: {  	v3 =	vor.u32 v3, v4  }
0x2bd: {  	v4 =	vperm.xlane v3, v0;
	_ =	sdelay $0x1  }
0x2be: {  	v4 =	vadd.s32 v1, v4;
	_ =	sdelay $0x3  }
0x2bf: {  	s25 =	simm.s32 $0x9080;
	v3 =	vperm.xlane v3, v2  }
0x2c0: {  	[tilespmem:s25], [sflag:$0x1] =	stream.indirect_vreg.gather [hbm4b:s1+s3], $0x80, v4, vm0, $0xb8;
	[tilespmem:$0xC080] =	vst v63  }
0x2c1: {  	s26 =	simm.s32 $0x9880;
	v3 =	vadd.s32 v1, v3  }
0x2c2: {  	[tilespmem:s26], [sflag:$0x1] =	stream.indirect_vreg.gather [hbm4b:s4+s3], $0x80, v4, vm0, $0xb8;
	[tilespmem:$0xC080] =	vst v63  }
0x2c3: {  	s28 =	simm.s32 $0xA080  }
0x2c4: {  	[tilespmem:s28], [sflag:$0x1] =	stream.indirect_vreg.gather [hbm4b:s5+s3], $0x80, v4, vm0, $0xb8;
	[tilespmem:$0xC080] =	vst v63  }
0x2c5: {  	s29 =	simm.s32 $0xA880  }
0x2c6: {  	[tilespmem:s29], [sflag:$0x1] =	stream.indirect_vreg.gather [hbm4b:s1+s3], $0x80, v3, vm0, $0xb8;
	[tilespmem:$0xC080] =	vst v63  }
0x2c7: {  	s29 =	simm.s32 $0xB080  }
0x2c8: {  	[tilespmem:s29], [sflag:$0x1] =	stream.indirect_vreg.gather [hbm4b:s4+s3], $0x80, v3, vm0, $0xb8;
	[tilespmem:$0xC080] =	vst v63  }
0x2c9: {  	s30 =	simm.s32 $0xB880  }
0x2ca: {  	[tilespmem:s30], [sflag:$0x1] =	stream.indirect_vreg.gather [hbm4b:s5+s3], $0x80, v3, vm0, $0xb8;
	[tilespmem:$0xC080] =	vst v63  }
0x2cb: {  	_ =	swait.ge [sflag:s2], $0xC000  }
0x2cc: {  	p0 =	sne.s32 s11, $0x1;
	[sflag:s2] =	ssyncset.done $0x0  }
.Ltmp0:
0x2cd: {  	s31 =	rddreg [dreg:$0x13];
	[sflag:s2] =	ssyncadd.s32 $0xFFFF4000;
	(pc) =	sbr.rel @p0 .LBB2_1-.Ltmp0, $4  }
0x2ce: {  	[hbm4b:s31+s3] =	stream.linear.scatter [tilespmem:s8], [sflag:$0x2], $0xC000, $0x38;
	[tilespmem:$0xC080] =	vst v63  }
0x2cf: {  	_ =	swait.ge [sflag:s7], $0xC000  }
0x2d0: {  	[sflag:s7] =	ssyncset.done $0x0  }
0x2d1: {  	s11 =	sadd.s32 $0xFFFFFFFF, s11;
	[sflag:s7] =	ssyncadd.s32 $0xFFFF4000  }
0x2d2: {  	_ =	sfence.sel $0x180000  }
0x2d3: {  	[bflag:$0x0] =	sbarrier.arrive $0xFFFF  }
0x2d4: {  	_ =	strace $0x90000047  }
0x2d5: {  	s0 =	stileid.u32;
	[bflag:$0x2] =	sbarrier.arrive $0xFFFF  }
0x2d6: {  	p0 =	sne.s32 s0, $0x0;
	s0 =	rddreg [dreg:$0x3]  }
0x2d7: {  	s0 =	sadd.s32 @!p0 $0x100000, s0  }
0x2d8: {  	[sflag:s0] =	ssyncadd.tile.s32 @!p0 $0x1;
	_ =	shalt  }
.Lfunc_end2:
_tile_overlayer_lowered:
.L_overlay_start_2:
0x2d9: {  	(tag) =	ssettag $0x2  }
0x2da: {  	s0 =	rddreg [dreg:$0x0];
	s2 =	stileid.u32  }
0x2db: {  	s1 =	rddreg [dreg:$0x1];
	p0 =	sne.s32 s2, $0x0  }
0x2dc: {  	s3 =	rddreg [dreg:$0x2];
	[bflag:$0x3] =	sbarrier.arrive $0xFFFF;
	s2 =	simm.s32 @!p0 $0x1C02  }
0x2dd: {  	[timem:s3], [sflag:s2] =	dma.local @!p0 [hbm:s0], s1  }
0x2de: {  	s0 =	simm.s32 @!p0 $0x2  }
0x2df: {  	_ =	swait.ge @!p0 [sflag:s0], s1  }
0x2e0: {  	s1 =	ssub.s32 @!p0 $0x0, s1;
	[sflag:s0] =	ssyncset.done @!p0 $0x0  }
0x2e1: {  	[sflag:s0] =	ssyncadd.s32 @!p0 s1  }
0x2e2: {  	[bflag:$0x3] =	sbarrier.arrive $0xFFFF  }
0x2e3: {  	_ =	shalt  }

</sc_bundles>
